<compile_context>
chip_gen: v7x
topology: tpu7x:2x2x1
jax: 0.10.2.dev20260603
libtpu: 0.0.44.dev20260713+nightly
codegen_flags: <defaults>
</compile_context>

<pallas_src>
import functools

import jax
import jax.numpy as jnp
from jax import lax
from jax.experimental import pallas as pl
from jax.experimental.pallas import tpu as pltpu
from jax.experimental.pallas import tpu_sc as plsc

N = 10000
D = 128
H = 8
K = 16
FF = 512
E = 320000

NPAD = 10240
ROW = 144
TROW = 80
DROW = 16
NC = 2
NS = 16
NW = NC * NS
EW = 10240
EPAD = NW * EW
CH = 64
NCH = EW // CH
RPT = NPAD // NS

BN = 1024


def _tc_pre_body(x_ref, w2_ref, acat_ref, table_ref, dstt_ref, macc_ref):
    i = pl.program_id(0)
    z2 = jnp.dot(x_ref[...], w2_ref[...], preferred_element_type=jnp.float32)
    s = jnp.dot(z2, acat_ref[...], preferred_element_type=jnp.float32)
    fb = jax.lax.bitcast_convert_type(z2, jnp.int32)
    rnd = fb + jnp.int32(0x7FFF) + ((fb >> 16) & 1)
    bfb = (rnd >> 16) & jnp.int32(0xFFFF)
    zp = bfb[:, 0:64] | (bfb[:, 64:128] << 16)
    sp = jax.lax.bitcast_convert_type(s[:, 0:8], jnp.int32)
    table_ref[...] = jnp.concatenate(
        [zp, sp, jnp.zeros((BN, 8), jnp.int32)], axis=1)
    dstt_ref[...] = jnp.concatenate([s[:, 8:16], s[:, 0:8]], axis=1)

    part = jnp.broadcast_to(jnp.max(s, axis=0, keepdims=True), (8, 16))

    @pl.when(i == 0)
    def _():
        macc_ref[...] = jnp.full((8, 16), -jnp.inf, jnp.float32)

    macc_ref[...] = jnp.maximum(macc_ref[...], part)


def _tc_post_body(acc_ref, xp_ref, g_ref, b_ref, w1_ref, b1_ref, w2f_ref,
                  b2_ref, p_ref, m_ref, out_ref):
    u = acc_ref[0] + acc_ref[1]
    unnorm = u[:, 0:128]
    den = u[:, 128:136]
    recip = 1.0 / (den + 1e-12)
    denf = jnp.dot(recip, p_ref[...], preferred_element_type=jnp.float32)
    gat = jnp.dot(unnorm * denf, m_ref[...],
                  preferred_element_type=jnp.float32)
    hcol = jnp.where(gat > 0, gat, jnp.exp(gat) - 1.0)
    h = xp_ref[...] + hcol
    mu = jnp.mean(h, axis=1, keepdims=True)
    var = jnp.mean((h - mu) ** 2, axis=1, keepdims=True)
    ln = (h - mu) / jnp.sqrt(var + 1e-6) * g_ref[...] + b_ref[...]
    inter = jnp.maximum(
        jnp.dot(ln, w1_ref[...], preferred_element_type=jnp.float32)
        + b1_ref[...], 0.0)
    outp = jnp.dot(inter, w2f_ref[...], preferred_element_type=jnp.float32)
    out_ref[...] = outp + b2_ref[...] + h


def _sc_edge_body(table_h, dstt_h, src_h, dst_h, m_h, out_h,
                  sidx_a, didx_a, sidx_b, didx_b, sidx_c, didx_c,
                  dsc_a, dsc_b, dsc_c,
                  spk_a, drow_a, spk_b, drow_b, spk_c, drow_c, srow_a,
                  mv, acc, gs_a, gs_b, gs_c, is_a, is_b, is_c, ssem):
    c = lax.axis_index("c")
    s = lax.axis_index("s")
    wid = s * NC + c
    zero16 = jnp.zeros((16,), jnp.float32)
    himask = jnp.full((16,), -65536, jnp.int32)

    def _zrow(i, _):
        for jj in range(ROW // 16):
            srow_a[i, pl.ds(jj * 16, 16)] = zero16
        return 0

    lax.fori_loop(0, CH, _zrow, 0)
    for j in range(RPT // CH):
        pltpu.sync_copy(srow_a, acc.at[pl.ds(s * RPT + j * CH, CH)])
    plsc.subcore_barrier()

    pltpu.sync_copy(m_h, mv)
    mval = mv[...]

    def _issue_idx(ch, sidx, didx, sem):
        pltpu.async_copy(src_h.at[wid, ch], sidx, sem)
        pltpu.async_copy(dst_h.at[wid, ch], didx, sem)

    def _wait_idx(ch, sidx, didx, sem):
        pltpu.make_async_copy(src_h.at[wid, ch], sidx, sem).wait()
        pltpu.make_async_copy(dst_h.at[wid, ch], didx, sem).wait()

    def _issue_g(sidx, didx, spk, drow, sem):
        pltpu.async_copy(table_h.at[sidx], spk, sem)
        pltpu.async_copy(dstt_h.at[didx], drow, sem)

    def _wait_g(sidx, didx, spk, drow, sem):
        pltpu.make_async_copy(table_h.at[sidx], spk, sem).wait()
        pltpu.make_async_copy(dstt_h.at[didx], drow, sem).wait()

    def _compute(spk, drow, srow):
        def _edge(i, _):
            ss = plsc.bitcast(spk[i, pl.ds(64, 16)], jnp.float32)
            sd = drow[i, :]
            e = ss + sd
            e = jnp.where(e > 0, e, 0.01 * e)
            w = jnp.exp(e - mval)
            srow[i, pl.ds(128, 16)] = w
            for g in range(4):
                vi = spk[i, pl.ds(g * 16, 16)]
                lo = plsc.bitcast(vi << 16, jnp.float32)
                hi = plsc.bitcast(vi & himask, jnp.float32)
                wlo = w.at[jnp.full((16,), g, jnp.int32)].get(
                    mode="promise_in_bounds")
                whi = w.at[jnp.full((16,), 4 + g, jnp.int32)].get(
                    mode="promise_in_bounds")
                srow[i, pl.ds(g * 32, 16)] = lo * wlo
                srow[i, pl.ds(g * 32 + 16, 16)] = hi * whi
            return 0

        lax.fori_loop(0, CH, _edge, 0, unroll=4)

    pltpu.sync_copy(src_h.at[wid, 0], sidx_a)
    pltpu.sync_copy(dst_h.at[wid, 0], didx_a)
    _issue_g(sidx_a, didx_a, spk_a, drow_a, gs_a)
    pltpu.sync_copy(src_h.at[wid, 1], sidx_b)
    pltpu.sync_copy(dst_h.at[wid, 1], didx_b)
    _issue_g(sidx_b, didx_b, spk_b, drow_b, gs_b)
    _issue_idx(2, sidx_c, didx_c, is_c)

    def _stage(ch, sidx, didx, dsc, spk, drow, gs, isem,
               sidx_2, didx_2, spk_2, drow_2, gs_2, isem_2, prev_dsc):
        @pl.when(ch + 2 < NCH)
        def _():
            _wait_idx(ch + 2, sidx_2, didx_2, isem_2)
            _issue_g(sidx_2, didx_2, spk_2, drow_2, gs_2)

        _wait_g(sidx, didx, spk, drow, gs)

        @pl.when(ch >= 1)
        def _():
            pltpu.make_async_copy(srow_a, acc.at[prev_dsc], ssem).wait()

        for jj in range(CH // 16):
            dsc[pl.ds(jj * 16, 16)] = didx[pl.ds(jj * 16, 16)]

        @pl.when(ch + 3 < NCH)
        def _():
            _issue_idx(ch + 3, sidx, didx, isem)

        _compute(spk, drow, srow_a)
        pltpu.async_copy(srow_a, acc.at[dsc], ssem, add=True)

    def _triple(t, _):
        ch0 = 3 * t
        _stage(ch0, sidx_a, didx_a, dsc_a, spk_a, drow_a, gs_a, is_a,
               sidx_c, didx_c, spk_c, drow_c, gs_c, is_c, dsc_c)
        _stage(ch0 + 1, sidx_b, didx_b, dsc_b, spk_b, drow_b, gs_b, is_b,
               sidx_a, didx_a, spk_a, drow_a, gs_a, is_a, dsc_a)
        _stage(ch0 + 2, sidx_c, didx_c, dsc_c, spk_c, drow_c, gs_c, is_c,
               sidx_b, didx_b, spk_b, drow_b, gs_b, is_b, dsc_b)
        return 0

    lax.fori_loop(0, (NCH - 1) // 3, _triple, 0)
    _stage(NCH - 1, sidx_a, didx_a, dsc_a, spk_a, drow_a, gs_a, is_a,
           sidx_c, didx_c, spk_c, drow_c, gs_c, is_c, dsc_c)
    pltpu.make_async_copy(srow_a, acc.at[dsc_a], ssem).wait()
    plsc.subcore_barrier()
    pltpu.sync_copy(acc.at[pl.ds(s * RPT, RPT)],
                    out_h.at[c, pl.ds(s * RPT, RPT)])


def _make_sc_kernel():
    mesh = plsc.VectorSubcoreMesh(core_axis_name="c", subcore_axis_name="s")
    return functools.partial(
        pl.kernel, _sc_edge_body, mesh=mesh,
        out_type=jax.ShapeDtypeStruct((NC, NPAD, ROW), jnp.float32),
        scratch_types=[
            pltpu.VMEM((CH,), jnp.int32),
            pltpu.VMEM((CH,), jnp.int32),
            pltpu.VMEM((CH,), jnp.int32),
            pltpu.VMEM((CH,), jnp.int32),
            pltpu.VMEM((CH,), jnp.int32),
            pltpu.VMEM((CH,), jnp.int32),
            pltpu.VMEM((CH,), jnp.int32),
            pltpu.VMEM((CH,), jnp.int32),
            pltpu.VMEM((CH,), jnp.int32),
            pltpu.VMEM((CH, TROW), jnp.int32),
            pltpu.VMEM((CH, DROW), jnp.float32),
            pltpu.VMEM((CH, TROW), jnp.int32),
            pltpu.VMEM((CH, DROW), jnp.float32),
            pltpu.VMEM((CH, TROW), jnp.int32),
            pltpu.VMEM((CH, DROW), jnp.float32),
            pltpu.VMEM((CH, ROW), jnp.float32),
            pltpu.VMEM((16,), jnp.float32),
            pltpu.VMEM_SHARED((NPAD, ROW), jnp.float32),
            pltpu.SemaphoreType.DMA,
            pltpu.SemaphoreType.DMA,
            pltpu.SemaphoreType.DMA,
            pltpu.SemaphoreType.DMA,
            pltpu.SemaphoreType.DMA,
            pltpu.SemaphoreType.DMA,
            pltpu.SemaphoreType.DMA,
        ],
        compiler_params=pltpu.CompilerParams(
            use_tc_tiling_on_sc=False, needs_layout_passes=False),
    )()


@jax.jit
def kernel(x, edge_index, W, a_src, a_dst, ln_g, ln_b, W1, b1, W2, b2):
    xp = jnp.pad(x, ((0, NPAD - N), (0, 0)))
    w2 = W.transpose(1, 0, 2).reshape(D, H * K)
    j = jnp.arange(D)
    h_of = j // K
    acat = (jnp.zeros((D, 16), jnp.float32)
            .at[j, h_of].set(a_src.reshape(-1))
            .at[j, h_of + 8].set(a_dst.reshape(-1)))
    gg = j // 32
    hi_half = (j % 32) >= 16
    rr = j % 16
    orig = jnp.where(hi_half, 64 + 16 * gg + rr, 16 * gg + rr)
    head_pi = jnp.where(hi_half, 4 + gg, gg)
    pmat = jnp.zeros((H, D), jnp.float32).at[head_pi, j].set(1.0)
    unperm = jnp.zeros((D, D), jnp.float32).at[j, orig].set(1.0)
    srcp = jnp.concatenate(
        [edge_index[0], jnp.full((EPAD - E,), N, jnp.int32)]
    ).reshape(NW, NCH, CH)
    dstp = jnp.concatenate(
        [edge_index[1], jnp.full((EPAD - E,), N, jnp.int32)]
    ).reshape(NW, NCH, CH)

    grid = NPAD // BN
    table, dstt, macc = pl.pallas_call(
        _tc_pre_body,
        grid=(grid,),
        in_specs=[
            pl.BlockSpec((BN, D), lambda i: (i, 0)),
            pl.BlockSpec((D, D), lambda i: (0, 0)),
            pl.BlockSpec((D, 16), lambda i: (0, 0)),
        ],
        out_specs=[
            pl.BlockSpec((BN, TROW), lambda i: (i, 0)),
            pl.BlockSpec((BN, DROW), lambda i: (i, 0)),
            pl.BlockSpec((8, 16), lambda i: (0, 0)),
        ],
        out_shape=[
            jax.ShapeDtypeStruct((NPAD, TROW), jnp.int32),
            jax.ShapeDtypeStruct((NPAD, DROW), jnp.float32),
            jax.ShapeDtypeStruct((8, 16), jnp.float32),
        ],
        compiler_params=pltpu.CompilerParams(
            dimension_semantics=("arbitrary",)),
    )(xp, w2, acat)

    mx = jnp.max(macc, axis=0)
    mb = mx[0:8] + mx[8:16]
    mb = jnp.where(mb > 0, mb, 0.01 * mb)
    m16 = jnp.concatenate([mb, jnp.zeros((8,), jnp.float32)])

    acc = _make_sc_kernel()(table, dstt, srcp, dstp, m16)

    out = pl.pallas_call(
        _tc_post_body,
        grid=(grid,),
        in_specs=[
            pl.BlockSpec((NC, BN, ROW), lambda i: (0, i, 0)),
            pl.BlockSpec((BN, D), lambda i: (i, 0)),
            pl.BlockSpec((1, D), lambda i: (0, 0)),
            pl.BlockSpec((1, D), lambda i: (0, 0)),
            pl.BlockSpec((D, FF), lambda i: (0, 0)),
            pl.BlockSpec((1, FF), lambda i: (0, 0)),
            pl.BlockSpec((FF, D), lambda i: (0, 0)),
            pl.BlockSpec((1, D), lambda i: (0, 0)),
            pl.BlockSpec((H, D), lambda i: (0, 0)),
            pl.BlockSpec((D, D), lambda i: (0, 0)),
        ],
        out_specs=pl.BlockSpec((BN, D), lambda i: (i, 0)),
        out_shape=jax.ShapeDtypeStruct((NPAD, D), jnp.float32),
    )(acc, xp, ln_g.reshape(1, D), ln_b.reshape(1, D), W1,
      b1.reshape(1, FF), W2, b2.reshape(1, D), pmat, unperm)

    return out[:N]

# --- scband reference (transcript-rebuilt; emitter-appended) ---
"""Pipeline reference for scband-allgat-61125974557022 (READ-ONLY COPY).

The authoritative reference and input builder live on the scoring server;
editing this copy changes nothing except your own understanding.
"""

import jax, jax.numpy as jnp
import numpy as np

N = 10000
E = 320000
D = 128
H = 8
K = 16  # per-head dim = out_dim / head_num
FF = 512


def setup_inputs(seed: int = 0) -> dict:
    key = jax.random.key(seed)
    ks = jax.random.split(key, 12)
    x = jax.random.normal(ks[0], (N, D), dtype=jnp.float32)
    edge_index = jax.random.randint(ks[1], (2, E), 0, N, dtype=jnp.int32)
    W = jax.random.normal(ks[2], (H, D, K), dtype=jnp.float32) * 0.05
    a_src = jax.random.normal(ks[3], (H, K), dtype=jnp.float32) * 0.05
    a_dst = jax.random.normal(ks[4], (H, K), dtype=jnp.float32) * 0.05
    ln_g = jnp.ones((D,), dtype=jnp.float32)
    ln_b = jnp.zeros((D,), dtype=jnp.float32)
    W1 = jax.random.normal(ks[5], (D, FF), dtype=jnp.float32) * 0.05
    b1 = jnp.zeros((FF,), dtype=jnp.float32)
    W2 = jax.random.normal(ks[6], (FF, D), dtype=jnp.float32) * 0.05
    b2 = jnp.zeros((D,), dtype=jnp.float32)
    return {"x": x, "edge_index": edge_index, "W": W, "a_src": a_src,
            "a_dst": a_dst, "ln_g": ln_g, "ln_b": ln_b,
            "W1": W1, "b1": b1, "W2": W2, "b2": b2}


def _layer_norm(h, g, b, eps=1e-6):
    mu = jnp.mean(h, axis=-1, keepdims=True)
    var = jnp.mean((h - mu) ** 2, axis=-1, keepdims=True)
    return (h - mu) / jnp.sqrt(var + eps) * g + b


def reference(x, edge_index, W, a_src, a_dst, ln_g, ln_b, W1, b1, W2, b2):
    n = x.shape[0]
    src = edge_index[0]
    dst = edge_index[1]
    # multi-head GAT: z = fc(h) per head (no bias)
    z = jnp.einsum('nd,hdk->nhk', x, W)  # [N, H, K]
    z_src = z[src]  # [E, H, K]
    z_dst = z[dst]  # [E, H, K]
    # edge attention: leaky_relu(attn_fc([z_src || z_dst])) split into src/dst parts
    e = jnp.sum(z_src * a_src[None, :, :], axis=-1) + jnp.sum(z_dst * a_dst[None, :, :], axis=-1)  # [E, H]
    e = jax.nn.leaky_relu(e, negative_slope=0.01)
    # edge softmax normalized over incoming edges of each dst node
    m = jax.ops.segment_max(e, dst, num_segments=n)  # [N, H]
    m = jnp.where(jnp.isfinite(m), m, 0.0)
    e_exp = jnp.exp(e - m[dst])  # [E, H]
    denom = jax.ops.segment_sum(e_exp, dst, num_segments=n)  # [N, H]
    alpha = e_exp / (denom[dst] + 1e-12)  # [E, H]
    # aggregate: sum_j alpha_ij * z_j
    out = jax.ops.segment_sum(alpha[:, :, None] * z_src, dst, num_segments=n)  # [N, H, K]
    h = out.reshape(n, H * K)  # concat heads -> [N, D]
    # ALLGAT forward: elu, residual, positionwise FFN (pre-LN, residual)
    h = jax.nn.elu(h)
    h = x + h
    ln = _layer_norm(h, ln_g, ln_b)
    inter = jax.nn.relu(ln @ W1 + b1)
    output = inter @ W2 + b2
    return output + h


if False:  # reference __main__ guard neutralized (emitter)
    inp = setup_inputs()
    out = reference(**inp)
    print(out.shape, out.dtype)

if __name__ == "__main__":
    import jax
    _d = setup_inputs()
    print(jax.jit(kernel)(*tuple(_d.values())))

</pallas_src>

<mosaic_0001>
#map = affine_map<(d0, d1) -> (0, 0)>
#map1 = affine_map<(d0, d1) -> (0, 0, 0)>
#map2 = affine_map<(d0, d1) -> (0)>
module attributes {stable_mosaic.version = 14 : i64} {
  func.func @_sc_edge_body(%arg0: i32, %arg1: i32, %arg2: memref<10240x80xi32, #tpu.memory_space<hbm>>, %arg3: memref<10240x16xf32, #tpu.memory_space<hbm>>, %arg4: memref<32x160x64xi32, #tpu.memory_space<hbm>>, %arg5: memref<32x160x64xi32, #tpu.memory_space<hbm>>, %arg6: memref<16xf32, #tpu.memory_space<hbm>>, %arg7: memref<2x10240x144xf32, #tpu.memory_space<hbm>>, %arg8: memref<64xi32, #tpu.memory_space<vmem>>, %arg9: memref<64xi32, #tpu.memory_space<vmem>>, %arg10: memref<64xi32, #tpu.memory_space<vmem>>, %arg11: memref<64xi32, #tpu.memory_space<vmem>>, %arg12: memref<64xi32, #tpu.memory_space<vmem>>, %arg13: memref<64xi32, #tpu.memory_space<vmem>>, %arg14: memref<64xi32, #tpu.memory_space<vmem>>, %arg15: memref<64xi32, #tpu.memory_space<vmem>>, %arg16: memref<64xi32, #tpu.memory_space<vmem>>, %arg17: memref<64x80xi32, #tpu.memory_space<vmem>>, %arg18: memref<64x16xf32, #tpu.memory_space<vmem>>, %arg19: memref<64x80xi32, #tpu.memory_space<vmem>>, %arg20: memref<64x16xf32, #tpu.memory_space<vmem>>, %arg21: memref<64x80xi32, #tpu.memory_space<vmem>>, %arg22: memref<64x16xf32, #tpu.memory_space<vmem>>, %arg23: memref<64x144xf32, #tpu.memory_space<vmem>>, %arg24: memref<16xf32, #tpu.memory_space<vmem>>, %arg25: memref<10240x144xf32, #tpu.memory_space<vmem_shared>>, %arg26: memref<!tpu.dma_semaphore, #tpu.memory_space<semaphore_mem>>, %arg27: memref<!tpu.dma_semaphore, #tpu.memory_space<semaphore_mem>>, %arg28: memref<!tpu.dma_semaphore, #tpu.memory_space<semaphore_mem>>, %arg29: memref<!tpu.dma_semaphore, #tpu.memory_space<semaphore_mem>>, %arg30: memref<!tpu.dma_semaphore, #tpu.memory_space<semaphore_mem>>, %arg31: memref<!tpu.dma_semaphore, #tpu.memory_space<semaphore_mem>>, %arg32: memref<!tpu.dma_semaphore, #tpu.memory_space<semaphore_mem>>) attributes {dimension_semantics = [#tpu.dimension_semantics<core_parallel>, #tpu.dimension_semantics<subcore_parallel>], iteration_bounds = array<i64: 2, 16>, scalar_prefetch = 0 : i64, scratch_operands = 25 : i64, tpu.core_type = #tpu.core_type<sc_vector_subcore>, window_params = [{transform_indices = #map}, {transform_indices = #map}, {transform_indices = #map1}, {transform_indices = #map1}, {transform_indices = #map2}, {transform_indices = #map1}]} {
    %mul3A = arith.constant 2 : i32
    %mul3A_0 = arith.muli %arg1, %mul3A : i32
    %add3A = arith.addi %mul3A_0, %arg0 : i32
    %broadcast_in_dim3A = arith.constant 0.000000e+00 : f32
    %broadcast_in_dim3A_1 = vector.broadcast %broadcast_in_dim3A : f32 to vector<16xf32>
    %broadcast_in_dim3A_2 = arith.constant -65536 : i32
    %broadcast_in_dim3A_3 = vector.broadcast %broadcast_in_dim3A_2 : i32 to vector<16xi32>
    %scan3A = arith.constant 0 : i32
    %scan3A_4 = arith.constant 0 : i32
    %scan3A_5 = arith.constant 64 : i32
    %scan3A_6 = arith.addi %scan3A_4, %scan3A_5 : i32
    %scan3A_7 = arith.constant 1 : i32
    %scan3A_8 = scf.for %scan3A_127 = %scan3A_4 to %scan3A_6 step %scan3A_7 iter_args(%scan3A_128 = %scan3A) -> (i32)  : i32 {
      %swap3A_129 = arith.index_cast %scan3A_127 : i32 to index
      %swap3A_130 = arith.constant 0 : index
      %swap3A_131 = tpu.vector_load %arg23[%swap3A_129, %swap3A_130] {strides = array<i32>} : memref<64x144xf32, #tpu.memory_space<vmem>>, vector<16xf32>,
      tpu.vector_store %arg23[%swap3A_129, %swap3A_130], %broadcast_in_dim3A_1 {strides = array<i32>} : memref<64x144xf32, #tpu.memory_space<vmem>>, vector<16xf32>,
      %swap3A_132 = arith.index_cast %scan3A_127 : i32 to index
      %swap3A_133 = arith.constant 16 : index
      %swap3A_134 = tpu.vector_load %arg23[%swap3A_132, %swap3A_133] {strides = array<i32>} : memref<64x144xf32, #tpu.memory_space<vmem>>, vector<16xf32>,
      tpu.vector_store %arg23[%swap3A_132, %swap3A_133], %broadcast_in_dim3A_1 {strides = array<i32>} : memref<64x144xf32, #tpu.memory_space<vmem>>, vector<16xf32>,
      %swap3A_135 = arith.index_cast %scan3A_127 : i32 to index
      %swap3A_136 = arith.constant 32 : index
      %swap3A_137 = tpu.vector_load %arg23[%swap3A_135, %swap3A_136] {strides = array<i32>} : memref<64x144xf32, #tpu.memory_space<vmem>>, vector<16xf32>,
      tpu.vector_store %arg23[%swap3A_135, %swap3A_136], %broadcast_in_dim3A_1 {strides = array<i32>} : memref<64x144xf32, #tpu.memory_space<vmem>>, vector<16xf32>,
      %swap3A_138 = arith.index_cast %scan3A_127 : i32 to index
      %swap3A_139 = arith.constant 48 : index
      %swap3A_140 = tpu.vector_load %arg23[%swap3A_138, %swap3A_139] {strides = array<i32>} : memref<64x144xf32, #tpu.memory_space<vmem>>, vector<16xf32>,
      tpu.vector_store %arg23[%swap3A_138, %swap3A_139], %broadcast_in_dim3A_1 {strides = array<i32>} : memref<64x144xf32, #tpu.memory_space<vmem>>, vector<16xf32>,
      %swap3A_141 = arith.index_cast %scan3A_127 : i32 to index
      %swap3A_142 = arith.constant 64 : index
      %swap3A_143 = tpu.vector_load %arg23[%swap3A_141, %swap3A_142] {strides = array<i32>} : memref<64x144xf32, #tpu.memory_space<vmem>>, vector<16xf32>,
      tpu.vector_store %arg23[%swap3A_141, %swap3A_142], %broadcast_in_dim3A_1 {strides = array<i32>} : memref<64x144xf32, #tpu.memory_space<vmem>>, vector<16xf32>,
      %swap3A_144 = arith.index_cast %scan3A_127 : i32 to index
      %swap3A_145 = arith.constant 80 : index
      %swap3A_146 = tpu.vector_load %arg23[%swap3A_144, %swap3A_145] {strides = array<i32>} : memref<64x144xf32, #tpu.memory_space<vmem>>, vector<16xf32>,
      tpu.vector_store %arg23[%swap3A_144, %swap3A_145], %broadcast_in_dim3A_1 {strides = array<i32>} : memref<64x144xf32, #tpu.memory_space<vmem>>, vector<16xf32>,
      %swap3A_147 = arith.index_cast %scan3A_127 : i32 to index
      %swap3A_148 = arith.constant 96 : index
      %swap3A_149 = tpu.vector_load %arg23[%swap3A_147, %swap3A_148] {strides = array<i32>} : memref<64x144xf32, #tpu.memory_space<vmem>>, vector<16xf32>,
      tpu.vector_store %arg23[%swap3A_147, %swap3A_148], %broadcast_in_dim3A_1 {strides = array<i32>} : memref<64x144xf32, #tpu.memory_space<vmem>>, vector<16xf32>,
      %swap3A_150 = arith.index_cast %scan3A_127 : i32 to index
      %swap3A_151 = arith.constant 112 : index
      %swap3A_152 = tpu.vector_load %arg23[%swap3A_150, %swap3A_151] {strides = array<i32>} : memref<64x144xf32, #tpu.memory_space<vmem>>, vector<16xf32>,
      tpu.vector_store %arg23[%swap3A_150, %swap3A_151], %broadcast_in_dim3A_1 {strides = array<i32>} : memref<64x144xf32, #tpu.memory_space<vmem>>, vector<16xf32>,
      %swap3A_153 = arith.index_cast %scan3A_127 : i32 to index
      %swap3A_154 = arith.constant 128 : index
      %swap3A_155 = tpu.vector_load %arg23[%swap3A_153, %swap3A_154] {strides = array<i32>} : memref<64x144xf32, #tpu.memory_space<vmem>>, vector<16xf32>,
      tpu.vector_store %arg23[%swap3A_153, %swap3A_154], %broadcast_in_dim3A_1 {strides = array<i32>} : memref<64x144xf32, #tpu.memory_space<vmem>>, vector<16xf32>,
      %scan3A_156 = arith.constant 0 : i32
      scf.yield %scan3A_156 : i32
    }
    %scan3A_9 = arith.constant 64 : i32
    %mul3A_10 = arith.constant 640 : i32
    %mul3A_11 = arith.muli %arg1, %mul3A_10 : i32
    %add3A_12 = arith.constant 0 : i32
    %add3A_13 = arith.addi %mul3A_11, %add3A_12 : i32
    "tpu.region"() ({
      %run_scoped3A_127 = tpu.sem_alloc : memref<!tpu.dma_semaphore, #tpu.memory_space<semaphore_mem>>
      %dma_start3A_128 = arith.constant 0 : i32
      %dma_start3A_129 = tpu.memref_slice %arg25[%add3A_13, %dma_start3A_128] : memref<10240x144xf32, #tpu.memory_space<vmem_shared>> -> memref<64x144xf32, #tpu.memory_space<vmem_shared>>
      %dma_start3A_130 = arith.constant 0 : i32
      %dma_start3A_131 = tpu.memref_slice %arg25[%add3A_13, %dma_start3A_130] : memref<10240x144xf32, #tpu.memory_space<vmem_shared>> -> memref<64x144xf32, #tpu.memory_space<vmem_shared>>
      tpu.enqueue_dma source(%arg23 : memref<64x144xf32, #tpu.memory_space<vmem>>) target(%dma_start3A_131 : memref<64x144xf32, #tpu.memory_space<vmem_shared>>) target_semaphore(%run_scoped3A_127 : memref<!tpu.dma_semaphore, #tpu.memory_space<semaphore_mem>>)
      %dma_wait3A_132 = arith.constant 0 : i32
      %dma_wait3A_133 = tpu.memref_slice %arg25[%add3A_13, %dma_wait3A_132] : memref<10240x144xf32, #tpu.memory_space<vmem_shared>> -> memref<64x144xf32, #tpu.memory_space<vmem_shared>>
      %dma_wait3A_134 = arith.constant 0 : i32
      %dma_wait3A_135 = tpu.memref_slice %arg25[%add3A_13, %dma_wait3A_134] : memref<10240x144xf32, #tpu.memory_space<vmem_shared>> -> memref<64x144xf32, #tpu.memory_space<vmem_shared>>
      tpu.wait_dma2 semaphore(%run_scoped3A_127 : memref<!tpu.dma_semaphore, #tpu.memory_space<semaphore_mem>>) src(%arg23 : memref<64x144xf32, #tpu.memory_space<vmem>>) dst(%dma_wait3A_135 : memref<64x144xf32, #tpu.memory_space<vmem_shared>>)
      tpu.yield
    }) : () -> ()
    %mul3A_14 = arith.constant 640 : i32
    %mul3A_15 = arith.muli %arg1, %mul3A_14 : i32
    %add3A_16 = arith.constant 64 : i32
    %add3A_17 = arith.addi %mul3A_15, %add3A_16 : i32
    "tpu.region"() ({
      %run_scoped3A_127 = tpu.sem_alloc : memref<!tpu.dma_semaphore, #tpu.memory_space<semaphore_mem>>
      %dma_start3A_128 = arith.constant 0 : i32
      %dma_start3A_129 = tpu.memref_slice %arg25[%add3A_17, %dma_start3A_128] : memref<10240x144xf32, #tpu.memory_space<vmem_shared>> -> memref<64x144xf32, #tpu.memory_space<vmem_shared>>
      %dma_start3A_130 = arith.constant 0 : i32
      %dma_start3A_131 = tpu.memref_slice %arg25[%add3A_17, %dma_start3A_130] : memref<10240x144xf32, #tpu.memory_space<vmem_shared>> -> memref<64x144xf32, #tpu.memory_space<vmem_shared>>
      tpu.enqueue_dma source(%arg23 : memref<64x144xf32, #tpu.memory_space<vmem>>) target(%dma_start3A_131 : memref<64x144xf32, #tpu.memory_space<vmem_shared>>) target_semaphore(%run_scoped3A_127 : memref<!tpu.dma_semaphore, #tpu.memory_space<semaphore_mem>>)
      %dma_wait3A_132 = arith.constant 0 : i32
      %dma_wait3A_133 = tpu.memref_slice %arg25[%add3A_17, %dma_wait3A_132] : memref<10240x144xf32, #tpu.memory_space<vmem_shared>> -> memref<64x144xf32, #tpu.memory_space<vmem_shared>>
      %dma_wait3A_134 = arith.constant 0 : i32
      %dma_wait3A_135 = tpu.memref_slice %arg25[%add3A_17, %dma_wait3A_134] : memref<10240x144xf32, #tpu.memory_space<vmem_shared>> -> memref<64x144xf32, #tpu.memory_space<vmem_shared>>
      tpu.wait_dma2 semaphore(%run_scoped3A_127 : memref<!tpu.dma_semaphore, #tpu.memory_space<semaphore_mem>>) src(%arg23 : memref<64x144xf32, #tpu.memory_space<vmem>>) dst(%dma_wait3A_135 : memref<64x144xf32, #tpu.memory_space<vmem_shared>>)
      tpu.yield
    }) : () -> ()
    %mul3A_18 = arith.constant 640 : i32
    %mul3A_19 = arith.muli %arg1, %mul3A_18 : i32
    %add3A_20 = arith.constant 128 : i32
    %add3A_21 = arith.addi %mul3A_19, %add3A_20 : i32
    "tpu.region"() ({
      %run_scoped3A_127 = tpu.sem_alloc : memref<!tpu.dma_semaphore, #tpu.memory_space<semaphore_mem>>
      %dma_start3A_128 = arith.constant 0 : i32
      %dma_start3A_129 = tpu.memref_slice %arg25[%add3A_21, %dma_start3A_128] : memref<10240x144xf32, #tpu.memory_space<vmem_shared>> -> memref<64x144xf32, #tpu.memory_space<vmem_shared>>
      %dma_start3A_130 = arith.constant 0 : i32
      %dma_start3A_131 = tpu.memref_slice %arg25[%add3A_21, %dma_start3A_130] : memref<10240x144xf32, #tpu.memory_space<vmem_shared>> -> memref<64x144xf32, #tpu.memory_space<vmem_shared>>
      tpu.enqueue_dma source(%arg23 : memref<64x144xf32, #tpu.memory_space<vmem>>) target(%dma_start3A_131 : memref<64x144xf32, #tpu.memory_space<vmem_shared>>) target_semaphore(%run_scoped3A_127 : memref<!tpu.dma_semaphore, #tpu.memory_space<semaphore_mem>>)
      %dma_wait3A_132 = arith.constant 0 : i32
      %dma_wait3A_133 = tpu.memref_slice %arg25[%add3A_21, %dma_wait3A_132] : memref<10240x144xf32, #tpu.memory_space<vmem_shared>> -> memref<64x144xf32, #tpu.memory_space<vmem_shared>>
      %dma_wait3A_134 = arith.constant 0 : i32
      %dma_wait3A_135 = tpu.memref_slice %arg25[%add3A_21, %dma_wait3A_134] : memref<10240x144xf32, #tpu.memory_space<vmem_shared>> -> memref<64x144xf32, #tpu.memory_space<vmem_shared>>
      tpu.wait_dma2 semaphore(%run_scoped3A_127 : memref<!tpu.dma_semaphore, #tpu.memory_space<semaphore_mem>>) src(%arg23 : memref<64x144xf32, #tpu.memory_space<vmem>>) dst(%dma_wait3A_135 : memref<64x144xf32, #tpu.memory_space<vmem_shared>>)
      tpu.yield
    }) : () -> ()
    %mul3A_22 = arith.constant 640 : i32
    %mul3A_23 = arith.muli %arg1, %mul3A_22 : i32
    %add3A_24 = arith.constant 192 : i32
    %add3A_25 = arith.addi %mul3A_23, %add3A_24 : i32
    "tpu.region"() ({
      %run_scoped3A_127 = tpu.sem_alloc : memref<!tpu.dma_semaphore, #tpu.memory_space<semaphore_mem>>
      %dma_start3A_128 = arith.constant 0 : i32
      %dma_start3A_129 = tpu.memref_slice %arg25[%add3A_25, %dma_start3A_128] : memref<10240x144xf32, #tpu.memory_space<vmem_shared>> -> memref<64x144xf32, #tpu.memory_space<vmem_shared>>
      %dma_start3A_130 = arith.constant 0 : i32
      %dma_start3A_131 = tpu.memref_slice %arg25[%add3A_25, %dma_start3A_130] : memref<10240x144xf32, #tpu.memory_space<vmem_shared>> -> memref<64x144xf32, #tpu.memory_space<vmem_shared>>
      tpu.enqueue_dma source(%arg23 : memref<64x144xf32, #tpu.memory_space<vmem>>) target(%dma_start3A_131 : memref<64x144xf32, #tpu.memory_space<vmem_shared>>) target_semaphore(%run_scoped3A_127 : memref<!tpu.dma_semaphore, #tpu.memory_space<semaphore_mem>>)
      %dma_wait3A_132 = arith.constant 0 : i32
      %dma_wait3A_133 = tpu.memref_slice %arg25[%add3A_25, %dma_wait3A_132] : memref<10240x144xf32, #tpu.memory_space<vmem_shared>> -> memref<64x144xf32, #tpu.memory_space<vmem_shared>>
      %dma_wait3A_134 = arith.constant 0 : i32
      %dma_wait3A_135 = tpu.memref_slice %arg25[%add3A_25, %dma_wait3A_134] : memref<10240x144xf32, #tpu.memory_space<vmem_shared>> -> memref<64x144xf32, #tpu.memory_space<vmem_shared>>
      tpu.wait_dma2 semaphore(%run_scoped3A_127 : memref<!tpu.dma_semaphore, #tpu.memory_space<semaphore_mem>>) src(%arg23 : memref<64x144xf32, #tpu.memory_space<vmem>>) dst(%dma_wait3A_135 : memref<64x144xf32, #tpu.memory_space<vmem_shared>>)
      tpu.yield
    }) : () -> ()
    %mul3A_26 = arith.constant 640 : i32
    %mul3A_27 = arith.muli %arg1, %mul3A_26 : i32
    %add3A_28 = arith.constant 256 : i32
    %add3A_29 = arith.addi %mul3A_27, %add3A_28 : i32
    "tpu.region"() ({
      %run_scoped3A_127 = tpu.sem_alloc : memref<!tpu.dma_semaphore, #tpu.memory_space<semaphore_mem>>
      %dma_start3A_128 = arith.constant 0 : i32
      %dma_start3A_129 = tpu.memref_slice %arg25[%add3A_29, %dma_start3A_128] : memref<10240x144xf32, #tpu.memory_space<vmem_shared>> -> memref<64x144xf32, #tpu.memory_space<vmem_shared>>
      %dma_start3A_130 = arith.constant 0 : i32
      %dma_start3A_131 = tpu.memref_slice %arg25[%add3A_29, %dma_start3A_130] : memref<10240x144xf32, #tpu.memory_space<vmem_shared>> -> memref<64x144xf32, #tpu.memory_space<vmem_shared>>
      tpu.enqueue_dma source(%arg23 : memref<64x144xf32, #tpu.memory_space<vmem>>) target(%dma_start3A_131 : memref<64x144xf32, #tpu.memory_space<vmem_shared>>) target_semaphore(%run_scoped3A_127 : memref<!tpu.dma_semaphore, #tpu.memory_space<semaphore_mem>>)
      %dma_wait3A_132 = arith.constant 0 : i32
      %dma_wait3A_133 = tpu.memref_slice %arg25[%add3A_29, %dma_wait3A_132] : memref<10240x144xf32, #tpu.memory_space<vmem_shared>> -> memref<64x144xf32, #tpu.memory_space<vmem_shared>>
      %dma_wait3A_134 = arith.constant 0 : i32
      %dma_wait3A_135 = tpu.memref_slice %arg25[%add3A_29, %dma_wait3A_134] : memref<10240x144xf32, #tpu.memory_space<vmem_shared>> -> memref<64x144xf32, #tpu.memory_space<vmem_shared>>
      tpu.wait_dma2 semaphore(%run_scoped3A_127 : memref<!tpu.dma_semaphore, #tpu.memory_space<semaphore_mem>>) src(%arg23 : memref<64x144xf32, #tpu.memory_space<vmem>>) dst(%dma_wait3A_135 : memref<64x144xf32, #tpu.memory_space<vmem_shared>>)
      tpu.yield
    }) : () -> ()
    %mul3A_30 = arith.constant 640 : i32
    %mul3A_31 = arith.muli %arg1, %mul3A_30 : i32
    %add3A_32 = arith.constant 320 : i32
    %add3A_33 = arith.addi %mul3A_31, %add3A_32 : i32
    "tpu.region"() ({
      %run_scoped3A_127 = tpu.sem_alloc : memref<!tpu.dma_semaphore, #tpu.memory_space<semaphore_mem>>
      %dma_start3A_128 = arith.constant 0 : i32
      %dma_start3A_129 = tpu.memref_slice %arg25[%add3A_33, %dma_start3A_128] : memref<10240x144xf32, #tpu.memory_space<vmem_shared>> -> memref<64x144xf32, #tpu.memory_space<vmem_shared>>
      %dma_start3A_130 = arith.constant 0 : i32
      %dma_start3A_131 = tpu.memref_slice %arg25[%add3A_33, %dma_start3A_130] : memref<10240x144xf32, #tpu.memory_space<vmem_shared>> -> memref<64x144xf32, #tpu.memory_space<vmem_shared>>
      tpu.enqueue_dma source(%arg23 : memref<64x144xf32, #tpu.memory_space<vmem>>) target(%dma_start3A_131 : memref<64x144xf32, #tpu.memory_space<vmem_shared>>) target_semaphore(%run_scoped3A_127 : memref<!tpu.dma_semaphore, #tpu.memory_space<semaphore_mem>>)
      %dma_wait3A_132 = arith.constant 0 : i32
      %dma_wait3A_133 = tpu.memref_slice %arg25[%add3A_33, %dma_wait3A_132] : memref<10240x144xf32, #tpu.memory_space<vmem_shared>> -> memref<64x144xf32, #tpu.memory_space<vmem_shared>>
      %dma_wait3A_134 = arith.constant 0 : i32
      %dma_wait3A_135 = tpu.memref_slice %arg25[%add3A_33, %dma_wait3A_134] : memref<10240x144xf32, #tpu.memory_space<vmem_shared>> -> memref<64x144xf32, #tpu.memory_space<vmem_shared>>
      tpu.wait_dma2 semaphore(%run_scoped3A_127 : memref<!tpu.dma_semaphore, #tpu.memory_space<semaphore_mem>>) src(%arg23 : memref<64x144xf32, #tpu.memory_space<vmem>>) dst(%dma_wait3A_135 : memref<64x144xf32, #tpu.memory_space<vmem_shared>>)
      tpu.yield
    }) : () -> ()
    %mul3A_34 = arith.constant 640 : i32
    %mul3A_35 = arith.muli %arg1, %mul3A_34 : i32
    %add3A_36 = arith.constant 384 : i32
    %add3A_37 = arith.addi %mul3A_35, %add3A_36 : i32
    "tpu.region"() ({
      %run_scoped3A_127 = tpu.sem_alloc : memref<!tpu.dma_semaphore, #tpu.memory_space<semaphore_mem>>
      %dma_start3A_128 = arith.constant 0 : i32
      %dma_start3A_129 = tpu.memref_slice %arg25[%add3A_37, %dma_start3A_128] : memref<10240x144xf32, #tpu.memory_space<vmem_shared>> -> memref<64x144xf32, #tpu.memory_space<vmem_shared>>
      %dma_start3A_130 = arith.constant 0 : i32
      %dma_start3A_131 = tpu.memref_slice %arg25[%add3A_37, %dma_start3A_130] : memref<10240x144xf32, #tpu.memory_space<vmem_shared>> -> memref<64x144xf32, #tpu.memory_space<vmem_shared>>
      tpu.enqueue_dma source(%arg23 : memref<64x144xf32, #tpu.memory_space<vmem>>) target(%dma_start3A_131 : memref<64x144xf32, #tpu.memory_space<vmem_shared>>) target_semaphore(%run_scoped3A_127 : memref<!tpu.dma_semaphore, #tpu.memory_space<semaphore_mem>>)
      %dma_wait3A_132 = arith.constant 0 : i32
      %dma_wait3A_133 = tpu.memref_slice %arg25[%add3A_37, %dma_wait3A_132] : memref<10240x144xf32, #tpu.memory_space<vmem_shared>> -> memref<64x144xf32, #tpu.memory_space<vmem_shared>>
      %dma_wait3A_134 = arith.constant 0 : i32
      %dma_wait3A_135 = tpu.memref_slice %arg25[%add3A_37, %dma_wait3A_134] : memref<10240x144xf32, #tpu.memory_space<vmem_shared>> -> memref<64x144xf32, #tpu.memory_space<vmem_shared>>
      tpu.wait_dma2 semaphore(%run_scoped3A_127 : memref<!tpu.dma_semaphore, #tpu.memory_space<semaphore_mem>>) src(%arg23 : memref<64x144xf32, #tpu.memory_space<vmem>>) dst(%dma_wait3A_135 : memref<64x144xf32, #tpu.memory_space<vmem_shared>>)
      tpu.yield
    }) : () -> ()
    %mul3A_38 = arith.constant 640 : i32
    %mul3A_39 = arith.muli %arg1, %mul3A_38 : i32
    %add3A_40 = arith.constant 448 : i32
    %add3A_41 = arith.addi %mul3A_39, %add3A_40 : i32
    "tpu.region"() ({
      %run_scoped3A_127 = tpu.sem_alloc : memref<!tpu.dma_semaphore, #tpu.memory_space<semaphore_mem>>
      %dma_start3A_128 = arith.constant 0 : i32
      %dma_start3A_129 = tpu.memref_slice %arg25[%add3A_41, %dma_start3A_128] : memref<10240x144xf32, #tpu.memory_space<vmem_shared>> -> memref<64x144xf32, #tpu.memory_space<vmem_shared>>
      %dma_start3A_130 = arith.constant 0 : i32
      %dma_start3A_131 = tpu.memref_slice %arg25[%add3A_41, %dma_start3A_130] : memref<10240x144xf32, #tpu.memory_space<vmem_shared>> -> memref<64x144xf32, #tpu.memory_space<vmem_shared>>
      tpu.enqueue_dma source(%arg23 : memref<64x144xf32, #tpu.memory_space<vmem>>) target(%dma_start3A_131 : memref<64x144xf32, #tpu.memory_space<vmem_shared>>) target_semaphore(%run_scoped3A_127 : memref<!tpu.dma_semaphore, #tpu.memory_space<semaphore_mem>>)
      %dma_wait3A_132 = arith.constant 0 : i32
      %dma_wait3A_133 = tpu.memref_slice %arg25[%add3A_41, %dma_wait3A_132] : memref<10240x144xf32, #tpu.memory_space<vmem_shared>> -> memref<64x144xf32, #tpu.memory_space<vmem_shared>>
      %dma_wait3A_134 = arith.constant 0 : i32
      %dma_wait3A_135 = tpu.memref_slice %arg25[%add3A_41, %dma_wait3A_134] : memref<10240x144xf32, #tpu.memory_space<vmem_shared>> -> memref<64x144xf32, #tpu.memory_space<vmem_shared>>
      tpu.wait_dma2 semaphore(%run_scoped3A_127 : memref<!tpu.dma_semaphore, #tpu.memory_space<semaphore_mem>>) src(%arg23 : memref<64x144xf32, #tpu.memory_space<vmem>>) dst(%dma_wait3A_135 : memref<64x144xf32, #tpu.memory_space<vmem_shared>>)
      tpu.yield
    }) : () -> ()
    %mul3A_42 = arith.constant 640 : i32
    %mul3A_43 = arith.muli %arg1, %mul3A_42 : i32
    %add3A_44 = arith.constant 512 : i32
    %add3A_45 = arith.addi %mul3A_43, %add3A_44 : i32
    "tpu.region"() ({
      %run_scoped3A_127 = tpu.sem_alloc : memref<!tpu.dma_semaphore, #tpu.memory_space<semaphore_mem>>
      %dma_start3A_128 = arith.constant 0 : i32
      %dma_start3A_129 = tpu.memref_slice %arg25[%add3A_45, %dma_start3A_128] : memref<10240x144xf32, #tpu.memory_space<vmem_shared>> -> memref<64x144xf32, #tpu.memory_space<vmem_shared>>
      %dma_start3A_130 = arith.constant 0 : i32
      %dma_start3A_131 = tpu.memref_slice %arg25[%add3A_45, %dma_start3A_130] : memref<10240x144xf32, #tpu.memory_space<vmem_shared>> -> memref<64x144xf32, #tpu.memory_space<vmem_shared>>
      tpu.enqueue_dma source(%arg23 : memref<64x144xf32, #tpu.memory_space<vmem>>) target(%dma_start3A_131 : memref<64x144xf32, #tpu.memory_space<vmem_shared>>) target_semaphore(%run_scoped3A_127 : memref<!tpu.dma_semaphore, #tpu.memory_space<semaphore_mem>>)
      %dma_wait3A_132 = arith.constant 0 : i32
      %dma_wait3A_133 = tpu.memref_slice %arg25[%add3A_45, %dma_wait3A_132] : memref<10240x144xf32, #tpu.memory_space<vmem_shared>> -> memref<64x144xf32, #tpu.memory_space<vmem_shared>>
      %dma_wait3A_134 = arith.constant 0 : i32
      %dma_wait3A_135 = tpu.memref_slice %arg25[%add3A_45, %dma_wait3A_134] : memref<10240x144xf32, #tpu.memory_space<vmem_shared>> -> memref<64x144xf32, #tpu.memory_space<vmem_shared>>
      tpu.wait_dma2 semaphore(%run_scoped3A_127 : memref<!tpu.dma_semaphore, #tpu.memory_space<semaphore_mem>>) src(%arg23 : memref<64x144xf32, #tpu.memory_space<vmem>>) dst(%dma_wait3A_135 : memref<64x144xf32, #tpu.memory_space<vmem_shared>>)
      tpu.yield
    }) : () -> ()
    %mul3A_46 = arith.constant 640 : i32
    %mul3A_47 = arith.muli %arg1, %mul3A_46 : i32
    %add3A_48 = arith.constant 576 : i32
    %add3A_49 = arith.addi %mul3A_47, %add3A_48 : i32
    "tpu.region"() ({
      %run_scoped3A_127 = tpu.sem_alloc : memref<!tpu.dma_semaphore, #tpu.memory_space<semaphore_mem>>
      %dma_start3A_128 = arith.constant 0 : i32
      %dma_start3A_129 = tpu.memref_slice %arg25[%add3A_49, %dma_start3A_128] : memref<10240x144xf32, #tpu.memory_space<vmem_shared>> -> memref<64x144xf32, #tpu.memory_space<vmem_shared>>
      %dma_start3A_130 = arith.constant 0 : i32
      %dma_start3A_131 = tpu.memref_slice %arg25[%add3A_49, %dma_start3A_130] : memref<10240x144xf32, #tpu.memory_space<vmem_shared>> -> memref<64x144xf32, #tpu.memory_space<vmem_shared>>
      tpu.enqueue_dma source(%arg23 : memref<64x144xf32, #tpu.memory_space<vmem>>) target(%dma_start3A_131 : memref<64x144xf32, #tpu.memory_space<vmem_shared>>) target_semaphore(%run_scoped3A_127 : memref<!tpu.dma_semaphore, #tpu.memory_space<semaphore_mem>>)
      %dma_wait3A_132 = arith.constant 0 : i32
      %dma_wait3A_133 = tpu.memref_slice %arg25[%add3A_49, %dma_wait3A_132] : memref<10240x144xf32, #tpu.memory_space<vmem_shared>> -> memref<64x144xf32, #tpu.memory_space<vmem_shared>>
      %dma_wait3A_134 = arith.constant 0 : i32
      %dma_wait3A_135 = tpu.memref_slice %arg25[%add3A_49, %dma_wait3A_134] : memref<10240x144xf32, #tpu.memory_space<vmem_shared>> -> memref<64x144xf32, #tpu.memory_space<vmem_shared>>
      tpu.wait_dma2 semaphore(%run_scoped3A_127 : memref<!tpu.dma_semaphore, #tpu.memory_space<semaphore_mem>>) src(%arg23 : memref<64x144xf32, #tpu.memory_space<vmem>>) dst(%dma_wait3A_135 : memref<64x144xf32, #tpu.memory_space<vmem_shared>>)
      tpu.yield
    }) : () -> ()
    %barrier3A = arith.constant 0 : index
    tpu.barrier barrier_id(%barrier3A)
    "tpu.region"() ({
      %run_scoped3A_127 = tpu.sem_alloc : memref<!tpu.dma_semaphore, #tpu.memory_space<semaphore_mem>>
      tpu.enqueue_dma source(%arg6 : memref<16xf32, #tpu.memory_space<hbm>>) target(%arg24 : memref<16xf32, #tpu.memory_space<vmem>>) target_semaphore(%run_scoped3A_127 : memref<!tpu.dma_semaphore, #tpu.memory_space<semaphore_mem>>)
      tpu.wait_dma2 semaphore(%run_scoped3A_127 : memref<!tpu.dma_semaphore, #tpu.memory_space<semaphore_mem>>) src(%arg6 : memref<16xf32, #tpu.memory_space<hbm>>) dst(%arg24 : memref<16xf32, #tpu.memory_space<vmem>>)
      tpu.yield
    }) : () -> ()
    %get3A = arith.constant 0 : index
    %get3A_50 = tpu.vector_load %arg24[%get3A] {strides = array<i32>} : memref<16xf32, #tpu.memory_space<vmem>>, vector<16xf32>,
    %run_scoped3A = arith.constant 0 : i32
    "tpu.region"() ({
      %run_scoped3A_127 = tpu.sem_alloc : memref<!tpu.dma_semaphore, #tpu.memory_space<semaphore_mem>>
      %dma_start3A_128 = arith.constant 0 : i32
      %dma_start3A_129 = tpu.memref_slice %arg4[%add3A, %run_scoped3A, %dma_start3A_128] : memref<32x160x64xi32, #tpu.memory_space<hbm>> -> memref<1x1x64xi32, #tpu.memory_space<hbm>>
      %dma_start3A_130 = tpu.memref_squeeze %dma_start3A_129 : memref<1x1x64xi32, #tpu.memory_space<hbm>> -> memref<64xi32, #tpu.memory_space<hbm>>
      %dma_start3A_131 = arith.constant 0 : i32
      %dma_start3A_132 = tpu.memref_slice %arg4[%add3A, %run_scoped3A, %dma_start3A_131] : memref<32x160x64xi32, #tpu.memory_space<hbm>> -> memref<1x1x64xi32, #tpu.memory_space<hbm>>
      %dma_start3A_133 = tpu.memref_squeeze %dma_start3A_132 : memref<1x1x64xi32, #tpu.memory_space<hbm>> -> memref<64xi32, #tpu.memory_space<hbm>>
      tpu.enqueue_dma source(%dma_start3A_133 : memref<64xi32, #tpu.memory_space<hbm>>) target(%arg8 : memref<64xi32, #tpu.memory_space<vmem>>) target_semaphore(%run_scoped3A_127 : memref<!tpu.dma_semaphore, #tpu.memory_space<semaphore_mem>>)
      %dma_wait3A_134 = arith.constant 0 : i32
      %dma_wait3A_135 = tpu.memref_slice %arg4[%add3A, %run_scoped3A, %dma_wait3A_134] : memref<32x160x64xi32, #tpu.memory_space<hbm>> -> memref<1x1x64xi32, #tpu.memory_space<hbm>>
      %dma_wait3A_136 = tpu.memref_squeeze %dma_wait3A_135 : memref<1x1x64xi32, #tpu.memory_space<hbm>> -> memref<64xi32, #tpu.memory_space<hbm>>
      %dma_wait3A_137 = arith.constant 0 : i32
      %dma_wait3A_138 = tpu.memref_slice %arg4[%add3A, %run_scoped3A, %dma_wait3A_137] : memref<32x160x64xi32, #tpu.memory_space<hbm>> -> memref<1x1x64xi32, #tpu.memory_space<hbm>>
      %dma_wait3A_139 = tpu.memref_squeeze %dma_wait3A_138 : memref<1x1x64xi32, #tpu.memory_space<hbm>> -> memref<64xi32, #tpu.memory_space<hbm>>
      tpu.wait_dma2 semaphore(%run_scoped3A_127 : memref<!tpu.dma_semaphore, #tpu.memory_space<semaphore_mem>>) src(%dma_wait3A_139 : memref<64xi32, #tpu.memory_space<hbm>>) dst(%arg8 : memref<64xi32, #tpu.memory_space<vmem>>)
      tpu.yield
    }) : () -> ()
    %run_scoped3A_51 = arith.constant 0 : i32
    "tpu.region"() ({
      %run_scoped3A_127 = tpu.sem_alloc : memref<!tpu.dma_semaphore, #tpu.memory_space<semaphore_mem>>
      %dma_start3A_128 = arith.constant 0 : i32
      %dma_start3A_129 = tpu.memref_slice %arg5[%add3A, %run_scoped3A_51, %dma_start3A_128] : memref<32x160x64xi32, #tpu.memory_space<hbm>> -> memref<1x1x64xi32, #tpu.memory_space<hbm>>
      %dma_start3A_130 = tpu.memref_squeeze %dma_start3A_129 : memref<1x1x64xi32, #tpu.memory_space<hbm>> -> memref<64xi32, #tpu.memory_space<hbm>>
      %dma_start3A_131 = arith.constant 0 : i32
      %dma_start3A_132 = tpu.memref_slice %arg5[%add3A, %run_scoped3A_51, %dma_start3A_131] : memref<32x160x64xi32, #tpu.memory_space<hbm>> -> memref<1x1x64xi32, #tpu.memory_space<hbm>>
      %dma_start3A_133 = tpu.memref_squeeze %dma_start3A_132 : memref<1x1x64xi32, #tpu.memory_space<hbm>> -> memref<64xi32, #tpu.memory_space<hbm>>
      tpu.enqueue_dma source(%dma_start3A_133 : memref<64xi32, #tpu.memory_space<hbm>>) target(%arg9 : memref<64xi32, #tpu.memory_space<vmem>>) target_semaphore(%run_scoped3A_127 : memref<!tpu.dma_semaphore, #tpu.memory_space<semaphore_mem>>)
      %dma_wait3A_134 = arith.constant 0 : i32
      %dma_wait3A_135 = tpu.memref_slice %arg5[%add3A, %run_scoped3A_51, %dma_wait3A_134] : memref<32x160x64xi32, #tpu.memory_space<hbm>> -> memref<1x1x64xi32, #tpu.memory_space<hbm>>
      %dma_wait3A_136 = tpu.memref_squeeze %dma_wait3A_135 : memref<1x1x64xi32, #tpu.memory_space<hbm>> -> memref<64xi32, #tpu.memory_space<hbm>>
      %dma_wait3A_137 = arith.constant 0 : i32
      %dma_wait3A_138 = tpu.memref_slice %arg5[%add3A, %run_scoped3A_51, %dma_wait3A_137] : memref<32x160x64xi32, #tpu.memory_space<hbm>> -> memref<1x1x64xi32, #tpu.memory_space<hbm>>
      %dma_wait3A_139 = tpu.memref_squeeze %dma_wait3A_138 : memref<1x1x64xi32, #tpu.memory_space<hbm>> -> memref<64xi32, #tpu.memory_space<hbm>>
      tpu.wait_dma2 semaphore(%run_scoped3A_127 : memref<!tpu.dma_semaphore, #tpu.memory_space<semaphore_mem>>) src(%dma_wait3A_139 : memref<64xi32, #tpu.memory_space<hbm>>) dst(%arg9 : memref<64xi32, #tpu.memory_space<vmem>>)
      tpu.yield
    }) : () -> ()
    %dma_start3A = arith.constant 0 : i32
    %dma_start3A_52 = arith.constant 0 : i32
    %dma_start3A_53 = tpu.memref_slice %arg2[%dma_start3A, %dma_start3A_52] : memref<10240x80xi32, #tpu.memory_space<hbm>> -> memref<10240x80xi32, #tpu.memory_space<hbm>>
    tpu.enqueue_indirect_dma source(%dma_start3A_53 : memref<10240x80xi32, #tpu.memory_space<hbm>>) target(%arg17 : memref<64x80xi32, #tpu.memory_space<vmem>>) offsets(%arg8 : memref<64xi32, #tpu.memory_space<vmem>>) semaphore(%arg26 : memref<!tpu.dma_semaphore, #tpu.memory_space<semaphore_mem>>)
    %dma_start3A_54 = arith.constant 0 : i32
    %dma_start3A_55 = arith.constant 0 : i32
    %dma_start3A_56 = tpu.memref_slice %arg3[%dma_start3A_54, %dma_start3A_55] : memref<10240x16xf32, #tpu.memory_space<hbm>> -> memref<10240x16xf32, #tpu.memory_space<hbm>>
    tpu.enqueue_indirect_dma source(%dma_start3A_56 : memref<10240x16xf32, #tpu.memory_space<hbm>>) target(%arg18 : memref<64x16xf32, #tpu.memory_space<vmem>>) offsets(%arg9 : memref<64xi32, #tpu.memory_space<vmem>>) semaphore(%arg26 : memref<!tpu.dma_semaphore, #tpu.memory_space<semaphore_mem>>)
    %run_scoped3A_57 = arith.constant 1 : i32
    "tpu.region"() ({
      %run_scoped3A_127 = tpu.sem_alloc : memref<!tpu.dma_semaphore, #tpu.memory_space<semaphore_mem>>
      %dma_start3A_128 = arith.constant 0 : i32
      %dma_start3A_129 = tpu.memref_slice %arg4[%add3A, %run_scoped3A_57, %dma_start3A_128] : memref<32x160x64xi32, #tpu.memory_space<hbm>> -> memref<1x1x64xi32, #tpu.memory_space<hbm>>
      %dma_start3A_130 = tpu.memref_squeeze %dma_start3A_129 : memref<1x1x64xi32, #tpu.memory_space<hbm>> -> memref<64xi32, #tpu.memory_space<hbm>>
      %dma_start3A_131 = arith.constant 0 : i32
      %dma_start3A_132 = tpu.memref_slice %arg4[%add3A, %run_scoped3A_57, %dma_start3A_131] : memref<32x160x64xi32, #tpu.memory_space<hbm>> -> memref<1x1x64xi32, #tpu.memory_space<hbm>>
      %dma_start3A_133 = tpu.memref_squeeze %dma_start3A_132 : memref<1x1x64xi32, #tpu.memory_space<hbm>> -> memref<64xi32, #tpu.memory_space<hbm>>
      tpu.enqueue_dma source(%dma_start3A_133 : memref<64xi32, #tpu.memory_space<hbm>>) target(%arg10 : memref<64xi32, #tpu.memory_space<vmem>>) target_semaphore(%run_scoped3A_127 : memref<!tpu.dma_semaphore, #tpu.memory_space<semaphore_mem>>)
      %dma_wait3A_134 = arith.constant 0 : i32
      %dma_wait3A_135 = tpu.memref_slice %arg4[%add3A, %run_scoped3A_57, %dma_wait3A_134] : memref<32x160x64xi32, #tpu.memory_space<hbm>> -> memref<1x1x64xi32, #tpu.memory_space<hbm>>
      %dma_wait3A_136 = tpu.memref_squeeze %dma_wait3A_135 : memref<1x1x64xi32, #tpu.memory_space<hbm>> -> memref<64xi32, #tpu.memory_space<hbm>>
      %dma_wait3A_137 = arith.constant 0 : i32
      %dma_wait3A_138 = tpu.memref_slice %arg4[%add3A, %run_scoped3A_57, %dma_wait3A_137] : memref<32x160x64xi32, #tpu.memory_space<hbm>> -> memref<1x1x64xi32, #tpu.memory_space<hbm>>
      %dma_wait3A_139 = tpu.memref_squeeze %dma_wait3A_138 : memref<1x1x64xi32, #tpu.memory_space<hbm>> -> memref<64xi32, #tpu.memory_space<hbm>>
      tpu.wait_dma2 semaphore(%run_scoped3A_127 : memref<!tpu.dma_semaphore, #tpu.memory_space<semaphore_mem>>) src(%dma_wait3A_139 : memref<64xi32, #tpu.memory_space<hbm>>) dst(%arg10 : memref<64xi32, #tpu.memory_space<vmem>>)
      tpu.yield
    }) : () -> ()
    %run_scoped3A_58 = arith.constant 1 : i32
    "tpu.region"() ({
      %run_scoped3A_127 = tpu.sem_alloc : memref<!tpu.dma_semaphore, #tpu.memory_space<semaphore_mem>>
      %dma_start3A_128 = arith.constant 0 : i32
      %dma_start3A_129 = tpu.memref_slice %arg5[%add3A, %run_scoped3A_58, %dma_start3A_128] : memref<32x160x64xi32, #tpu.memory_space<hbm>> -> memref<1x1x64xi32, #tpu.memory_space<hbm>>
      %dma_start3A_130 = tpu.memref_squeeze %dma_start3A_129 : memref<1x1x64xi32, #tpu.memory_space<hbm>> -> memref<64xi32, #tpu.memory_space<hbm>>
      %dma_start3A_131 = arith.constant 0 : i32
      %dma_start3A_132 = tpu.memref_slice %arg5[%add3A, %run_scoped3A_58, %dma_start3A_131] : memref<32x160x64xi32, #tpu.memory_space<hbm>> -> memref<1x1x64xi32, #tpu.memory_space<hbm>>
      %dma_start3A_133 = tpu.memref_squeeze %dma_start3A_132 : memref<1x1x64xi32, #tpu.memory_space<hbm>> -> memref<64xi32, #tpu.memory_space<hbm>>
      tpu.enqueue_dma source(%dma_start3A_133 : memref<64xi32, #tpu.memory_space<hbm>>) target(%arg11 : memref<64xi32, #tpu.memory_space<vmem>>) target_semaphore(%run_scoped3A_127 : memref<!tpu.dma_semaphore, #tpu.memory_space<semaphore_mem>>)
      %dma_wait3A_134 = arith.constant 0 : i32
      %dma_wait3A_135 = tpu.memref_slice %arg5[%add3A, %run_scoped3A_58, %dma_wait3A_134] : memref<32x160x64xi32, #tpu.memory_space<hbm>> -> memref<1x1x64xi32, #tpu.memory_space<hbm>>
      %dma_wait3A_136 = tpu.memref_squeeze %dma_wait3A_135 : memref<1x1x64xi32, #tpu.memory_space<hbm>> -> memref<64xi32, #tpu.memory_space<hbm>>
      %dma_wait3A_137 = arith.constant 0 : i32
      %dma_wait3A_138 = tpu.memref_slice %arg5[%add3A, %run_scoped3A_58, %dma_wait3A_137] : memref<32x160x64xi32, #tpu.memory_space<hbm>> -> memref<1x1x64xi32, #tpu.memory_space<hbm>>
      %dma_wait3A_139 = tpu.memref_squeeze %dma_wait3A_138 : memref<1x1x64xi32, #tpu.memory_space<hbm>> -> memref<64xi32, #tpu.memory_space<hbm>>
      tpu.wait_dma2 semaphore(%run_scoped3A_127 : memref<!tpu.dma_semaphore, #tpu.memory_space<semaphore_mem>>) src(%dma_wait3A_139 : memref<64xi32, #tpu.memory_space<hbm>>) dst(%arg11 : memref<64xi32, #tpu.memory_space<vmem>>)
      tpu.yield
    }) : () -> ()
    %dma_start3A_59 = arith.constant 0 : i32
    %dma_start3A_60 = arith.constant 0 : i32
    %dma_start3A_61 = tpu.memref_slice %arg2[%dma_start3A_59, %dma_start3A_60] : memref<10240x80xi32, #tpu.memory_space<hbm>> -> memref<10240x80xi32, #tpu.memory_space<hbm>>
    tpu.enqueue_indirect_dma source(%dma_start3A_61 : memref<10240x80xi32, #tpu.memory_space<hbm>>) target(%arg19 : memref<64x80xi32, #tpu.memory_space<vmem>>) offsets(%arg10 : memref<64xi32, #tpu.memory_space<vmem>>) semaphore(%arg27 : memref<!tpu.dma_semaphore, #tpu.memory_space<semaphore_mem>>)
    %dma_start3A_62 = arith.constant 0 : i32
    %dma_start3A_63 = arith.constant 0 : i32
    %dma_start3A_64 = tpu.memref_slice %arg3[%dma_start3A_62, %dma_start3A_63] : memref<10240x16xf32, #tpu.memory_space<hbm>> -> memref<10240x16xf32, #tpu.memory_space<hbm>>
    tpu.enqueue_indirect_dma source(%dma_start3A_64 : memref<10240x16xf32, #tpu.memory_space<hbm>>) target(%arg20 : memref<64x16xf32, #tpu.memory_space<vmem>>) offsets(%arg11 : memref<64xi32, #tpu.memory_space<vmem>>) semaphore(%arg27 : memref<!tpu.dma_semaphore, #tpu.memory_space<semaphore_mem>>)
    %dma_start3A_65 = arith.constant 2 : i32
    %dma_start3A_66 = arith.constant 0 : i32
    %dma_start3A_67 = tpu.memref_slice %arg4[%add3A, %dma_start3A_65, %dma_start3A_66] : memref<32x160x64xi32, #tpu.memory_space<hbm>> -> memref<1x1x64xi32, #tpu.memory_space<hbm>>
    %dma_start3A_68 = tpu.memref_squeeze %dma_start3A_67 : memref<1x1x64xi32, #tpu.memory_space<hbm>> -> memref<64xi32, #tpu.memory_space<hbm>>
    %dma_start3A_69 = arith.constant 0 : i32
    %dma_start3A_70 = tpu.memref_slice %arg4[%add3A, %dma_start3A_65, %dma_start3A_69] : memref<32x160x64xi32, #tpu.memory_space<hbm>> -> memref<1x1x64xi32, #tpu.memory_space<hbm>>
    %dma_start3A_71 = tpu.memref_squeeze %dma_start3A_70 : memref<1x1x64xi32, #tpu.memory_space<hbm>> -> memref<64xi32, #tpu.memory_space<hbm>>
    tpu.enqueue_dma source(%dma_start3A_71 : memref<64xi32, #tpu.memory_space<hbm>>) target(%arg12 : memref<64xi32, #tpu.memory_space<vmem>>) target_semaphore(%arg31 : memref<!tpu.dma_semaphore, #tpu.memory_space<semaphore_mem>>)
    %dma_start3A_72 = arith.constant 2 : i32
    %dma_start3A_73 = arith.constant 0 : i32
    %dma_start3A_74 = tpu.memref_slice %arg5[%add3A, %dma_start3A_72, %dma_start3A_73] : memref<32x160x64xi32, #tpu.memory_space<hbm>> -> memref<1x1x64xi32, #tpu.memory_space<hbm>>
    %dma_start3A_75 = tpu.memref_squeeze %dma_start3A_74 : memref<1x1x64xi32, #tpu.memory_space<hbm>> -> memref<64xi32, #tpu.memory_space<hbm>>
    %dma_start3A_76 = arith.constant 0 : i32
    %dma_start3A_77 = tpu.memref_slice %arg5[%add3A, %dma_start3A_72, %dma_start3A_76] : memref<32x160x64xi32, #tpu.memory_space<hbm>> -> memref<1x1x64xi32, #tpu.memory_space<hbm>>
    %dma_start3A_78 = tpu.memref_squeeze %dma_start3A_77 : memref<1x1x64xi32, #tpu.memory_space<hbm>> -> memref<64xi32, #tpu.memory_space<hbm>>
    tpu.enqueue_dma source(%dma_start3A_78 : memref<64xi32, #tpu.memory_space<hbm>>) target(%arg13 : memref<64xi32, #tpu.memory_space<vmem>>) target_semaphore(%arg31 : memref<!tpu.dma_semaphore, #tpu.memory_space<semaphore_mem>>)
    %scan3A_79 = arith.constant 0 : i32
    %scan3A_80 = arith.constant 0 : i32
    %scan3A_81 = arith.constant 53 : i32
    %scan3A_82 = arith.addi %scan3A_80, %scan3A_81 : i32
    %scan3A_83 = arith.constant 1 : i32
    %scan3A_84 = scf.for %scan3A_127 = %scan3A_80 to %scan3A_82 step %scan3A_83 iter_args(%scan3A_128 = %scan3A_79) -> (i32)  : i32 {
      %mul3A_129 = arith.constant 3 : i32
      %mul3A_130 = arith.muli %mul3A_129, %scan3A_127 : i32
      %add3A_131 = arith.constant 2 : i32
      %add3A_132 = arith.addi %mul3A_130, %add3A_131 : i32
      %lt3A = arith.constant 160 : i32
      %lt3A_133 = arith.cmpi slt, %add3A_132, %lt3A : i32
      %convert_element_type3A = arith.extui %lt3A_133 : i1 to i32
      %cond3A = arith.constant 0 : i32
      %cond3A_134 = arith.cmpi ne, %convert_element_type3A, %cond3A : i32
      scf.if %cond3A_134 {
        %add3A_285 = arith.constant 2 : i32
        %add3A_286 = arith.addi %mul3A_130, %add3A_285 : i32
        %dma_wait3A_287 = arith.constant 0 : i32
        %dma_wait3A_288 = tpu.memref_slice %arg4[%add3A, %add3A_286, %dma_wait3A_287] : memref<32x160x64xi32, #tpu.memory_space<hbm>> -> memref<1x1x64xi32, #tpu.memory_space<hbm>>
        %dma_wait3A_289 = tpu.memref_squeeze %dma_wait3A_288 : memref<1x1x64xi32, #tpu.memory_space<hbm>> -> memref<64xi32, #tpu.memory_space<hbm>>
        %dma_wait3A_290 = arith.constant 0 : i32
        %dma_wait3A_291 = tpu.memref_slice %arg4[%add3A, %add3A_286, %dma_wait3A_290] : memref<32x160x64xi32, #tpu.memory_space<hbm>> -> memref<1x1x64xi32, #tpu.memory_space<hbm>>
        %dma_wait3A_292 = tpu.memref_squeeze %dma_wait3A_291 : memref<1x1x64xi32, #tpu.memory_space<hbm>> -> memref<64xi32, #tpu.memory_space<hbm>>
        tpu.wait_dma2 semaphore(%arg31 : memref<!tpu.dma_semaphore, #tpu.memory_space<semaphore_mem>>) src(%dma_wait3A_292 : memref<64xi32, #tpu.memory_space<hbm>>) dst(%arg12 : memref<64xi32, #tpu.memory_space<vmem>>)
        %dma_wait3A_293 = arith.constant 0 : i32
        %dma_wait3A_294 = tpu.memref_slice %arg5[%add3A, %add3A_286, %dma_wait3A_293] : memref<32x160x64xi32, #tpu.memory_space<hbm>> -> memref<1x1x64xi32, #tpu.memory_space<hbm>>
        %dma_wait3A_295 = tpu.memref_squeeze %dma_wait3A_294 : memref<1x1x64xi32, #tpu.memory_space<hbm>> -> memref<64xi32, #tpu.memory_space<hbm>>
        %dma_wait3A_296 = arith.constant 0 : i32
        %dma_wait3A_297 = tpu.memref_slice %arg5[%add3A, %add3A_286, %dma_wait3A_296] : memref<32x160x64xi32, #tpu.memory_space<hbm>> -> memref<1x1x64xi32, #tpu.memory_space<hbm>>
        %dma_wait3A_298 = tpu.memref_squeeze %dma_wait3A_297 : memref<1x1x64xi32, #tpu.memory_space<hbm>> -> memref<64xi32, #tpu.memory_space<hbm>>
        tpu.wait_dma2 semaphore(%arg31 : memref<!tpu.dma_semaphore, #tpu.memory_space<semaphore_mem>>) src(%dma_wait3A_298 : memref<64xi32, #tpu.memory_space<hbm>>) dst(%arg13 : memref<64xi32, #tpu.memory_space<vmem>>)
        %dma_start3A_299 = arith.constant 0 : i32
        %dma_start3A_300 = arith.constant 0 : i32
        %dma_start3A_301 = tpu.memref_slice %arg2[%dma_start3A_299, %dma_start3A_300] : memref<10240x80xi32, #tpu.memory_space<hbm>> -> memref<10240x80xi32, #tpu.memory_space<hbm>>
        tpu.enqueue_indirect_dma source(%dma_start3A_301 : memref<10240x80xi32, #tpu.memory_space<hbm>>) target(%arg21 : memref<64x80xi32, #tpu.memory_space<vmem>>) offsets(%arg12 : memref<64xi32, #tpu.memory_space<vmem>>) semaphore(%arg28 : memref<!tpu.dma_semaphore, #tpu.memory_space<semaphore_mem>>)
        %dma_start3A_302 = arith.constant 0 : i32
        %dma_start3A_303 = arith.constant 0 : i32
        %dma_start3A_304 = tpu.memref_slice %arg3[%dma_start3A_302, %dma_start3A_303] : memref<10240x16xf32, #tpu.memory_space<hbm>> -> memref<10240x16xf32, #tpu.memory_space<hbm>>
        tpu.enqueue_indirect_dma source(%dma_start3A_304 : memref<10240x16xf32, #tpu.memory_space<hbm>>) target(%arg22 : memref<64x16xf32, #tpu.memory_space<vmem>>) offsets(%arg13 : memref<64xi32, #tpu.memory_space<vmem>>) semaphore(%arg28 : memref<!tpu.dma_semaphore, #tpu.memory_space<semaphore_mem>>)
      } else {
      }
      %dma_wait3A_135 = arith.constant 0 : i32
      %dma_wait3A_136 = arith.constant 0 : i32
      %dma_wait3A_137 = tpu.memref_slice %arg2[%dma_wait3A_135, %dma_wait3A_136] : memref<10240x80xi32, #tpu.memory_space<hbm>> -> memref<10240x80xi32, #tpu.memory_space<hbm>>
      tpu.wait_indirect_dma semaphore(%arg26 : memref<!tpu.dma_semaphore, #tpu.memory_space<semaphore_mem>>) src(%dma_wait3A_137 : memref<10240x80xi32, #tpu.memory_space<hbm>>) dst(%arg17 : memref<64x80xi32, #tpu.memory_space<vmem>>)
      %dma_wait3A_138 = arith.constant 0 : i32
      %dma_wait3A_139 = arith.constant 0 : i32
      %dma_wait3A_140 = tpu.memref_slice %arg3[%dma_wait3A_138, %dma_wait3A_139] : memref<10240x16xf32, #tpu.memory_space<hbm>> -> memref<10240x16xf32, #tpu.memory_space<hbm>>
      tpu.wait_indirect_dma semaphore(%arg26 : memref<!tpu.dma_semaphore, #tpu.memory_space<semaphore_mem>>) src(%dma_wait3A_140 : memref<10240x16xf32, #tpu.memory_space<hbm>>) dst(%arg18 : memref<64x16xf32, #tpu.memory_space<vmem>>)
      %ge3A = arith.constant 1 : i32
      %ge3A_141 = arith.cmpi sge, %mul3A_130, %ge3A : i32
      %convert_element_type3A_142 = arith.extui %ge3A_141 : i1 to i32
      %cond3A_143 = arith.constant 0 : i32
      %cond3A_144 = arith.cmpi ne, %convert_element_type3A_142, %cond3A_143 : i32
      scf.if %cond3A_144 {
        %dma_wait3A_285 = arith.constant 0 : i32
        %dma_wait3A_286 = arith.constant 0 : i32
        %dma_wait3A_287 = tpu.memref_slice %arg25[%dma_wait3A_285, %dma_wait3A_286] : memref<10240x144xf32, #tpu.memory_space<vmem_shared>> -> memref<10240x144xf32, #tpu.memory_space<vmem_shared>>
        tpu.wait_indirect_dma semaphore(%arg32 : memref<!tpu.dma_semaphore, #tpu.memory_space<semaphore_mem>>) src(%arg23 : memref<64x144xf32, #tpu.memory_space<vmem>>) dst(%dma_wait3A_287 : memref<10240x144xf32, #tpu.memory_space<vmem_shared>>)
      } else {
      }
      %get3A_145 = arith.constant 0 : index
      %get3A_146 = tpu.vector_load %arg9[%get3A_145] {strides = array<i32>} : memref<64xi32, #tpu.memory_space<vmem>>, vector<16xi32>,
      %swap3A_147 = arith.constant 0 : index
      %swap3A_148 = tpu.vector_load %arg14[%swap3A_147] {strides = array<i32>} : memref<64xi32, #tpu.memory_space<vmem>>, vector<16xi32>,
      tpu.vector_store %arg14[%swap3A_147], %get3A_146 {strides = array<i32>} : memref<64xi32, #tpu.memory_space<vmem>>, vector<16xi32>,
      %get3A_149 = arith.constant 16 : index
      %get3A_150 = tpu.vector_load %arg9[%get3A_149] {strides = array<i32>} : memref<64xi32, #tpu.memory_space<vmem>>, vector<16xi32>,
      %swap3A_151 = arith.constant 16 : index
      %swap3A_152 = tpu.vector_load %arg14[%swap3A_151] {strides = array<i32>} : memref<64xi32, #tpu.memory_space<vmem>>, vector<16xi32>,
      tpu.vector_store %arg14[%swap3A_151], %get3A_150 {strides = array<i32>} : memref<64xi32, #tpu.memory_space<vmem>>, vector<16xi32>,
      %get3A_153 = arith.constant 32 : index
      %get3A_154 = tpu.vector_load %arg9[%get3A_153] {strides = array<i32>} : memref<64xi32, #tpu.memory_space<vmem>>, vector<16xi32>,
      %swap3A_155 = arith.constant 32 : index
      %swap3A_156 = tpu.vector_load %arg14[%swap3A_155] {strides = array<i32>} : memref<64xi32, #tpu.memory_space<vmem>>, vector<16xi32>,
      tpu.vector_store %arg14[%swap3A_155], %get3A_154 {strides = array<i32>} : memref<64xi32, #tpu.memory_space<vmem>>, vector<16xi32>,
      %get3A_157 = arith.constant 48 : index
      %get3A_158 = tpu.vector_load %arg9[%get3A_157] {strides = array<i32>} : memref<64xi32, #tpu.memory_space<vmem>>, vector<16xi32>,
      %swap3A_159 = arith.constant 48 : index
      %swap3A_160 = tpu.vector_load %arg14[%swap3A_159] {strides = array<i32>} : memref<64xi32, #tpu.memory_space<vmem>>, vector<16xi32>,
      tpu.vector_store %arg14[%swap3A_159], %get3A_158 {strides = array<i32>} : memref<64xi32, #tpu.memory_space<vmem>>, vector<16xi32>,
      %add3A_161 = arith.constant 3 : i32
      %add3A_162 = arith.addi %mul3A_130, %add3A_161 : i32
      %lt3A_163 = arith.constant 160 : i32
      %lt3A_164 = arith.cmpi slt, %add3A_162, %lt3A_163 : i32
      %convert_element_type3A_165 = arith.extui %lt3A_164 : i1 to i32
      %cond3A_166 = arith.constant 0 : i32
      %cond3A_167 = arith.cmpi ne, %convert_element_type3A_165, %cond3A_166 : i32
      scf.if %cond3A_167 {
        %add3A_285 = arith.constant 3 : i32
        %add3A_286 = arith.addi %mul3A_130, %add3A_285 : i32
        %dma_start3A_287 = arith.constant 0 : i32
        %dma_start3A_288 = tpu.memref_slice %arg4[%add3A, %add3A_286, %dma_start3A_287] : memref<32x160x64xi32, #tpu.memory_space<hbm>> -> memref<1x1x64xi32, #tpu.memory_space<hbm>>
        %dma_start3A_289 = tpu.memref_squeeze %dma_start3A_288 : memref<1x1x64xi32, #tpu.memory_space<hbm>> -> memref<64xi32, #tpu.memory_space<hbm>>
        %dma_start3A_290 = arith.constant 0 : i32
        %dma_start3A_291 = tpu.memref_slice %arg4[%add3A, %add3A_286, %dma_start3A_290] : memref<32x160x64xi32, #tpu.memory_space<hbm>> -> memref<1x1x64xi32, #tpu.memory_space<hbm>>
        %dma_start3A_292 = tpu.memref_squeeze %dma_start3A_291 : memref<1x1x64xi32, #tpu.memory_space<hbm>> -> memref<64xi32, #tpu.memory_space<hbm>>
        tpu.enqueue_dma source(%dma_start3A_292 : memref<64xi32, #tpu.memory_space<hbm>>) target(%arg8 : memref<64xi32, #tpu.memory_space<vmem>>) target_semaphore(%arg29 : memref<!tpu.dma_semaphore, #tpu.memory_space<semaphore_mem>>)
        %dma_start3A_293 = arith.constant 0 : i32
        %dma_start3A_294 = tpu.memref_slice %arg5[%add3A, %add3A_286, %dma_start3A_293] : memref<32x160x64xi32, #tpu.memory_space<hbm>> -> memref<1x1x64xi32, #tpu.memory_space<hbm>>
        %dma_start3A_295 = tpu.memref_squeeze %dma_start3A_294 : memref<1x1x64xi32, #tpu.memory_space<hbm>> -> memref<64xi32, #tpu.memory_space<hbm>>
        %dma_start3A_296 = arith.constant 0 : i32
        %dma_start3A_297 = tpu.memref_slice %arg5[%add3A, %add3A_286, %dma_start3A_296] : memref<32x160x64xi32, #tpu.memory_space<hbm>> -> memref<1x1x64xi32, #tpu.memory_space<hbm>>
        %dma_start3A_298 = tpu.memref_squeeze %dma_start3A_297 : memref<1x1x64xi32, #tpu.memory_space<hbm>> -> memref<64xi32, #tpu.memory_space<hbm>>
        tpu.enqueue_dma source(%dma_start3A_298 : memref<64xi32, #tpu.memory_space<hbm>>) target(%arg9 : memref<64xi32, #tpu.memory_space<vmem>>) target_semaphore(%arg29 : memref<!tpu.dma_semaphore, #tpu.memory_space<semaphore_mem>>)
      } else {
      }
      %scan3A_168 = arith.constant 0 : i32
      %scan3A_169 = arith.constant 0 : i32
      %scan3A_170 = arith.constant 64 : i32
      %scan3A_171 = arith.addi %scan3A_169, %scan3A_170 : i32
      %scan3A_172 = arith.constant 4 : i32
      %scan3A_173 = scf.for %scan3A_285 = %scan3A_169 to %scan3A_171 step %scan3A_172 iter_args(%scan3A_286 = %scan3A_168) -> (i32)  : i32 {
        %get3A_287 = arith.index_cast %scan3A_285 : i32 to index
        %get3A_288 = arith.constant 64 : index
        %get3A_289 = tpu.vector_load %arg17[%get3A_287, %get3A_288] {strides = array<i32>} : memref<64x80xi32, #tpu.memory_space<vmem>>, vector<16xi32>,
        %bitcast3A = vector.bitcast %get3A_289 : vector<16xi32> to vector<16xf32>
        %get3A_290 = arith.index_cast %scan3A_285 : i32 to index
        %get3A_291 = arith.constant 0 : index
        %get3A_292 = tpu.vector_load %arg18[%get3A_290, %get3A_291] {strides = array<i32>} : memref<64x16xf32, #tpu.memory_space<vmem>>, vector<16xf32>,
        %add3A_293 = arith.addf %bitcast3A, %get3A_292 : vector<16xf32>
        %gt3A = arith.constant 0.000000e+00 : f32
        %gt3A_294 = vector.broadcast %gt3A : f32 to vector<16xf32>
        %gt3A_295 = arith.cmpf ogt, %add3A_293, %gt3A_294 : vector<16xf32>
        %mul3A_296 = arith.constant 0.00999999977 : f32
        %mul3A_297 = vector.broadcast %mul3A_296 : f32 to vector<16xf32>
        %mul3A_298 = arith.mulf %mul3A_297, %add3A_293 : vector<16xf32>
        %select_n3A = arith.select %gt3A_295, %add3A_293, %mul3A_298 : vector<16xi1>, vector<16xf32>
        %sub3A = arith.subf %select_n3A, %get3A_50 : vector<16xf32>
        %exp3A = math.exp %sub3A : vector<16xf32>
        %swap3A_299 = arith.index_cast %scan3A_285 : i32 to index
        %swap3A_300 = arith.constant 128 : index
        %swap3A_301 = tpu.vector_load %arg23[%swap3A_299, %swap3A_300] {strides = array<i32>} : memref<64x144xf32, #tpu.memory_space<vmem>>, vector<16xf32>,
        tpu.vector_store %arg23[%swap3A_299, %swap3A_300], %exp3A {strides = array<i32>} : memref<64x144xf32, #tpu.memory_space<vmem>>, vector<16xf32>,
        %get3A_302 = arith.index_cast %scan3A_285 : i32 to index
        %get3A_303 = arith.constant 0 : index
        %get3A_304 = tpu.vector_load %arg17[%get3A_302, %get3A_303] {strides = array<i32>} : memref<64x80xi32, #tpu.memory_space<vmem>>, vector<16xi32>,
        %shift_left3A = arith.constant 16 : i32
        %shift_left3A_305 = vector.broadcast %shift_left3A : i32 to vector<16xi32>
        %shift_left3A_306 = arith.shli %get3A_304, %shift_left3A_305 : vector<16xi32>
        %bitcast3A_307 = vector.bitcast %shift_left3A_306 : vector<16xi32> to vector<16xf32>
        %and3A = arith.andi %get3A_304, %broadcast_in_dim3A_3 : vector<16xi32>
        %bitcast3A_308 = vector.bitcast %and3A : vector<16xi32> to vector<16xf32>
        %broadcast_in_dim3A_309 = arith.constant 0 : i32
        %broadcast_in_dim3A_310 = vector.broadcast %broadcast_in_dim3A_309 : i32 to vector<16xi32>
        %lt3A_311 = arith.constant 0 : i32
        %lt3A_312 = vector.broadcast %lt3A_311 : i32 to vector<16xi32>
        %lt3A_313 = arith.cmpi slt, %broadcast_in_dim3A_310, %lt3A_312 : vector<16xi32>
        %add3A_314 = arith.constant 16 : i32
        %add3A_315 = vector.broadcast %add3A_314 : i32 to vector<16xi32>
        %add3A_316 = arith.addi %broadcast_in_dim3A_310, %add3A_315 : vector<16xi32>
        %select_n3A_317 = arith.select %lt3A_313, %add3A_316, %broadcast_in_dim3A_310 : vector<16xi1>, vector<16xi32>
        %broadcast_in_dim3A_318 = vector.shape_cast %select_n3A_317 : vector<16xi32> to vector<16x1xi32>
        %gather3A = vector.shape_cast %broadcast_in_dim3A_318 : vector<16x1xi32> to vector<16xi32>
        %gather3A_319 = tpu.dynamic_gather %exp3A[%gather3A] in [0] : vector<16xf32>, vector<16xi32> -> vector<16xf32>
        %broadcast_in_dim3A_320 = arith.constant 4 : i32
        %broadcast_in_dim3A_321 = vector.broadcast %broadcast_in_dim3A_320 : i32 to vector<16xi32>
        %lt3A_322 = arith.constant 0 : i32
        %lt3A_323 = vector.broadcast %lt3A_322 : i32 to vector<16xi32>
        %lt3A_324 = arith.cmpi slt, %broadcast_in_dim3A_321, %lt3A_323 : vector<16xi32>
        %add3A_325 = arith.constant 16 : i32
        %add3A_326 = vector.broadcast %add3A_325 : i32 to vector<16xi32>
        %add3A_327 = arith.addi %broadcast_in_dim3A_321, %add3A_326 : vector<16xi32>
        %select_n3A_328 = arith.select %lt3A_324, %add3A_327, %broadcast_in_dim3A_321 : vector<16xi1>, vector<16xi32>
        %broadcast_in_dim3A_329 = vector.shape_cast %select_n3A_328 : vector<16xi32> to vector<16x1xi32>
        %gather3A_330 = vector.shape_cast %broadcast_in_dim3A_329 : vector<16x1xi32> to vector<16xi32>
        %gather3A_331 = tpu.dynamic_gather %exp3A[%gather3A_330] in [0] : vector<16xf32>, vector<16xi32> -> vector<16xf32>
        %mul3A_332 = arith.mulf %bitcast3A_307, %gather3A_319 : vector<16xf32>
        %swap3A_333 = arith.index_cast %scan3A_285 : i32 to index
        %swap3A_334 = arith.constant 0 : index
        %swap3A_335 = tpu.vector_load %arg23[%swap3A_333, %swap3A_334] {strides = array<i32>} : memref<64x144xf32, #tpu.memory_space<vmem>>, vector<16xf32>,
        tpu.vector_store %arg23[%swap3A_333, %swap3A_334], %mul3A_332 {strides = array<i32>} : memref<64x144xf32, #tpu.memory_space<vmem>>, vector<16xf32>,
        %mul3A_336 = arith.mulf %bitcast3A_308, %gather3A_331 : vector<16xf32>
        %swap3A_337 = arith.index_cast %scan3A_285 : i32 to index
        %swap3A_338 = arith.constant 16 : index
        %swap3A_339 = tpu.vector_load %arg23[%swap3A_337, %swap3A_338] {strides = array<i32>} : memref<64x144xf32, #tpu.memory_space<vmem>>, vector<16xf32>,
        tpu.vector_store %arg23[%swap3A_337, %swap3A_338], %mul3A_336 {strides = array<i32>} : memref<64x144xf32, #tpu.memory_space<vmem>>, vector<16xf32>,
        %get3A_340 = arith.index_cast %scan3A_285 : i32 to index
        %get3A_341 = arith.constant 16 : index
        %get3A_342 = tpu.vector_load %arg17[%get3A_340, %get3A_341] {strides = array<i32>} : memref<64x80xi32, #tpu.memory_space<vmem>>, vector<16xi32>,
        %shift_left3A_343 = arith.constant 16 : i32
        %shift_left3A_344 = vector.broadcast %shift_left3A_343 : i32 to vector<16xi32>
        %shift_left3A_345 = arith.shli %get3A_342, %shift_left3A_344 : vector<16xi32>
        %bitcast3A_346 = vector.bitcast %shift_left3A_345 : vector<16xi32> to vector<16xf32>
        %and3A_347 = arith.andi %get3A_342, %broadcast_in_dim3A_3 : vector<16xi32>
        %bitcast3A_348 = vector.bitcast %and3A_347 : vector<16xi32> to vector<16xf32>
        %broadcast_in_dim3A_349 = arith.constant 1 : i32
        %broadcast_in_dim3A_350 = vector.broadcast %broadcast_in_dim3A_349 : i32 to vector<16xi32>
        %lt3A_351 = arith.constant 0 : i32
        %lt3A_352 = vector.broadcast %lt3A_351 : i32 to vector<16xi32>
        %lt3A_353 = arith.cmpi slt, %broadcast_in_dim3A_350, %lt3A_352 : vector<16xi32>
        %add3A_354 = arith.constant 16 : i32
        %add3A_355 = vector.broadcast %add3A_354 : i32 to vector<16xi32>
        %add3A_356 = arith.addi %broadcast_in_dim3A_350, %add3A_355 : vector<16xi32>
        %select_n3A_357 = arith.select %lt3A_353, %add3A_356, %broadcast_in_dim3A_350 : vector<16xi1>, vector<16xi32>
        %broadcast_in_dim3A_358 = vector.shape_cast %select_n3A_357 : vector<16xi32> to vector<16x1xi32>
        %gather3A_359 = vector.shape_cast %broadcast_in_dim3A_358 : vector<16x1xi32> to vector<16xi32>
        %gather3A_360 = tpu.dynamic_gather %exp3A[%gather3A_359] in [0] : vector<16xf32>, vector<16xi32> -> vector<16xf32>
        %broadcast_in_dim3A_361 = arith.constant 5 : i32
        %broadcast_in_dim3A_362 = vector.broadcast %broadcast_in_dim3A_361 : i32 to vector<16xi32>
        %lt3A_363 = arith.constant 0 : i32
        %lt3A_364 = vector.broadcast %lt3A_363 : i32 to vector<16xi32>
        %lt3A_365 = arith.cmpi slt, %broadcast_in_dim3A_362, %lt3A_364 : vector<16xi32>
        %add3A_366 = arith.constant 16 : i32
        %add3A_367 = vector.broadcast %add3A_366 : i32 to vector<16xi32>
        %add3A_368 = arith.addi %broadcast_in_dim3A_362, %add3A_367 : vector<16xi32>
        %select_n3A_369 = arith.select %lt3A_365, %add3A_368, %broadcast_in_dim3A_362 : vector<16xi1>, vector<16xi32>
        %broadcast_in_dim3A_370 = vector.shape_cast %select_n3A_369 : vector<16xi32> to vector<16x1xi32>
        %gather3A_371 = vector.shape_cast %broadcast_in_dim3A_370 : vector<16x1xi32> to vector<16xi32>
        %gather3A_372 = tpu.dynamic_gather %exp3A[%gather3A_371] in [0] : vector<16xf32>, vector<16xi32> -> vector<16xf32>
        %mul3A_373 = arith.mulf %bitcast3A_346, %gather3A_360 : vector<16xf32>
        %swap3A_374 = arith.index_cast %scan3A_285 : i32 to index
        %swap3A_375 = arith.constant 32 : index
        %swap3A_376 = tpu.vector_load %arg23[%swap3A_374, %swap3A_375] {strides = array<i32>} : memref<64x144xf32, #tpu.memory_space<vmem>>, vector<16xf32>,
        tpu.vector_store %arg23[%swap3A_374, %swap3A_375], %mul3A_373 {strides = array<i32>} : memref<64x144xf32, #tpu.memory_space<vmem>>, vector<16xf32>,
        %mul3A_377 = arith.mulf %bitcast3A_348, %gather3A_372 : vector<16xf32>
        %swap3A_378 = arith.index_cast %scan3A_285 : i32 to index
        %swap3A_379 = arith.constant 48 : index
        %swap3A_380 = tpu.vector_load %arg23[%swap3A_378, %swap3A_379] {strides = array<i32>} : memref<64x144xf32, #tpu.memory_space<vmem>>, vector<16xf32>,
        tpu.vector_store %arg23[%swap3A_378, %swap3A_379], %mul3A_377 {strides = array<i32>} : memref<64x144xf32, #tpu.memory_space<vmem>>, vector<16xf32>,
        %get3A_381 = arith.index_cast %scan3A_285 : i32 to index
        %get3A_382 = arith.constant 32 : index
        %get3A_383 = tpu.vector_load %arg17[%get3A_381, %get3A_382] {strides = array<i32>} : memref<64x80xi32, #tpu.memory_space<vmem>>, vector<16xi32>,
        %shift_left3A_384 = arith.constant 16 : i32
        %shift_left3A_385 = vector.broadcast %shift_left3A_384 : i32 to vector<16xi32>
        %shift_left3A_386 = arith.shli %get3A_383, %shift_left3A_385 : vector<16xi32>
        %bitcast3A_387 = vector.bitcast %shift_left3A_386 : vector<16xi32> to vector<16xf32>
        %and3A_388 = arith.andi %get3A_383, %broadcast_in_dim3A_3 : vector<16xi32>
        %bitcast3A_389 = vector.bitcast %and3A_388 : vector<16xi32> to vector<16xf32>
        %broadcast_in_dim3A_390 = arith.constant 2 : i32
        %broadcast_in_dim3A_391 = vector.broadcast %broadcast_in_dim3A_390 : i32 to vector<16xi32>
        %lt3A_392 = arith.constant 0 : i32
        %lt3A_393 = vector.broadcast %lt3A_392 : i32 to vector<16xi32>
        %lt3A_394 = arith.cmpi slt, %broadcast_in_dim3A_391, %lt3A_393 : vector<16xi32>
        %add3A_395 = arith.constant 16 : i32
        %add3A_396 = vector.broadcast %add3A_395 : i32 to vector<16xi32>
        %add3A_397 = arith.addi %broadcast_in_dim3A_391, %add3A_396 : vector<16xi32>
        %select_n3A_398 = arith.select %lt3A_394, %add3A_397, %broadcast_in_dim3A_391 : vector<16xi1>, vector<16xi32>
        %broadcast_in_dim3A_399 = vector.shape_cast %select_n3A_398 : vector<16xi32> to vector<16x1xi32>
        %gather3A_400 = vector.shape_cast %broadcast_in_dim3A_399 : vector<16x1xi32> to vector<16xi32>
        %gather3A_401 = tpu.dynamic_gather %exp3A[%gather3A_400] in [0] : vector<16xf32>, vector<16xi32> -> vector<16xf32>
        %broadcast_in_dim3A_402 = arith.constant 6 : i32
        %broadcast_in_dim3A_403 = vector.broadcast %broadcast_in_dim3A_402 : i32 to vector<16xi32>
        %lt3A_404 = arith.constant 0 : i32
        %lt3A_405 = vector.broadcast %lt3A_404 : i32 to vector<16xi32>
        %lt3A_406 = arith.cmpi slt, %broadcast_in_dim3A_403, %lt3A_405 : vector<16xi32>
        %add3A_407 = arith.constant 16 : i32
        %add3A_408 = vector.broadcast %add3A_407 : i32 to vector<16xi32>
        %add3A_409 = arith.addi %broadcast_in_dim3A_403, %add3A_408 : vector<16xi32>
        %select_n3A_410 = arith.select %lt3A_406, %add3A_409, %broadcast_in_dim3A_403 : vector<16xi1>, vector<16xi32>
        %broadcast_in_dim3A_411 = vector.shape_cast %select_n3A_410 : vector<16xi32> to vector<16x1xi32>
        %gather3A_412 = vector.shape_cast %broadcast_in_dim3A_411 : vector<16x1xi32> to vector<16xi32>
        %gather3A_413 = tpu.dynamic_gather %exp3A[%gather3A_412] in [0] : vector<16xf32>, vector<16xi32> -> vector<16xf32>
        %mul3A_414 = arith.mulf %bitcast3A_387, %gather3A_401 : vector<16xf32>
        %swap3A_415 = arith.index_cast %scan3A_285 : i32 to index
        %swap3A_416 = arith.constant 64 : index
        %swap3A_417 = tpu.vector_load %arg23[%swap3A_415, %swap3A_416] {strides = array<i32>} : memref<64x144xf32, #tpu.memory_space<vmem>>, vector<16xf32>,
        tpu.vector_store %arg23[%swap3A_415, %swap3A_416], %mul3A_414 {strides = array<i32>} : memref<64x144xf32, #tpu.memory_space<vmem>>, vector<16xf32>,
        %mul3A_418 = arith.mulf %bitcast3A_389, %gather3A_413 : vector<16xf32>
        %swap3A_419 = arith.index_cast %scan3A_285 : i32 to index
        %swap3A_420 = arith.constant 80 : index
        %swap3A_421 = tpu.vector_load %arg23[%swap3A_419, %swap3A_420] {strides = array<i32>} : memref<64x144xf32, #tpu.memory_space<vmem>>, vector<16xf32>,
        tpu.vector_store %arg23[%swap3A_419, %swap3A_420], %mul3A_418 {strides = array<i32>} : memref<64x144xf32, #tpu.memory_space<vmem>>, vector<16xf32>,
        %get3A_422 = arith.index_cast %scan3A_285 : i32 to index
        %get3A_423 = arith.constant 48 : index
        %get3A_424 = tpu.vector_load %arg17[%get3A_422, %get3A_423] {strides = array<i32>} : memref<64x80xi32, #tpu.memory_space<vmem>>, vector<16xi32>,
        %shift_left3A_425 = arith.constant 16 : i32
        %shift_left3A_426 = vector.broadcast %shift_left3A_425 : i32 to vector<16xi32>
        %shift_left3A_427 = arith.shli %get3A_424, %shift_left3A_426 : vector<16xi32>
        %bitcast3A_428 = vector.bitcast %shift_left3A_427 : vector<16xi32> to vector<16xf32>
        %and3A_429 = arith.andi %get3A_424, %broadcast_in_dim3A_3 : vector<16xi32>
        %bitcast3A_430 = vector.bitcast %and3A_429 : vector<16xi32> to vector<16xf32>
        %broadcast_in_dim3A_431 = arith.constant 3 : i32
        %broadcast_in_dim3A_432 = vector.broadcast %broadcast_in_dim3A_431 : i32 to vector<16xi32>
        %lt3A_433 = arith.constant 0 : i32
        %lt3A_434 = vector.broadcast %lt3A_433 : i32 to vector<16xi32>
        %lt3A_435 = arith.cmpi slt, %broadcast_in_dim3A_432, %lt3A_434 : vector<16xi32>
        %add3A_436 = arith.constant 16 : i32
        %add3A_437 = vector.broadcast %add3A_436 : i32 to vector<16xi32>
        %add3A_438 = arith.addi %broadcast_in_dim3A_432, %add3A_437 : vector<16xi32>
        %select_n3A_439 = arith.select %lt3A_435, %add3A_438, %broadcast_in_dim3A_432 : vector<16xi1>, vector<16xi32>
        %broadcast_in_dim3A_440 = vector.shape_cast %select_n3A_439 : vector<16xi32> to vector<16x1xi32>
        %gather3A_441 = vector.shape_cast %broadcast_in_dim3A_440 : vector<16x1xi32> to vector<16xi32>
        %gather3A_442 = tpu.dynamic_gather %exp3A[%gather3A_441] in [0] : vector<16xf32>, vector<16xi32> -> vector<16xf32>
        %broadcast_in_dim3A_443 = arith.constant 7 : i32
        %broadcast_in_dim3A_444 = vector.broadcast %broadcast_in_dim3A_443 : i32 to vector<16xi32>
        %lt3A_445 = arith.constant 0 : i32
        %lt3A_446 = vector.broadcast %lt3A_445 : i32 to vector<16xi32>
        %lt3A_447 = arith.cmpi slt, %broadcast_in_dim3A_444, %lt3A_446 : vector<16xi32>
        %add3A_448 = arith.constant 16 : i32
        %add3A_449 = vector.broadcast %add3A_448 : i32 to vector<16xi32>
        %add3A_450 = arith.addi %broadcast_in_dim3A_444, %add3A_449 : vector<16xi32>
        %select_n3A_451 = arith.select %lt3A_447, %add3A_450, %broadcast_in_dim3A_444 : vector<16xi1>, vector<16xi32>
        %broadcast_in_dim3A_452 = vector.shape_cast %select_n3A_451 : vector<16xi32> to vector<16x1xi32>
        %gather3A_453 = vector.shape_cast %broadcast_in_dim3A_452 : vector<16x1xi32> to vector<16xi32>
        %gather3A_454 = tpu.dynamic_gather %exp3A[%gather3A_453] in [0] : vector<16xf32>, vector<16xi32> -> vector<16xf32>
        %mul3A_455 = arith.mulf %bitcast3A_428, %gather3A_442 : vector<16xf32>
        %swap3A_456 = arith.index_cast %scan3A_285 : i32 to index
        %swap3A_457 = arith.constant 96 : index
        %swap3A_458 = tpu.vector_load %arg23[%swap3A_456, %swap3A_457] {strides = array<i32>} : memref<64x144xf32, #tpu.memory_space<vmem>>, vector<16xf32>,
        tpu.vector_store %arg23[%swap3A_456, %swap3A_457], %mul3A_455 {strides = array<i32>} : memref<64x144xf32, #tpu.memory_space<vmem>>, vector<16xf32>,
        %mul3A_459 = arith.mulf %bitcast3A_430, %gather3A_454 : vector<16xf32>
        %swap3A_460 = arith.index_cast %scan3A_285 : i32 to index
        %swap3A_461 = arith.constant 112 : index
        %swap3A_462 = tpu.vector_load %arg23[%swap3A_460, %swap3A_461] {strides = array<i32>} : memref<64x144xf32, #tpu.memory_space<vmem>>, vector<16xf32>,
        tpu.vector_store %arg23[%swap3A_460, %swap3A_461], %mul3A_459 {strides = array<i32>} : memref<64x144xf32, #tpu.memory_space<vmem>>, vector<16xf32>,
        %scan3A_463 = arith.constant 0 : i32
        %scan3A_464 = arith.constant 1 : i32
        %scan3A_465 = arith.addi %scan3A_285, %scan3A_464 : i32
        %get3A_466 = arith.index_cast %scan3A_465 : i32 to index
        %get3A_467 = arith.constant 64 : index
        %get3A_468 = tpu.vector_load %arg17[%get3A_466, %get3A_467] {strides = array<i32>} : memref<64x80xi32, #tpu.memory_space<vmem>>, vector<16xi32>,
        %bitcast3A_469 = vector.bitcast %get3A_468 : vector<16xi32> to vector<16xf32>
        %get3A_470 = arith.index_cast %scan3A_465 : i32 to index
        %get3A_471 = arith.constant 0 : index
        %get3A_472 = tpu.vector_load %arg18[%get3A_470, %get3A_471] {strides = array<i32>} : memref<64x16xf32, #tpu.memory_space<vmem>>, vector<16xf32>,
        %add3A_473 = arith.addf %bitcast3A_469, %get3A_472 : vector<16xf32>
        %gt3A_474 = arith.constant 0.000000e+00 : f32
        %gt3A_475 = vector.broadcast %gt3A_474 : f32 to vector<16xf32>
        %gt3A_476 = arith.cmpf ogt, %add3A_473, %gt3A_475 : vector<16xf32>
        %mul3A_477 = arith.constant 0.00999999977 : f32
        %mul3A_478 = vector.broadcast %mul3A_477 : f32 to vector<16xf32>
        %mul3A_479 = arith.mulf %mul3A_478, %add3A_473 : vector<16xf32>
        %select_n3A_480 = arith.select %gt3A_476, %add3A_473, %mul3A_479 : vector<16xi1>, vector<16xf32>
        %sub3A_481 = arith.subf %select_n3A_480, %get3A_50 : vector<16xf32>
        %exp3A_482 = math.exp %sub3A_481 : vector<16xf32>
        %swap3A_483 = arith.index_cast %scan3A_465 : i32 to index
        %swap3A_484 = arith.constant 128 : index
        %swap3A_485 = tpu.vector_load %arg23[%swap3A_483, %swap3A_484] {strides = array<i32>} : memref<64x144xf32, #tpu.memory_space<vmem>>, vector<16xf32>,
        tpu.vector_store %arg23[%swap3A_483, %swap3A_484], %exp3A_482 {strides = array<i32>} : memref<64x144xf32, #tpu.memory_space<vmem>>, vector<16xf32>,
        %get3A_486 = arith.index_cast %scan3A_465 : i32 to index
        %get3A_487 = arith.constant 0 : index
        %get3A_488 = tpu.vector_load %arg17[%get3A_486, %get3A_487] {strides = array<i32>} : memref<64x80xi32, #tpu.memory_space<vmem>>, vector<16xi32>,
        %shift_left3A_489 = arith.constant 16 : i32
        %shift_left3A_490 = vector.broadcast %shift_left3A_489 : i32 to vector<16xi32>
        %shift_left3A_491 = arith.shli %get3A_488, %shift_left3A_490 : vector<16xi32>
        %bitcast3A_492 = vector.bitcast %shift_left3A_491 : vector<16xi32> to vector<16xf32>
        %and3A_493 = arith.andi %get3A_488, %broadcast_in_dim3A_3 : vector<16xi32>
        %bitcast3A_494 = vector.bitcast %and3A_493 : vector<16xi32> to vector<16xf32>
        %broadcast_in_dim3A_495 = arith.constant 0 : i32
        %broadcast_in_dim3A_496 = vector.broadcast %broadcast_in_dim3A_495 : i32 to vector<16xi32>
        %lt3A_497 = arith.constant 0 : i32
        %lt3A_498 = vector.broadcast %lt3A_497 : i32 to vector<16xi32>
        %lt3A_499 = arith.cmpi slt, %broadcast_in_dim3A_496, %lt3A_498 : vector<16xi32>
        %add3A_500 = arith.constant 16 : i32
        %add3A_501 = vector.broadcast %add3A_500 : i32 to vector<16xi32>
        %add3A_502 = arith.addi %broadcast_in_dim3A_496, %add3A_501 : vector<16xi32>
        %select_n3A_503 = arith.select %lt3A_499, %add3A_502, %broadcast_in_dim3A_496 : vector<16xi1>, vector<16xi32>
        %broadcast_in_dim3A_504 = vector.shape_cast %select_n3A_503 : vector<16xi32> to vector<16x1xi32>
        %gather3A_505 = vector.shape_cast %broadcast_in_dim3A_504 : vector<16x1xi32> to vector<16xi32>
        %gather3A_506 = tpu.dynamic_gather %exp3A_482[%gather3A_505] in [0] : vector<16xf32>, vector<16xi32> -> vector<16xf32>
        %broadcast_in_dim3A_507 = arith.constant 4 : i32
        %broadcast_in_dim3A_508 = vector.broadcast %broadcast_in_dim3A_507 : i32 to vector<16xi32>
        %lt3A_509 = arith.constant 0 : i32
        %lt3A_510 = vector.broadcast %lt3A_509 : i32 to vector<16xi32>
        %lt3A_511 = arith.cmpi slt, %broadcast_in_dim3A_508, %lt3A_510 : vector<16xi32>
        %add3A_512 = arith.constant 16 : i32
        %add3A_513 = vector.broadcast %add3A_512 : i32 to vector<16xi32>
        %add3A_514 = arith.addi %broadcast_in_dim3A_508, %add3A_513 : vector<16xi32>
        %select_n3A_515 = arith.select %lt3A_511, %add3A_514, %broadcast_in_dim3A_508 : vector<16xi1>, vector<16xi32>
        %broadcast_in_dim3A_516 = vector.shape_cast %select_n3A_515 : vector<16xi32> to vector<16x1xi32>
        %gather3A_517 = vector.shape_cast %broadcast_in_dim3A_516 : vector<16x1xi32> to vector<16xi32>
        %gather3A_518 = tpu.dynamic_gather %exp3A_482[%gather3A_517] in [0] : vector<16xf32>, vector<16xi32> -> vector<16xf32>
        %mul3A_519 = arith.mulf %bitcast3A_492, %gather3A_506 : vector<16xf32>
        %swap3A_520 = arith.index_cast %scan3A_465 : i32 to index
        %swap3A_521 = arith.constant 0 : index
        %swap3A_522 = tpu.vector_load %arg23[%swap3A_520, %swap3A_521] {strides = array<i32>} : memref<64x144xf32, #tpu.memory_space<vmem>>, vector<16xf32>,
        tpu.vector_store %arg23[%swap3A_520, %swap3A_521], %mul3A_519 {strides = array<i32>} : memref<64x144xf32, #tpu.memory_space<vmem>>, vector<16xf32>,
        %mul3A_523 = arith.mulf %bitcast3A_494, %gather3A_518 : vector<16xf32>
        %swap3A_524 = arith.index_cast %scan3A_465 : i32 to index
        %swap3A_525 = arith.constant 16 : index
        %swap3A_526 = tpu.vector_load %arg23[%swap3A_524, %swap3A_525] {strides = array<i32>} : memref<64x144xf32, #tpu.memory_space<vmem>>, vector<16xf32>,
        tpu.vector_store %arg23[%swap3A_524, %swap3A_525], %mul3A_523 {strides = array<i32>} : memref<64x144xf32, #tpu.memory_space<vmem>>, vector<16xf32>,
        %get3A_527 = arith.index_cast %scan3A_465 : i32 to index
        %get3A_528 = arith.constant 16 : index
        %get3A_529 = tpu.vector_load %arg17[%get3A_527, %get3A_528] {strides = array<i32>} : memref<64x80xi32, #tpu.memory_space<vmem>>, vector<16xi32>,
        %shift_left3A_530 = arith.constant 16 : i32
        %shift_left3A_531 = vector.broadcast %shift_left3A_530 : i32 to vector<16xi32>
        %shift_left3A_532 = arith.shli %get3A_529, %shift_left3A_531 : vector<16xi32>
        %bitcast3A_533 = vector.bitcast %shift_left3A_532 : vector<16xi32> to vector<16xf32>
        %and3A_534 = arith.andi %get3A_529, %broadcast_in_dim3A_3 : vector<16xi32>
        %bitcast3A_535 = vector.bitcast %and3A_534 : vector<16xi32> to vector<16xf32>
        %broadcast_in_dim3A_536 = arith.constant 1 : i32
        %broadcast_in_dim3A_537 = vector.broadcast %broadcast_in_dim3A_536 : i32 to vector<16xi32>
        %lt3A_538 = arith.constant 0 : i32
        %lt3A_539 = vector.broadcast %lt3A_538 : i32 to vector<16xi32>
        %lt3A_540 = arith.cmpi slt, %broadcast_in_dim3A_537, %lt3A_539 : vector<16xi32>
        %add3A_541 = arith.constant 16 : i32
        %add3A_542 = vector.broadcast %add3A_541 : i32 to vector<16xi32>
        %add3A_543 = arith.addi %broadcast_in_dim3A_537, %add3A_542 : vector<16xi32>
        %select_n3A_544 = arith.select %lt3A_540, %add3A_543, %broadcast_in_dim3A_537 : vector<16xi1>, vector<16xi32>
        %broadcast_in_dim3A_545 = vector.shape_cast %select_n3A_544 : vector<16xi32> to vector<16x1xi32>
        %gather3A_546 = vector.shape_cast %broadcast_in_dim3A_545 : vector<16x1xi32> to vector<16xi32>
        %gather3A_547 = tpu.dynamic_gather %exp3A_482[%gather3A_546] in [0] : vector<16xf32>, vector<16xi32> -> vector<16xf32>
        %broadcast_in_dim3A_548 = arith.constant 5 : i32
        %broadcast_in_dim3A_549 = vector.broadcast %broadcast_in_dim3A_548 : i32 to vector<16xi32>
        %lt3A_550 = arith.constant 0 : i32
        %lt3A_551 = vector.broadcast %lt3A_550 : i32 to vector<16xi32>
        %lt3A_552 = arith.cmpi slt, %broadcast_in_dim3A_549, %lt3A_551 : vector<16xi32>
        %add3A_553 = arith.constant 16 : i32
        %add3A_554 = vector.broadcast %add3A_553 : i32 to vector<16xi32>
        %add3A_555 = arith.addi %broadcast_in_dim3A_549, %add3A_554 : vector<16xi32>
        %select_n3A_556 = arith.select %lt3A_552, %add3A_555, %broadcast_in_dim3A_549 : vector<16xi1>, vector<16xi32>
        %broadcast_in_dim3A_557 = vector.shape_cast %select_n3A_556 : vector<16xi32> to vector<16x1xi32>
        %gather3A_558 = vector.shape_cast %broadcast_in_dim3A_557 : vector<16x1xi32> to vector<16xi32>
        %gather3A_559 = tpu.dynamic_gather %exp3A_482[%gather3A_558] in [0] : vector<16xf32>, vector<16xi32> -> vector<16xf32>
        %mul3A_560 = arith.mulf %bitcast3A_533, %gather3A_547 : vector<16xf32>
        %swap3A_561 = arith.index_cast %scan3A_465 : i32 to index
        %swap3A_562 = arith.constant 32 : index
        %swap3A_563 = tpu.vector_load %arg23[%swap3A_561, %swap3A_562] {strides = array<i32>} : memref<64x144xf32, #tpu.memory_space<vmem>>, vector<16xf32>,
        tpu.vector_store %arg23[%swap3A_561, %swap3A_562], %mul3A_560 {strides = array<i32>} : memref<64x144xf32, #tpu.memory_space<vmem>>, vector<16xf32>,
        %mul3A_564 = arith.mulf %bitcast3A_535, %gather3A_559 : vector<16xf32>
        %swap3A_565 = arith.index_cast %scan3A_465 : i32 to index
        %swap3A_566 = arith.constant 48 : index
        %swap3A_567 = tpu.vector_load %arg23[%swap3A_565, %swap3A_566] {strides = array<i32>} : memref<64x144xf32, #tpu.memory_space<vmem>>, vector<16xf32>,
        tpu.vector_store %arg23[%swap3A_565, %swap3A_566], %mul3A_564 {strides = array<i32>} : memref<64x144xf32, #tpu.memory_space<vmem>>, vector<16xf32>,
        %get3A_568 = arith.index_cast %scan3A_465 : i32 to index
        %get3A_569 = arith.constant 32 : index
        %get3A_570 = tpu.vector_load %arg17[%get3A_568, %get3A_569] {strides = array<i32>} : memref<64x80xi32, #tpu.memory_space<vmem>>, vector<16xi32>,
        %shift_left3A_571 = arith.constant 16 : i32
        %shift_left3A_572 = vector.broadcast %shift_left3A_571 : i32 to vector<16xi32>
        %shift_left3A_573 = arith.shli %get3A_570, %shift_left3A_572 : vector<16xi32>
        %bitcast3A_574 = vector.bitcast %shift_left3A_573 : vector<16xi32> to vector<16xf32>
        %and3A_575 = arith.andi %get3A_570, %broadcast_in_dim3A_3 : vector<16xi32>
        %bitcast3A_576 = vector.bitcast %and3A_575 : vector<16xi32> to vector<16xf32>
        %broadcast_in_dim3A_577 = arith.constant 2 : i32
        %broadcast_in_dim3A_578 = vector.broadcast %broadcast_in_dim3A_577 : i32 to vector<16xi32>
        %lt3A_579 = arith.constant 0 : i32
        %lt3A_580 = vector.broadcast %lt3A_579 : i32 to vector<16xi32>
        %lt3A_581 = arith.cmpi slt, %broadcast_in_dim3A_578, %lt3A_580 : vector<16xi32>
        %add3A_582 = arith.constant 16 : i32
        %add3A_583 = vector.broadcast %add3A_582 : i32 to vector<16xi32>
        %add3A_584 = arith.addi %broadcast_in_dim3A_578, %add3A_583 : vector<16xi32>
        %select_n3A_585 = arith.select %lt3A_581, %add3A_584, %broadcast_in_dim3A_578 : vector<16xi1>, vector<16xi32>
        %broadcast_in_dim3A_586 = vector.shape_cast %select_n3A_585 : vector<16xi32> to vector<16x1xi32>
        %gather3A_587 = vector.shape_cast %broadcast_in_dim3A_586 : vector<16x1xi32> to vector<16xi32>
        %gather3A_588 = tpu.dynamic_gather %exp3A_482[%gather3A_587] in [0] : vector<16xf32>, vector<16xi32> -> vector<16xf32>
        %broadcast_in_dim3A_589 = arith.constant 6 : i32
        %broadcast_in_dim3A_590 = vector.broadcast %broadcast_in_dim3A_589 : i32 to vector<16xi32>
        %lt3A_591 = arith.constant 0 : i32
        %lt3A_592 = vector.broadcast %lt3A_591 : i32 to vector<16xi32>
        %lt3A_593 = arith.cmpi slt, %broadcast_in_dim3A_590, %lt3A_592 : vector<16xi32>
        %add3A_594 = arith.constant 16 : i32
        %add3A_595 = vector.broadcast %add3A_594 : i32 to vector<16xi32>
        %add3A_596 = arith.addi %broadcast_in_dim3A_590, %add3A_595 : vector<16xi32>
        %select_n3A_597 = arith.select %lt3A_593, %add3A_596, %broadcast_in_dim3A_590 : vector<16xi1>, vector<16xi32>
        %broadcast_in_dim3A_598 = vector.shape_cast %select_n3A_597 : vector<16xi32> to vector<16x1xi32>
        %gather3A_599 = vector.shape_cast %broadcast_in_dim3A_598 : vector<16x1xi32> to vector<16xi32>
        %gather3A_600 = tpu.dynamic_gather %exp3A_482[%gather3A_599] in [0] : vector<16xf32>, vector<16xi32> -> vector<16xf32>
        %mul3A_601 = arith.mulf %bitcast3A_574, %gather3A_588 : vector<16xf32>
        %swap3A_602 = arith.index_cast %scan3A_465 : i32 to index
        %swap3A_603 = arith.constant 64 : index
        %swap3A_604 = tpu.vector_load %arg23[%swap3A_602, %swap3A_603] {strides = array<i32>} : memref<64x144xf32, #tpu.memory_space<vmem>>, vector<16xf32>,
        tpu.vector_store %arg23[%swap3A_602, %swap3A_603], %mul3A_601 {strides = array<i32>} : memref<64x144xf32, #tpu.memory_space<vmem>>, vector<16xf32>,
        %mul3A_605 = arith.mulf %bitcast3A_576, %gather3A_600 : vector<16xf32>
        %swap3A_606 = arith.index_cast %scan3A_465 : i32 to index
        %swap3A_607 = arith.constant 80 : index
        %swap3A_608 = tpu.vector_load %arg23[%swap3A_606, %swap3A_607] {strides = array<i32>} : memref<64x144xf32, #tpu.memory_space<vmem>>, vector<16xf32>,
        tpu.vector_store %arg23[%swap3A_606, %swap3A_607], %mul3A_605 {strides = array<i32>} : memref<64x144xf32, #tpu.memory_space<vmem>>, vector<16xf32>,
        %get3A_609 = arith.index_cast %scan3A_465 : i32 to index
        %get3A_610 = arith.constant 48 : index
        %get3A_611 = tpu.vector_load %arg17[%get3A_609, %get3A_610] {strides = array<i32>} : memref<64x80xi32, #tpu.memory_space<vmem>>, vector<16xi32>,
        %shift_left3A_612 = arith.constant 16 : i32
        %shift_left3A_613 = vector.broadcast %shift_left3A_612 : i32 to vector<16xi32>
        %shift_left3A_614 = arith.shli %get3A_611, %shift_left3A_613 : vector<16xi32>
        %bitcast3A_615 = vector.bitcast %shift_left3A_614 : vector<16xi32> to vector<16xf32>
        %and3A_616 = arith.andi %get3A_611, %broadcast_in_dim3A_3 : vector<16xi32>
        %bitcast3A_617 = vector.bitcast %and3A_616 : vector<16xi32> to vector<16xf32>
        %broadcast_in_dim3A_618 = arith.constant 3 : i32
        %broadcast_in_dim3A_619 = vector.broadcast %broadcast_in_dim3A_618 : i32 to vector<16xi32>
        %lt3A_620 = arith.constant 0 : i32
        %lt3A_621 = vector.broadcast %lt3A_620 : i32 to vector<16xi32>
        %lt3A_622 = arith.cmpi slt, %broadcast_in_dim3A_619, %lt3A_621 : vector<16xi32>
        %add3A_623 = arith.constant 16 : i32
        %add3A_624 = vector.broadcast %add3A_623 : i32 to vector<16xi32>
        %add3A_625 = arith.addi %broadcast_in_dim3A_619, %add3A_624 : vector<16xi32>
        %select_n3A_626 = arith.select %lt3A_622, %add3A_625, %broadcast_in_dim3A_619 : vector<16xi1>, vector<16xi32>
        %broadcast_in_dim3A_627 = vector.shape_cast %select_n3A_626 : vector<16xi32> to vector<16x1xi32>
        %gather3A_628 = vector.shape_cast %broadcast_in_dim3A_627 : vector<16x1xi32> to vector<16xi32>
        %gather3A_629 = tpu.dynamic_gather %exp3A_482[%gather3A_628] in [0] : vector<16xf32>, vector<16xi32> -> vector<16xf32>
        %broadcast_in_dim3A_630 = arith.constant 7 : i32
        %broadcast_in_dim3A_631 = vector.broadcast %broadcast_in_dim3A_630 : i32 to vector<16xi32>
        %lt3A_632 = arith.constant 0 : i32
        %lt3A_633 = vector.broadcast %lt3A_632 : i32 to vector<16xi32>
        %lt3A_634 = arith.cmpi slt, %broadcast_in_dim3A_631, %lt3A_633 : vector<16xi32>
        %add3A_635 = arith.constant 16 : i32
        %add3A_636 = vector.broadcast %add3A_635 : i32 to vector<16xi32>
        %add3A_637 = arith.addi %broadcast_in_dim3A_631, %add3A_636 : vector<16xi32>
        %select_n3A_638 = arith.select %lt3A_634, %add3A_637, %broadcast_in_dim3A_631 : vector<16xi1>, vector<16xi32>
        %broadcast_in_dim3A_639 = vector.shape_cast %select_n3A_638 : vector<16xi32> to vector<16x1xi32>
        %gather3A_640 = vector.shape_cast %broadcast_in_dim3A_639 : vector<16x1xi32> to vector<16xi32>
        %gather3A_641 = tpu.dynamic_gather %exp3A_482[%gather3A_640] in [0] : vector<16xf32>, vector<16xi32> -> vector<16xf32>
        %mul3A_642 = arith.mulf %bitcast3A_615, %gather3A_629 : vector<16xf32>
        %swap3A_643 = arith.index_cast %scan3A_465 : i32 to index
        %swap3A_644 = arith.constant 96 : index
        %swap3A_645 = tpu.vector_load %arg23[%swap3A_643, %swap3A_644] {strides = array<i32>} : memref<64x144xf32, #tpu.memory_space<vmem>>, vector<16xf32>,
        tpu.vector_store %arg23[%swap3A_643, %swap3A_644], %mul3A_642 {strides = array<i32>} : memref<64x144xf32, #tpu.memory_space<vmem>>, vector<16xf32>,
        %mul3A_646 = arith.mulf %bitcast3A_617, %gather3A_641 : vector<16xf32>
        %swap3A_647 = arith.index_cast %scan3A_465 : i32 to index
        %swap3A_648 = arith.constant 112 : index
        %swap3A_649 = tpu.vector_load %arg23[%swap3A_647, %swap3A_648] {strides = array<i32>} : memref<64x144xf32, #tpu.memory_space<vmem>>, vector<16xf32>,
        tpu.vector_store %arg23[%swap3A_647, %swap3A_648], %mul3A_646 {strides = array<i32>} : memref<64x144xf32, #tpu.memory_space<vmem>>, vector<16xf32>,
        %scan3A_650 = arith.constant 0 : i32
        %scan3A_651 = arith.constant 2 : i32
        %scan3A_652 = arith.addi %scan3A_285, %scan3A_651 : i32
        %get3A_653 = arith.index_cast %scan3A_652 : i32 to index
        %get3A_654 = arith.constant 64 : index
        %get3A_655 = tpu.vector_load %arg17[%get3A_653, %get3A_654] {strides = array<i32>} : memref<64x80xi32, #tpu.memory_space<vmem>>, vector<16xi32>,
        %bitcast3A_656 = vector.bitcast %get3A_655 : vector<16xi32> to vector<16xf32>
        %get3A_657 = arith.index_cast %scan3A_652 : i32 to index
        %get3A_658 = arith.constant 0 : index
        %get3A_659 = tpu.vector_load %arg18[%get3A_657, %get3A_658] {strides = array<i32>} : memref<64x16xf32, #tpu.memory_space<vmem>>, vector<16xf32>,
        %add3A_660 = arith.addf %bitcast3A_656, %get3A_659 : vector<16xf32>
        %gt3A_661 = arith.constant 0.000000e+00 : f32
        %gt3A_662 = vector.broadcast %gt3A_661 : f32 to vector<16xf32>
        %gt3A_663 = arith.cmpf ogt, %add3A_660, %gt3A_662 : vector<16xf32>
        %mul3A_664 = arith.constant 0.00999999977 : f32
        %mul3A_665 = vector.broadcast %mul3A_664 : f32 to vector<16xf32>
        %mul3A_666 = arith.mulf %mul3A_665, %add3A_660 : vector<16xf32>
        %select_n3A_667 = arith.select %gt3A_663, %add3A_660, %mul3A_666 : vector<16xi1>, vector<16xf32>
        %sub3A_668 = arith.subf %select_n3A_667, %get3A_50 : vector<16xf32>
        %exp3A_669 = math.exp %sub3A_668 : vector<16xf32>
        %swap3A_670 = arith.index_cast %scan3A_652 : i32 to index
        %swap3A_671 = arith.constant 128 : index
        %swap3A_672 = tpu.vector_load %arg23[%swap3A_670, %swap3A_671] {strides = array<i32>} : memref<64x144xf32, #tpu.memory_space<vmem>>, vector<16xf32>,
        tpu.vector_store %arg23[%swap3A_670, %swap3A_671], %exp3A_669 {strides = array<i32>} : memref<64x144xf32, #tpu.memory_space<vmem>>, vector<16xf32>,
        %get3A_673 = arith.index_cast %scan3A_652 : i32 to index
        %get3A_674 = arith.constant 0 : index
        %get3A_675 = tpu.vector_load %arg17[%get3A_673, %get3A_674] {strides = array<i32>} : memref<64x80xi32, #tpu.memory_space<vmem>>, vector<16xi32>,
        %shift_left3A_676 = arith.constant 16 : i32
        %shift_left3A_677 = vector.broadcast %shift_left3A_676 : i32 to vector<16xi32>
        %shift_left3A_678 = arith.shli %get3A_675, %shift_left3A_677 : vector<16xi32>
        %bitcast3A_679 = vector.bitcast %shift_left3A_678 : vector<16xi32> to vector<16xf32>
        %and3A_680 = arith.andi %get3A_675, %broadcast_in_dim3A_3 : vector<16xi32>
        %bitcast3A_681 = vector.bitcast %and3A_680 : vector<16xi32> to vector<16xf32>
        %broadcast_in_dim3A_682 = arith.constant 0 : i32
        %broadcast_in_dim3A_683 = vector.broadcast %broadcast_in_dim3A_682 : i32 to vector<16xi32>
        %lt3A_684 = arith.constant 0 : i32
        %lt3A_685 = vector.broadcast %lt3A_684 : i32 to vector<16xi32>
        %lt3A_686 = arith.cmpi slt, %broadcast_in_dim3A_683, %lt3A_685 : vector<16xi32>
        %add3A_687 = arith.constant 16 : i32
        %add3A_688 = vector.broadcast %add3A_687 : i32 to vector<16xi32>
        %add3A_689 = arith.addi %broadcast_in_dim3A_683, %add3A_688 : vector<16xi32>
        %select_n3A_690 = arith.select %lt3A_686, %add3A_689, %broadcast_in_dim3A_683 : vector<16xi1>, vector<16xi32>
        %broadcast_in_dim3A_691 = vector.shape_cast %select_n3A_690 : vector<16xi32> to vector<16x1xi32>
        %gather3A_692 = vector.shape_cast %broadcast_in_dim3A_691 : vector<16x1xi32> to vector<16xi32>
        %gather3A_693 = tpu.dynamic_gather %exp3A_669[%gather3A_692] in [0] : vector<16xf32>, vector<16xi32> -> vector<16xf32>
        %broadcast_in_dim3A_694 = arith.constant 4 : i32
        %broadcast_in_dim3A_695 = vector.broadcast %broadcast_in_dim3A_694 : i32 to vector<16xi32>
        %lt3A_696 = arith.constant 0 : i32
        %lt3A_697 = vector.broadcast %lt3A_696 : i32 to vector<16xi32>
        %lt3A_698 = arith.cmpi slt, %broadcast_in_dim3A_695, %lt3A_697 : vector<16xi32>
        %add3A_699 = arith.constant 16 : i32
        %add3A_700 = vector.broadcast %add3A_699 : i32 to vector<16xi32>
        %add3A_701 = arith.addi %broadcast_in_dim3A_695, %add3A_700 : vector<16xi32>
        %select_n3A_702 = arith.select %lt3A_698, %add3A_701, %broadcast_in_dim3A_695 : vector<16xi1>, vector<16xi32>
        %broadcast_in_dim3A_703 = vector.shape_cast %select_n3A_702 : vector<16xi32> to vector<16x1xi32>
        %gather3A_704 = vector.shape_cast %broadcast_in_dim3A_703 : vector<16x1xi32> to vector<16xi32>
        %gather3A_705 = tpu.dynamic_gather %exp3A_669[%gather3A_704] in [0] : vector<16xf32>, vector<16xi32> -> vector<16xf32>
        %mul3A_706 = arith.mulf %bitcast3A_679, %gather3A_693 : vector<16xf32>
        %swap3A_707 = arith.index_cast %scan3A_652 : i32 to index
        %swap3A_708 = arith.constant 0 : index
        %swap3A_709 = tpu.vector_load %arg23[%swap3A_707, %swap3A_708] {strides = array<i32>} : memref<64x144xf32, #tpu.memory_space<vmem>>, vector<16xf32>,
        tpu.vector_store %arg23[%swap3A_707, %swap3A_708], %mul3A_706 {strides = array<i32>} : memref<64x144xf32, #tpu.memory_space<vmem>>, vector<16xf32>,
        %mul3A_710 = arith.mulf %bitcast3A_681, %gather3A_705 : vector<16xf32>
        %swap3A_711 = arith.index_cast %scan3A_652 : i32 to index
        %swap3A_712 = arith.constant 16 : index
        %swap3A_713 = tpu.vector_load %arg23[%swap3A_711, %swap3A_712] {strides = array<i32>} : memref<64x144xf32, #tpu.memory_space<vmem>>, vector<16xf32>,
        tpu.vector_store %arg23[%swap3A_711, %swap3A_712], %mul3A_710 {strides = array<i32>} : memref<64x144xf32, #tpu.memory_space<vmem>>, vector<16xf32>,
        %get3A_714 = arith.index_cast %scan3A_652 : i32 to index
        %get3A_715 = arith.constant 16 : index
        %get3A_716 = tpu.vector_load %arg17[%get3A_714, %get3A_715] {strides = array<i32>} : memref<64x80xi32, #tpu.memory_space<vmem>>, vector<16xi32>,
        %shift_left3A_717 = arith.constant 16 : i32
        %shift_left3A_718 = vector.broadcast %shift_left3A_717 : i32 to vector<16xi32>
        %shift_left3A_719 = arith.shli %get3A_716, %shift_left3A_718 : vector<16xi32>
        %bitcast3A_720 = vector.bitcast %shift_left3A_719 : vector<16xi32> to vector<16xf32>
        %and3A_721 = arith.andi %get3A_716, %broadcast_in_dim3A_3 : vector<16xi32>
        %bitcast3A_722 = vector.bitcast %and3A_721 : vector<16xi32> to vector<16xf32>
        %broadcast_in_dim3A_723 = arith.constant 1 : i32
        %broadcast_in_dim3A_724 = vector.broadcast %broadcast_in_dim3A_723 : i32 to vector<16xi32>
        %lt3A_725 = arith.constant 0 : i32
        %lt3A_726 = vector.broadcast %lt3A_725 : i32 to vector<16xi32>
        %lt3A_727 = arith.cmpi slt, %broadcast_in_dim3A_724, %lt3A_726 : vector<16xi32>
        %add3A_728 = arith.constant 16 : i32
        %add3A_729 = vector.broadcast %add3A_728 : i32 to vector<16xi32>
        %add3A_730 = arith.addi %broadcast_in_dim3A_724, %add3A_729 : vector<16xi32>
        %select_n3A_731 = arith.select %lt3A_727, %add3A_730, %broadcast_in_dim3A_724 : vector<16xi1>, vector<16xi32>
        %broadcast_in_dim3A_732 = vector.shape_cast %select_n3A_731 : vector<16xi32> to vector<16x1xi32>
        %gather3A_733 = vector.shape_cast %broadcast_in_dim3A_732 : vector<16x1xi32> to vector<16xi32>
        %gather3A_734 = tpu.dynamic_gather %exp3A_669[%gather3A_733] in [0] : vector<16xf32>, vector<16xi32> -> vector<16xf32>
        %broadcast_in_dim3A_735 = arith.constant 5 : i32
        %broadcast_in_dim3A_736 = vector.broadcast %broadcast_in_dim3A_735 : i32 to vector<16xi32>
        %lt3A_737 = arith.constant 0 : i32
        %lt3A_738 = vector.broadcast %lt3A_737 : i32 to vector<16xi32>
        %lt3A_739 = arith.cmpi slt, %broadcast_in_dim3A_736, %lt3A_738 : vector<16xi32>
        %add3A_740 = arith.constant 16 : i32
        %add3A_741 = vector.broadcast %add3A_740 : i32 to vector<16xi32>
        %add3A_742 = arith.addi %broadcast_in_dim3A_736, %add3A_741 : vector<16xi32>
        %select_n3A_743 = arith.select %lt3A_739, %add3A_742, %broadcast_in_dim3A_736 : vector<16xi1>, vector<16xi32>
        %broadcast_in_dim3A_744 = vector.shape_cast %select_n3A_743 : vector<16xi32> to vector<16x1xi32>
        %gather3A_745 = vector.shape_cast %broadcast_in_dim3A_744 : vector<16x1xi32> to vector<16xi32>
        %gather3A_746 = tpu.dynamic_gather %exp3A_669[%gather3A_745] in [0] : vector<16xf32>, vector<16xi32> -> vector<16xf32>
        %mul3A_747 = arith.mulf %bitcast3A_720, %gather3A_734 : vector<16xf32>
        %swap3A_748 = arith.index_cast %scan3A_652 : i32 to index
        %swap3A_749 = arith.constant 32 : index
        %swap3A_750 = tpu.vector_load %arg23[%swap3A_748, %swap3A_749] {strides = array<i32>} : memref<64x144xf32, #tpu.memory_space<vmem>>, vector<16xf32>,
        tpu.vector_store %arg23[%swap3A_748, %swap3A_749], %mul3A_747 {strides = array<i32>} : memref<64x144xf32, #tpu.memory_space<vmem>>, vector<16xf32>,
        %mul3A_751 = arith.mulf %bitcast3A_722, %gather3A_746 : vector<16xf32>
        %swap3A_752 = arith.index_cast %scan3A_652 : i32 to index
        %swap3A_753 = arith.constant 48 : index
        %swap3A_754 = tpu.vector_load %arg23[%swap3A_752, %swap3A_753] {strides = array<i32>} : memref<64x144xf32, #tpu.memory_space<vmem>>, vector<16xf32>,
        tpu.vector_store %arg23[%swap3A_752, %swap3A_753], %mul3A_751 {strides = array<i32>} : memref<64x144xf32, #tpu.memory_space<vmem>>, vector<16xf32>,
        %get3A_755 = arith.index_cast %scan3A_652 : i32 to index
        %get3A_756 = arith.constant 32 : index
        %get3A_757 = tpu.vector_load %arg17[%get3A_755, %get3A_756] {strides = array<i32>} : memref<64x80xi32, #tpu.memory_space<vmem>>, vector<16xi32>,
        %shift_left3A_758 = arith.constant 16 : i32
        %shift_left3A_759 = vector.broadcast %shift_left3A_758 : i32 to vector<16xi32>
        %shift_left3A_760 = arith.shli %get3A_757, %shift_left3A_759 : vector<16xi32>
        %bitcast3A_761 = vector.bitcast %shift_left3A_760 : vector<16xi32> to vector<16xf32>
        %and3A_762 = arith.andi %get3A_757, %broadcast_in_dim3A_3 : vector<16xi32>
        %bitcast3A_763 = vector.bitcast %and3A_762 : vector<16xi32> to vector<16xf32>
        %broadcast_in_dim3A_764 = arith.constant 2 : i32
        %broadcast_in_dim3A_765 = vector.broadcast %broadcast_in_dim3A_764 : i32 to vector<16xi32>
        %lt3A_766 = arith.constant 0 : i32
        %lt3A_767 = vector.broadcast %lt3A_766 : i32 to vector<16xi32>
        %lt3A_768 = arith.cmpi slt, %broadcast_in_dim3A_765, %lt3A_767 : vector<16xi32>
        %add3A_769 = arith.constant 16 : i32
        %add3A_770 = vector.broadcast %add3A_769 : i32 to vector<16xi32>
        %add3A_771 = arith.addi %broadcast_in_dim3A_765, %add3A_770 : vector<16xi32>
        %select_n3A_772 = arith.select %lt3A_768, %add3A_771, %broadcast_in_dim3A_765 : vector<16xi1>, vector<16xi32>
        %broadcast_in_dim3A_773 = vector.shape_cast %select_n3A_772 : vector<16xi32> to vector<16x1xi32>
        %gather3A_774 = vector.shape_cast %broadcast_in_dim3A_773 : vector<16x1xi32> to vector<16xi32>
        %gather3A_775 = tpu.dynamic_gather %exp3A_669[%gather3A_774] in [0] : vector<16xf32>, vector<16xi32> -> vector<16xf32>
        %broadcast_in_dim3A_776 = arith.constant 6 : i32
        %broadcast_in_dim3A_777 = vector.broadcast %broadcast_in_dim3A_776 : i32 to vector<16xi32>
        %lt3A_778 = arith.constant 0 : i32
        %lt3A_779 = vector.broadcast %lt3A_778 : i32 to vector<16xi32>
        %lt3A_780 = arith.cmpi slt, %broadcast_in_dim3A_777, %lt3A_779 : vector<16xi32>
        %add3A_781 = arith.constant 16 : i32
        %add3A_782 = vector.broadcast %add3A_781 : i32 to vector<16xi32>
        %add3A_783 = arith.addi %broadcast_in_dim3A_777, %add3A_782 : vector<16xi32>
        %select_n3A_784 = arith.select %lt3A_780, %add3A_783, %broadcast_in_dim3A_777 : vector<16xi1>, vector<16xi32>
        %broadcast_in_dim3A_785 = vector.shape_cast %select_n3A_784 : vector<16xi32> to vector<16x1xi32>
        %gather3A_786 = vector.shape_cast %broadcast_in_dim3A_785 : vector<16x1xi32> to vector<16xi32>
        %gather3A_787 = tpu.dynamic_gather %exp3A_669[%gather3A_786] in [0] : vector<16xf32>, vector<16xi32> -> vector<16xf32>
        %mul3A_788 = arith.mulf %bitcast3A_761, %gather3A_775 : vector<16xf32>
        %swap3A_789 = arith.index_cast %scan3A_652 : i32 to index
        %swap3A_790 = arith.constant 64 : index
        %swap3A_791 = tpu.vector_load %arg23[%swap3A_789, %swap3A_790] {strides = array<i32>} : memref<64x144xf32, #tpu.memory_space<vmem>>, vector<16xf32>,
        tpu.vector_store %arg23[%swap3A_789, %swap3A_790], %mul3A_788 {strides = array<i32>} : memref<64x144xf32, #tpu.memory_space<vmem>>, vector<16xf32>,
        %mul3A_792 = arith.mulf %bitcast3A_763, %gather3A_787 : vector<16xf32>
        %swap3A_793 = arith.index_cast %scan3A_652 : i32 to index
        %swap3A_794 = arith.constant 80 : index
        %swap3A_795 = tpu.vector_load %arg23[%swap3A_793, %swap3A_794] {strides = array<i32>} : memref<64x144xf32, #tpu.memory_space<vmem>>, vector<16xf32>,
        tpu.vector_store %arg23[%swap3A_793, %swap3A_794], %mul3A_792 {strides = array<i32>} : memref<64x144xf32, #tpu.memory_space<vmem>>, vector<16xf32>,
        %get3A_796 = arith.index_cast %scan3A_652 : i32 to index
        %get3A_797 = arith.constant 48 : index
        %get3A_798 = tpu.vector_load %arg17[%get3A_796, %get3A_797] {strides = array<i32>} : memref<64x80xi32, #tpu.memory_space<vmem>>, vector<16xi32>,
        %shift_left3A_799 = arith.constant 16 : i32
        %shift_left3A_800 = vector.broadcast %shift_left3A_799 : i32 to vector<16xi32>
        %shift_left3A_801 = arith.shli %get3A_798, %shift_left3A_800 : vector<16xi32>
        %bitcast3A_802 = vector.bitcast %shift_left3A_801 : vector<16xi32> to vector<16xf32>
        %and3A_803 = arith.andi %get3A_798, %broadcast_in_dim3A_3 : vector<16xi32>
        %bitcast3A_804 = vector.bitcast %and3A_803 : vector<16xi32> to vector<16xf32>
        %broadcast_in_dim3A_805 = arith.constant 3 : i32
        %broadcast_in_dim3A_806 = vector.broadcast %broadcast_in_dim3A_805 : i32 to vector<16xi32>
        %lt3A_807 = arith.constant 0 : i32
        %lt3A_808 = vector.broadcast %lt3A_807 : i32 to vector<16xi32>
        %lt3A_809 = arith.cmpi slt, %broadcast_in_dim3A_806, %lt3A_808 : vector<16xi32>
        %add3A_810 = arith.constant 16 : i32
        %add3A_811 = vector.broadcast %add3A_810 : i32 to vector<16xi32>
        %add3A_812 = arith.addi %broadcast_in_dim3A_806, %add3A_811 : vector<16xi32>
        %select_n3A_813 = arith.select %lt3A_809, %add3A_812, %broadcast_in_dim3A_806 : vector<16xi1>, vector<16xi32>
        %broadcast_in_dim3A_814 = vector.shape_cast %select_n3A_813 : vector<16xi32> to vector<16x1xi32>
        %gather3A_815 = vector.shape_cast %broadcast_in_dim3A_814 : vector<16x1xi32> to vector<16xi32>
        %gather3A_816 = tpu.dynamic_gather %exp3A_669[%gather3A_815] in [0] : vector<16xf32>, vector<16xi32> -> vector<16xf32>
        %broadcast_in_dim3A_817 = arith.constant 7 : i32
        %broadcast_in_dim3A_818 = vector.broadcast %broadcast_in_dim3A_817 : i32 to vector<16xi32>
        %lt3A_819 = arith.constant 0 : i32
        %lt3A_820 = vector.broadcast %lt3A_819 : i32 to vector<16xi32>
        %lt3A_821 = arith.cmpi slt, %broadcast_in_dim3A_818, %lt3A_820 : vector<16xi32>
        %add3A_822 = arith.constant 16 : i32
        %add3A_823 = vector.broadcast %add3A_822 : i32 to vector<16xi32>
        %add3A_824 = arith.addi %broadcast_in_dim3A_818, %add3A_823 : vector<16xi32>
        %select_n3A_825 = arith.select %lt3A_821, %add3A_824, %broadcast_in_dim3A_818 : vector<16xi1>, vector<16xi32>
        %broadcast_in_dim3A_826 = vector.shape_cast %select_n3A_825 : vector<16xi32> to vector<16x1xi32>
        %gather3A_827 = vector.shape_cast %broadcast_in_dim3A_826 : vector<16x1xi32> to vector<16xi32>
        %gather3A_828 = tpu.dynamic_gather %exp3A_669[%gather3A_827] in [0] : vector<16xf32>, vector<16xi32> -> vector<16xf32>
        %mul3A_829 = arith.mulf %bitcast3A_802, %gather3A_816 : vector<16xf32>
        %swap3A_830 = arith.index_cast %scan3A_652 : i32 to index
        %swap3A_831 = arith.constant 96 : index
        %swap3A_832 = tpu.vector_load %arg23[%swap3A_830, %swap3A_831] {strides = array<i32>} : memref<64x144xf32, #tpu.memory_space<vmem>>, vector<16xf32>,
        tpu.vector_store %arg23[%swap3A_830, %swap3A_831], %mul3A_829 {strides = array<i32>} : memref<64x144xf32, #tpu.memory_space<vmem>>, vector<16xf32>,
        %mul3A_833 = arith.mulf %bitcast3A_804, %gather3A_828 : vector<16xf32>
        %swap3A_834 = arith.index_cast %scan3A_652 : i32 to index
        %swap3A_835 = arith.constant 112 : index
        %swap3A_836 = tpu.vector_load %arg23[%swap3A_834, %swap3A_835] {strides = array<i32>} : memref<64x144xf32, #tpu.memory_space<vmem>>, vector<16xf32>,
        tpu.vector_store %arg23[%swap3A_834, %swap3A_835], %mul3A_833 {strides = array<i32>} : memref<64x144xf32, #tpu.memory_space<vmem>>, vector<16xf32>,
        %scan3A_837 = arith.constant 0 : i32
        %scan3A_838 = arith.constant 3 : i32
        %scan3A_839 = arith.addi %scan3A_285, %scan3A_838 : i32
        %get3A_840 = arith.index_cast %scan3A_839 : i32 to index
        %get3A_841 = arith.constant 64 : index
        %get3A_842 = tpu.vector_load %arg17[%get3A_840, %get3A_841] {strides = array<i32>} : memref<64x80xi32, #tpu.memory_space<vmem>>, vector<16xi32>,
        %bitcast3A_843 = vector.bitcast %get3A_842 : vector<16xi32> to vector<16xf32>
        %get3A_844 = arith.index_cast %scan3A_839 : i32 to index
        %get3A_845 = arith.constant 0 : index
        %get3A_846 = tpu.vector_load %arg18[%get3A_844, %get3A_845] {strides = array<i32>} : memref<64x16xf32, #tpu.memory_space<vmem>>, vector<16xf32>,
        %add3A_847 = arith.addf %bitcast3A_843, %get3A_846 : vector<16xf32>
        %gt3A_848 = arith.constant 0.000000e+00 : f32
        %gt3A_849 = vector.broadcast %gt3A_848 : f32 to vector<16xf32>
        %gt3A_850 = arith.cmpf ogt, %add3A_847, %gt3A_849 : vector<16xf32>
        %mul3A_851 = arith.constant 0.00999999977 : f32
        %mul3A_852 = vector.broadcast %mul3A_851 : f32 to vector<16xf32>
        %mul3A_853 = arith.mulf %mul3A_852, %add3A_847 : vector<16xf32>
        %select_n3A_854 = arith.select %gt3A_850, %add3A_847, %mul3A_853 : vector<16xi1>, vector<16xf32>
        %sub3A_855 = arith.subf %select_n3A_854, %get3A_50 : vector<16xf32>
        %exp3A_856 = math.exp %sub3A_855 : vector<16xf32>
        %swap3A_857 = arith.index_cast %scan3A_839 : i32 to index
        %swap3A_858 = arith.constant 128 : index
        %swap3A_859 = tpu.vector_load %arg23[%swap3A_857, %swap3A_858] {strides = array<i32>} : memref<64x144xf32, #tpu.memory_space<vmem>>, vector<16xf32>,
        tpu.vector_store %arg23[%swap3A_857, %swap3A_858], %exp3A_856 {strides = array<i32>} : memref<64x144xf32, #tpu.memory_space<vmem>>, vector<16xf32>,
        %get3A_860 = arith.index_cast %scan3A_839 : i32 to index
        %get3A_861 = arith.constant 0 : index
        %get3A_862 = tpu.vector_load %arg17[%get3A_860, %get3A_861] {strides = array<i32>} : memref<64x80xi32, #tpu.memory_space<vmem>>, vector<16xi32>,
        %shift_left3A_863 = arith.constant 16 : i32
        %shift_left3A_864 = vector.broadcast %shift_left3A_863 : i32 to vector<16xi32>
        %shift_left3A_865 = arith.shli %get3A_862, %shift_left3A_864 : vector<16xi32>
        %bitcast3A_866 = vector.bitcast %shift_left3A_865 : vector<16xi32> to vector<16xf32>
        %and3A_867 = arith.andi %get3A_862, %broadcast_in_dim3A_3 : vector<16xi32>
        %bitcast3A_868 = vector.bitcast %and3A_867 : vector<16xi32> to vector<16xf32>
        %broadcast_in_dim3A_869 = arith.constant 0 : i32
        %broadcast_in_dim3A_870 = vector.broadcast %broadcast_in_dim3A_869 : i32 to vector<16xi32>
        %lt3A_871 = arith.constant 0 : i32
        %lt3A_872 = vector.broadcast %lt3A_871 : i32 to vector<16xi32>
        %lt3A_873 = arith.cmpi slt, %broadcast_in_dim3A_870, %lt3A_872 : vector<16xi32>
        %add3A_874 = arith.constant 16 : i32
        %add3A_875 = vector.broadcast %add3A_874 : i32 to vector<16xi32>
        %add3A_876 = arith.addi %broadcast_in_dim3A_870, %add3A_875 : vector<16xi32>
        %select_n3A_877 = arith.select %lt3A_873, %add3A_876, %broadcast_in_dim3A_870 : vector<16xi1>, vector<16xi32>
        %broadcast_in_dim3A_878 = vector.shape_cast %select_n3A_877 : vector<16xi32> to vector<16x1xi32>
        %gather3A_879 = vector.shape_cast %broadcast_in_dim3A_878 : vector<16x1xi32> to vector<16xi32>
        %gather3A_880 = tpu.dynamic_gather %exp3A_856[%gather3A_879] in [0] : vector<16xf32>, vector<16xi32> -> vector<16xf32>
        %broadcast_in_dim3A_881 = arith.constant 4 : i32
        %broadcast_in_dim3A_882 = vector.broadcast %broadcast_in_dim3A_881 : i32 to vector<16xi32>
        %lt3A_883 = arith.constant 0 : i32
        %lt3A_884 = vector.broadcast %lt3A_883 : i32 to vector<16xi32>
        %lt3A_885 = arith.cmpi slt, %broadcast_in_dim3A_882, %lt3A_884 : vector<16xi32>
        %add3A_886 = arith.constant 16 : i32
        %add3A_887 = vector.broadcast %add3A_886 : i32 to vector<16xi32>
        %add3A_888 = arith.addi %broadcast_in_dim3A_882, %add3A_887 : vector<16xi32>
        %select_n3A_889 = arith.select %lt3A_885, %add3A_888, %broadcast_in_dim3A_882 : vector<16xi1>, vector<16xi32>
        %broadcast_in_dim3A_890 = vector.shape_cast %select_n3A_889 : vector<16xi32> to vector<16x1xi32>
        %gather3A_891 = vector.shape_cast %broadcast_in_dim3A_890 : vector<16x1xi32> to vector<16xi32>
        %gather3A_892 = tpu.dynamic_gather %exp3A_856[%gather3A_891] in [0] : vector<16xf32>, vector<16xi32> -> vector<16xf32>
        %mul3A_893 = arith.mulf %bitcast3A_866, %gather3A_880 : vector<16xf32>
        %swap3A_894 = arith.index_cast %scan3A_839 : i32 to index
        %swap3A_895 = arith.constant 0 : index
        %swap3A_896 = tpu.vector_load %arg23[%swap3A_894, %swap3A_895] {strides = array<i32>} : memref<64x144xf32, #tpu.memory_space<vmem>>, vector<16xf32>,
        tpu.vector_store %arg23[%swap3A_894, %swap3A_895], %mul3A_893 {strides = array<i32>} : memref<64x144xf32, #tpu.memory_space<vmem>>, vector<16xf32>,
        %mul3A_897 = arith.mulf %bitcast3A_868, %gather3A_892 : vector<16xf32>
        %swap3A_898 = arith.index_cast %scan3A_839 : i32 to index
        %swap3A_899 = arith.constant 16 : index
        %swap3A_900 = tpu.vector_load %arg23[%swap3A_898, %swap3A_899] {strides = array<i32>} : memref<64x144xf32, #tpu.memory_space<vmem>>, vector<16xf32>,
        tpu.vector_store %arg23[%swap3A_898, %swap3A_899], %mul3A_897 {strides = array<i32>} : memref<64x144xf32, #tpu.memory_space<vmem>>, vector<16xf32>,
        %get3A_901 = arith.index_cast %scan3A_839 : i32 to index
        %get3A_902 = arith.constant 16 : index
        %get3A_903 = tpu.vector_load %arg17[%get3A_901, %get3A_902] {strides = array<i32>} : memref<64x80xi32, #tpu.memory_space<vmem>>, vector<16xi32>,
        %shift_left3A_904 = arith.constant 16 : i32
        %shift_left3A_905 = vector.broadcast %shift_left3A_904 : i32 to vector<16xi32>
        %shift_left3A_906 = arith.shli %get3A_903, %shift_left3A_905 : vector<16xi32>
        %bitcast3A_907 = vector.bitcast %shift_left3A_906 : vector<16xi32> to vector<16xf32>
        %and3A_908 = arith.andi %get3A_903, %broadcast_in_dim3A_3 : vector<16xi32>
        %bitcast3A_909 = vector.bitcast %and3A_908 : vector<16xi32> to vector<16xf32>
        %broadcast_in_dim3A_910 = arith.constant 1 : i32
        %broadcast_in_dim3A_911 = vector.broadcast %broadcast_in_dim3A_910 : i32 to vector<16xi32>
        %lt3A_912 = arith.constant 0 : i32
        %lt3A_913 = vector.broadcast %lt3A_912 : i32 to vector<16xi32>
        %lt3A_914 = arith.cmpi slt, %broadcast_in_dim3A_911, %lt3A_913 : vector<16xi32>
        %add3A_915 = arith.constant 16 : i32
        %add3A_916 = vector.broadcast %add3A_915 : i32 to vector<16xi32>
        %add3A_917 = arith.addi %broadcast_in_dim3A_911, %add3A_916 : vector<16xi32>
        %select_n3A_918 = arith.select %lt3A_914, %add3A_917, %broadcast_in_dim3A_911 : vector<16xi1>, vector<16xi32>
        %broadcast_in_dim3A_919 = vector.shape_cast %select_n3A_918 : vector<16xi32> to vector<16x1xi32>
        %gather3A_920 = vector.shape_cast %broadcast_in_dim3A_919 : vector<16x1xi32> to vector<16xi32>
        %gather3A_921 = tpu.dynamic_gather %exp3A_856[%gather3A_920] in [0] : vector<16xf32>, vector<16xi32> -> vector<16xf32>
        %broadcast_in_dim3A_922 = arith.constant 5 : i32
        %broadcast_in_dim3A_923 = vector.broadcast %broadcast_in_dim3A_922 : i32 to vector<16xi32>
        %lt3A_924 = arith.constant 0 : i32
        %lt3A_925 = vector.broadcast %lt3A_924 : i32 to vector<16xi32>
        %lt3A_926 = arith.cmpi slt, %broadcast_in_dim3A_923, %lt3A_925 : vector<16xi32>
        %add3A_927 = arith.constant 16 : i32
        %add3A_928 = vector.broadcast %add3A_927 : i32 to vector<16xi32>
        %add3A_929 = arith.addi %broadcast_in_dim3A_923, %add3A_928 : vector<16xi32>
        %select_n3A_930 = arith.select %lt3A_926, %add3A_929, %broadcast_in_dim3A_923 : vector<16xi1>, vector<16xi32>
        %broadcast_in_dim3A_931 = vector.shape_cast %select_n3A_930 : vector<16xi32> to vector<16x1xi32>
        %gather3A_932 = vector.shape_cast %broadcast_in_dim3A_931 : vector<16x1xi32> to vector<16xi32>
        %gather3A_933 = tpu.dynamic_gather %exp3A_856[%gather3A_932] in [0] : vector<16xf32>, vector<16xi32> -> vector<16xf32>
        %mul3A_934 = arith.mulf %bitcast3A_907, %gather3A_921 : vector<16xf32>
        %swap3A_935 = arith.index_cast %scan3A_839 : i32 to index
        %swap3A_936 = arith.constant 32 : index
        %swap3A_937 = tpu.vector_load %arg23[%swap3A_935, %swap3A_936] {strides = array<i32>} : memref<64x144xf32, #tpu.memory_space<vmem>>, vector<16xf32>,
        tpu.vector_store %arg23[%swap3A_935, %swap3A_936], %mul3A_934 {strides = array<i32>} : memref<64x144xf32, #tpu.memory_space<vmem>>, vector<16xf32>,
        %mul3A_938 = arith.mulf %bitcast3A_909, %gather3A_933 : vector<16xf32>
        %swap3A_939 = arith.index_cast %scan3A_839 : i32 to index
        %swap3A_940 = arith.constant 48 : index
        %swap3A_941 = tpu.vector_load %arg23[%swap3A_939, %swap3A_940] {strides = array<i32>} : memref<64x144xf32, #tpu.memory_space<vmem>>, vector<16xf32>,
        tpu.vector_store %arg23[%swap3A_939, %swap3A_940], %mul3A_938 {strides = array<i32>} : memref<64x144xf32, #tpu.memory_space<vmem>>, vector<16xf32>,
        %get3A_942 = arith.index_cast %scan3A_839 : i32 to index
        %get3A_943 = arith.constant 32 : index
        %get3A_944 = tpu.vector_load %arg17[%get3A_942, %get3A_943] {strides = array<i32>} : memref<64x80xi32, #tpu.memory_space<vmem>>, vector<16xi32>,
        %shift_left3A_945 = arith.constant 16 : i32
        %shift_left3A_946 = vector.broadcast %shift_left3A_945 : i32 to vector<16xi32>
        %shift_left3A_947 = arith.shli %get3A_944, %shift_left3A_946 : vector<16xi32>
        %bitcast3A_948 = vector.bitcast %shift_left3A_947 : vector<16xi32> to vector<16xf32>
        %and3A_949 = arith.andi %get3A_944, %broadcast_in_dim3A_3 : vector<16xi32>
        %bitcast3A_950 = vector.bitcast %and3A_949 : vector<16xi32> to vector<16xf32>
        %broadcast_in_dim3A_951 = arith.constant 2 : i32
        %broadcast_in_dim3A_952 = vector.broadcast %broadcast_in_dim3A_951 : i32 to vector<16xi32>
        %lt3A_953 = arith.constant 0 : i32
        %lt3A_954 = vector.broadcast %lt3A_953 : i32 to vector<16xi32>
        %lt3A_955 = arith.cmpi slt, %broadcast_in_dim3A_952, %lt3A_954 : vector<16xi32>
        %add3A_956 = arith.constant 16 : i32
        %add3A_957 = vector.broadcast %add3A_956 : i32 to vector<16xi32>
        %add3A_958 = arith.addi %broadcast_in_dim3A_952, %add3A_957 : vector<16xi32>
        %select_n3A_959 = arith.select %lt3A_955, %add3A_958, %broadcast_in_dim3A_952 : vector<16xi1>, vector<16xi32>
        %broadcast_in_dim3A_960 = vector.shape_cast %select_n3A_959 : vector<16xi32> to vector<16x1xi32>
        %gather3A_961 = vector.shape_cast %broadcast_in_dim3A_960 : vector<16x1xi32> to vector<16xi32>
        %gather3A_962 = tpu.dynamic_gather %exp3A_856[%gather3A_961] in [0] : vector<16xf32>, vector<16xi32> -> vector<16xf32>
        %broadcast_in_dim3A_963 = arith.constant 6 : i32
        %broadcast_in_dim3A_964 = vector.broadcast %broadcast_in_dim3A_963 : i32 to vector<16xi32>
        %lt3A_965 = arith.constant 0 : i32
        %lt3A_966 = vector.broadcast %lt3A_965 : i32 to vector<16xi32>
        %lt3A_967 = arith.cmpi slt, %broadcast_in_dim3A_964, %lt3A_966 : vector<16xi32>
        %add3A_968 = arith.constant 16 : i32
        %add3A_969 = vector.broadcast %add3A_968 : i32 to vector<16xi32>
        %add3A_970 = arith.addi %broadcast_in_dim3A_964, %add3A_969 : vector<16xi32>
        %select_n3A_971 = arith.select %lt3A_967, %add3A_970, %broadcast_in_dim3A_964 : vector<16xi1>, vector<16xi32>
        %broadcast_in_dim3A_972 = vector.shape_cast %select_n3A_971 : vector<16xi32> to vector<16x1xi32>
        %gather3A_973 = vector.shape_cast %broadcast_in_dim3A_972 : vector<16x1xi32> to vector<16xi32>
        %gather3A_974 = tpu.dynamic_gather %exp3A_856[%gather3A_973] in [0] : vector<16xf32>, vector<16xi32> -> vector<16xf32>
        %mul3A_975 = arith.mulf %bitcast3A_948, %gather3A_962 : vector<16xf32>
        %swap3A_976 = arith.index_cast %scan3A_839 : i32 to index
        %swap3A_977 = arith.constant 64 : index
        %swap3A_978 = tpu.vector_load %arg23[%swap3A_976, %swap3A_977] {strides = array<i32>} : memref<64x144xf32, #tpu.memory_space<vmem>>, vector<16xf32>,
        tpu.vector_store %arg23[%swap3A_976, %swap3A_977], %mul3A_975 {strides = array<i32>} : memref<64x144xf32, #tpu.memory_space<vmem>>, vector<16xf32>,
        %mul3A_979 = arith.mulf %bitcast3A_950, %gather3A_974 : vector<16xf32>
        %swap3A_980 = arith.index_cast %scan3A_839 : i32 to index
        %swap3A_981 = arith.constant 80 : index
        %swap3A_982 = tpu.vector_load %arg23[%swap3A_980, %swap3A_981] {strides = array<i32>} : memref<64x144xf32, #tpu.memory_space<vmem>>, vector<16xf32>,
        tpu.vector_store %arg23[%swap3A_980, %swap3A_981], %mul3A_979 {strides = array<i32>} : memref<64x144xf32, #tpu.memory_space<vmem>>, vector<16xf32>,
        %get3A_983 = arith.index_cast %scan3A_839 : i32 to index
        %get3A_984 = arith.constant 48 : index
        %get3A_985 = tpu.vector_load %arg17[%get3A_983, %get3A_984] {strides = array<i32>} : memref<64x80xi32, #tpu.memory_space<vmem>>, vector<16xi32>,
        %shift_left3A_986 = arith.constant 16 : i32
        %shift_left3A_987 = vector.broadcast %shift_left3A_986 : i32 to vector<16xi32>
        %shift_left3A_988 = arith.shli %get3A_985, %shift_left3A_987 : vector<16xi32>
        %bitcast3A_989 = vector.bitcast %shift_left3A_988 : vector<16xi32> to vector<16xf32>
        %and3A_990 = arith.andi %get3A_985, %broadcast_in_dim3A_3 : vector<16xi32>
        %bitcast3A_991 = vector.bitcast %and3A_990 : vector<16xi32> to vector<16xf32>
        %broadcast_in_dim3A_992 = arith.constant 3 : i32
        %broadcast_in_dim3A_993 = vector.broadcast %broadcast_in_dim3A_992 : i32 to vector<16xi32>
        %lt3A_994 = arith.constant 0 : i32
        %lt3A_995 = vector.broadcast %lt3A_994 : i32 to vector<16xi32>
        %lt3A_996 = arith.cmpi slt, %broadcast_in_dim3A_993, %lt3A_995 : vector<16xi32>
        %add3A_997 = arith.constant 16 : i32
        %add3A_998 = vector.broadcast %add3A_997 : i32 to vector<16xi32>
        %add3A_999 = arith.addi %broadcast_in_dim3A_993, %add3A_998 : vector<16xi32>
        %select_n3A_1000 = arith.select %lt3A_996, %add3A_999, %broadcast_in_dim3A_993 : vector<16xi1>, vector<16xi32>
        %broadcast_in_dim3A_1001 = vector.shape_cast %select_n3A_1000 : vector<16xi32> to vector<16x1xi32>
        %gather3A_1002 = vector.shape_cast %broadcast_in_dim3A_1001 : vector<16x1xi32> to vector<16xi32>
        %gather3A_1003 = tpu.dynamic_gather %exp3A_856[%gather3A_1002] in [0] : vector<16xf32>, vector<16xi32> -> vector<16xf32>
        %broadcast_in_dim3A_1004 = arith.constant 7 : i32
        %broadcast_in_dim3A_1005 = vector.broadcast %broadcast_in_dim3A_1004 : i32 to vector<16xi32>
        %lt3A_1006 = arith.constant 0 : i32
        %lt3A_1007 = vector.broadcast %lt3A_1006 : i32 to vector<16xi32>
        %lt3A_1008 = arith.cmpi slt, %broadcast_in_dim3A_1005, %lt3A_1007 : vector<16xi32>
        %add3A_1009 = arith.constant 16 : i32
        %add3A_1010 = vector.broadcast %add3A_1009 : i32 to vector<16xi32>
        %add3A_1011 = arith.addi %broadcast_in_dim3A_1005, %add3A_1010 : vector<16xi32>
        %select_n3A_1012 = arith.select %lt3A_1008, %add3A_1011, %broadcast_in_dim3A_1005 : vector<16xi1>, vector<16xi32>
        %broadcast_in_dim3A_1013 = vector.shape_cast %select_n3A_1012 : vector<16xi32> to vector<16x1xi32>
        %gather3A_1014 = vector.shape_cast %broadcast_in_dim3A_1013 : vector<16x1xi32> to vector<16xi32>
        %gather3A_1015 = tpu.dynamic_gather %exp3A_856[%gather3A_1014] in [0] : vector<16xf32>, vector<16xi32> -> vector<16xf32>
        %mul3A_1016 = arith.mulf %bitcast3A_989, %gather3A_1003 : vector<16xf32>
        %swap3A_1017 = arith.index_cast %scan3A_839 : i32 to index
        %swap3A_1018 = arith.constant 96 : index
        %swap3A_1019 = tpu.vector_load %arg23[%swap3A_1017, %swap3A_1018] {strides = array<i32>} : memref<64x144xf32, #tpu.memory_space<vmem>>, vector<16xf32>,
        tpu.vector_store %arg23[%swap3A_1017, %swap3A_1018], %mul3A_1016 {strides = array<i32>} : memref<64x144xf32, #tpu.memory_space<vmem>>, vector<16xf32>,
        %mul3A_1020 = arith.mulf %bitcast3A_991, %gather3A_1015 : vector<16xf32>
        %swap3A_1021 = arith.index_cast %scan3A_839 : i32 to index
        %swap3A_1022 = arith.constant 112 : index
        %swap3A_1023 = tpu.vector_load %arg23[%swap3A_1021, %swap3A_1022] {strides = array<i32>} : memref<64x144xf32, #tpu.memory_space<vmem>>, vector<16xf32>,
        tpu.vector_store %arg23[%swap3A_1021, %swap3A_1022], %mul3A_1020 {strides = array<i32>} : memref<64x144xf32, #tpu.memory_space<vmem>>, vector<16xf32>,
        %scan3A_1024 = arith.constant 0 : i32
        scf.yield %scan3A_1024 : i32
      }
      %scan3A_174 = arith.constant 64 : i32
      %dma_start3A_175 = arith.constant 0 : i32
      %dma_start3A_176 = arith.constant 0 : i32
      %dma_start3A_177 = tpu.memref_slice %arg25[%dma_start3A_175, %dma_start3A_176] : memref<10240x144xf32, #tpu.memory_space<vmem_shared>> -> memref<10240x144xf32, #tpu.memory_space<vmem_shared>>
      tpu.enqueue_indirect_dma source(%arg23 : memref<64x144xf32, #tpu.memory_space<vmem>>) target(%dma_start3A_177 : memref<10240x144xf32, #tpu.memory_space<vmem_shared>>) offsets(%arg14 : memref<64xi32, #tpu.memory_space<vmem>>) semaphore(%arg32 : memref<!tpu.dma_semaphore, #tpu.memory_space<semaphore_mem>>) {add = true}
      %add3A_178 = arith.constant 1 : i32
      %add3A_179 = arith.addi %mul3A_130, %add3A_178 : i32
      %add3A_180 = arith.constant 2 : i32
      %add3A_181 = arith.addi %add3A_179, %add3A_180 : i32
      %lt3A_182 = arith.constant 160 : i32
      %lt3A_183 = arith.cmpi slt, %add3A_181, %lt3A_182 : i32
      %convert_element_type3A_184 = arith.extui %lt3A_183 : i1 to i32
      %cond3A_185 = arith.constant 0 : i32
      %cond3A_186 = arith.cmpi ne, %convert_element_type3A_184, %cond3A_185 : i32
      scf.if %cond3A_186 {
        %add3A_285 = arith.constant 2 : i32
        %add3A_286 = arith.addi %add3A_179, %add3A_285 : i32
        %dma_wait3A_287 = arith.constant 0 : i32
        %dma_wait3A_288 = tpu.memref_slice %arg4[%add3A, %add3A_286, %dma_wait3A_287] : memref<32x160x64xi32, #tpu.memory_space<hbm>> -> memref<1x1x64xi32, #tpu.memory_space<hbm>>
        %dma_wait3A_289 = tpu.memref_squeeze %dma_wait3A_288 : memref<1x1x64xi32, #tpu.memory_space<hbm>> -> memref<64xi32, #tpu.memory_space<hbm>>
        %dma_wait3A_290 = arith.constant 0 : i32
        %dma_wait3A_291 = tpu.memref_slice %arg4[%add3A, %add3A_286, %dma_wait3A_290] : memref<32x160x64xi32, #tpu.memory_space<hbm>> -> memref<1x1x64xi32, #tpu.memory_space<hbm>>
        %dma_wait3A_292 = tpu.memref_squeeze %dma_wait3A_291 : memref<1x1x64xi32, #tpu.memory_space<hbm>> -> memref<64xi32, #tpu.memory_space<hbm>>
        tpu.wait_dma2 semaphore(%arg29 : memref<!tpu.dma_semaphore, #tpu.memory_space<semaphore_mem>>) src(%dma_wait3A_292 : memref<64xi32, #tpu.memory_space<hbm>>) dst(%arg8 : memref<64xi32, #tpu.memory_space<vmem>>)
        %dma_wait3A_293 = arith.constant 0 : i32
        %dma_wait3A_294 = tpu.memref_slice %arg5[%add3A, %add3A_286, %dma_wait3A_293] : memref<32x160x64xi32, #tpu.memory_space<hbm>> -> memref<1x1x64xi32, #tpu.memory_space<hbm>>
        %dma_wait3A_295 = tpu.memref_squeeze %dma_wait3A_294 : memref<1x1x64xi32, #tpu.memory_space<hbm>> -> memref<64xi32, #tpu.memory_space<hbm>>
        %dma_wait3A_296 = arith.constant 0 : i32
        %dma_wait3A_297 = tpu.memref_slice %arg5[%add3A, %add3A_286, %dma_wait3A_296] : memref<32x160x64xi32, #tpu.memory_space<hbm>> -> memref<1x1x64xi32, #tpu.memory_space<hbm>>
        %dma_wait3A_298 = tpu.memref_squeeze %dma_wait3A_297 : memref<1x1x64xi32, #tpu.memory_space<hbm>> -> memref<64xi32, #tpu.memory_space<hbm>>
        tpu.wait_dma2 semaphore(%arg29 : memref<!tpu.dma_semaphore, #tpu.memory_space<semaphore_mem>>) src(%dma_wait3A_298 : memref<64xi32, #tpu.memory_space<hbm>>) dst(%arg9 : memref<64xi32, #tpu.memory_space<vmem>>)
        %dma_start3A_299 = arith.constant 0 : i32
        %dma_start3A_300 = arith.constant 0 : i32
        %dma_start3A_301 = tpu.memref_slice %arg2[%dma_start3A_299, %dma_start3A_300] : memref<10240x80xi32, #tpu.memory_space<hbm>> -> memref<10240x80xi32, #tpu.memory_space<hbm>>
        tpu.enqueue_indirect_dma source(%dma_start3A_301 : memref<10240x80xi32, #tpu.memory_space<hbm>>) target(%arg17 : memref<64x80xi32, #tpu.memory_space<vmem>>) offsets(%arg8 : memref<64xi32, #tpu.memory_space<vmem>>) semaphore(%arg26 : memref<!tpu.dma_semaphore, #tpu.memory_space<semaphore_mem>>)
        %dma_start3A_302 = arith.constant 0 : i32
        %dma_start3A_303 = arith.constant 0 : i32
        %dma_start3A_304 = tpu.memref_slice %arg3[%dma_start3A_302, %dma_start3A_303] : memref<10240x16xf32, #tpu.memory_space<hbm>> -> memref<10240x16xf32, #tpu.memory_space<hbm>>
        tpu.enqueue_indirect_dma source(%dma_start3A_304 : memref<10240x16xf32, #tpu.memory_space<hbm>>) target(%arg18 : memref<64x16xf32, #tpu.memory_space<vmem>>) offsets(%arg9 : memref<64xi32, #tpu.memory_space<vmem>>) semaphore(%arg26 : memref<!tpu.dma_semaphore, #tpu.memory_space<semaphore_mem>>)
      } else {
      }
      %dma_wait3A_187 = arith.constant 0 : i32
      %dma_wait3A_188 = arith.constant 0 : i32
      %dma_wait3A_189 = tpu.memref_slice %arg2[%dma_wait3A_187, %dma_wait3A_188] : memref<10240x80xi32, #tpu.memory_space<hbm>> -> memref<10240x80xi32, #tpu.memory_space<hbm>>
      tpu.wait_indirect_dma semaphore(%arg27 : memref<!tpu.dma_semaphore, #tpu.memory_space<semaphore_mem>>) src(%dma_wait3A_189 : memref<10240x80xi32, #tpu.memory_space<hbm>>) dst(%arg19 : memref<64x80xi32, #tpu.memory_space<vmem>>)
      %dma_wait3A_190 = arith.constant 0 : i32
      %dma_wait3A_191 = arith.constant 0 : i32
      %dma_wait3A_192 = tpu.memref_slice %arg3[%dma_wait3A_190, %dma_wait3A_191] : memref<10240x16xf32, #tpu.memory_space<hbm>> -> memref<10240x16xf32, #tpu.memory_space<hbm>>
      tpu.wait_indirect_dma semaphore(%arg27 : memref<!tpu.dma_semaphore, #tpu.memory_space<semaphore_mem>>) src(%dma_wait3A_192 : memref<10240x16xf32, #tpu.memory_space<hbm>>) dst(%arg20 : memref<64x16xf32, #tpu.memory_space<vmem>>)
      %ge3A_193 = arith.constant 1 : i32
      %ge3A_194 = arith.cmpi sge, %add3A_179, %ge3A_193 : i32
      %convert_element_type3A_195 = arith.extui %ge3A_194 : i1 to i32
      %cond3A_196 = arith.constant 0 : i32
      %cond3A_197 = arith.cmpi ne, %convert_element_type3A_195, %cond3A_196 : i32
      scf.if %cond3A_197 {
        %dma_wait3A_285 = arith.constant 0 : i32
        %dma_wait3A_286 = arith.constant 0 : i32
        %dma_wait3A_287 = tpu.memref_slice %arg25[%dma_wait3A_285, %dma_wait3A_286] : memref<10240x144xf32, #tpu.memory_space<vmem_shared>> -> memref<10240x144xf32, #tpu.memory_space<vmem_shared>>
        tpu.wait_indirect_dma semaphore(%arg32 : memref<!tpu.dma_semaphore, #tpu.memory_space<semaphore_mem>>) src(%arg23 : memref<64x144xf32, #tpu.memory_space<vmem>>) dst(%dma_wait3A_287 : memref<10240x144xf32, #tpu.memory_space<vmem_shared>>)
      } else {
      }
      %get3A_198 = arith.constant 0 : index
      %get3A_199 = tpu.vector_load %arg11[%get3A_198] {strides = array<i32>} : memref<64xi32, #tpu.memory_space<vmem>>, vector<16xi32>,
      %swap3A_200 = arith.constant 0 : index
      %swap3A_201 = tpu.vector_load %arg15[%swap3A_200] {strides = array<i32>} : memref<64xi32, #tpu.memory_space<vmem>>, vector<16xi32>,
      tpu.vector_store %arg15[%swap3A_200], %get3A_199 {strides = array<i32>} : memref<64xi32, #tpu.memory_space<vmem>>, vector<16xi32>,
      %get3A_202 = arith.constant 16 : index
      %get3A_203 = tpu.vector_load %arg11[%get3A_202] {strides = array<i32>} : memref<64xi32, #tpu.memory_space<vmem>>, vector<16xi32>,
      %swap3A_204 = arith.constant 16 : index
      %swap3A_205 = tpu.vector_load %arg15[%swap3A_204] {strides = array<i32>} : memref<64xi32, #tpu.memory_space<vmem>>, vector<16xi32>,
      tpu.vector_store %arg15[%swap3A_204], %get3A_203 {strides = array<i32>} : memref<64xi32, #tpu.memory_space<vmem>>, vector<16xi32>,
      %get3A_206 = arith.constant 32 : index
      %get3A_207 = tpu.vector_load %arg11[%get3A_206] {strides = array<i32>} : memref<64xi32, #tpu.memory_space<vmem>>, vector<16xi32>,
      %swap3A_208 = arith.constant 32 : index
      %swap3A_209 = tpu.vector_load %arg15[%swap3A_208] {strides = array<i32>} : memref<64xi32, #tpu.memory_space<vmem>>, vector<16xi32>,
      tpu.vector_store %arg15[%swap3A_208], %get3A_207 {strides = array<i32>} : memref<64xi32, #tpu.memory_space<vmem>>, vector<16xi32>,
      %get3A_210 = arith.constant 48 : index
      %get3A_211 = tpu.vector_load %arg11[%get3A_210] {strides = array<i32>} : memref<64xi32, #tpu.memory_space<vmem>>, vector<16xi32>,
      %swap3A_212 = arith.constant 48 : index
      %swap3A_213 = tpu.vector_load %arg15[%swap3A_212] {strides = array<i32>} : memref<64xi32, #tpu.memory_space<vmem>>, vector<16xi32>,
      tpu.vector_store %arg15[%swap3A_212], %get3A_211 {strides = array<i32>} : memref<64xi32, #tpu.memory_space<vmem>>, vector<16xi32>,
      %add3A_214 = arith.constant 3 : i32
      %add3A_215 = arith.addi %add3A_179, %add3A_214 : i32
      %lt3A_216 = arith.constant 160 : i32
      %lt3A_217 = arith.cmpi slt, %add3A_215, %lt3A_216 : i32
      %convert_element_type3A_218 = arith.extui %lt3A_217 : i1 to i32
      %cond3A_219 = arith.constant 0 : i32
      %cond3A_220 = arith.cmpi ne, %convert_element_type3A_218, %cond3A_219 : i32
      scf.if %cond3A_220 {
        %add3A_285 = arith.constant 3 : i32
        %add3A_286 = arith.addi %add3A_179, %add3A_285 : i32
        %dma_start3A_287 = arith.constant 0 : i32
        %dma_start3A_288 = tpu.memref_slice %arg4[%add3A, %add3A_286, %dma_start3A_287] : memref<32x160x64xi32, #tpu.memory_space<hbm>> -> memref<1x1x64xi32, #tpu.memory_space<hbm>>
        %dma_start3A_289 = tpu.memref_squeeze %dma_start3A_288 : memref<1x1x64xi32, #tpu.memory_space<hbm>> -> memref<64xi32, #tpu.memory_space<hbm>>
        %dma_start3A_290 = arith.constant 0 : i32
        %dma_start3A_291 = tpu.memref_slice %arg4[%add3A, %add3A_286, %dma_start3A_290] : memref<32x160x64xi32, #tpu.memory_space<hbm>> -> memref<1x1x64xi32, #tpu.memory_space<hbm>>
        %dma_start3A_292 = tpu.memref_squeeze %dma_start3A_291 : memref<1x1x64xi32, #tpu.memory_space<hbm>> -> memref<64xi32, #tpu.memory_space<hbm>>
        tpu.enqueue_dma source(%dma_start3A_292 : memref<64xi32, #tpu.memory_space<hbm>>) target(%arg10 : memref<64xi32, #tpu.memory_space<vmem>>) target_semaphore(%arg30 : memref<!tpu.dma_semaphore, #tpu.memory_space<semaphore_mem>>)
        %dma_start3A_293 = arith.constant 0 : i32
        %dma_start3A_294 = tpu.memref_slice %arg5[%add3A, %add3A_286, %dma_start3A_293] : memref<32x160x64xi32, #tpu.memory_space<hbm>> -> memref<1x1x64xi32, #tpu.memory_space<hbm>>
        %dma_start3A_295 = tpu.memref_squeeze %dma_start3A_294 : memref<1x1x64xi32, #tpu.memory_space<hbm>> -> memref<64xi32, #tpu.memory_space<hbm>>
        %dma_start3A_296 = arith.constant 0 : i32
        %dma_start3A_297 = tpu.memref_slice %arg5[%add3A, %add3A_286, %dma_start3A_296] : memref<32x160x64xi32, #tpu.memory_space<hbm>> -> memref<1x1x64xi32, #tpu.memory_space<hbm>>
        %dma_start3A_298 = tpu.memref_squeeze %dma_start3A_297 : memref<1x1x64xi32, #tpu.memory_space<hbm>> -> memref<64xi32, #tpu.memory_space<hbm>>
        tpu.enqueue_dma source(%dma_start3A_298 : memref<64xi32, #tpu.memory_space<hbm>>) target(%arg11 : memref<64xi32, #tpu.memory_space<vmem>>) target_semaphore(%arg30 : memref<!tpu.dma_semaphore, #tpu.memory_space<semaphore_mem>>)
      } else {
      }
      %scan3A_221 = arith.constant 0 : i32
      %scan3A_222 = arith.constant 0 : i32
      %scan3A_223 = arith.constant 64 : i32
      %scan3A_224 = arith.addi %scan3A_222, %scan3A_223 : i32
      %scan3A_225 = arith.constant 4 : i32
      %scan3A_226 = scf.for %scan3A_285 = %scan3A_222 to %scan3A_224 step %scan3A_225 iter_args(%scan3A_286 = %scan3A_221) -> (i32)  : i32 {
        %get3A_287 = arith.index_cast %scan3A_285 : i32 to index
        %get3A_288 = arith.constant 64 : index
        %get3A_289 = tpu.vector_load %arg19[%get3A_287, %get3A_288] {strides = array<i32>} : memref<64x80xi32, #tpu.memory_space<vmem>>, vector<16xi32>,
        %bitcast3A = vector.bitcast %get3A_289 : vector<16xi32> to vector<16xf32>
        %get3A_290 = arith.index_cast %scan3A_285 : i32 to index
        %get3A_291 = arith.constant 0 : index
        %get3A_292 = tpu.vector_load %arg20[%get3A_290, %get3A_291] {strides = array<i32>} : memref<64x16xf32, #tpu.memory_space<vmem>>, vector<16xf32>,
        %add3A_293 = arith.addf %bitcast3A, %get3A_292 : vector<16xf32>
        %gt3A = arith.constant 0.000000e+00 : f32
        %gt3A_294 = vector.broadcast %gt3A : f32 to vector<16xf32>
        %gt3A_295 = arith.cmpf ogt, %add3A_293, %gt3A_294 : vector<16xf32>
        %mul3A_296 = arith.constant 0.00999999977 : f32
        %mul3A_297 = vector.broadcast %mul3A_296 : f32 to vector<16xf32>
        %mul3A_298 = arith.mulf %mul3A_297, %add3A_293 : vector<16xf32>
        %select_n3A = arith.select %gt3A_295, %add3A_293, %mul3A_298 : vector<16xi1>, vector<16xf32>
        %sub3A = arith.subf %select_n3A, %get3A_50 : vector<16xf32>
        %exp3A = math.exp %sub3A : vector<16xf32>
        %swap3A_299 = arith.index_cast %scan3A_285 : i32 to index
        %swap3A_300 = arith.constant 128 : index
        %swap3A_301 = tpu.vector_load %arg23[%swap3A_299, %swap3A_300] {strides = array<i32>} : memref<64x144xf32, #tpu.memory_space<vmem>>, vector<16xf32>,
        tpu.vector_store %arg23[%swap3A_299, %swap3A_300], %exp3A {strides = array<i32>} : memref<64x144xf32, #tpu.memory_space<vmem>>, vector<16xf32>,
        %get3A_302 = arith.index_cast %scan3A_285 : i32 to index
        %get3A_303 = arith.constant 0 : index
        %get3A_304 = tpu.vector_load %arg19[%get3A_302, %get3A_303] {strides = array<i32>} : memref<64x80xi32, #tpu.memory_space<vmem>>, vector<16xi32>,
        %shift_left3A = arith.constant 16 : i32
        %shift_left3A_305 = vector.broadcast %shift_left3A : i32 to vector<16xi32>
        %shift_left3A_306 = arith.shli %get3A_304, %shift_left3A_305 : vector<16xi32>
        %bitcast3A_307 = vector.bitcast %shift_left3A_306 : vector<16xi32> to vector<16xf32>
        %and3A = arith.andi %get3A_304, %broadcast_in_dim3A_3 : vector<16xi32>
        %bitcast3A_308 = vector.bitcast %and3A : vector<16xi32> to vector<16xf32>
        %broadcast_in_dim3A_309 = arith.constant 0 : i32
        %broadcast_in_dim3A_310 = vector.broadcast %broadcast_in_dim3A_309 : i32 to vector<16xi32>
        %lt3A_311 = arith.constant 0 : i32
        %lt3A_312 = vector.broadcast %lt3A_311 : i32 to vector<16xi32>
        %lt3A_313 = arith.cmpi slt, %broadcast_in_dim3A_310, %lt3A_312 : vector<16xi32>
        %add3A_314 = arith.constant 16 : i32
        %add3A_315 = vector.broadcast %add3A_314 : i32 to vector<16xi32>
        %add3A_316 = arith.addi %broadcast_in_dim3A_310, %add3A_315 : vector<16xi32>
        %select_n3A_317 = arith.select %lt3A_313, %add3A_316, %broadcast_in_dim3A_310 : vector<16xi1>, vector<16xi32>
        %broadcast_in_dim3A_318 = vector.shape_cast %select_n3A_317 : vector<16xi32> to vector<16x1xi32>
        %gather3A = vector.shape_cast %broadcast_in_dim3A_318 : vector<16x1xi32> to vector<16xi32>
        %gather3A_319 = tpu.dynamic_gather %exp3A[%gather3A] in [0] : vector<16xf32>, vector<16xi32> -> vector<16xf32>
        %broadcast_in_dim3A_320 = arith.constant 4 : i32
        %broadcast_in_dim3A_321 = vector.broadcast %broadcast_in_dim3A_320 : i32 to vector<16xi32>
        %lt3A_322 = arith.constant 0 : i32
        %lt3A_323 = vector.broadcast %lt3A_322 : i32 to vector<16xi32>
        %lt3A_324 = arith.cmpi slt, %broadcast_in_dim3A_321, %lt3A_323 : vector<16xi32>
        %add3A_325 = arith.constant 16 : i32
        %add3A_326 = vector.broadcast %add3A_325 : i32 to vector<16xi32>
        %add3A_327 = arith.addi %broadcast_in_dim3A_321, %add3A_326 : vector<16xi32>
        %select_n3A_328 = arith.select %lt3A_324, %add3A_327, %broadcast_in_dim3A_321 : vector<16xi1>, vector<16xi32>
        %broadcast_in_dim3A_329 = vector.shape_cast %select_n3A_328 : vector<16xi32> to vector<16x1xi32>
        %gather3A_330 = vector.shape_cast %broadcast_in_dim3A_329 : vector<16x1xi32> to vector<16xi32>
        %gather3A_331 = tpu.dynamic_gather %exp3A[%gather3A_330] in [0] : vector<16xf32>, vector<16xi32> -> vector<16xf32>
        %mul3A_332 = arith.mulf %bitcast3A_307, %gather3A_319 : vector<16xf32>
        %swap3A_333 = arith.index_cast %scan3A_285 : i32 to index
        %swap3A_334 = arith.constant 0 : index
        %swap3A_335 = tpu.vector_load %arg23[%swap3A_333, %swap3A_334] {strides = array<i32>} : memref<64x144xf32, #tpu.memory_space<vmem>>, vector<16xf32>,
        tpu.vector_store %arg23[%swap3A_333, %swap3A_334], %mul3A_332 {strides = array<i32>} : memref<64x144xf32, #tpu.memory_space<vmem>>, vector<16xf32>,
        %mul3A_336 = arith.mulf %bitcast3A_308, %gather3A_331 : vector<16xf32>
        %swap3A_337 = arith.index_cast %scan3A_285 : i32 to index
        %swap3A_338 = arith.constant 16 : index
        %swap3A_339 = tpu.vector_load %arg23[%swap3A_337, %swap3A_338] {strides = array<i32>} : memref<64x144xf32, #tpu.memory_space<vmem>>, vector<16xf32>,
        tpu.vector_store %arg23[%swap3A_337, %swap3A_338], %mul3A_336 {strides = array<i32>} : memref<64x144xf32, #tpu.memory_space<vmem>>, vector<16xf32>,
        %get3A_340 = arith.index_cast %scan3A_285 : i32 to index
        %get3A_341 = arith.constant 16 : index
        %get3A_342 = tpu.vector_load %arg19[%get3A_340, %get3A_341] {strides = array<i32>} : memref<64x80xi32, #tpu.memory_space<vmem>>, vector<16xi32>,
        %shift_left3A_343 = arith.constant 16 : i32
        %shift_left3A_344 = vector.broadcast %shift_left3A_343 : i32 to vector<16xi32>
        %shift_left3A_345 = arith.shli %get3A_342, %shift_left3A_344 : vector<16xi32>
        %bitcast3A_346 = vector.bitcast %shift_left3A_345 : vector<16xi32> to vector<16xf32>
        %and3A_347 = arith.andi %get3A_342, %broadcast_in_dim3A_3 : vector<16xi32>
        %bitcast3A_348 = vector.bitcast %and3A_347 : vector<16xi32> to vector<16xf32>
        %broadcast_in_dim3A_349 = arith.constant 1 : i32
        %broadcast_in_dim3A_350 = vector.broadcast %broadcast_in_dim3A_349 : i32 to vector<16xi32>
        %lt3A_351 = arith.constant 0 : i32
        %lt3A_352 = vector.broadcast %lt3A_351 : i32 to vector<16xi32>
        %lt3A_353 = arith.cmpi slt, %broadcast_in_dim3A_350, %lt3A_352 : vector<16xi32>
        %add3A_354 = arith.constant 16 : i32
        %add3A_355 = vector.broadcast %add3A_354 : i32 to vector<16xi32>
        %add3A_356 = arith.addi %broadcast_in_dim3A_350, %add3A_355 : vector<16xi32>
        %select_n3A_357 = arith.select %lt3A_353, %add3A_356, %broadcast_in_dim3A_350 : vector<16xi1>, vector<16xi32>
        %broadcast_in_dim3A_358 = vector.shape_cast %select_n3A_357 : vector<16xi32> to vector<16x1xi32>
        %gather3A_359 = vector.shape_cast %broadcast_in_dim3A_358 : vector<16x1xi32> to vector<16xi32>
        %gather3A_360 = tpu.dynamic_gather %exp3A[%gather3A_359] in [0] : vector<16xf32>, vector<16xi32> -> vector<16xf32>
        %broadcast_in_dim3A_361 = arith.constant 5 : i32
        %broadcast_in_dim3A_362 = vector.broadcast %broadcast_in_dim3A_361 : i32 to vector<16xi32>
        %lt3A_363 = arith.constant 0 : i32
        %lt3A_364 = vector.broadcast %lt3A_363 : i32 to vector<16xi32>
        %lt3A_365 = arith.cmpi slt, %broadcast_in_dim3A_362, %lt3A_364 : vector<16xi32>
        %add3A_366 = arith.constant 16 : i32
        %add3A_367 = vector.broadcast %add3A_366 : i32 to vector<16xi32>
        %add3A_368 = arith.addi %broadcast_in_dim3A_362, %add3A_367 : vector<16xi32>
        %select_n3A_369 = arith.select %lt3A_365, %add3A_368, %broadcast_in_dim3A_362 : vector<16xi1>, vector<16xi32>
        %broadcast_in_dim3A_370 = vector.shape_cast %select_n3A_369 : vector<16xi32> to vector<16x1xi32>
        %gather3A_371 = vector.shape_cast %broadcast_in_dim3A_370 : vector<16x1xi32> to vector<16xi32>
        %gather3A_372 = tpu.dynamic_gather %exp3A[%gather3A_371] in [0] : vector<16xf32>, vector<16xi32> -> vector<16xf32>
        %mul3A_373 = arith.mulf %bitcast3A_346, %gather3A_360 : vector<16xf32>
        %swap3A_374 = arith.index_cast %scan3A_285 : i32 to index
        %swap3A_375 = arith.constant 32 : index
        %swap3A_376 = tpu.vector_load %arg23[%swap3A_374, %swap3A_375] {strides = array<i32>} : memref<64x144xf32, #tpu.memory_space<vmem>>, vector<16xf32>,
        tpu.vector_store %arg23[%swap3A_374, %swap3A_375], %mul3A_373 {strides = array<i32>} : memref<64x144xf32, #tpu.memory_space<vmem>>, vector<16xf32>,
        %mul3A_377 = arith.mulf %bitcast3A_348, %gather3A_372 : vector<16xf32>
        %swap3A_378 = arith.index_cast %scan3A_285 : i32 to index
        %swap3A_379 = arith.constant 48 : index
        %swap3A_380 = tpu.vector_load %arg23[%swap3A_378, %swap3A_379] {strides = array<i32>} : memref<64x144xf32, #tpu.memory_space<vmem>>, vector<16xf32>,
        tpu.vector_store %arg23[%swap3A_378, %swap3A_379], %mul3A_377 {strides = array<i32>} : memref<64x144xf32, #tpu.memory_space<vmem>>, vector<16xf32>,
        %get3A_381 = arith.index_cast %scan3A_285 : i32 to index
        %get3A_382 = arith.constant 32 : index
        %get3A_383 = tpu.vector_load %arg19[%get3A_381, %get3A_382] {strides = array<i32>} : memref<64x80xi32, #tpu.memory_space<vmem>>, vector<16xi32>,
        %shift_left3A_384 = arith.constant 16 : i32
        %shift_left3A_385 = vector.broadcast %shift_left3A_384 : i32 to vector<16xi32>
        %shift_left3A_386 = arith.shli %get3A_383, %shift_left3A_385 : vector<16xi32>
        %bitcast3A_387 = vector.bitcast %shift_left3A_386 : vector<16xi32> to vector<16xf32>
        %and3A_388 = arith.andi %get3A_383, %broadcast_in_dim3A_3 : vector<16xi32>
        %bitcast3A_389 = vector.bitcast %and3A_388 : vector<16xi32> to vector<16xf32>
        %broadcast_in_dim3A_390 = arith.constant 2 : i32
        %broadcast_in_dim3A_391 = vector.broadcast %broadcast_in_dim3A_390 : i32 to vector<16xi32>
        %lt3A_392 = arith.constant 0 : i32
        %lt3A_393 = vector.broadcast %lt3A_392 : i32 to vector<16xi32>
        %lt3A_394 = arith.cmpi slt, %broadcast_in_dim3A_391, %lt3A_393 : vector<16xi32>
        %add3A_395 = arith.constant 16 : i32
        %add3A_396 = vector.broadcast %add3A_395 : i32 to vector<16xi32>
        %add3A_397 = arith.addi %broadcast_in_dim3A_391, %add3A_396 : vector<16xi32>
        %select_n3A_398 = arith.select %lt3A_394, %add3A_397, %broadcast_in_dim3A_391 : vector<16xi1>, vector<16xi32>
        %broadcast_in_dim3A_399 = vector.shape_cast %select_n3A_398 : vector<16xi32> to vector<16x1xi32>
        %gather3A_400 = vector.shape_cast %broadcast_in_dim3A_399 : vector<16x1xi32> to vector<16xi32>
        %gather3A_401 = tpu.dynamic_gather %exp3A[%gather3A_400] in [0] : vector<16xf32>, vector<16xi32> -> vector<16xf32>
        %broadcast_in_dim3A_402 = arith.constant 6 : i32
        %broadcast_in_dim3A_403 = vector.broadcast %broadcast_in_dim3A_402 : i32 to vector<16xi32>
        %lt3A_404 = arith.constant 0 : i32
        %lt3A_405 = vector.broadcast %lt3A_404 : i32 to vector<16xi32>
        %lt3A_406 = arith.cmpi slt, %broadcast_in_dim3A_403, %lt3A_405 : vector<16xi32>
        %add3A_407 = arith.constant 16 : i32
        %add3A_408 = vector.broadcast %add3A_407 : i32 to vector<16xi32>
        %add3A_409 = arith.addi %broadcast_in_dim3A_403, %add3A_408 : vector<16xi32>
        %select_n3A_410 = arith.select %lt3A_406, %add3A_409, %broadcast_in_dim3A_403 : vector<16xi1>, vector<16xi32>
        %broadcast_in_dim3A_411 = vector.shape_cast %select_n3A_410 : vector<16xi32> to vector<16x1xi32>
        %gather3A_412 = vector.shape_cast %broadcast_in_dim3A_411 : vector<16x1xi32> to vector<16xi32>
        %gather3A_413 = tpu.dynamic_gather %exp3A[%gather3A_412] in [0] : vector<16xf32>, vector<16xi32> -> vector<16xf32>
        %mul3A_414 = arith.mulf %bitcast3A_387, %gather3A_401 : vector<16xf32>
        %swap3A_415 = arith.index_cast %scan3A_285 : i32 to index
        %swap3A_416 = arith.constant 64 : index
        %swap3A_417 = tpu.vector_load %arg23[%swap3A_415, %swap3A_416] {strides = array<i32>} : memref<64x144xf32, #tpu.memory_space<vmem>>, vector<16xf32>,
        tpu.vector_store %arg23[%swap3A_415, %swap3A_416], %mul3A_414 {strides = array<i32>} : memref<64x144xf32, #tpu.memory_space<vmem>>, vector<16xf32>,
        %mul3A_418 = arith.mulf %bitcast3A_389, %gather3A_413 : vector<16xf32>
        %swap3A_419 = arith.index_cast %scan3A_285 : i32 to index
        %swap3A_420 = arith.constant 80 : index
        %swap3A_421 = tpu.vector_load %arg23[%swap3A_419, %swap3A_420] {strides = array<i32>} : memref<64x144xf32, #tpu.memory_space<vmem>>, vector<16xf32>,
        tpu.vector_store %arg23[%swap3A_419, %swap3A_420], %mul3A_418 {strides = array<i32>} : memref<64x144xf32, #tpu.memory_space<vmem>>, vector<16xf32>,
        %get3A_422 = arith.index_cast %scan3A_285 : i32 to index
        %get3A_423 = arith.constant 48 : index
        %get3A_424 = tpu.vector_load %arg19[%get3A_422, %get3A_423] {strides = array<i32>} : memref<64x80xi32, #tpu.memory_space<vmem>>, vector<16xi32>,
        %shift_left3A_425 = arith.constant 16 : i32
        %shift_left3A_426 = vector.broadcast %shift_left3A_425 : i32 to vector<16xi32>
        %shift_left3A_427 = arith.shli %get3A_424, %shift_left3A_426 : vector<16xi32>
        %bitcast3A_428 = vector.bitcast %shift_left3A_427 : vector<16xi32> to vector<16xf32>
        %and3A_429 = arith.andi %get3A_424, %broadcast_in_dim3A_3 : vector<16xi32>
        %bitcast3A_430 = vector.bitcast %and3A_429 : vector<16xi32> to vector<16xf32>
        %broadcast_in_dim3A_431 = arith.constant 3 : i32
        %broadcast_in_dim3A_432 = vector.broadcast %broadcast_in_dim3A_431 : i32 to vector<16xi32>
        %lt3A_433 = arith.constant 0 : i32
        %lt3A_434 = vector.broadcast %lt3A_433 : i32 to vector<16xi32>
        %lt3A_435 = arith.cmpi slt, %broadcast_in_dim3A_432, %lt3A_434 : vector<16xi32>
        %add3A_436 = arith.constant 16 : i32
        %add3A_437 = vector.broadcast %add3A_436 : i32 to vector<16xi32>
        %add3A_438 = arith.addi %broadcast_in_dim3A_432, %add3A_437 : vector<16xi32>
        %select_n3A_439 = arith.select %lt3A_435, %add3A_438, %broadcast_in_dim3A_432 : vector<16xi1>, vector<16xi32>
        %broadcast_in_dim3A_440 = vector.shape_cast %select_n3A_439 : vector<16xi32> to vector<16x1xi32>
        %gather3A_441 = vector.shape_cast %broadcast_in_dim3A_440 : vector<16x1xi32> to vector<16xi32>
        %gather3A_442 = tpu.dynamic_gather %exp3A[%gather3A_441] in [0] : vector<16xf32>, vector<16xi32> -> vector<16xf32>
        %broadcast_in_dim3A_443 = arith.constant 7 : i32
        %broadcast_in_dim3A_444 = vector.broadcast %broadcast_in_dim3A_443 : i32 to vector<16xi32>
        %lt3A_445 = arith.constant 0 : i32
        %lt3A_446 = vector.broadcast %lt3A_445 : i32 to vector<16xi32>
        %lt3A_447 = arith.cmpi slt, %broadcast_in_dim3A_444, %lt3A_446 : vector<16xi32>
        %add3A_448 = arith.constant 16 : i32
        %add3A_449 = vector.broadcast %add3A_448 : i32 to vector<16xi32>
        %add3A_450 = arith.addi %broadcast_in_dim3A_444, %add3A_449 : vector<16xi32>
        %select_n3A_451 = arith.select %lt3A_447, %add3A_450, %broadcast_in_dim3A_444 : vector<16xi1>, vector<16xi32>
        %broadcast_in_dim3A_452 = vector.shape_cast %select_n3A_451 : vector<16xi32> to vector<16x1xi32>
        %gather3A_453 = vector.shape_cast %broadcast_in_dim3A_452 : vector<16x1xi32> to vector<16xi32>
        %gather3A_454 = tpu.dynamic_gather %exp3A[%gather3A_453] in [0] : vector<16xf32>, vector<16xi32> -> vector<16xf32>
        %mul3A_455 = arith.mulf %bitcast3A_428, %gather3A_442 : vector<16xf32>
        %swap3A_456 = arith.index_cast %scan3A_285 : i32 to index
        %swap3A_457 = arith.constant 96 : index
        %swap3A_458 = tpu.vector_load %arg23[%swap3A_456, %swap3A_457] {strides = array<i32>} : memref<64x144xf32, #tpu.memory_space<vmem>>, vector<16xf32>,
        tpu.vector_store %arg23[%swap3A_456, %swap3A_457], %mul3A_455 {strides = array<i32>} : memref<64x144xf32, #tpu.memory_space<vmem>>, vector<16xf32>,
        %mul3A_459 = arith.mulf %bitcast3A_430, %gather3A_454 : vector<16xf32>
        %swap3A_460 = arith.index_cast %scan3A_285 : i32 to index
        %swap3A_461 = arith.constant 112 : index
        %swap3A_462 = tpu.vector_load %arg23[%swap3A_460, %swap3A_461] {strides = array<i32>} : memref<64x144xf32, #tpu.memory_space<vmem>>, vector<16xf32>,
        tpu.vector_store %arg23[%swap3A_460, %swap3A_461], %mul3A_459 {strides = array<i32>} : memref<64x144xf32, #tpu.memory_space<vmem>>, vector<16xf32>,
        %scan3A_463 = arith.constant 0 : i32
        %scan3A_464 = arith.constant 1 : i32
        %scan3A_465 = arith.addi %scan3A_285, %scan3A_464 : i32
        %get3A_466 = arith.index_cast %scan3A_465 : i32 to index
        %get3A_467 = arith.constant 64 : index
        %get3A_468 = tpu.vector_load %arg19[%get3A_466, %get3A_467] {strides = array<i32>} : memref<64x80xi32, #tpu.memory_space<vmem>>, vector<16xi32>,
        %bitcast3A_469 = vector.bitcast %get3A_468 : vector<16xi32> to vector<16xf32>
        %get3A_470 = arith.index_cast %scan3A_465 : i32 to index
        %get3A_471 = arith.constant 0 : index
        %get3A_472 = tpu.vector_load %arg20[%get3A_470, %get3A_471] {strides = array<i32>} : memref<64x16xf32, #tpu.memory_space<vmem>>, vector<16xf32>,
        %add3A_473 = arith.addf %bitcast3A_469, %get3A_472 : vector<16xf32>
        %gt3A_474 = arith.constant 0.000000e+00 : f32
        %gt3A_475 = vector.broadcast %gt3A_474 : f32 to vector<16xf32>
        %gt3A_476 = arith.cmpf ogt, %add3A_473, %gt3A_475 : vector<16xf32>
        %mul3A_477 = arith.constant 0.00999999977 : f32
        %mul3A_478 = vector.broadcast %mul3A_477 : f32 to vector<16xf32>
        %mul3A_479 = arith.mulf %mul3A_478, %add3A_473 : vector<16xf32>
        %select_n3A_480 = arith.select %gt3A_476, %add3A_473, %mul3A_479 : vector<16xi1>, vector<16xf32>
        %sub3A_481 = arith.subf %select_n3A_480, %get3A_50 : vector<16xf32>
        %exp3A_482 = math.exp %sub3A_481 : vector<16xf32>
        %swap3A_483 = arith.index_cast %scan3A_465 : i32 to index
        %swap3A_484 = arith.constant 128 : index
        %swap3A_485 = tpu.vector_load %arg23[%swap3A_483, %swap3A_484] {strides = array<i32>} : memref<64x144xf32, #tpu.memory_space<vmem>>, vector<16xf32>,
        tpu.vector_store %arg23[%swap3A_483, %swap3A_484], %exp3A_482 {strides = array<i32>} : memref<64x144xf32, #tpu.memory_space<vmem>>, vector<16xf32>,
        %get3A_486 = arith.index_cast %scan3A_465 : i32 to index
        %get3A_487 = arith.constant 0 : index
        %get3A_488 = tpu.vector_load %arg19[%get3A_486, %get3A_487] {strides = array<i32>} : memref<64x80xi32, #tpu.memory_space<vmem>>, vector<16xi32>,
        %shift_left3A_489 = arith.constant 16 : i32
        %shift_left3A_490 = vector.broadcast %shift_left3A_489 : i32 to vector<16xi32>
        %shift_left3A_491 = arith.shli %get3A_488, %shift_left3A_490 : vector<16xi32>
        %bitcast3A_492 = vector.bitcast %shift_left3A_491 : vector<16xi32> to vector<16xf32>
        %and3A_493 = arith.andi %get3A_488, %broadcast_in_dim3A_3 : vector<16xi32>
        %bitcast3A_494 = vector.bitcast %and3A_493 : vector<16xi32> to vector<16xf32>
        %broadcast_in_dim3A_495 = arith.constant 0 : i32
        %broadcast_in_dim3A_496 = vector.broadcast %broadcast_in_dim3A_495 : i32 to vector<16xi32>
        %lt3A_497 = arith.constant 0 : i32
        %lt3A_498 = vector.broadcast %lt3A_497 : i32 to vector<16xi32>
        %lt3A_499 = arith.cmpi slt, %broadcast_in_dim3A_496, %lt3A_498 : vector<16xi32>
        %add3A_500 = arith.constant 16 : i32
        %add3A_501 = vector.broadcast %add3A_500 : i32 to vector<16xi32>
        %add3A_502 = arith.addi %broadcast_in_dim3A_496, %add3A_501 : vector<16xi32>
        %select_n3A_503 = arith.select %lt3A_499, %add3A_502, %broadcast_in_dim3A_496 : vector<16xi1>, vector<16xi32>
        %broadcast_in_dim3A_504 = vector.shape_cast %select_n3A_503 : vector<16xi32> to vector<16x1xi32>
        %gather3A_505 = vector.shape_cast %broadcast_in_dim3A_504 : vector<16x1xi32> to vector<16xi32>
        %gather3A_506 = tpu.dynamic_gather %exp3A_482[%gather3A_505] in [0] : vector<16xf32>, vector<16xi32> -> vector<16xf32>
        %broadcast_in_dim3A_507 = arith.constant 4 : i32
        %broadcast_in_dim3A_508 = vector.broadcast %broadcast_in_dim3A_507 : i32 to vector<16xi32>
        %lt3A_509 = arith.constant 0 : i32
        %lt3A_510 = vector.broadcast %lt3A_509 : i32 to vector<16xi32>
        %lt3A_511 = arith.cmpi slt, %broadcast_in_dim3A_508, %lt3A_510 : vector<16xi32>
        %add3A_512 = arith.constant 16 : i32
        %add3A_513 = vector.broadcast %add3A_512 : i32 to vector<16xi32>
        %add3A_514 = arith.addi %broadcast_in_dim3A_508, %add3A_513 : vector<16xi32>
        %select_n3A_515 = arith.select %lt3A_511, %add3A_514, %broadcast_in_dim3A_508 : vector<16xi1>, vector<16xi32>
        %broadcast_in_dim3A_516 = vector.shape_cast %select_n3A_515 : vector<16xi32> to vector<16x1xi32>
        %gather3A_517 = vector.shape_cast %broadcast_in_dim3A_516 : vector<16x1xi32> to vector<16xi32>
        %gather3A_518 = tpu.dynamic_gather %exp3A_482[%gather3A_517] in [0] : vector<16xf32>, vector<16xi32> -> vector<16xf32>
        %mul3A_519 = arith.mulf %bitcast3A_492, %gather3A_506 : vector<16xf32>
        %swap3A_520 = arith.index_cast %scan3A_465 : i32 to index
        %swap3A_521 = arith.constant 0 : index
        %swap3A_522 = tpu.vector_load %arg23[%swap3A_520, %swap3A_521] {strides = array<i32>} : memref<64x144xf32, #tpu.memory_space<vmem>>, vector<16xf32>,
        tpu.vector_store %arg23[%swap3A_520, %swap3A_521], %mul3A_519 {strides = array<i32>} : memref<64x144xf32, #tpu.memory_space<vmem>>, vector<16xf32>,
        %mul3A_523 = arith.mulf %bitcast3A_494, %gather3A_518 : vector<16xf32>
        %swap3A_524 = arith.index_cast %scan3A_465 : i32 to index
        %swap3A_525 = arith.constant 16 : index
        %swap3A_526 = tpu.vector_load %arg23[%swap3A_524, %swap3A_525] {strides = array<i32>} : memref<64x144xf32, #tpu.memory_space<vmem>>, vector<16xf32>,
        tpu.vector_store %arg23[%swap3A_524, %swap3A_525], %mul3A_523 {strides = array<i32>} : memref<64x144xf32, #tpu.memory_space<vmem>>, vector<16xf32>,
        %get3A_527 = arith.index_cast %scan3A_465 : i32 to index
        %get3A_528 = arith.constant 16 : index
        %get3A_529 = tpu.vector_load %arg19[%get3A_527, %get3A_528] {strides = array<i32>} : memref<64x80xi32, #tpu.memory_space<vmem>>, vector<16xi32>,
        %shift_left3A_530 = arith.constant 16 : i32
        %shift_left3A_531 = vector.broadcast %shift_left3A_530 : i32 to vector<16xi32>
        %shift_left3A_532 = arith.shli %get3A_529, %shift_left3A_531 : vector<16xi32>
        %bitcast3A_533 = vector.bitcast %shift_left3A_532 : vector<16xi32> to vector<16xf32>
        %and3A_534 = arith.andi %get3A_529, %broadcast_in_dim3A_3 : vector<16xi32>
        %bitcast3A_535 = vector.bitcast %and3A_534 : vector<16xi32> to vector<16xf32>
        %broadcast_in_dim3A_536 = arith.constant 1 : i32
        %broadcast_in_dim3A_537 = vector.broadcast %broadcast_in_dim3A_536 : i32 to vector<16xi32>
        %lt3A_538 = arith.constant 0 : i32
        %lt3A_539 = vector.broadcast %lt3A_538 : i32 to vector<16xi32>
        %lt3A_540 = arith.cmpi slt, %broadcast_in_dim3A_537, %lt3A_539 : vector<16xi32>
        %add3A_541 = arith.constant 16 : i32
        %add3A_542 = vector.broadcast %add3A_541 : i32 to vector<16xi32>
        %add3A_543 = arith.addi %broadcast_in_dim3A_537, %add3A_542 : vector<16xi32>
        %select_n3A_544 = arith.select %lt3A_540, %add3A_543, %broadcast_in_dim3A_537 : vector<16xi1>, vector<16xi32>
        %broadcast_in_dim3A_545 = vector.shape_cast %select_n3A_544 : vector<16xi32> to vector<16x1xi32>
        %gather3A_546 = vector.shape_cast %broadcast_in_dim3A_545 : vector<16x1xi32> to vector<16xi32>
        %gather3A_547 = tpu.dynamic_gather %exp3A_482[%gather3A_546] in [0] : vector<16xf32>, vector<16xi32> -> vector<16xf32>
        %broadcast_in_dim3A_548 = arith.constant 5 : i32
        %broadcast_in_dim3A_549 = vector.broadcast %broadcast_in_dim3A_548 : i32 to vector<16xi32>
        %lt3A_550 = arith.constant 0 : i32
        %lt3A_551 = vector.broadcast %lt3A_550 : i32 to vector<16xi32>
        %lt3A_552 = arith.cmpi slt, %broadcast_in_dim3A_549, %lt3A_551 : vector<16xi32>
        %add3A_553 = arith.constant 16 : i32
        %add3A_554 = vector.broadcast %add3A_553 : i32 to vector<16xi32>
        %add3A_555 = arith.addi %broadcast_in_dim3A_549, %add3A_554 : vector<16xi32>
        %select_n3A_556 = arith.select %lt3A_552, %add3A_555, %broadcast_in_dim3A_549 : vector<16xi1>, vector<16xi32>
        %broadcast_in_dim3A_557 = vector.shape_cast %select_n3A_556 : vector<16xi32> to vector<16x1xi32>
        %gather3A_558 = vector.shape_cast %broadcast_in_dim3A_557 : vector<16x1xi32> to vector<16xi32>
        %gather3A_559 = tpu.dynamic_gather %exp3A_482[%gather3A_558] in [0] : vector<16xf32>, vector<16xi32> -> vector<16xf32>
        %mul3A_560 = arith.mulf %bitcast3A_533, %gather3A_547 : vector<16xf32>
        %swap3A_561 = arith.index_cast %scan3A_465 : i32 to index
        %swap3A_562 = arith.constant 32 : index
        %swap3A_563 = tpu.vector_load %arg23[%swap3A_561, %swap3A_562] {strides = array<i32>} : memref<64x144xf32, #tpu.memory_space<vmem>>, vector<16xf32>,
        tpu.vector_store %arg23[%swap3A_561, %swap3A_562], %mul3A_560 {strides = array<i32>} : memref<64x144xf32, #tpu.memory_space<vmem>>, vector<16xf32>,
        %mul3A_564 = arith.mulf %bitcast3A_535, %gather3A_559 : vector<16xf32>
        %swap3A_565 = arith.index_cast %scan3A_465 : i32 to index
        %swap3A_566 = arith.constant 48 : index
        %swap3A_567 = tpu.vector_load %arg23[%swap3A_565, %swap3A_566] {strides = array<i32>} : memref<64x144xf32, #tpu.memory_space<vmem>>, vector<16xf32>,
        tpu.vector_store %arg23[%swap3A_565, %swap3A_566], %mul3A_564 {strides = array<i32>} : memref<64x144xf32, #tpu.memory_space<vmem>>, vector<16xf32>,
        %get3A_568 = arith.index_cast %scan3A_465 : i32 to index
        %get3A_569 = arith.constant 32 : index
        %get3A_570 = tpu.vector_load %arg19[%get3A_568, %get3A_569] {strides = array<i32>} : memref<64x80xi32, #tpu.memory_space<vmem>>, vector<16xi32>,
        %shift_left3A_571 = arith.constant 16 : i32
        %shift_left3A_572 = vector.broadcast %shift_left3A_571 : i32 to vector<16xi32>
        %shift_left3A_573 = arith.shli %get3A_570, %shift_left3A_572 : vector<16xi32>
        %bitcast3A_574 = vector.bitcast %shift_left3A_573 : vector<16xi32> to vector<16xf32>
        %and3A_575 = arith.andi %get3A_570, %broadcast_in_dim3A_3 : vector<16xi32>
        %bitcast3A_576 = vector.bitcast %and3A_575 : vector<16xi32> to vector<16xf32>
        %broadcast_in_dim3A_577 = arith.constant 2 : i32
        %broadcast_in_dim3A_578 = vector.broadcast %broadcast_in_dim3A_577 : i32 to vector<16xi32>
        %lt3A_579 = arith.constant 0 : i32
        %lt3A_580 = vector.broadcast %lt3A_579 : i32 to vector<16xi32>
        %lt3A_581 = arith.cmpi slt, %broadcast_in_dim3A_578, %lt3A_580 : vector<16xi32>
        %add3A_582 = arith.constant 16 : i32
        %add3A_583 = vector.broadcast %add3A_582 : i32 to vector<16xi32>
        %add3A_584 = arith.addi %broadcast_in_dim3A_578, %add3A_583 : vector<16xi32>
        %select_n3A_585 = arith.select %lt3A_581, %add3A_584, %broadcast_in_dim3A_578 : vector<16xi1>, vector<16xi32>
        %broadcast_in_dim3A_586 = vector.shape_cast %select_n3A_585 : vector<16xi32> to vector<16x1xi32>
        %gather3A_587 = vector.shape_cast %broadcast_in_dim3A_586 : vector<16x1xi32> to vector<16xi32>
        %gather3A_588 = tpu.dynamic_gather %exp3A_482[%gather3A_587] in [0] : vector<16xf32>, vector<16xi32> -> vector<16xf32>
        %broadcast_in_dim3A_589 = arith.constant 6 : i32
        %broadcast_in_dim3A_590 = vector.broadcast %broadcast_in_dim3A_589 : i32 to vector<16xi32>
        %lt3A_591 = arith.constant 0 : i32
        %lt3A_592 = vector.broadcast %lt3A_591 : i32 to vector<16xi32>
        %lt3A_593 = arith.cmpi slt, %broadcast_in_dim3A_590, %lt3A_592 : vector<16xi32>
        %add3A_594 = arith.constant 16 : i32
        %add3A_595 = vector.broadcast %add3A_594 : i32 to vector<16xi32>
        %add3A_596 = arith.addi %broadcast_in_dim3A_590, %add3A_595 : vector<16xi32>
        %select_n3A_597 = arith.select %lt3A_593, %add3A_596, %broadcast_in_dim3A_590 : vector<16xi1>, vector<16xi32>
        %broadcast_in_dim3A_598 = vector.shape_cast %select_n3A_597 : vector<16xi32> to vector<16x1xi32>
        %gather3A_599 = vector.shape_cast %broadcast_in_dim3A_598 : vector<16x1xi32> to vector<16xi32>
        %gather3A_600 = tpu.dynamic_gather %exp3A_482[%gather3A_599] in [0] : vector<16xf32>, vector<16xi32> -> vector<16xf32>
        %mul3A_601 = arith.mulf %bitcast3A_574, %gather3A_588 : vector<16xf32>
        %swap3A_602 = arith.index_cast %scan3A_465 : i32 to index
        %swap3A_603 = arith.constant 64 : index
        %swap3A_604 = tpu.vector_load %arg23[%swap3A_602, %swap3A_603] {strides = array<i32>} : memref<64x144xf32, #tpu.memory_space<vmem>>, vector<16xf32>,
        tpu.vector_store %arg23[%swap3A_602, %swap3A_603], %mul3A_601 {strides = array<i32>} : memref<64x144xf32, #tpu.memory_space<vmem>>, vector<16xf32>,
        %mul3A_605 = arith.mulf %bitcast3A_576, %gather3A_600 : vector<16xf32>
        %swap3A_606 = arith.index_cast %scan3A_465 : i32 to index
        %swap3A_607 = arith.constant 80 : index
        %swap3A_608 = tpu.vector_load %arg23[%swap3A_606, %swap3A_607] {strides = array<i32>} : memref<64x144xf32, #tpu.memory_space<vmem>>, vector<16xf32>,
        tpu.vector_store %arg23[%swap3A_606, %swap3A_607], %mul3A_605 {strides = array<i32>} : memref<64x144xf32, #tpu.memory_space<vmem>>, vector<16xf32>,
        %get3A_609 = arith.index_cast %scan3A_465 : i32 to index
        %get3A_610 = arith.constant 48 : index
        %get3A_611 = tpu.vector_load %arg19[%get3A_609, %get3A_610] {strides = array<i32>} : memref<64x80xi32, #tpu.memory_space<vmem>>, vector<16xi32>,
        %shift_left3A_612 = arith.constant 16 : i32
        %shift_left3A_613 = vector.broadcast %shift_left3A_612 : i32 to vector<16xi32>
        %shift_left3A_614 = arith.shli %get3A_611, %shift_left3A_613 : vector<16xi32>
        %bitcast3A_615 = vector.bitcast %shift_left3A_614 : vector<16xi32> to vector<16xf32>
        %and3A_616 = arith.andi %get3A_611, %broadcast_in_dim3A_3 : vector<16xi32>
        %bitcast3A_617 = vector.bitcast %and3A_616 : vector<16xi32> to vector<16xf32>
        %broadcast_in_dim3A_618 = arith.constant 3 : i32
        %broadcast_in_dim3A_619 = vector.broadcast %broadcast_in_dim3A_618 : i32 to vector<16xi32>
        %lt3A_620 = arith.constant 0 : i32
        %lt3A_621 = vector.broadcast %lt3A_620 : i32 to vector<16xi32>
        %lt3A_622 = arith.cmpi slt, %broadcast_in_dim3A_619, %lt3A_621 : vector<16xi32>
        %add3A_623 = arith.constant 16 : i32
        %add3A_624 = vector.broadcast %add3A_623 : i32 to vector<16xi32>
        %add3A_625 = arith.addi %broadcast_in_dim3A_619, %add3A_624 : vector<16xi32>
        %select_n3A_626 = arith.select %lt3A_622, %add3A_625, %broadcast_in_dim3A_619 : vector<16xi1>, vector<16xi32>
        %broadcast_in_dim3A_627 = vector.shape_cast %select_n3A_626 : vector<16xi32> to vector<16x1xi32>
        %gather3A_628 = vector.shape_cast %broadcast_in_dim3A_627 : vector<16x1xi32> to vector<16xi32>
        %gather3A_629 = tpu.dynamic_gather %exp3A_482[%gather3A_628] in [0] : vector<16xf32>, vector<16xi32> -> vector<16xf32>
        %broadcast_in_dim3A_630 = arith.constant 7 : i32
        %broadcast_in_dim3A_631 = vector.broadcast %broadcast_in_dim3A_630 : i32 to vector<16xi32>
        %lt3A_632 = arith.constant 0 : i32
        %lt3A_633 = vector.broadcast %lt3A_632 : i32 to vector<16xi32>
        %lt3A_634 = arith.cmpi slt, %broadcast_in_dim3A_631, %lt3A_633 : vector<16xi32>
        %add3A_635 = arith.constant 16 : i32
        %add3A_636 = vector.broadcast %add3A_635 : i32 to vector<16xi32>
        %add3A_637 = arith.addi %broadcast_in_dim3A_631, %add3A_636 : vector<16xi32>
        %select_n3A_638 = arith.select %lt3A_634, %add3A_637, %broadcast_in_dim3A_631 : vector<16xi1>, vector<16xi32>
        %broadcast_in_dim3A_639 = vector.shape_cast %select_n3A_638 : vector<16xi32> to vector<16x1xi32>
        %gather3A_640 = vector.shape_cast %broadcast_in_dim3A_639 : vector<16x1xi32> to vector<16xi32>
        %gather3A_641 = tpu.dynamic_gather %exp3A_482[%gather3A_640] in [0] : vector<16xf32>, vector<16xi32> -> vector<16xf32>
        %mul3A_642 = arith.mulf %bitcast3A_615, %gather3A_629 : vector<16xf32>
        %swap3A_643 = arith.index_cast %scan3A_465 : i32 to index
        %swap3A_644 = arith.constant 96 : index
        %swap3A_645 = tpu.vector_load %arg23[%swap3A_643, %swap3A_644] {strides = array<i32>} : memref<64x144xf32, #tpu.memory_space<vmem>>, vector<16xf32>,
        tpu.vector_store %arg23[%swap3A_643, %swap3A_644], %mul3A_642 {strides = array<i32>} : memref<64x144xf32, #tpu.memory_space<vmem>>, vector<16xf32>,
        %mul3A_646 = arith.mulf %bitcast3A_617, %gather3A_641 : vector<16xf32>
        %swap3A_647 = arith.index_cast %scan3A_465 : i32 to index
        %swap3A_648 = arith.constant 112 : index
        %swap3A_649 = tpu.vector_load %arg23[%swap3A_647, %swap3A_648] {strides = array<i32>} : memref<64x144xf32, #tpu.memory_space<vmem>>, vector<16xf32>,
        tpu.vector_store %arg23[%swap3A_647, %swap3A_648], %mul3A_646 {strides = array<i32>} : memref<64x144xf32, #tpu.memory_space<vmem>>, vector<16xf32>,
        %scan3A_650 = arith.constant 0 : i32
        %scan3A_651 = arith.constant 2 : i32
        %scan3A_652 = arith.addi %scan3A_285, %scan3A_651 : i32
        %get3A_653 = arith.index_cast %scan3A_652 : i32 to index
        %get3A_654 = arith.constant 64 : index
        %get3A_655 = tpu.vector_load %arg19[%get3A_653, %get3A_654] {strides = array<i32>} : memref<64x80xi32, #tpu.memory_space<vmem>>, vector<16xi32>,
        %bitcast3A_656 = vector.bitcast %get3A_655 : vector<16xi32> to vector<16xf32>
        %get3A_657 = arith.index_cast %scan3A_652 : i32 to index
        %get3A_658 = arith.constant 0 : index
        %get3A_659 = tpu.vector_load %arg20[%get3A_657, %get3A_658] {strides = array<i32>} : memref<64x16xf32, #tpu.memory_space<vmem>>, vector<16xf32>,
        %add3A_660 = arith.addf %bitcast3A_656, %get3A_659 : vector<16xf32>
        %gt3A_661 = arith.constant 0.000000e+00 : f32
        %gt3A_662 = vector.broadcast %gt3A_661 : f32 to vector<16xf32>
        %gt3A_663 = arith.cmpf ogt, %add3A_660, %gt3A_662 : vector<16xf32>
        %mul3A_664 = arith.constant 0.00999999977 : f32
        %mul3A_665 = vector.broadcast %mul3A_664 : f32 to vector<16xf32>
        %mul3A_666 = arith.mulf %mul3A_665, %add3A_660 : vector<16xf32>
        %select_n3A_667 = arith.select %gt3A_663, %add3A_660, %mul3A_666 : vector<16xi1>, vector<16xf32>
        %sub3A_668 = arith.subf %select_n3A_667, %get3A_50 : vector<16xf32>
        %exp3A_669 = math.exp %sub3A_668 : vector<16xf32>
        %swap3A_670 = arith.index_cast %scan3A_652 : i32 to index
        %swap3A_671 = arith.constant 128 : index
        %swap3A_672 = tpu.vector_load %arg23[%swap3A_670, %swap3A_671] {strides = array<i32>} : memref<64x144xf32, #tpu.memory_space<vmem>>, vector<16xf32>,
        tpu.vector_store %arg23[%swap3A_670, %swap3A_671], %exp3A_669 {strides = array<i32>} : memref<64x144xf32, #tpu.memory_space<vmem>>, vector<16xf32>,
        %get3A_673 = arith.index_cast %scan3A_652 : i32 to index
        %get3A_674 = arith.constant 0 : index
        %get3A_675 = tpu.vector_load %arg19[%get3A_673, %get3A_674] {strides = array<i32>} : memref<64x80xi32, #tpu.memory_space<vmem>>, vector<16xi32>,
        %shift_left3A_676 = arith.constant 16 : i32
        %shift_left3A_677 = vector.broadcast %shift_left3A_676 : i32 to vector<16xi32>
        %shift_left3A_678 = arith.shli %get3A_675, %shift_left3A_677 : vector<16xi32>
        %bitcast3A_679 = vector.bitcast %shift_left3A_678 : vector<16xi32> to vector<16xf32>
        %and3A_680 = arith.andi %get3A_675, %broadcast_in_dim3A_3 : vector<16xi32>
        %bitcast3A_681 = vector.bitcast %and3A_680 : vector<16xi32> to vector<16xf32>
        %broadcast_in_dim3A_682 = arith.constant 0 : i32
        %broadcast_in_dim3A_683 = vector.broadcast %broadcast_in_dim3A_682 : i32 to vector<16xi32>
        %lt3A_684 = arith.constant 0 : i32
        %lt3A_685 = vector.broadcast %lt3A_684 : i32 to vector<16xi32>
        %lt3A_686 = arith.cmpi slt, %broadcast_in_dim3A_683, %lt3A_685 : vector<16xi32>
        %add3A_687 = arith.constant 16 : i32
        %add3A_688 = vector.broadcast %add3A_687 : i32 to vector<16xi32>
        %add3A_689 = arith.addi %broadcast_in_dim3A_683, %add3A_688 : vector<16xi32>
        %select_n3A_690 = arith.select %lt3A_686, %add3A_689, %broadcast_in_dim3A_683 : vector<16xi1>, vector<16xi32>
        %broadcast_in_dim3A_691 = vector.shape_cast %select_n3A_690 : vector<16xi32> to vector<16x1xi32>
        %gather3A_692 = vector.shape_cast %broadcast_in_dim3A_691 : vector<16x1xi32> to vector<16xi32>
        %gather3A_693 = tpu.dynamic_gather %exp3A_669[%gather3A_692] in [0] : vector<16xf32>, vector<16xi32> -> vector<16xf32>
        %broadcast_in_dim3A_694 = arith.constant 4 : i32
        %broadcast_in_dim3A_695 = vector.broadcast %broadcast_in_dim3A_694 : i32 to vector<16xi32>
        %lt3A_696 = arith.constant 0 : i32
        %lt3A_697 = vector.broadcast %lt3A_696 : i32 to vector<16xi32>
        %lt3A_698 = arith.cmpi slt, %broadcast_in_dim3A_695, %lt3A_697 : vector<16xi32>
        %add3A_699 = arith.constant 16 : i32
        %add3A_700 = vector.broadcast %add3A_699 : i32 to vector<16xi32>
        %add3A_701 = arith.addi %broadcast_in_dim3A_695, %add3A_700 : vector<16xi32>
        %select_n3A_702 = arith.select %lt3A_698, %add3A_701, %broadcast_in_dim3A_695 : vector<16xi1>, vector<16xi32>
        %broadcast_in_dim3A_703 = vector.shape_cast %select_n3A_702 : vector<16xi32> to vector<16x1xi32>
        %gather3A_704 = vector.shape_cast %broadcast_in_dim3A_703 : vector<16x1xi32> to vector<16xi32>
        %gather3A_705 = tpu.dynamic_gather %exp3A_669[%gather3A_704] in [0] : vector<16xf32>, vector<16xi32> -> vector<16xf32>
        %mul3A_706 = arith.mulf %bitcast3A_679, %gather3A_693 : vector<16xf32>
        %swap3A_707 = arith.index_cast %scan3A_652 : i32 to index
        %swap3A_708 = arith.constant 0 : index
        %swap3A_709 = tpu.vector_load %arg23[%swap3A_707, %swap3A_708] {strides = array<i32>} : memref<64x144xf32, #tpu.memory_space<vmem>>, vector<16xf32>,
        tpu.vector_store %arg23[%swap3A_707, %swap3A_708], %mul3A_706 {strides = array<i32>} : memref<64x144xf32, #tpu.memory_space<vmem>>, vector<16xf32>,
        %mul3A_710 = arith.mulf %bitcast3A_681, %gather3A_705 : vector<16xf32>
        %swap3A_711 = arith.index_cast %scan3A_652 : i32 to index
        %swap3A_712 = arith.constant 16 : index
        %swap3A_713 = tpu.vector_load %arg23[%swap3A_711, %swap3A_712] {strides = array<i32>} : memref<64x144xf32, #tpu.memory_space<vmem>>, vector<16xf32>,
        tpu.vector_store %arg23[%swap3A_711, %swap3A_712], %mul3A_710 {strides = array<i32>} : memref<64x144xf32, #tpu.memory_space<vmem>>, vector<16xf32>,
        %get3A_714 = arith.index_cast %scan3A_652 : i32 to index
        %get3A_715 = arith.constant 16 : index
        %get3A_716 = tpu.vector_load %arg19[%get3A_714, %get3A_715] {strides = array<i32>} : memref<64x80xi32, #tpu.memory_space<vmem>>, vector<16xi32>,
        %shift_left3A_717 = arith.constant 16 : i32
        %shift_left3A_718 = vector.broadcast %shift_left3A_717 : i32 to vector<16xi32>
        %shift_left3A_719 = arith.shli %get3A_716, %shift_left3A_718 : vector<16xi32>
        %bitcast3A_720 = vector.bitcast %shift_left3A_719 : vector<16xi32> to vector<16xf32>
        %and3A_721 = arith.andi %get3A_716, %broadcast_in_dim3A_3 : vector<16xi32>
        %bitcast3A_722 = vector.bitcast %and3A_721 : vector<16xi32> to vector<16xf32>
        %broadcast_in_dim3A_723 = arith.constant 1 : i32
        %broadcast_in_dim3A_724 = vector.broadcast %broadcast_in_dim3A_723 : i32 to vector<16xi32>
        %lt3A_725 = arith.constant 0 : i32
        %lt3A_726 = vector.broadcast %lt3A_725 : i32 to vector<16xi32>
        %lt3A_727 = arith.cmpi slt, %broadcast_in_dim3A_724, %lt3A_726 : vector<16xi32>
        %add3A_728 = arith.constant 16 : i32
        %add3A_729 = vector.broadcast %add3A_728 : i32 to vector<16xi32>
        %add3A_730 = arith.addi %broadcast_in_dim3A_724, %add3A_729 : vector<16xi32>
        %select_n3A_731 = arith.select %lt3A_727, %add3A_730, %broadcast_in_dim3A_724 : vector<16xi1>, vector<16xi32>
        %broadcast_in_dim3A_732 = vector.shape_cast %select_n3A_731 : vector<16xi32> to vector<16x1xi32>
        %gather3A_733 = vector.shape_cast %broadcast_in_dim3A_732 : vector<16x1xi32> to vector<16xi32>
        %gather3A_734 = tpu.dynamic_gather %exp3A_669[%gather3A_733] in [0] : vector<16xf32>, vector<16xi32> -> vector<16xf32>
        %broadcast_in_dim3A_735 = arith.constant 5 : i32
        %broadcast_in_dim3A_736 = vector.broadcast %broadcast_in_dim3A_735 : i32 to vector<16xi32>
        %lt3A_737 = arith.constant 0 : i32
        %lt3A_738 = vector.broadcast %lt3A_737 : i32 to vector<16xi32>
        %lt3A_739 = arith.cmpi slt, %broadcast_in_dim3A_736, %lt3A_738 : vector<16xi32>
        %add3A_740 = arith.constant 16 : i32
        %add3A_741 = vector.broadcast %add3A_740 : i32 to vector<16xi32>
        %add3A_742 = arith.addi %broadcast_in_dim3A_736, %add3A_741 : vector<16xi32>
        %select_n3A_743 = arith.select %lt3A_739, %add3A_742, %broadcast_in_dim3A_736 : vector<16xi1>, vector<16xi32>
        %broadcast_in_dim3A_744 = vector.shape_cast %select_n3A_743 : vector<16xi32> to vector<16x1xi32>
        %gather3A_745 = vector.shape_cast %broadcast_in_dim3A_744 : vector<16x1xi32> to vector<16xi32>
        %gather3A_746 = tpu.dynamic_gather %exp3A_669[%gather3A_745] in [0] : vector<16xf32>, vector<16xi32> -> vector<16xf32>
        %mul3A_747 = arith.mulf %bitcast3A_720, %gather3A_734 : vector<16xf32>
        %swap3A_748 = arith.index_cast %scan3A_652 : i32 to index
        %swap3A_749 = arith.constant 32 : index
        %swap3A_750 = tpu.vector_load %arg23[%swap3A_748, %swap3A_749] {strides = array<i32>} : memref<64x144xf32, #tpu.memory_space<vmem>>, vector<16xf32>,
        tpu.vector_store %arg23[%swap3A_748, %swap3A_749], %mul3A_747 {strides = array<i32>} : memref<64x144xf32, #tpu.memory_space<vmem>>, vector<16xf32>,
        %mul3A_751 = arith.mulf %bitcast3A_722, %gather3A_746 : vector<16xf32>
        %swap3A_752 = arith.index_cast %scan3A_652 : i32 to index
        %swap3A_753 = arith.constant 48 : index
        %swap3A_754 = tpu.vector_load %arg23[%swap3A_752, %swap3A_753] {strides = array<i32>} : memref<64x144xf32, #tpu.memory_space<vmem>>, vector<16xf32>,
        tpu.vector_store %arg23[%swap3A_752, %swap3A_753], %mul3A_751 {strides = array<i32>} : memref<64x144xf32, #tpu.memory_space<vmem>>, vector<16xf32>,
        %get3A_755 = arith.index_cast %scan3A_652 : i32 to index
        %get3A_756 = arith.constant 32 : index
        %get3A_757 = tpu.vector_load %arg19[%get3A_755, %get3A_756] {strides = array<i32>} : memref<64x80xi32, #tpu.memory_space<vmem>>, vector<16xi32>,
        %shift_left3A_758 = arith.constant 16 : i32
        %shift_left3A_759 = vector.broadcast %shift_left3A_758 : i32 to vector<16xi32>
        %shift_left3A_760 = arith.shli %get3A_757, %shift_left3A_759 : vector<16xi32>
        %bitcast3A_761 = vector.bitcast %shift_left3A_760 : vector<16xi32> to vector<16xf32>
        %and3A_762 = arith.andi %get3A_757, %broadcast_in_dim3A_3 : vector<16xi32>
        %bitcast3A_763 = vector.bitcast %and3A_762 : vector<16xi32> to vector<16xf32>
        %broadcast_in_dim3A_764 = arith.constant 2 : i32
        %broadcast_in_dim3A_765 = vector.broadcast %broadcast_in_dim3A_764 : i32 to vector<16xi32>
        %lt3A_766 = arith.constant 0 : i32
        %lt3A_767 = vector.broadcast %lt3A_766 : i32 to vector<16xi32>
        %lt3A_768 = arith.cmpi slt, %broadcast_in_dim3A_765, %lt3A_767 : vector<16xi32>
        %add3A_769 = arith.constant 16 : i32
        %add3A_770 = vector.broadcast %add3A_769 : i32 to vector<16xi32>
        %add3A_771 = arith.addi %broadcast_in_dim3A_765, %add3A_770 : vector<16xi32>
        %select_n3A_772 = arith.select %lt3A_768, %add3A_771, %broadcast_in_dim3A_765 : vector<16xi1>, vector<16xi32>
        %broadcast_in_dim3A_773 = vector.shape_cast %select_n3A_772 : vector<16xi32> to vector<16x1xi32>
        %gather3A_774 = vector.shape_cast %broadcast_in_dim3A_773 : vector<16x1xi32> to vector<16xi32>
        %gather3A_775 = tpu.dynamic_gather %exp3A_669[%gather3A_774] in [0] : vector<16xf32>, vector<16xi32> -> vector<16xf32>
        %broadcast_in_dim3A_776 = arith.constant 6 : i32
        %broadcast_in_dim3A_777 = vector.broadcast %broadcast_in_dim3A_776 : i32 to vector<16xi32>
        %lt3A_778 = arith.constant 0 : i32
        %lt3A_779 = vector.broadcast %lt3A_778 : i32 to vector<16xi32>
        %lt3A_780 = arith.cmpi slt, %broadcast_in_dim3A_777, %lt3A_779 : vector<16xi32>
        %add3A_781 = arith.constant 16 : i32
        %add3A_782 = vector.broadcast %add3A_781 : i32 to vector<16xi32>
        %add3A_783 = arith.addi %broadcast_in_dim3A_777, %add3A_782 : vector<16xi32>
        %select_n3A_784 = arith.select %lt3A_780, %add3A_783, %broadcast_in_dim3A_777 : vector<16xi1>, vector<16xi32>
        %broadcast_in_dim3A_785 = vector.shape_cast %select_n3A_784 : vector<16xi32> to vector<16x1xi32>
        %gather3A_786 = vector.shape_cast %broadcast_in_dim3A_785 : vector<16x1xi32> to vector<16xi32>
        %gather3A_787 = tpu.dynamic_gather %exp3A_669[%gather3A_786] in [0] : vector<16xf32>, vector<16xi32> -> vector<16xf32>
        %mul3A_788 = arith.mulf %bitcast3A_761, %gather3A_775 : vector<16xf32>
        %swap3A_789 = arith.index_cast %scan3A_652 : i32 to index
        %swap3A_790 = arith.constant 64 : index
        %swap3A_791 = tpu.vector_load %arg23[%swap3A_789, %swap3A_790] {strides = array<i32>} : memref<64x144xf32, #tpu.memory_space<vmem>>, vector<16xf32>,
        tpu.vector_store %arg23[%swap3A_789, %swap3A_790], %mul3A_788 {strides = array<i32>} : memref<64x144xf32, #tpu.memory_space<vmem>>, vector<16xf32>,
        %mul3A_792 = arith.mulf %bitcast3A_763, %gather3A_787 : vector<16xf32>
        %swap3A_793 = arith.index_cast %scan3A_652 : i32 to index
        %swap3A_794 = arith.constant 80 : index
        %swap3A_795 = tpu.vector_load %arg23[%swap3A_793, %swap3A_794] {strides = array<i32>} : memref<64x144xf32, #tpu.memory_space<vmem>>, vector<16xf32>,
        tpu.vector_store %arg23[%swap3A_793, %swap3A_794], %mul3A_792 {strides = array<i32>} : memref<64x144xf32, #tpu.memory_space<vmem>>, vector<16xf32>,
        %get3A_796 = arith.index_cast %scan3A_652 : i32 to index
        %get3A_797 = arith.constant 48 : index
        %get3A_798 = tpu.vector_load %arg19[%get3A_796, %get3A_797] {strides = array<i32>} : memref<64x80xi32, #tpu.memory_space<vmem>>, vector<16xi32>,
        %shift_left3A_799 = arith.constant 16 : i32
        %shift_left3A_800 = vector.broadcast %shift_left3A_799 : i32 to vector<16xi32>
        %shift_left3A_801 = arith.shli %get3A_798, %shift_left3A_800 : vector<16xi32>
        %bitcast3A_802 = vector.bitcast %shift_left3A_801 : vector<16xi32> to vector<16xf32>
        %and3A_803 = arith.andi %get3A_798, %broadcast_in_dim3A_3 : vector<16xi32>
        %bitcast3A_804 = vector.bitcast %and3A_803 : vector<16xi32> to vector<16xf32>
        %broadcast_in_dim3A_805 = arith.constant 3 : i32
        %broadcast_in_dim3A_806 = vector.broadcast %broadcast_in_dim3A_805 : i32 to vector<16xi32>
        %lt3A_807 = arith.constant 0 : i32
        %lt3A_808 = vector.broadcast %lt3A_807 : i32 to vector<16xi32>
        %lt3A_809 = arith.cmpi slt, %broadcast_in_dim3A_806, %lt3A_808 : vector<16xi32>
        %add3A_810 = arith.constant 16 : i32
        %add3A_811 = vector.broadcast %add3A_810 : i32 to vector<16xi32>
        %add3A_812 = arith.addi %broadcast_in_dim3A_806, %add3A_811 : vector<16xi32>
        %select_n3A_813 = arith.select %lt3A_809, %add3A_812, %broadcast_in_dim3A_806 : vector<16xi1>, vector<16xi32>
        %broadcast_in_dim3A_814 = vector.shape_cast %select_n3A_813 : vector<16xi32> to vector<16x1xi32>
        %gather3A_815 = vector.shape_cast %broadcast_in_dim3A_814 : vector<16x1xi32> to vector<16xi32>
        %gather3A_816 = tpu.dynamic_gather %exp3A_669[%gather3A_815] in [0] : vector<16xf32>, vector<16xi32> -> vector<16xf32>
        %broadcast_in_dim3A_817 = arith.constant 7 : i32
        %broadcast_in_dim3A_818 = vector.broadcast %broadcast_in_dim3A_817 : i32 to vector<16xi32>
        %lt3A_819 = arith.constant 0 : i32
        %lt3A_820 = vector.broadcast %lt3A_819 : i32 to vector<16xi32>
        %lt3A_821 = arith.cmpi slt, %broadcast_in_dim3A_818, %lt3A_820 : vector<16xi32>
        %add3A_822 = arith.constant 16 : i32
        %add3A_823 = vector.broadcast %add3A_822 : i32 to vector<16xi32>
        %add3A_824 = arith.addi %broadcast_in_dim3A_818, %add3A_823 : vector<16xi32>
        %select_n3A_825 = arith.select %lt3A_821, %add3A_824, %broadcast_in_dim3A_818 : vector<16xi1>, vector<16xi32>
        %broadcast_in_dim3A_826 = vector.shape_cast %select_n3A_825 : vector<16xi32> to vector<16x1xi32>
        %gather3A_827 = vector.shape_cast %broadcast_in_dim3A_826 : vector<16x1xi32> to vector<16xi32>
        %gather3A_828 = tpu.dynamic_gather %exp3A_669[%gather3A_827] in [0] : vector<16xf32>, vector<16xi32> -> vector<16xf32>
        %mul3A_829 = arith.mulf %bitcast3A_802, %gather3A_816 : vector<16xf32>
        %swap3A_830 = arith.index_cast %scan3A_652 : i32 to index
        %swap3A_831 = arith.constant 96 : index
        %swap3A_832 = tpu.vector_load %arg23[%swap3A_830, %swap3A_831] {strides = array<i32>} : memref<64x144xf32, #tpu.memory_space<vmem>>, vector<16xf32>,
        tpu.vector_store %arg23[%swap3A_830, %swap3A_831], %mul3A_829 {strides = array<i32>} : memref<64x144xf32, #tpu.memory_space<vmem>>, vector<16xf32>,
        %mul3A_833 = arith.mulf %bitcast3A_804, %gather3A_828 : vector<16xf32>
        %swap3A_834 = arith.index_cast %scan3A_652 : i32 to index
        %swap3A_835 = arith.constant 112 : index
        %swap3A_836 = tpu.vector_load %arg23[%swap3A_834, %swap3A_835] {strides = array<i32>} : memref<64x144xf32, #tpu.memory_space<vmem>>, vector<16xf32>,
        tpu.vector_store %arg23[%swap3A_834, %swap3A_835], %mul3A_833 {strides = array<i32>} : memref<64x144xf32, #tpu.memory_space<vmem>>, vector<16xf32>,
        %scan3A_837 = arith.constant 0 : i32
        %scan3A_838 = arith.constant 3 : i32
        %scan3A_839 = arith.addi %scan3A_285, %scan3A_838 : i32
        %get3A_840 = arith.index_cast %scan3A_839 : i32 to index
        %get3A_841 = arith.constant 64 : index
        %get3A_842 = tpu.vector_load %arg19[%get3A_840, %get3A_841] {strides = array<i32>} : memref<64x80xi32, #tpu.memory_space<vmem>>, vector<16xi32>,
        %bitcast3A_843 = vector.bitcast %get3A_842 : vector<16xi32> to vector<16xf32>
        %get3A_844 = arith.index_cast %scan3A_839 : i32 to index
        %get3A_845 = arith.constant 0 : index
        %get3A_846 = tpu.vector_load %arg20[%get3A_844, %get3A_845] {strides = array<i32>} : memref<64x16xf32, #tpu.memory_space<vmem>>, vector<16xf32>,
        %add3A_847 = arith.addf %bitcast3A_843, %get3A_846 : vector<16xf32>
        %gt3A_848 = arith.constant 0.000000e+00 : f32
        %gt3A_849 = vector.broadcast %gt3A_848 : f32 to vector<16xf32>
        %gt3A_850 = arith.cmpf ogt, %add3A_847, %gt3A_849 : vector<16xf32>
        %mul3A_851 = arith.constant 0.00999999977 : f32
        %mul3A_852 = vector.broadcast %mul3A_851 : f32 to vector<16xf32>
        %mul3A_853 = arith.mulf %mul3A_852, %add3A_847 : vector<16xf32>
        %select_n3A_854 = arith.select %gt3A_850, %add3A_847, %mul3A_853 : vector<16xi1>, vector<16xf32>
        %sub3A_855 = arith.subf %select_n3A_854, %get3A_50 : vector<16xf32>
        %exp3A_856 = math.exp %sub3A_855 : vector<16xf32>
        %swap3A_857 = arith.index_cast %scan3A_839 : i32 to index
        %swap3A_858 = arith.constant 128 : index
        %swap3A_859 = tpu.vector_load %arg23[%swap3A_857, %swap3A_858] {strides = array<i32>} : memref<64x144xf32, #tpu.memory_space<vmem>>, vector<16xf32>,
        tpu.vector_store %arg23[%swap3A_857, %swap3A_858], %exp3A_856 {strides = array<i32>} : memref<64x144xf32, #tpu.memory_space<vmem>>, vector<16xf32>,
        %get3A_860 = arith.index_cast %scan3A_839 : i32 to index
        %get3A_861 = arith.constant 0 : index
        %get3A_862 = tpu.vector_load %arg19[%get3A_860, %get3A_861] {strides = array<i32>} : memref<64x80xi32, #tpu.memory_space<vmem>>, vector<16xi32>,
        %shift_left3A_863 = arith.constant 16 : i32
        %shift_left3A_864 = vector.broadcast %shift_left3A_863 : i32 to vector<16xi32>
        %shift_left3A_865 = arith.shli %get3A_862, %shift_left3A_864 : vector<16xi32>
        %bitcast3A_866 = vector.bitcast %shift_left3A_865 : vector<16xi32> to vector<16xf32>
        %and3A_867 = arith.andi %get3A_862, %broadcast_in_dim3A_3 : vector<16xi32>
        %bitcast3A_868 = vector.bitcast %and3A_867 : vector<16xi32> to vector<16xf32>
        %broadcast_in_dim3A_869 = arith.constant 0 : i32
        %broadcast_in_dim3A_870 = vector.broadcast %broadcast_in_dim3A_869 : i32 to vector<16xi32>
        %lt3A_871 = arith.constant 0 : i32
        %lt3A_872 = vector.broadcast %lt3A_871 : i32 to vector<16xi32>
        %lt3A_873 = arith.cmpi slt, %broadcast_in_dim3A_870, %lt3A_872 : vector<16xi32>
        %add3A_874 = arith.constant 16 : i32
        %add3A_875 = vector.broadcast %add3A_874 : i32 to vector<16xi32>
        %add3A_876 = arith.addi %broadcast_in_dim3A_870, %add3A_875 : vector<16xi32>
        %select_n3A_877 = arith.select %lt3A_873, %add3A_876, %broadcast_in_dim3A_870 : vector<16xi1>, vector<16xi32>
        %broadcast_in_dim3A_878 = vector.shape_cast %select_n3A_877 : vector<16xi32> to vector<16x1xi32>
        %gather3A_879 = vector.shape_cast %broadcast_in_dim3A_878 : vector<16x1xi32> to vector<16xi32>
        %gather3A_880 = tpu.dynamic_gather %exp3A_856[%gather3A_879] in [0] : vector<16xf32>, vector<16xi32> -> vector<16xf32>
        %broadcast_in_dim3A_881 = arith.constant 4 : i32
        %broadcast_in_dim3A_882 = vector.broadcast %broadcast_in_dim3A_881 : i32 to vector<16xi32>
        %lt3A_883 = arith.constant 0 : i32
        %lt3A_884 = vector.broadcast %lt3A_883 : i32 to vector<16xi32>
        %lt3A_885 = arith.cmpi slt, %broadcast_in_dim3A_882, %lt3A_884 : vector<16xi32>
        %add3A_886 = arith.constant 16 : i32
        %add3A_887 = vector.broadcast %add3A_886 : i32 to vector<16xi32>
        %add3A_888 = arith.addi %broadcast_in_dim3A_882, %add3A_887 : vector<16xi32>
        %select_n3A_889 = arith.select %lt3A_885, %add3A_888, %broadcast_in_dim3A_882 : vector<16xi1>, vector<16xi32>
        %broadcast_in_dim3A_890 = vector.shape_cast %select_n3A_889 : vector<16xi32> to vector<16x1xi32>
        %gather3A_891 = vector.shape_cast %broadcast_in_dim3A_890 : vector<16x1xi32> to vector<16xi32>
        %gather3A_892 = tpu.dynamic_gather %exp3A_856[%gather3A_891] in [0] : vector<16xf32>, vector<16xi32> -> vector<16xf32>
        %mul3A_893 = arith.mulf %bitcast3A_866, %gather3A_880 : vector<16xf32>
        %swap3A_894 = arith.index_cast %scan3A_839 : i32 to index
        %swap3A_895 = arith.constant 0 : index
        %swap3A_896 = tpu.vector_load %arg23[%swap3A_894, %swap3A_895] {strides = array<i32>} : memref<64x144xf32, #tpu.memory_space<vmem>>, vector<16xf32>,
        tpu.vector_store %arg23[%swap3A_894, %swap3A_895], %mul3A_893 {strides = array<i32>} : memref<64x144xf32, #tpu.memory_space<vmem>>, vector<16xf32>,
        %mul3A_897 = arith.mulf %bitcast3A_868, %gather3A_892 : vector<16xf32>
        %swap3A_898 = arith.index_cast %scan3A_839 : i32 to index
        %swap3A_899 = arith.constant 16 : index
        %swap3A_900 = tpu.vector_load %arg23[%swap3A_898, %swap3A_899] {strides = array<i32>} : memref<64x144xf32, #tpu.memory_space<vmem>>, vector<16xf32>,
        tpu.vector_store %arg23[%swap3A_898, %swap3A_899], %mul3A_897 {strides = array<i32>} : memref<64x144xf32, #tpu.memory_space<vmem>>, vector<16xf32>,
        %get3A_901 = arith.index_cast %scan3A_839 : i32 to index
        %get3A_902 = arith.constant 16 : index
        %get3A_903 = tpu.vector_load %arg19[%get3A_901, %get3A_902] {strides = array<i32>} : memref<64x80xi32, #tpu.memory_space<vmem>>, vector<16xi32>,
        %shift_left3A_904 = arith.constant 16 : i32
        %shift_left3A_905 = vector.broadcast %shift_left3A_904 : i32 to vector<16xi32>
        %shift_left3A_906 = arith.shli %get3A_903, %shift_left3A_905 : vector<16xi32>
        %bitcast3A_907 = vector.bitcast %shift_left3A_906 : vector<16xi32> to vector<16xf32>
        %and3A_908 = arith.andi %get3A_903, %broadcast_in_dim3A_3 : vector<16xi32>
        %bitcast3A_909 = vector.bitcast %and3A_908 : vector<16xi32> to vector<16xf32>
        %broadcast_in_dim3A_910 = arith.constant 1 : i32
        %broadcast_in_dim3A_911 = vector.broadcast %broadcast_in_dim3A_910 : i32 to vector<16xi32>
        %lt3A_912 = arith.constant 0 : i32
        %lt3A_913 = vector.broadcast %lt3A_912 : i32 to vector<16xi32>
        %lt3A_914 = arith.cmpi slt, %broadcast_in_dim3A_911, %lt3A_913 : vector<16xi32>
        %add3A_915 = arith.constant 16 : i32
        %add3A_916 = vector.broadcast %add3A_915 : i32 to vector<16xi32>
        %add3A_917 = arith.addi %broadcast_in_dim3A_911, %add3A_916 : vector<16xi32>
        %select_n3A_918 = arith.select %lt3A_914, %add3A_917, %broadcast_in_dim3A_911 : vector<16xi1>, vector<16xi32>
        %broadcast_in_dim3A_919 = vector.shape_cast %select_n3A_918 : vector<16xi32> to vector<16x1xi32>
        %gather3A_920 = vector.shape_cast %broadcast_in_dim3A_919 : vector<16x1xi32> to vector<16xi32>
        %gather3A_921 = tpu.dynamic_gather %exp3A_856[%gather3A_920] in [0] : vector<16xf32>, vector<16xi32> -> vector<16xf32>
        %broadcast_in_dim3A_922 = arith.constant 5 : i32
        %broadcast_in_dim3A_923 = vector.broadcast %broadcast_in_dim3A_922 : i32 to vector<16xi32>
        %lt3A_924 = arith.constant 0 : i32
        %lt3A_925 = vector.broadcast %lt3A_924 : i32 to vector<16xi32>
        %lt3A_926 = arith.cmpi slt, %broadcast_in_dim3A_923, %lt3A_925 : vector<16xi32>
        %add3A_927 = arith.constant 16 : i32
        %add3A_928 = vector.broadcast %add3A_927 : i32 to vector<16xi32>
        %add3A_929 = arith.addi %broadcast_in_dim3A_923, %add3A_928 : vector<16xi32>
        %select_n3A_930 = arith.select %lt3A_926, %add3A_929, %broadcast_in_dim3A_923 : vector<16xi1>, vector<16xi32>
        %broadcast_in_dim3A_931 = vector.shape_cast %select_n3A_930 : vector<16xi32> to vector<16x1xi32>
        %gather3A_932 = vector.shape_cast %broadcast_in_dim3A_931 : vector<16x1xi32> to vector<16xi32>
        %gather3A_933 = tpu.dynamic_gather %exp3A_856[%gather3A_932] in [0] : vector<16xf32>, vector<16xi32> -> vector<16xf32>
        %mul3A_934 = arith.mulf %bitcast3A_907, %gather3A_921 : vector<16xf32>
        %swap3A_935 = arith.index_cast %scan3A_839 : i32 to index
        %swap3A_936 = arith.constant 32 : index
        %swap3A_937 = tpu.vector_load %arg23[%swap3A_935, %swap3A_936] {strides = array<i32>} : memref<64x144xf32, #tpu.memory_space<vmem>>, vector<16xf32>,
        tpu.vector_store %arg23[%swap3A_935, %swap3A_936], %mul3A_934 {strides = array<i32>} : memref<64x144xf32, #tpu.memory_space<vmem>>, vector<16xf32>,
        %mul3A_938 = arith.mulf %bitcast3A_909, %gather3A_933 : vector<16xf32>
        %swap3A_939 = arith.index_cast %scan3A_839 : i32 to index
        %swap3A_940 = arith.constant 48 : index
        %swap3A_941 = tpu.vector_load %arg23[%swap3A_939, %swap3A_940] {strides = array<i32>} : memref<64x144xf32, #tpu.memory_space<vmem>>, vector<16xf32>,
        tpu.vector_store %arg23[%swap3A_939, %swap3A_940], %mul3A_938 {strides = array<i32>} : memref<64x144xf32, #tpu.memory_space<vmem>>, vector<16xf32>,
        %get3A_942 = arith.index_cast %scan3A_839 : i32 to index
        %get3A_943 = arith.constant 32 : index
        %get3A_944 = tpu.vector_load %arg19[%get3A_942, %get3A_943] {strides = array<i32>} : memref<64x80xi32, #tpu.memory_space<vmem>>, vector<16xi32>,
        %shift_left3A_945 = arith.constant 16 : i32
        %shift_left3A_946 = vector.broadcast %shift_left3A_945 : i32 to vector<16xi32>
        %shift_left3A_947 = arith.shli %get3A_944, %shift_left3A_946 : vector<16xi32>
        %bitcast3A_948 = vector.bitcast %shift_left3A_947 : vector<16xi32> to vector<16xf32>
        %and3A_949 = arith.andi %get3A_944, %broadcast_in_dim3A_3 : vector<16xi32>
        %bitcast3A_950 = vector.bitcast %and3A_949 : vector<16xi32> to vector<16xf32>
        %broadcast_in_dim3A_951 = arith.constant 2 : i32
        %broadcast_in_dim3A_952 = vector.broadcast %broadcast_in_dim3A_951 : i32 to vector<16xi32>
        %lt3A_953 = arith.constant 0 : i32
        %lt3A_954 = vector.broadcast %lt3A_953 : i32 to vector<16xi32>
        %lt3A_955 = arith.cmpi slt, %broadcast_in_dim3A_952, %lt3A_954 : vector<16xi32>
        %add3A_956 = arith.constant 16 : i32
        %add3A_957 = vector.broadcast %add3A_956 : i32 to vector<16xi32>
        %add3A_958 = arith.addi %broadcast_in_dim3A_952, %add3A_957 : vector<16xi32>
        %select_n3A_959 = arith.select %lt3A_955, %add3A_958, %broadcast_in_dim3A_952 : vector<16xi1>, vector<16xi32>
        %broadcast_in_dim3A_960 = vector.shape_cast %select_n3A_959 : vector<16xi32> to vector<16x1xi32>
        %gather3A_961 = vector.shape_cast %broadcast_in_dim3A_960 : vector<16x1xi32> to vector<16xi32>
        %gather3A_962 = tpu.dynamic_gather %exp3A_856[%gather3A_961] in [0] : vector<16xf32>, vector<16xi32> -> vector<16xf32>
        %broadcast_in_dim3A_963 = arith.constant 6 : i32
        %broadcast_in_dim3A_964 = vector.broadcast %broadcast_in_dim3A_963 : i32 to vector<16xi32>
        %lt3A_965 = arith.constant 0 : i32
        %lt3A_966 = vector.broadcast %lt3A_965 : i32 to vector<16xi32>
        %lt3A_967 = arith.cmpi slt, %broadcast_in_dim3A_964, %lt3A_966 : vector<16xi32>
        %add3A_968 = arith.constant 16 : i32
        %add3A_969 = vector.broadcast %add3A_968 : i32 to vector<16xi32>
        %add3A_970 = arith.addi %broadcast_in_dim3A_964, %add3A_969 : vector<16xi32>
        %select_n3A_971 = arith.select %lt3A_967, %add3A_970, %broadcast_in_dim3A_964 : vector<16xi1>, vector<16xi32>
        %broadcast_in_dim3A_972 = vector.shape_cast %select_n3A_971 : vector<16xi32> to vector<16x1xi32>
        %gather3A_973 = vector.shape_cast %broadcast_in_dim3A_972 : vector<16x1xi32> to vector<16xi32>
        %gather3A_974 = tpu.dynamic_gather %exp3A_856[%gather3A_973] in [0] : vector<16xf32>, vector<16xi32> -> vector<16xf32>
        %mul3A_975 = arith.mulf %bitcast3A_948, %gather3A_962 : vector<16xf32>
        %swap3A_976 = arith.index_cast %scan3A_839 : i32 to index
        %swap3A_977 = arith.constant 64 : index
        %swap3A_978 = tpu.vector_load %arg23[%swap3A_976, %swap3A_977] {strides = array<i32>} : memref<64x144xf32, #tpu.memory_space<vmem>>, vector<16xf32>,
        tpu.vector_store %arg23[%swap3A_976, %swap3A_977], %mul3A_975 {strides = array<i32>} : memref<64x144xf32, #tpu.memory_space<vmem>>, vector<16xf32>,
        %mul3A_979 = arith.mulf %bitcast3A_950, %gather3A_974 : vector<16xf32>
        %swap3A_980 = arith.index_cast %scan3A_839 : i32 to index
        %swap3A_981 = arith.constant 80 : index
        %swap3A_982 = tpu.vector_load %arg23[%swap3A_980, %swap3A_981] {strides = array<i32>} : memref<64x144xf32, #tpu.memory_space<vmem>>, vector<16xf32>,
        tpu.vector_store %arg23[%swap3A_980, %swap3A_981], %mul3A_979 {strides = array<i32>} : memref<64x144xf32, #tpu.memory_space<vmem>>, vector<16xf32>,
        %get3A_983 = arith.index_cast %scan3A_839 : i32 to index
        %get3A_984 = arith.constant 48 : index
        %get3A_985 = tpu.vector_load %arg19[%get3A_983, %get3A_984] {strides = array<i32>} : memref<64x80xi32, #tpu.memory_space<vmem>>, vector<16xi32>,
        %shift_left3A_986 = arith.constant 16 : i32
        %shift_left3A_987 = vector.broadcast %shift_left3A_986 : i32 to vector<16xi32>
        %shift_left3A_988 = arith.shli %get3A_985, %shift_left3A_987 : vector<16xi32>
        %bitcast3A_989 = vector.bitcast %shift_left3A_988 : vector<16xi32> to vector<16xf32>
        %and3A_990 = arith.andi %get3A_985, %broadcast_in_dim3A_3 : vector<16xi32>
        %bitcast3A_991 = vector.bitcast %and3A_990 : vector<16xi32> to vector<16xf32>
        %broadcast_in_dim3A_992 = arith.constant 3 : i32
        %broadcast_in_dim3A_993 = vector.broadcast %broadcast_in_dim3A_992 : i32 to vector<16xi32>
        %lt3A_994 = arith.constant 0 : i32
        %lt3A_995 = vector.broadcast %lt3A_994 : i32 to vector<16xi32>
        %lt3A_996 = arith.cmpi slt, %broadcast_in_dim3A_993, %lt3A_995 : vector<16xi32>
        %add3A_997 = arith.constant 16 : i32
        %add3A_998 = vector.broadcast %add3A_997 : i32 to vector<16xi32>
        %add3A_999 = arith.addi %broadcast_in_dim3A_993, %add3A_998 : vector<16xi32>
        %select_n3A_1000 = arith.select %lt3A_996, %add3A_999, %broadcast_in_dim3A_993 : vector<16xi1>, vector<16xi32>
        %broadcast_in_dim3A_1001 = vector.shape_cast %select_n3A_1000 : vector<16xi32> to vector<16x1xi32>
        %gather3A_1002 = vector.shape_cast %broadcast_in_dim3A_1001 : vector<16x1xi32> to vector<16xi32>
        %gather3A_1003 = tpu.dynamic_gather %exp3A_856[%gather3A_1002] in [0] : vector<16xf32>, vector<16xi32> -> vector<16xf32>
        %broadcast_in_dim3A_1004 = arith.constant 7 : i32
        %broadcast_in_dim3A_1005 = vector.broadcast %broadcast_in_dim3A_1004 : i32 to vector<16xi32>
        %lt3A_1006 = arith.constant 0 : i32
        %lt3A_1007 = vector.broadcast %lt3A_1006 : i32 to vector<16xi32>
        %lt3A_1008 = arith.cmpi slt, %broadcast_in_dim3A_1005, %lt3A_1007 : vector<16xi32>
        %add3A_1009 = arith.constant 16 : i32
        %add3A_1010 = vector.broadcast %add3A_1009 : i32 to vector<16xi32>
        %add3A_1011 = arith.addi %broadcast_in_dim3A_1005, %add3A_1010 : vector<16xi32>
        %select_n3A_1012 = arith.select %lt3A_1008, %add3A_1011, %broadcast_in_dim3A_1005 : vector<16xi1>, vector<16xi32>
        %broadcast_in_dim3A_1013 = vector.shape_cast %select_n3A_1012 : vector<16xi32> to vector<16x1xi32>
        %gather3A_1014 = vector.shape_cast %broadcast_in_dim3A_1013 : vector<16x1xi32> to vector<16xi32>
        %gather3A_1015 = tpu.dynamic_gather %exp3A_856[%gather3A_1014] in [0] : vector<16xf32>, vector<16xi32> -> vector<16xf32>
        %mul3A_1016 = arith.mulf %bitcast3A_989, %gather3A_1003 : vector<16xf32>
        %swap3A_1017 = arith.index_cast %scan3A_839 : i32 to index
        %swap3A_1018 = arith.constant 96 : index
        %swap3A_1019 = tpu.vector_load %arg23[%swap3A_1017, %swap3A_1018] {strides = array<i32>} : memref<64x144xf32, #tpu.memory_space<vmem>>, vector<16xf32>,
        tpu.vector_store %arg23[%swap3A_1017, %swap3A_1018], %mul3A_1016 {strides = array<i32>} : memref<64x144xf32, #tpu.memory_space<vmem>>, vector<16xf32>,
        %mul3A_1020 = arith.mulf %bitcast3A_991, %gather3A_1015 : vector<16xf32>
        %swap3A_1021 = arith.index_cast %scan3A_839 : i32 to index
        %swap3A_1022 = arith.constant 112 : index
        %swap3A_1023 = tpu.vector_load %arg23[%swap3A_1021, %swap3A_1022] {strides = array<i32>} : memref<64x144xf32, #tpu.memory_space<vmem>>, vector<16xf32>,
        tpu.vector_store %arg23[%swap3A_1021, %swap3A_1022], %mul3A_1020 {strides = array<i32>} : memref<64x144xf32, #tpu.memory_space<vmem>>, vector<16xf32>,
        %scan3A_1024 = arith.constant 0 : i32
        scf.yield %scan3A_1024 : i32
      }
      %scan3A_227 = arith.constant 64 : i32
      %dma_start3A_228 = arith.constant 0 : i32
      %dma_start3A_229 = arith.constant 0 : i32
      %dma_start3A_230 = tpu.memref_slice %arg25[%dma_start3A_228, %dma_start3A_229] : memref<10240x144xf32, #tpu.memory_space<vmem_shared>> -> memref<10240x144xf32, #tpu.memory_space<vmem_shared>>
      tpu.enqueue_indirect_dma source(%arg23 : memref<64x144xf32, #tpu.memory_space<vmem>>) target(%dma_start3A_230 : memref<10240x144xf32, #tpu.memory_space<vmem_shared>>) offsets(%arg15 : memref<64xi32, #tpu.memory_space<vmem>>) semaphore(%arg32 : memref<!tpu.dma_semaphore, #tpu.memory_space<semaphore_mem>>) {add = true}
      %add3A_231 = arith.constant 2 : i32
      %add3A_232 = arith.addi %mul3A_130, %add3A_231 : i32
      %add3A_233 = arith.constant 2 : i32
      %add3A_234 = arith.addi %add3A_232, %add3A_233 : i32
      %lt3A_235 = arith.constant 160 : i32
      %lt3A_236 = arith.cmpi slt, %add3A_234, %lt3A_235 : i32
      %convert_element_type3A_237 = arith.extui %lt3A_236 : i1 to i32
      %cond3A_238 = arith.constant 0 : i32
      %cond3A_239 = arith.cmpi ne, %convert_element_type3A_237, %cond3A_238 : i32
      scf.if %cond3A_239 {
        %add3A_285 = arith.constant 2 : i32
        %add3A_286 = arith.addi %add3A_232, %add3A_285 : i32
        %dma_wait3A_287 = arith.constant 0 : i32
        %dma_wait3A_288 = tpu.memref_slice %arg4[%add3A, %add3A_286, %dma_wait3A_287] : memref<32x160x64xi32, #tpu.memory_space<hbm>> -> memref<1x1x64xi32, #tpu.memory_space<hbm>>
        %dma_wait3A_289 = tpu.memref_squeeze %dma_wait3A_288 : memref<1x1x64xi32, #tpu.memory_space<hbm>> -> memref<64xi32, #tpu.memory_space<hbm>>
        %dma_wait3A_290 = arith.constant 0 : i32
        %dma_wait3A_291 = tpu.memref_slice %arg4[%add3A, %add3A_286, %dma_wait3A_290] : memref<32x160x64xi32, #tpu.memory_space<hbm>> -> memref<1x1x64xi32, #tpu.memory_space<hbm>>
        %dma_wait3A_292 = tpu.memref_squeeze %dma_wait3A_291 : memref<1x1x64xi32, #tpu.memory_space<hbm>> -> memref<64xi32, #tpu.memory_space<hbm>>
        tpu.wait_dma2 semaphore(%arg30 : memref<!tpu.dma_semaphore, #tpu.memory_space<semaphore_mem>>) src(%dma_wait3A_292 : memref<64xi32, #tpu.memory_space<hbm>>) dst(%arg10 : memref<64xi32, #tpu.memory_space<vmem>>)
        %dma_wait3A_293 = arith.constant 0 : i32
        %dma_wait3A_294 = tpu.memref_slice %arg5[%add3A, %add3A_286, %dma_wait3A_293] : memref<32x160x64xi32, #tpu.memory_space<hbm>> -> memref<1x1x64xi32, #tpu.memory_space<hbm>>
        %dma_wait3A_295 = tpu.memref_squeeze %dma_wait3A_294 : memref<1x1x64xi32, #tpu.memory_space<hbm>> -> memref<64xi32, #tpu.memory_space<hbm>>
        %dma_wait3A_296 = arith.constant 0 : i32
        %dma_wait3A_297 = tpu.memref_slice %arg5[%add3A, %add3A_286, %dma_wait3A_296] : memref<32x160x64xi32, #tpu.memory_space<hbm>> -> memref<1x1x64xi32, #tpu.memory_space<hbm>>
        %dma_wait3A_298 = tpu.memref_squeeze %dma_wait3A_297 : memref<1x1x64xi32, #tpu.memory_space<hbm>> -> memref<64xi32, #tpu.memory_space<hbm>>
        tpu.wait_dma2 semaphore(%arg30 : memref<!tpu.dma_semaphore, #tpu.memory_space<semaphore_mem>>) src(%dma_wait3A_298 : memref<64xi32, #tpu.memory_space<hbm>>) dst(%arg11 : memref<64xi32, #tpu.memory_space<vmem>>)
        %dma_start3A_299 = arith.constant 0 : i32
        %dma_start3A_300 = arith.constant 0 : i32
        %dma_start3A_301 = tpu.memref_slice %arg2[%dma_start3A_299, %dma_start3A_300] : memref<10240x80xi32, #tpu.memory_space<hbm>> -> memref<10240x80xi32, #tpu.memory_space<hbm>>
        tpu.enqueue_indirect_dma source(%dma_start3A_301 : memref<10240x80xi32, #tpu.memory_space<hbm>>) target(%arg19 : memref<64x80xi32, #tpu.memory_space<vmem>>) offsets(%arg10 : memref<64xi32, #tpu.memory_space<vmem>>) semaphore(%arg27 : memref<!tpu.dma_semaphore, #tpu.memory_space<semaphore_mem>>)
        %dma_start3A_302 = arith.constant 0 : i32
        %dma_start3A_303 = arith.constant 0 : i32
        %dma_start3A_304 = tpu.memref_slice %arg3[%dma_start3A_302, %dma_start3A_303] : memref<10240x16xf32, #tpu.memory_space<hbm>> -> memref<10240x16xf32, #tpu.memory_space<hbm>>
        tpu.enqueue_indirect_dma source(%dma_start3A_304 : memref<10240x16xf32, #tpu.memory_space<hbm>>) target(%arg20 : memref<64x16xf32, #tpu.memory_space<vmem>>) offsets(%arg11 : memref<64xi32, #tpu.memory_space<vmem>>) semaphore(%arg27 : memref<!tpu.dma_semaphore, #tpu.memory_space<semaphore_mem>>)
      } else {
      }
      %dma_wait3A_240 = arith.constant 0 : i32
      %dma_wait3A_241 = arith.constant 0 : i32
      %dma_wait3A_242 = tpu.memref_slice %arg2[%dma_wait3A_240, %dma_wait3A_241] : memref<10240x80xi32, #tpu.memory_space<hbm>> -> memref<10240x80xi32, #tpu.memory_space<hbm>>
      tpu.wait_indirect_dma semaphore(%arg28 : memref<!tpu.dma_semaphore, #tpu.memory_space<semaphore_mem>>) src(%dma_wait3A_242 : memref<10240x80xi32, #tpu.memory_space<hbm>>) dst(%arg21 : memref<64x80xi32, #tpu.memory_space<vmem>>)
      %dma_wait3A_243 = arith.constant 0 : i32
      %dma_wait3A_244 = arith.constant 0 : i32
      %dma_wait3A_245 = tpu.memref_slice %arg3[%dma_wait3A_243, %dma_wait3A_244] : memref<10240x16xf32, #tpu.memory_space<hbm>> -> memref<10240x16xf32, #tpu.memory_space<hbm>>
      tpu.wait_indirect_dma semaphore(%arg28 : memref<!tpu.dma_semaphore, #tpu.memory_space<semaphore_mem>>) src(%dma_wait3A_245 : memref<10240x16xf32, #tpu.memory_space<hbm>>) dst(%arg22 : memref<64x16xf32, #tpu.memory_space<vmem>>)
      %ge3A_246 = arith.constant 1 : i32
      %ge3A_247 = arith.cmpi sge, %add3A_232, %ge3A_246 : i32
      %convert_element_type3A_248 = arith.extui %ge3A_247 : i1 to i32
      %cond3A_249 = arith.constant 0 : i32
      %cond3A_250 = arith.cmpi ne, %convert_element_type3A_248, %cond3A_249 : i32
      scf.if %cond3A_250 {
        %dma_wait3A_285 = arith.constant 0 : i32
        %dma_wait3A_286 = arith.constant 0 : i32
        %dma_wait3A_287 = tpu.memref_slice %arg25[%dma_wait3A_285, %dma_wait3A_286] : memref<10240x144xf32, #tpu.memory_space<vmem_shared>> -> memref<10240x144xf32, #tpu.memory_space<vmem_shared>>
        tpu.wait_indirect_dma semaphore(%arg32 : memref<!tpu.dma_semaphore, #tpu.memory_space<semaphore_mem>>) src(%arg23 : memref<64x144xf32, #tpu.memory_space<vmem>>) dst(%dma_wait3A_287 : memref<10240x144xf32, #tpu.memory_space<vmem_shared>>)
      } else {
      }
      %get3A_251 = arith.constant 0 : index
      %get3A_252 = tpu.vector_load %arg13[%get3A_251] {strides = array<i32>} : memref<64xi32, #tpu.memory_space<vmem>>, vector<16xi32>,
      %swap3A_253 = arith.constant 0 : index
      %swap3A_254 = tpu.vector_load %arg16[%swap3A_253] {strides = array<i32>} : memref<64xi32, #tpu.memory_space<vmem>>, vector<16xi32>,
      tpu.vector_store %arg16[%swap3A_253], %get3A_252 {strides = array<i32>} : memref<64xi32, #tpu.memory_space<vmem>>, vector<16xi32>,
      %get3A_255 = arith.constant 16 : index
      %get3A_256 = tpu.vector_load %arg13[%get3A_255] {strides = array<i32>} : memref<64xi32, #tpu.memory_space<vmem>>, vector<16xi32>,
      %swap3A_257 = arith.constant 16 : index
      %swap3A_258 = tpu.vector_load %arg16[%swap3A_257] {strides = array<i32>} : memref<64xi32, #tpu.memory_space<vmem>>, vector<16xi32>,
      tpu.vector_store %arg16[%swap3A_257], %get3A_256 {strides = array<i32>} : memref<64xi32, #tpu.memory_space<vmem>>, vector<16xi32>,
      %get3A_259 = arith.constant 32 : index
      %get3A_260 = tpu.vector_load %arg13[%get3A_259] {strides = array<i32>} : memref<64xi32, #tpu.memory_space<vmem>>, vector<16xi32>,
      %swap3A_261 = arith.constant 32 : index
      %swap3A_262 = tpu.vector_load %arg16[%swap3A_261] {strides = array<i32>} : memref<64xi32, #tpu.memory_space<vmem>>, vector<16xi32>,
      tpu.vector_store %arg16[%swap3A_261], %get3A_260 {strides = array<i32>} : memref<64xi32, #tpu.memory_space<vmem>>, vector<16xi32>,
      %get3A_263 = arith.constant 48 : index
      %get3A_264 = tpu.vector_load %arg13[%get3A_263] {strides = array<i32>} : memref<64xi32, #tpu.memory_space<vmem>>, vector<16xi32>,
      %swap3A_265 = arith.constant 48 : index
      %swap3A_266 = tpu.vector_load %arg16[%swap3A_265] {strides = array<i32>} : memref<64xi32, #tpu.memory_space<vmem>>, vector<16xi32>,
      tpu.vector_store %arg16[%swap3A_265], %get3A_264 {strides = array<i32>} : memref<64xi32, #tpu.memory_space<vmem>>, vector<16xi32>,
      %add3A_267 = arith.constant 3 : i32
      %add3A_268 = arith.addi %add3A_232, %add3A_267 : i32
      %lt3A_269 = arith.constant 160 : i32
      %lt3A_270 = arith.cmpi slt, %add3A_268, %lt3A_269 : i32
      %convert_element_type3A_271 = arith.extui %lt3A_270 : i1 to i32
      %cond3A_272 = arith.constant 0 : i32
      %cond3A_273 = arith.cmpi ne, %convert_element_type3A_271, %cond3A_272 : i32
      scf.if %cond3A_273 {
        %add3A_285 = arith.constant 3 : i32
        %add3A_286 = arith.addi %add3A_232, %add3A_285 : i32
        %dma_start3A_287 = arith.constant 0 : i32
        %dma_start3A_288 = tpu.memref_slice %arg4[%add3A, %add3A_286, %dma_start3A_287] : memref<32x160x64xi32, #tpu.memory_space<hbm>> -> memref<1x1x64xi32, #tpu.memory_space<hbm>>
        %dma_start3A_289 = tpu.memref_squeeze %dma_start3A_288 : memref<1x1x64xi32, #tpu.memory_space<hbm>> -> memref<64xi32, #tpu.memory_space<hbm>>
        %dma_start3A_290 = arith.constant 0 : i32
        %dma_start3A_291 = tpu.memref_slice %arg4[%add3A, %add3A_286, %dma_start3A_290] : memref<32x160x64xi32, #tpu.memory_space<hbm>> -> memref<1x1x64xi32, #tpu.memory_space<hbm>>
        %dma_start3A_292 = tpu.memref_squeeze %dma_start3A_291 : memref<1x1x64xi32, #tpu.memory_space<hbm>> -> memref<64xi32, #tpu.memory_space<hbm>>
        tpu.enqueue_dma source(%dma_start3A_292 : memref<64xi32, #tpu.memory_space<hbm>>) target(%arg12 : memref<64xi32, #tpu.memory_space<vmem>>) target_semaphore(%arg31 : memref<!tpu.dma_semaphore, #tpu.memory_space<semaphore_mem>>)
        %dma_start3A_293 = arith.constant 0 : i32
        %dma_start3A_294 = tpu.memref_slice %arg5[%add3A, %add3A_286, %dma_start3A_293] : memref<32x160x64xi32, #tpu.memory_space<hbm>> -> memref<1x1x64xi32, #tpu.memory_space<hbm>>
        %dma_start3A_295 = tpu.memref_squeeze %dma_start3A_294 : memref<1x1x64xi32, #tpu.memory_space<hbm>> -> memref<64xi32, #tpu.memory_space<hbm>>
        %dma_start3A_296 = arith.constant 0 : i32
        %dma_start3A_297 = tpu.memref_slice %arg5[%add3A, %add3A_286, %dma_start3A_296] : memref<32x160x64xi32, #tpu.memory_space<hbm>> -> memref<1x1x64xi32, #tpu.memory_space<hbm>>
        %dma_start3A_298 = tpu.memref_squeeze %dma_start3A_297 : memref<1x1x64xi32, #tpu.memory_space<hbm>> -> memref<64xi32, #tpu.memory_space<hbm>>
        tpu.enqueue_dma source(%dma_start3A_298 : memref<64xi32, #tpu.memory_space<hbm>>) target(%arg13 : memref<64xi32, #tpu.memory_space<vmem>>) target_semaphore(%arg31 : memref<!tpu.dma_semaphore, #tpu.memory_space<semaphore_mem>>)
      } else {
      }
      %scan3A_274 = arith.constant 0 : i32
      %scan3A_275 = arith.constant 0 : i32
      %scan3A_276 = arith.constant 64 : i32
      %scan3A_277 = arith.addi %scan3A_275, %scan3A_276 : i32
      %scan3A_278 = arith.constant 4 : i32
      %scan3A_279 = scf.for %scan3A_285 = %scan3A_275 to %scan3A_277 step %scan3A_278 iter_args(%scan3A_286 = %scan3A_274) -> (i32)  : i32 {
        %get3A_287 = arith.index_cast %scan3A_285 : i32 to index
        %get3A_288 = arith.constant 64 : index
        %get3A_289 = tpu.vector_load %arg21[%get3A_287, %get3A_288] {strides = array<i32>} : memref<64x80xi32, #tpu.memory_space<vmem>>, vector<16xi32>,
        %bitcast3A = vector.bitcast %get3A_289 : vector<16xi32> to vector<16xf32>
        %get3A_290 = arith.index_cast %scan3A_285 : i32 to index
        %get3A_291 = arith.constant 0 : index
        %get3A_292 = tpu.vector_load %arg22[%get3A_290, %get3A_291] {strides = array<i32>} : memref<64x16xf32, #tpu.memory_space<vmem>>, vector<16xf32>,
        %add3A_293 = arith.addf %bitcast3A, %get3A_292 : vector<16xf32>
        %gt3A = arith.constant 0.000000e+00 : f32
        %gt3A_294 = vector.broadcast %gt3A : f32 to vector<16xf32>
        %gt3A_295 = arith.cmpf ogt, %add3A_293, %gt3A_294 : vector<16xf32>
        %mul3A_296 = arith.constant 0.00999999977 : f32
        %mul3A_297 = vector.broadcast %mul3A_296 : f32 to vector<16xf32>
        %mul3A_298 = arith.mulf %mul3A_297, %add3A_293 : vector<16xf32>
        %select_n3A = arith.select %gt3A_295, %add3A_293, %mul3A_298 : vector<16xi1>, vector<16xf32>
        %sub3A = arith.subf %select_n3A, %get3A_50 : vector<16xf32>
        %exp3A = math.exp %sub3A : vector<16xf32>
        %swap3A_299 = arith.index_cast %scan3A_285 : i32 to index
        %swap3A_300 = arith.constant 128 : index
        %swap3A_301 = tpu.vector_load %arg23[%swap3A_299, %swap3A_300] {strides = array<i32>} : memref<64x144xf32, #tpu.memory_space<vmem>>, vector<16xf32>,
        tpu.vector_store %arg23[%swap3A_299, %swap3A_300], %exp3A {strides = array<i32>} : memref<64x144xf32, #tpu.memory_space<vmem>>, vector<16xf32>,
        %get3A_302 = arith.index_cast %scan3A_285 : i32 to index
        %get3A_303 = arith.constant 0 : index
        %get3A_304 = tpu.vector_load %arg21[%get3A_302, %get3A_303] {strides = array<i32>} : memref<64x80xi32, #tpu.memory_space<vmem>>, vector<16xi32>,
        %shift_left3A = arith.constant 16 : i32
        %shift_left3A_305 = vector.broadcast %shift_left3A : i32 to vector<16xi32>
        %shift_left3A_306 = arith.shli %get3A_304, %shift_left3A_305 : vector<16xi32>
        %bitcast3A_307 = vector.bitcast %shift_left3A_306 : vector<16xi32> to vector<16xf32>
        %and3A = arith.andi %get3A_304, %broadcast_in_dim3A_3 : vector<16xi32>
        %bitcast3A_308 = vector.bitcast %and3A : vector<16xi32> to vector<16xf32>
        %broadcast_in_dim3A_309 = arith.constant 0 : i32
        %broadcast_in_dim3A_310 = vector.broadcast %broadcast_in_dim3A_309 : i32 to vector<16xi32>
        %lt3A_311 = arith.constant 0 : i32
        %lt3A_312 = vector.broadcast %lt3A_311 : i32 to vector<16xi32>
        %lt3A_313 = arith.cmpi slt, %broadcast_in_dim3A_310, %lt3A_312 : vector<16xi32>
        %add3A_314 = arith.constant 16 : i32
        %add3A_315 = vector.broadcast %add3A_314 : i32 to vector<16xi32>
        %add3A_316 = arith.addi %broadcast_in_dim3A_310, %add3A_315 : vector<16xi32>
        %select_n3A_317 = arith.select %lt3A_313, %add3A_316, %broadcast_in_dim3A_310 : vector<16xi1>, vector<16xi32>
        %broadcast_in_dim3A_318 = vector.shape_cast %select_n3A_317 : vector<16xi32> to vector<16x1xi32>
        %gather3A = vector.shape_cast %broadcast_in_dim3A_318 : vector<16x1xi32> to vector<16xi32>
        %gather3A_319 = tpu.dynamic_gather %exp3A[%gather3A] in [0] : vector<16xf32>, vector<16xi32> -> vector<16xf32>
        %broadcast_in_dim3A_320 = arith.constant 4 : i32
        %broadcast_in_dim3A_321 = vector.broadcast %broadcast_in_dim3A_320 : i32 to vector<16xi32>
        %lt3A_322 = arith.constant 0 : i32
        %lt3A_323 = vector.broadcast %lt3A_322 : i32 to vector<16xi32>
        %lt3A_324 = arith.cmpi slt, %broadcast_in_dim3A_321, %lt3A_323 : vector<16xi32>
        %add3A_325 = arith.constant 16 : i32
        %add3A_326 = vector.broadcast %add3A_325 : i32 to vector<16xi32>
        %add3A_327 = arith.addi %broadcast_in_dim3A_321, %add3A_326 : vector<16xi32>
        %select_n3A_328 = arith.select %lt3A_324, %add3A_327, %broadcast_in_dim3A_321 : vector<16xi1>, vector<16xi32>
        %broadcast_in_dim3A_329 = vector.shape_cast %select_n3A_328 : vector<16xi32> to vector<16x1xi32>
        %gather3A_330 = vector.shape_cast %broadcast_in_dim3A_329 : vector<16x1xi32> to vector<16xi32>
        %gather3A_331 = tpu.dynamic_gather %exp3A[%gather3A_330] in [0] : vector<16xf32>, vector<16xi32> -> vector<16xf32>
        %mul3A_332 = arith.mulf %bitcast3A_307, %gather3A_319 : vector<16xf32>
        %swap3A_333 = arith.index_cast %scan3A_285 : i32 to index
        %swap3A_334 = arith.constant 0 : index
        %swap3A_335 = tpu.vector_load %arg23[%swap3A_333, %swap3A_334] {strides = array<i32>} : memref<64x144xf32, #tpu.memory_space<vmem>>, vector<16xf32>,
        tpu.vector_store %arg23[%swap3A_333, %swap3A_334], %mul3A_332 {strides = array<i32>} : memref<64x144xf32, #tpu.memory_space<vmem>>, vector<16xf32>,
        %mul3A_336 = arith.mulf %bitcast3A_308, %gather3A_331 : vector<16xf32>
        %swap3A_337 = arith.index_cast %scan3A_285 : i32 to index
        %swap3A_338 = arith.constant 16 : index
        %swap3A_339 = tpu.vector_load %arg23[%swap3A_337, %swap3A_338] {strides = array<i32>} : memref<64x144xf32, #tpu.memory_space<vmem>>, vector<16xf32>,
        tpu.vector_store %arg23[%swap3A_337, %swap3A_338], %mul3A_336 {strides = array<i32>} : memref<64x144xf32, #tpu.memory_space<vmem>>, vector<16xf32>,
        %get3A_340 = arith.index_cast %scan3A_285 : i32 to index
        %get3A_341 = arith.constant 16 : index
        %get3A_342 = tpu.vector_load %arg21[%get3A_340, %get3A_341] {strides = array<i32>} : memref<64x80xi32, #tpu.memory_space<vmem>>, vector<16xi32>,
        %shift_left3A_343 = arith.constant 16 : i32
        %shift_left3A_344 = vector.broadcast %shift_left3A_343 : i32 to vector<16xi32>
        %shift_left3A_345 = arith.shli %get3A_342, %shift_left3A_344 : vector<16xi32>
        %bitcast3A_346 = vector.bitcast %shift_left3A_345 : vector<16xi32> to vector<16xf32>
        %and3A_347 = arith.andi %get3A_342, %broadcast_in_dim3A_3 : vector<16xi32>
        %bitcast3A_348 = vector.bitcast %and3A_347 : vector<16xi32> to vector<16xf32>
        %broadcast_in_dim3A_349 = arith.constant 1 : i32
        %broadcast_in_dim3A_350 = vector.broadcast %broadcast_in_dim3A_349 : i32 to vector<16xi32>
        %lt3A_351 = arith.constant 0 : i32
        %lt3A_352 = vector.broadcast %lt3A_351 : i32 to vector<16xi32>
        %lt3A_353 = arith.cmpi slt, %broadcast_in_dim3A_350, %lt3A_352 : vector<16xi32>
        %add3A_354 = arith.constant 16 : i32
        %add3A_355 = vector.broadcast %add3A_354 : i32 to vector<16xi32>
        %add3A_356 = arith.addi %broadcast_in_dim3A_350, %add3A_355 : vector<16xi32>
        %select_n3A_357 = arith.select %lt3A_353, %add3A_356, %broadcast_in_dim3A_350 : vector<16xi1>, vector<16xi32>
        %broadcast_in_dim3A_358 = vector.shape_cast %select_n3A_357 : vector<16xi32> to vector<16x1xi32>
        %gather3A_359 = vector.shape_cast %broadcast_in_dim3A_358 : vector<16x1xi32> to vector<16xi32>
        %gather3A_360 = tpu.dynamic_gather %exp3A[%gather3A_359] in [0] : vector<16xf32>, vector<16xi32> -> vector<16xf32>
        %broadcast_in_dim3A_361 = arith.constant 5 : i32
        %broadcast_in_dim3A_362 = vector.broadcast %broadcast_in_dim3A_361 : i32 to vector<16xi32>
        %lt3A_363 = arith.constant 0 : i32
        %lt3A_364 = vector.broadcast %lt3A_363 : i32 to vector<16xi32>
        %lt3A_365 = arith.cmpi slt, %broadcast_in_dim3A_362, %lt3A_364 : vector<16xi32>
        %add3A_366 = arith.constant 16 : i32
        %add3A_367 = vector.broadcast %add3A_366 : i32 to vector<16xi32>
        %add3A_368 = arith.addi %broadcast_in_dim3A_362, %add3A_367 : vector<16xi32>
        %select_n3A_369 = arith.select %lt3A_365, %add3A_368, %broadcast_in_dim3A_362 : vector<16xi1>, vector<16xi32>
        %broadcast_in_dim3A_370 = vector.shape_cast %select_n3A_369 : vector<16xi32> to vector<16x1xi32>
        %gather3A_371 = vector.shape_cast %broadcast_in_dim3A_370 : vector<16x1xi32> to vector<16xi32>
        %gather3A_372 = tpu.dynamic_gather %exp3A[%gather3A_371] in [0] : vector<16xf32>, vector<16xi32> -> vector<16xf32>
        %mul3A_373 = arith.mulf %bitcast3A_346, %gather3A_360 : vector<16xf32>
        %swap3A_374 = arith.index_cast %scan3A_285 : i32 to index
        %swap3A_375 = arith.constant 32 : index
        %swap3A_376 = tpu.vector_load %arg23[%swap3A_374, %swap3A_375] {strides = array<i32>} : memref<64x144xf32, #tpu.memory_space<vmem>>, vector<16xf32>,
        tpu.vector_store %arg23[%swap3A_374, %swap3A_375], %mul3A_373 {strides = array<i32>} : memref<64x144xf32, #tpu.memory_space<vmem>>, vector<16xf32>,
        %mul3A_377 = arith.mulf %bitcast3A_348, %gather3A_372 : vector<16xf32>
        %swap3A_378 = arith.index_cast %scan3A_285 : i32 to index
        %swap3A_379 = arith.constant 48 : index
        %swap3A_380 = tpu.vector_load %arg23[%swap3A_378, %swap3A_379] {strides = array<i32>} : memref<64x144xf32, #tpu.memory_space<vmem>>, vector<16xf32>,
        tpu.vector_store %arg23[%swap3A_378, %swap3A_379], %mul3A_377 {strides = array<i32>} : memref<64x144xf32, #tpu.memory_space<vmem>>, vector<16xf32>,
        %get3A_381 = arith.index_cast %scan3A_285 : i32 to index
        %get3A_382 = arith.constant 32 : index
        %get3A_383 = tpu.vector_load %arg21[%get3A_381, %get3A_382] {strides = array<i32>} : memref<64x80xi32, #tpu.memory_space<vmem>>, vector<16xi32>,
        %shift_left3A_384 = arith.constant 16 : i32
        %shift_left3A_385 = vector.broadcast %shift_left3A_384 : i32 to vector<16xi32>
        %shift_left3A_386 = arith.shli %get3A_383, %shift_left3A_385 : vector<16xi32>
        %bitcast3A_387 = vector.bitcast %shift_left3A_386 : vector<16xi32> to vector<16xf32>
        %and3A_388 = arith.andi %get3A_383, %broadcast_in_dim3A_3 : vector<16xi32>
        %bitcast3A_389 = vector.bitcast %and3A_388 : vector<16xi32> to vector<16xf32>
        %broadcast_in_dim3A_390 = arith.constant 2 : i32
        %broadcast_in_dim3A_391 = vector.broadcast %broadcast_in_dim3A_390 : i32 to vector<16xi32>
        %lt3A_392 = arith.constant 0 : i32
        %lt3A_393 = vector.broadcast %lt3A_392 : i32 to vector<16xi32>
        %lt3A_394 = arith.cmpi slt, %broadcast_in_dim3A_391, %lt3A_393 : vector<16xi32>
        %add3A_395 = arith.constant 16 : i32
        %add3A_396 = vector.broadcast %add3A_395 : i32 to vector<16xi32>
        %add3A_397 = arith.addi %broadcast_in_dim3A_391, %add3A_396 : vector<16xi32>
        %select_n3A_398 = arith.select %lt3A_394, %add3A_397, %broadcast_in_dim3A_391 : vector<16xi1>, vector<16xi32>
        %broadcast_in_dim3A_399 = vector.shape_cast %select_n3A_398 : vector<16xi32> to vector<16x1xi32>
        %gather3A_400 = vector.shape_cast %broadcast_in_dim3A_399 : vector<16x1xi32> to vector<16xi32>
        %gather3A_401 = tpu.dynamic_gather %exp3A[%gather3A_400] in [0] : vector<16xf32>, vector<16xi32> -> vector<16xf32>
        %broadcast_in_dim3A_402 = arith.constant 6 : i32
        %broadcast_in_dim3A_403 = vector.broadcast %broadcast_in_dim3A_402 : i32 to vector<16xi32>
        %lt3A_404 = arith.constant 0 : i32
        %lt3A_405 = vector.broadcast %lt3A_404 : i32 to vector<16xi32>
        %lt3A_406 = arith.cmpi slt, %broadcast_in_dim3A_403, %lt3A_405 : vector<16xi32>
        %add3A_407 = arith.constant 16 : i32
        %add3A_408 = vector.broadcast %add3A_407 : i32 to vector<16xi32>
        %add3A_409 = arith.addi %broadcast_in_dim3A_403, %add3A_408 : vector<16xi32>
        %select_n3A_410 = arith.select %lt3A_406, %add3A_409, %broadcast_in_dim3A_403 : vector<16xi1>, vector<16xi32>
        %broadcast_in_dim3A_411 = vector.shape_cast %select_n3A_410 : vector<16xi32> to vector<16x1xi32>
        %gather3A_412 = vector.shape_cast %broadcast_in_dim3A_411 : vector<16x1xi32> to vector<16xi32>
        %gather3A_413 = tpu.dynamic_gather %exp3A[%gather3A_412] in [0] : vector<16xf32>, vector<16xi32> -> vector<16xf32>
        %mul3A_414 = arith.mulf %bitcast3A_387, %gather3A_401 : vector<16xf32>
        %swap3A_415 = arith.index_cast %scan3A_285 : i32 to index
        %swap3A_416 = arith.constant 64 : index
        %swap3A_417 = tpu.vector_load %arg23[%swap3A_415, %swap3A_416] {strides = array<i32>} : memref<64x144xf32, #tpu.memory_space<vmem>>, vector<16xf32>,
        tpu.vector_store %arg23[%swap3A_415, %swap3A_416], %mul3A_414 {strides = array<i32>} : memref<64x144xf32, #tpu.memory_space<vmem>>, vector<16xf32>,
        %mul3A_418 = arith.mulf %bitcast3A_389, %gather3A_413 : vector<16xf32>
        %swap3A_419 = arith.index_cast %scan3A_285 : i32 to index
        %swap3A_420 = arith.constant 80 : index
        %swap3A_421 = tpu.vector_load %arg23[%swap3A_419, %swap3A_420] {strides = array<i32>} : memref<64x144xf32, #tpu.memory_space<vmem>>, vector<16xf32>,
        tpu.vector_store %arg23[%swap3A_419, %swap3A_420], %mul3A_418 {strides = array<i32>} : memref<64x144xf32, #tpu.memory_space<vmem>>, vector<16xf32>,
        %get3A_422 = arith.index_cast %scan3A_285 : i32 to index
        %get3A_423 = arith.constant 48 : index
        %get3A_424 = tpu.vector_load %arg21[%get3A_422, %get3A_423] {strides = array<i32>} : memref<64x80xi32, #tpu.memory_space<vmem>>, vector<16xi32>,
        %shift_left3A_425 = arith.constant 16 : i32
        %shift_left3A_426 = vector.broadcast %shift_left3A_425 : i32 to vector<16xi32>
        %shift_left3A_427 = arith.shli %get3A_424, %shift_left3A_426 : vector<16xi32>
        %bitcast3A_428 = vector.bitcast %shift_left3A_427 : vector<16xi32> to vector<16xf32>
        %and3A_429 = arith.andi %get3A_424, %broadcast_in_dim3A_3 : vector<16xi32>
        %bitcast3A_430 = vector.bitcast %and3A_429 : vector<16xi32> to vector<16xf32>
        %broadcast_in_dim3A_431 = arith.constant 3 : i32
        %broadcast_in_dim3A_432 = vector.broadcast %broadcast_in_dim3A_431 : i32 to vector<16xi32>
        %lt3A_433 = arith.constant 0 : i32
        %lt3A_434 = vector.broadcast %lt3A_433 : i32 to vector<16xi32>
        %lt3A_435 = arith.cmpi slt, %broadcast_in_dim3A_432, %lt3A_434 : vector<16xi32>
        %add3A_436 = arith.constant 16 : i32
        %add3A_437 = vector.broadcast %add3A_436 : i32 to vector<16xi32>
        %add3A_438 = arith.addi %broadcast_in_dim3A_432, %add3A_437 : vector<16xi32>
        %select_n3A_439 = arith.select %lt3A_435, %add3A_438, %broadcast_in_dim3A_432 : vector<16xi1>, vector<16xi32>
        %broadcast_in_dim3A_440 = vector.shape_cast %select_n3A_439 : vector<16xi32> to vector<16x1xi32>
        %gather3A_441 = vector.shape_cast %broadcast_in_dim3A_440 : vector<16x1xi32> to vector<16xi32>
        %gather3A_442 = tpu.dynamic_gather %exp3A[%gather3A_441] in [0] : vector<16xf32>, vector<16xi32> -> vector<16xf32>
        %broadcast_in_dim3A_443 = arith.constant 7 : i32
        %broadcast_in_dim3A_444 = vector.broadcast %broadcast_in_dim3A_443 : i32 to vector<16xi32>
        %lt3A_445 = arith.constant 0 : i32
        %lt3A_446 = vector.broadcast %lt3A_445 : i32 to vector<16xi32>
        %lt3A_447 = arith.cmpi slt, %broadcast_in_dim3A_444, %lt3A_446 : vector<16xi32>
        %add3A_448 = arith.constant 16 : i32
        %add3A_449 = vector.broadcast %add3A_448 : i32 to vector<16xi32>
        %add3A_450 = arith.addi %broadcast_in_dim3A_444, %add3A_449 : vector<16xi32>
        %select_n3A_451 = arith.select %lt3A_447, %add3A_450, %broadcast_in_dim3A_444 : vector<16xi1>, vector<16xi32>
        %broadcast_in_dim3A_452 = vector.shape_cast %select_n3A_451 : vector<16xi32> to vector<16x1xi32>
        %gather3A_453 = vector.shape_cast %broadcast_in_dim3A_452 : vector<16x1xi32> to vector<16xi32>
        %gather3A_454 = tpu.dynamic_gather %exp3A[%gather3A_453] in [0] : vector<16xf32>, vector<16xi32> -> vector<16xf32>
        %mul3A_455 = arith.mulf %bitcast3A_428, %gather3A_442 : vector<16xf32>
        %swap3A_456 = arith.index_cast %scan3A_285 : i32 to index
        %swap3A_457 = arith.constant 96 : index
        %swap3A_458 = tpu.vector_load %arg23[%swap3A_456, %swap3A_457] {strides = array<i32>} : memref<64x144xf32, #tpu.memory_space<vmem>>, vector<16xf32>,
        tpu.vector_store %arg23[%swap3A_456, %swap3A_457], %mul3A_455 {strides = array<i32>} : memref<64x144xf32, #tpu.memory_space<vmem>>, vector<16xf32>,
        %mul3A_459 = arith.mulf %bitcast3A_430, %gather3A_454 : vector<16xf32>
        %swap3A_460 = arith.index_cast %scan3A_285 : i32 to index
        %swap3A_461 = arith.constant 112 : index
        %swap3A_462 = tpu.vector_load %arg23[%swap3A_460, %swap3A_461] {strides = array<i32>} : memref<64x144xf32, #tpu.memory_space<vmem>>, vector<16xf32>,
        tpu.vector_store %arg23[%swap3A_460, %swap3A_461], %mul3A_459 {strides = array<i32>} : memref<64x144xf32, #tpu.memory_space<vmem>>, vector<16xf32>,
        %scan3A_463 = arith.constant 0 : i32
        %scan3A_464 = arith.constant 1 : i32
        %scan3A_465 = arith.addi %scan3A_285, %scan3A_464 : i32
        %get3A_466 = arith.index_cast %scan3A_465 : i32 to index
        %get3A_467 = arith.constant 64 : index
        %get3A_468 = tpu.vector_load %arg21[%get3A_466, %get3A_467] {strides = array<i32>} : memref<64x80xi32, #tpu.memory_space<vmem>>, vector<16xi32>,
        %bitcast3A_469 = vector.bitcast %get3A_468 : vector<16xi32> to vector<16xf32>
        %get3A_470 = arith.index_cast %scan3A_465 : i32 to index
        %get3A_471 = arith.constant 0 : index
        %get3A_472 = tpu.vector_load %arg22[%get3A_470, %get3A_471] {strides = array<i32>} : memref<64x16xf32, #tpu.memory_space<vmem>>, vector<16xf32>,
        %add3A_473 = arith.addf %bitcast3A_469, %get3A_472 : vector<16xf32>
        %gt3A_474 = arith.constant 0.000000e+00 : f32
        %gt3A_475 = vector.broadcast %gt3A_474 : f32 to vector<16xf32>
        %gt3A_476 = arith.cmpf ogt, %add3A_473, %gt3A_475 : vector<16xf32>
        %mul3A_477 = arith.constant 0.00999999977 : f32
        %mul3A_478 = vector.broadcast %mul3A_477 : f32 to vector<16xf32>
        %mul3A_479 = arith.mulf %mul3A_478, %add3A_473 : vector<16xf32>
        %select_n3A_480 = arith.select %gt3A_476, %add3A_473, %mul3A_479 : vector<16xi1>, vector<16xf32>
        %sub3A_481 = arith.subf %select_n3A_480, %get3A_50 : vector<16xf32>
        %exp3A_482 = math.exp %sub3A_481 : vector<16xf32>
        %swap3A_483 = arith.index_cast %scan3A_465 : i32 to index
        %swap3A_484 = arith.constant 128 : index
        %swap3A_485 = tpu.vector_load %arg23[%swap3A_483, %swap3A_484] {strides = array<i32>} : memref<64x144xf32, #tpu.memory_space<vmem>>, vector<16xf32>,
        tpu.vector_store %arg23[%swap3A_483, %swap3A_484], %exp3A_482 {strides = array<i32>} : memref<64x144xf32, #tpu.memory_space<vmem>>, vector<16xf32>,
        %get3A_486 = arith.index_cast %scan3A_465 : i32 to index
        %get3A_487 = arith.constant 0 : index
        %get3A_488 = tpu.vector_load %arg21[%get3A_486, %get3A_487] {strides = array<i32>} : memref<64x80xi32, #tpu.memory_space<vmem>>, vector<16xi32>,
        %shift_left3A_489 = arith.constant 16 : i32
        %shift_left3A_490 = vector.broadcast %shift_left3A_489 : i32 to vector<16xi32>
        %shift_left3A_491 = arith.shli %get3A_488, %shift_left3A_490 : vector<16xi32>
        %bitcast3A_492 = vector.bitcast %shift_left3A_491 : vector<16xi32> to vector<16xf32>
        %and3A_493 = arith.andi %get3A_488, %broadcast_in_dim3A_3 : vector<16xi32>
        %bitcast3A_494 = vector.bitcast %and3A_493 : vector<16xi32> to vector<16xf32>
        %broadcast_in_dim3A_495 = arith.constant 0 : i32
        %broadcast_in_dim3A_496 = vector.broadcast %broadcast_in_dim3A_495 : i32 to vector<16xi32>
        %lt3A_497 = arith.constant 0 : i32
        %lt3A_498 = vector.broadcast %lt3A_497 : i32 to vector<16xi32>
        %lt3A_499 = arith.cmpi slt, %broadcast_in_dim3A_496, %lt3A_498 : vector<16xi32>
        %add3A_500 = arith.constant 16 : i32
        %add3A_501 = vector.broadcast %add3A_500 : i32 to vector<16xi32>
        %add3A_502 = arith.addi %broadcast_in_dim3A_496, %add3A_501 : vector<16xi32>
        %select_n3A_503 = arith.select %lt3A_499, %add3A_502, %broadcast_in_dim3A_496 : vector<16xi1>, vector<16xi32>
        %broadcast_in_dim3A_504 = vector.shape_cast %select_n3A_503 : vector<16xi32> to vector<16x1xi32>
        %gather3A_505 = vector.shape_cast %broadcast_in_dim3A_504 : vector<16x1xi32> to vector<16xi32>
        %gather3A_506 = tpu.dynamic_gather %exp3A_482[%gather3A_505] in [0] : vector<16xf32>, vector<16xi32> -> vector<16xf32>
        %broadcast_in_dim3A_507 = arith.constant 4 : i32
        %broadcast_in_dim3A_508 = vector.broadcast %broadcast_in_dim3A_507 : i32 to vector<16xi32>
        %lt3A_509 = arith.constant 0 : i32
        %lt3A_510 = vector.broadcast %lt3A_509 : i32 to vector<16xi32>
        %lt3A_511 = arith.cmpi slt, %broadcast_in_dim3A_508, %lt3A_510 : vector<16xi32>
        %add3A_512 = arith.constant 16 : i32
        %add3A_513 = vector.broadcast %add3A_512 : i32 to vector<16xi32>
        %add3A_514 = arith.addi %broadcast_in_dim3A_508, %add3A_513 : vector<16xi32>
        %select_n3A_515 = arith.select %lt3A_511, %add3A_514, %broadcast_in_dim3A_508 : vector<16xi1>, vector<16xi32>
        %broadcast_in_dim3A_516 = vector.shape_cast %select_n3A_515 : vector<16xi32> to vector<16x1xi32>
        %gather3A_517 = vector.shape_cast %broadcast_in_dim3A_516 : vector<16x1xi32> to vector<16xi32>
        %gather3A_518 = tpu.dynamic_gather %exp3A_482[%gather3A_517] in [0] : vector<16xf32>, vector<16xi32> -> vector<16xf32>
        %mul3A_519 = arith.mulf %bitcast3A_492, %gather3A_506 : vector<16xf32>
        %swap3A_520 = arith.index_cast %scan3A_465 : i32 to index
        %swap3A_521 = arith.constant 0 : index
        %swap3A_522 = tpu.vector_load %arg23[%swap3A_520, %swap3A_521] {strides = array<i32>} : memref<64x144xf32, #tpu.memory_space<vmem>>, vector<16xf32>,
        tpu.vector_store %arg23[%swap3A_520, %swap3A_521], %mul3A_519 {strides = array<i32>} : memref<64x144xf32, #tpu.memory_space<vmem>>, vector<16xf32>,
        %mul3A_523 = arith.mulf %bitcast3A_494, %gather3A_518 : vector<16xf32>
        %swap3A_524 = arith.index_cast %scan3A_465 : i32 to index
        %swap3A_525 = arith.constant 16 : index
        %swap3A_526 = tpu.vector_load %arg23[%swap3A_524, %swap3A_525] {strides = array<i32>} : memref<64x144xf32, #tpu.memory_space<vmem>>, vector<16xf32>,
        tpu.vector_store %arg23[%swap3A_524, %swap3A_525], %mul3A_523 {strides = array<i32>} : memref<64x144xf32, #tpu.memory_space<vmem>>, vector<16xf32>,
        %get3A_527 = arith.index_cast %scan3A_465 : i32 to index
        %get3A_528 = arith.constant 16 : index
        %get3A_529 = tpu.vector_load %arg21[%get3A_527, %get3A_528] {strides = array<i32>} : memref<64x80xi32, #tpu.memory_space<vmem>>, vector<16xi32>,
        %shift_left3A_530 = arith.constant 16 : i32
        %shift_left3A_531 = vector.broadcast %shift_left3A_530 : i32 to vector<16xi32>
        %shift_left3A_532 = arith.shli %get3A_529, %shift_left3A_531 : vector<16xi32>
        %bitcast3A_533 = vector.bitcast %shift_left3A_532 : vector<16xi32> to vector<16xf32>
        %and3A_534 = arith.andi %get3A_529, %broadcast_in_dim3A_3 : vector<16xi32>
        %bitcast3A_535 = vector.bitcast %and3A_534 : vector<16xi32> to vector<16xf32>
        %broadcast_in_dim3A_536 = arith.constant 1 : i32
        %broadcast_in_dim3A_537 = vector.broadcast %broadcast_in_dim3A_536 : i32 to vector<16xi32>
        %lt3A_538 = arith.constant 0 : i32
        %lt3A_539 = vector.broadcast %lt3A_538 : i32 to vector<16xi32>
        %lt3A_540 = arith.cmpi slt, %broadcast_in_dim3A_537, %lt3A_539 : vector<16xi32>
        %add3A_541 = arith.constant 16 : i32
        %add3A_542 = vector.broadcast %add3A_541 : i32 to vector<16xi32>
        %add3A_543 = arith.addi %broadcast_in_dim3A_537, %add3A_542 : vector<16xi32>
        %select_n3A_544 = arith.select %lt3A_540, %add3A_543, %broadcast_in_dim3A_537 : vector<16xi1>, vector<16xi32>
        %broadcast_in_dim3A_545 = vector.shape_cast %select_n3A_544 : vector<16xi32> to vector<16x1xi32>
        %gather3A_546 = vector.shape_cast %broadcast_in_dim3A_545 : vector<16x1xi32> to vector<16xi32>
        %gather3A_547 = tpu.dynamic_gather %exp3A_482[%gather3A_546] in [0] : vector<16xf32>, vector<16xi32> -> vector<16xf32>
        %broadcast_in_dim3A_548 = arith.constant 5 : i32
        %broadcast_in_dim3A_549 = vector.broadcast %broadcast_in_dim3A_548 : i32 to vector<16xi32>
        %lt3A_550 = arith.constant 0 : i32
        %lt3A_551 = vector.broadcast %lt3A_550 : i32 to vector<16xi32>
        %lt3A_552 = arith.cmpi slt, %broadcast_in_dim3A_549, %lt3A_551 : vector<16xi32>
        %add3A_553 = arith.constant 16 : i32
        %add3A_554 = vector.broadcast %add3A_553 : i32 to vector<16xi32>
        %add3A_555 = arith.addi %broadcast_in_dim3A_549, %add3A_554 : vector<16xi32>
        %select_n3A_556 = arith.select %lt3A_552, %add3A_555, %broadcast_in_dim3A_549 : vector<16xi1>, vector<16xi32>
        %broadcast_in_dim3A_557 = vector.shape_cast %select_n3A_556 : vector<16xi32> to vector<16x1xi32>
        %gather3A_558 = vector.shape_cast %broadcast_in_dim3A_557 : vector<16x1xi32> to vector<16xi32>
        %gather3A_559 = tpu.dynamic_gather %exp3A_482[%gather3A_558] in [0] : vector<16xf32>, vector<16xi32> -> vector<16xf32>
        %mul3A_560 = arith.mulf %bitcast3A_533, %gather3A_547 : vector<16xf32>
        %swap3A_561 = arith.index_cast %scan3A_465 : i32 to index
        %swap3A_562 = arith.constant 32 : index
        %swap3A_563 = tpu.vector_load %arg23[%swap3A_561, %swap3A_562] {strides = array<i32>} : memref<64x144xf32, #tpu.memory_space<vmem>>, vector<16xf32>,
        tpu.vector_store %arg23[%swap3A_561, %swap3A_562], %mul3A_560 {strides = array<i32>} : memref<64x144xf32, #tpu.memory_space<vmem>>, vector<16xf32>,
        %mul3A_564 = arith.mulf %bitcast3A_535, %gather3A_559 : vector<16xf32>
        %swap3A_565 = arith.index_cast %scan3A_465 : i32 to index
        %swap3A_566 = arith.constant 48 : index
        %swap3A_567 = tpu.vector_load %arg23[%swap3A_565, %swap3A_566] {strides = array<i32>} : memref<64x144xf32, #tpu.memory_space<vmem>>, vector<16xf32>,
        tpu.vector_store %arg23[%swap3A_565, %swap3A_566], %mul3A_564 {strides = array<i32>} : memref<64x144xf32, #tpu.memory_space<vmem>>, vector<16xf32>,
        %get3A_568 = arith.index_cast %scan3A_465 : i32 to index
        %get3A_569 = arith.constant 32 : index
        %get3A_570 = tpu.vector_load %arg21[%get3A_568, %get3A_569] {strides = array<i32>} : memref<64x80xi32, #tpu.memory_space<vmem>>, vector<16xi32>,
        %shift_left3A_571 = arith.constant 16 : i32
        %shift_left3A_572 = vector.broadcast %shift_left3A_571 : i32 to vector<16xi32>
        %shift_left3A_573 = arith.shli %get3A_570, %shift_left3A_572 : vector<16xi32>
        %bitcast3A_574 = vector.bitcast %shift_left3A_573 : vector<16xi32> to vector<16xf32>
        %and3A_575 = arith.andi %get3A_570, %broadcast_in_dim3A_3 : vector<16xi32>
        %bitcast3A_576 = vector.bitcast %and3A_575 : vector<16xi32> to vector<16xf32>
        %broadcast_in_dim3A_577 = arith.constant 2 : i32
        %broadcast_in_dim3A_578 = vector.broadcast %broadcast_in_dim3A_577 : i32 to vector<16xi32>
        %lt3A_579 = arith.constant 0 : i32
        %lt3A_580 = vector.broadcast %lt3A_579 : i32 to vector<16xi32>
        %lt3A_581 = arith.cmpi slt, %broadcast_in_dim3A_578, %lt3A_580 : vector<16xi32>
        %add3A_582 = arith.constant 16 : i32
        %add3A_583 = vector.broadcast %add3A_582 : i32 to vector<16xi32>
        %add3A_584 = arith.addi %broadcast_in_dim3A_578, %add3A_583 : vector<16xi32>
        %select_n3A_585 = arith.select %lt3A_581, %add3A_584, %broadcast_in_dim3A_578 : vector<16xi1>, vector<16xi32>
        %broadcast_in_dim3A_586 = vector.shape_cast %select_n3A_585 : vector<16xi32> to vector<16x1xi32>
        %gather3A_587 = vector.shape_cast %broadcast_in_dim3A_586 : vector<16x1xi32> to vector<16xi32>
        %gather3A_588 = tpu.dynamic_gather %exp3A_482[%gather3A_587] in [0] : vector<16xf32>, vector<16xi32> -> vector<16xf32>
        %broadcast_in_dim3A_589 = arith.constant 6 : i32
        %broadcast_in_dim3A_590 = vector.broadcast %broadcast_in_dim3A_589 : i32 to vector<16xi32>
        %lt3A_591 = arith.constant 0 : i32
        %lt3A_592 = vector.broadcast %lt3A_591 : i32 to vector<16xi32>
        %lt3A_593 = arith.cmpi slt, %broadcast_in_dim3A_590, %lt3A_592 : vector<16xi32>
        %add3A_594 = arith.constant 16 : i32
        %add3A_595 = vector.broadcast %add3A_594 : i32 to vector<16xi32>
        %add3A_596 = arith.addi %broadcast_in_dim3A_590, %add3A_595 : vector<16xi32>
        %select_n3A_597 = arith.select %lt3A_593, %add3A_596, %broadcast_in_dim3A_590 : vector<16xi1>, vector<16xi32>
        %broadcast_in_dim3A_598 = vector.shape_cast %select_n3A_597 : vector<16xi32> to vector<16x1xi32>
        %gather3A_599 = vector.shape_cast %broadcast_in_dim3A_598 : vector<16x1xi32> to vector<16xi32>
        %gather3A_600 = tpu.dynamic_gather %exp3A_482[%gather3A_599] in [0] : vector<16xf32>, vector<16xi32> -> vector<16xf32>
        %mul3A_601 = arith.mulf %bitcast3A_574, %gather3A_588 : vector<16xf32>
        %swap3A_602 = arith.index_cast %scan3A_465 : i32 to index
        %swap3A_603 = arith.constant 64 : index
        %swap3A_604 = tpu.vector_load %arg23[%swap3A_602, %swap3A_603] {strides = array<i32>} : memref<64x144xf32, #tpu.memory_space<vmem>>, vector<16xf32>,
        tpu.vector_store %arg23[%swap3A_602, %swap3A_603], %mul3A_601 {strides = array<i32>} : memref<64x144xf32, #tpu.memory_space<vmem>>, vector<16xf32>,
        %mul3A_605 = arith.mulf %bitcast3A_576, %gather3A_600 : vector<16xf32>
        %swap3A_606 = arith.index_cast %scan3A_465 : i32 to index
        %swap3A_607 = arith.constant 80 : index
        %swap3A_608 = tpu.vector_load %arg23[%swap3A_606, %swap3A_607] {strides = array<i32>} : memref<64x144xf32, #tpu.memory_space<vmem>>, vector<16xf32>,
        tpu.vector_store %arg23[%swap3A_606, %swap3A_607], %mul3A_605 {strides = array<i32>} : memref<64x144xf32, #tpu.memory_space<vmem>>, vector<16xf32>,
        %get3A_609 = arith.index_cast %scan3A_465 : i32 to index
        %get3A_610 = arith.constant 48 : index
        %get3A_611 = tpu.vector_load %arg21[%get3A_609, %get3A_610] {strides = array<i32>} : memref<64x80xi32, #tpu.memory_space<vmem>>, vector<16xi32>,
        %shift_left3A_612 = arith.constant 16 : i32
        %shift_left3A_613 = vector.broadcast %shift_left3A_612 : i32 to vector<16xi32>
        %shift_left3A_614 = arith.shli %get3A_611, %shift_left3A_613 : vector<16xi32>
        %bitcast3A_615 = vector.bitcast %shift_left3A_614 : vector<16xi32> to vector<16xf32>
        %and3A_616 = arith.andi %get3A_611, %broadcast_in_dim3A_3 : vector<16xi32>
        %bitcast3A_617 = vector.bitcast %and3A_616 : vector<16xi32> to vector<16xf32>
        %broadcast_in_dim3A_618 = arith.constant 3 : i32
        %broadcast_in_dim3A_619 = vector.broadcast %broadcast_in_dim3A_618 : i32 to vector<16xi32>
        %lt3A_620 = arith.constant 0 : i32
        %lt3A_621 = vector.broadcast %lt3A_620 : i32 to vector<16xi32>
        %lt3A_622 = arith.cmpi slt, %broadcast_in_dim3A_619, %lt3A_621 : vector<16xi32>
        %add3A_623 = arith.constant 16 : i32
        %add3A_624 = vector.broadcast %add3A_623 : i32 to vector<16xi32>
        %add3A_625 = arith.addi %broadcast_in_dim3A_619, %add3A_624 : vector<16xi32>
        %select_n3A_626 = arith.select %lt3A_622, %add3A_625, %broadcast_in_dim3A_619 : vector<16xi1>, vector<16xi32>
        %broadcast_in_dim3A_627 = vector.shape_cast %select_n3A_626 : vector<16xi32> to vector<16x1xi32>
        %gather3A_628 = vector.shape_cast %broadcast_in_dim3A_627 : vector<16x1xi32> to vector<16xi32>
        %gather3A_629 = tpu.dynamic_gather %exp3A_482[%gather3A_628] in [0] : vector<16xf32>, vector<16xi32> -> vector<16xf32>
        %broadcast_in_dim3A_630 = arith.constant 7 : i32
        %broadcast_in_dim3A_631 = vector.broadcast %broadcast_in_dim3A_630 : i32 to vector<16xi32>
        %lt3A_632 = arith.constant 0 : i32
        %lt3A_633 = vector.broadcast %lt3A_632 : i32 to vector<16xi32>
        %lt3A_634 = arith.cmpi slt, %broadcast_in_dim3A_631, %lt3A_633 : vector<16xi32>
        %add3A_635 = arith.constant 16 : i32
        %add3A_636 = vector.broadcast %add3A_635 : i32 to vector<16xi32>
        %add3A_637 = arith.addi %broadcast_in_dim3A_631, %add3A_636 : vector<16xi32>
        %select_n3A_638 = arith.select %lt3A_634, %add3A_637, %broadcast_in_dim3A_631 : vector<16xi1>, vector<16xi32>
        %broadcast_in_dim3A_639 = vector.shape_cast %select_n3A_638 : vector<16xi32> to vector<16x1xi32>
        %gather3A_640 = vector.shape_cast %broadcast_in_dim3A_639 : vector<16x1xi32> to vector<16xi32>
        %gather3A_641 = tpu.dynamic_gather %exp3A_482[%gather3A_640] in [0] : vector<16xf32>, vector<16xi32> -> vector<16xf32>
        %mul3A_642 = arith.mulf %bitcast3A_615, %gather3A_629 : vector<16xf32>
        %swap3A_643 = arith.index_cast %scan3A_465 : i32 to index
        %swap3A_644 = arith.constant 96 : index
        %swap3A_645 = tpu.vector_load %arg23[%swap3A_643, %swap3A_644] {strides = array<i32>} : memref<64x144xf32, #tpu.memory_space<vmem>>, vector<16xf32>,
        tpu.vector_store %arg23[%swap3A_643, %swap3A_644], %mul3A_642 {strides = array<i32>} : memref<64x144xf32, #tpu.memory_space<vmem>>, vector<16xf32>,
        %mul3A_646 = arith.mulf %bitcast3A_617, %gather3A_641 : vector<16xf32>
        %swap3A_647 = arith.index_cast %scan3A_465 : i32 to index
        %swap3A_648 = arith.constant 112 : index
        %swap3A_649 = tpu.vector_load %arg23[%swap3A_647, %swap3A_648] {strides = array<i32>} : memref<64x144xf32, #tpu.memory_space<vmem>>, vector<16xf32>,
        tpu.vector_store %arg23[%swap3A_647, %swap3A_648], %mul3A_646 {strides = array<i32>} : memref<64x144xf32, #tpu.memory_space<vmem>>, vector<16xf32>,
        %scan3A_650 = arith.constant 0 : i32
        %scan3A_651 = arith.constant 2 : i32
        %scan3A_652 = arith.addi %scan3A_285, %scan3A_651 : i32
        %get3A_653 = arith.index_cast %scan3A_652 : i32 to index
        %get3A_654 = arith.constant 64 : index
        %get3A_655 = tpu.vector_load %arg21[%get3A_653, %get3A_654] {strides = array<i32>} : memref<64x80xi32, #tpu.memory_space<vmem>>, vector<16xi32>,
        %bitcast3A_656 = vector.bitcast %get3A_655 : vector<16xi32> to vector<16xf32>
        %get3A_657 = arith.index_cast %scan3A_652 : i32 to index
        %get3A_658 = arith.constant 0 : index
        %get3A_659 = tpu.vector_load %arg22[%get3A_657, %get3A_658] {strides = array<i32>} : memref<64x16xf32, #tpu.memory_space<vmem>>, vector<16xf32>,
        %add3A_660 = arith.addf %bitcast3A_656, %get3A_659 : vector<16xf32>
        %gt3A_661 = arith.constant 0.000000e+00 : f32
        %gt3A_662 = vector.broadcast %gt3A_661 : f32 to vector<16xf32>
        %gt3A_663 = arith.cmpf ogt, %add3A_660, %gt3A_662 : vector<16xf32>
        %mul3A_664 = arith.constant 0.00999999977 : f32
        %mul3A_665 = vector.broadcast %mul3A_664 : f32 to vector<16xf32>
        %mul3A_666 = arith.mulf %mul3A_665, %add3A_660 : vector<16xf32>
        %select_n3A_667 = arith.select %gt3A_663, %add3A_660, %mul3A_666 : vector<16xi1>, vector<16xf32>
        %sub3A_668 = arith.subf %select_n3A_667, %get3A_50 : vector<16xf32>
        %exp3A_669 = math.exp %sub3A_668 : vector<16xf32>
        %swap3A_670 = arith.index_cast %scan3A_652 : i32 to index
        %swap3A_671 = arith.constant 128 : index
        %swap3A_672 = tpu.vector_load %arg23[%swap3A_670, %swap3A_671] {strides = array<i32>} : memref<64x144xf32, #tpu.memory_space<vmem>>, vector<16xf32>,
        tpu.vector_store %arg23[%swap3A_670, %swap3A_671], %exp3A_669 {strides = array<i32>} : memref<64x144xf32, #tpu.memory_space<vmem>>, vector<16xf32>,
        %get3A_673 = arith.index_cast %scan3A_652 : i32 to index
        %get3A_674 = arith.constant 0 : index
        %get3A_675 = tpu.vector_load %arg21[%get3A_673, %get3A_674] {strides = array<i32>} : memref<64x80xi32, #tpu.memory_space<vmem>>, vector<16xi32>,
        %shift_left3A_676 = arith.constant 16 : i32
        %shift_left3A_677 = vector.broadcast %shift_left3A_676 : i32 to vector<16xi32>
        %shift_left3A_678 = arith.shli %get3A_675, %shift_left3A_677 : vector<16xi32>
        %bitcast3A_679 = vector.bitcast %shift_left3A_678 : vector<16xi32> to vector<16xf32>
        %and3A_680 = arith.andi %get3A_675, %broadcast_in_dim3A_3 : vector<16xi32>
        %bitcast3A_681 = vector.bitcast %and3A_680 : vector<16xi32> to vector<16xf32>
        %broadcast_in_dim3A_682 = arith.constant 0 : i32
        %broadcast_in_dim3A_683 = vector.broadcast %broadcast_in_dim3A_682 : i32 to vector<16xi32>
        %lt3A_684 = arith.constant 0 : i32
        %lt3A_685 = vector.broadcast %lt3A_684 : i32 to vector<16xi32>
        %lt3A_686 = arith.cmpi slt, %broadcast_in_dim3A_683, %lt3A_685 : vector<16xi32>
        %add3A_687 = arith.constant 16 : i32
        %add3A_688 = vector.broadcast %add3A_687 : i32 to vector<16xi32>
        %add3A_689 = arith.addi %broadcast_in_dim3A_683, %add3A_688 : vector<16xi32>
        %select_n3A_690 = arith.select %lt3A_686, %add3A_689, %broadcast_in_dim3A_683 : vector<16xi1>, vector<16xi32>
        %broadcast_in_dim3A_691 = vector.shape_cast %select_n3A_690 : vector<16xi32> to vector<16x1xi32>
        %gather3A_692 = vector.shape_cast %broadcast_in_dim3A_691 : vector<16x1xi32> to vector<16xi32>
        %gather3A_693 = tpu.dynamic_gather %exp3A_669[%gather3A_692] in [0] : vector<16xf32>, vector<16xi32> -> vector<16xf32>
        %broadcast_in_dim3A_694 = arith.constant 4 : i32
        %broadcast_in_dim3A_695 = vector.broadcast %broadcast_in_dim3A_694 : i32 to vector<16xi32>
        %lt3A_696 = arith.constant 0 : i32
        %lt3A_697 = vector.broadcast %lt3A_696 : i32 to vector<16xi32>
        %lt3A_698 = arith.cmpi slt, %broadcast_in_dim3A_695, %lt3A_697 : vector<16xi32>
        %add3A_699 = arith.constant 16 : i32
        %add3A_700 = vector.broadcast %add3A_699 : i32 to vector<16xi32>
        %add3A_701 = arith.addi %broadcast_in_dim3A_695, %add3A_700 : vector<16xi32>
        %select_n3A_702 = arith.select %lt3A_698, %add3A_701, %broadcast_in_dim3A_695 : vector<16xi1>, vector<16xi32>
        %broadcast_in_dim3A_703 = vector.shape_cast %select_n3A_702 : vector<16xi32> to vector<16x1xi32>
        %gather3A_704 = vector.shape_cast %broadcast_in_dim3A_703 : vector<16x1xi32> to vector<16xi32>
        %gather3A_705 = tpu.dynamic_gather %exp3A_669[%gather3A_704] in [0] : vector<16xf32>, vector<16xi32> -> vector<16xf32>
        %mul3A_706 = arith.mulf %bitcast3A_679, %gather3A_693 : vector<16xf32>
        %swap3A_707 = arith.index_cast %scan3A_652 : i32 to index
        %swap3A_708 = arith.constant 0 : index
        %swap3A_709 = tpu.vector_load %arg23[%swap3A_707, %swap3A_708] {strides = array<i32>} : memref<64x144xf32, #tpu.memory_space<vmem>>, vector<16xf32>,
        tpu.vector_store %arg23[%swap3A_707, %swap3A_708], %mul3A_706 {strides = array<i32>} : memref<64x144xf32, #tpu.memory_space<vmem>>, vector<16xf32>,
        %mul3A_710 = arith.mulf %bitcast3A_681, %gather3A_705 : vector<16xf32>
        %swap3A_711 = arith.index_cast %scan3A_652 : i32 to index
        %swap3A_712 = arith.constant 16 : index
        %swap3A_713 = tpu.vector_load %arg23[%swap3A_711, %swap3A_712] {strides = array<i32>} : memref<64x144xf32, #tpu.memory_space<vmem>>, vector<16xf32>,
        tpu.vector_store %arg23[%swap3A_711, %swap3A_712], %mul3A_710 {strides = array<i32>} : memref<64x144xf32, #tpu.memory_space<vmem>>, vector<16xf32>,
        %get3A_714 = arith.index_cast %scan3A_652 : i32 to index
        %get3A_715 = arith.constant 16 : index
        %get3A_716 = tpu.vector_load %arg21[%get3A_714, %get3A_715] {strides = array<i32>} : memref<64x80xi32, #tpu.memory_space<vmem>>, vector<16xi32>,
        %shift_left3A_717 = arith.constant 16 : i32
        %shift_left3A_718 = vector.broadcast %shift_left3A_717 : i32 to vector<16xi32>
        %shift_left3A_719 = arith.shli %get3A_716, %shift_left3A_718 : vector<16xi32>
        %bitcast3A_720 = vector.bitcast %shift_left3A_719 : vector<16xi32> to vector<16xf32>
        %and3A_721 = arith.andi %get3A_716, %broadcast_in_dim3A_3 : vector<16xi32>
        %bitcast3A_722 = vector.bitcast %and3A_721 : vector<16xi32> to vector<16xf32>
        %broadcast_in_dim3A_723 = arith.constant 1 : i32
        %broadcast_in_dim3A_724 = vector.broadcast %broadcast_in_dim3A_723 : i32 to vector<16xi32>
        %lt3A_725 = arith.constant 0 : i32
        %lt3A_726 = vector.broadcast %lt3A_725 : i32 to vector<16xi32>
        %lt3A_727 = arith.cmpi slt, %broadcast_in_dim3A_724, %lt3A_726 : vector<16xi32>
        %add3A_728 = arith.constant 16 : i32
        %add3A_729 = vector.broadcast %add3A_728 : i32 to vector<16xi32>
        %add3A_730 = arith.addi %broadcast_in_dim3A_724, %add3A_729 : vector<16xi32>
        %select_n3A_731 = arith.select %lt3A_727, %add3A_730, %broadcast_in_dim3A_724 : vector<16xi1>, vector<16xi32>
        %broadcast_in_dim3A_732 = vector.shape_cast %select_n3A_731 : vector<16xi32> to vector<16x1xi32>
        %gather3A_733 = vector.shape_cast %broadcast_in_dim3A_732 : vector<16x1xi32> to vector<16xi32>
        %gather3A_734 = tpu.dynamic_gather %exp3A_669[%gather3A_733] in [0] : vector<16xf32>, vector<16xi32> -> vector<16xf32>
        %broadcast_in_dim3A_735 = arith.constant 5 : i32
        %broadcast_in_dim3A_736 = vector.broadcast %broadcast_in_dim3A_735 : i32 to vector<16xi32>
        %lt3A_737 = arith.constant 0 : i32
        %lt3A_738 = vector.broadcast %lt3A_737 : i32 to vector<16xi32>
        %lt3A_739 = arith.cmpi slt, %broadcast_in_dim3A_736, %lt3A_738 : vector<16xi32>
        %add3A_740 = arith.constant 16 : i32
        %add3A_741 = vector.broadcast %add3A_740 : i32 to vector<16xi32>
        %add3A_742 = arith.addi %broadcast_in_dim3A_736, %add3A_741 : vector<16xi32>
        %select_n3A_743 = arith.select %lt3A_739, %add3A_742, %broadcast_in_dim3A_736 : vector<16xi1>, vector<16xi32>
        %broadcast_in_dim3A_744 = vector.shape_cast %select_n3A_743 : vector<16xi32> to vector<16x1xi32>
        %gather3A_745 = vector.shape_cast %broadcast_in_dim3A_744 : vector<16x1xi32> to vector<16xi32>
        %gather3A_746 = tpu.dynamic_gather %exp3A_669[%gather3A_745] in [0] : vector<16xf32>, vector<16xi32> -> vector<16xf32>
        %mul3A_747 = arith.mulf %bitcast3A_720, %gather3A_734 : vector<16xf32>
        %swap3A_748 = arith.index_cast %scan3A_652 : i32 to index
        %swap3A_749 = arith.constant 32 : index
        %swap3A_750 = tpu.vector_load %arg23[%swap3A_748, %swap3A_749] {strides = array<i32>} : memref<64x144xf32, #tpu.memory_space<vmem>>, vector<16xf32>,
        tpu.vector_store %arg23[%swap3A_748, %swap3A_749], %mul3A_747 {strides = array<i32>} : memref<64x144xf32, #tpu.memory_space<vmem>>, vector<16xf32>,
        %mul3A_751 = arith.mulf %bitcast3A_722, %gather3A_746 : vector<16xf32>
        %swap3A_752 = arith.index_cast %scan3A_652 : i32 to index
        %swap3A_753 = arith.constant 48 : index
        %swap3A_754 = tpu.vector_load %arg23[%swap3A_752, %swap3A_753] {strides = array<i32>} : memref<64x144xf32, #tpu.memory_space<vmem>>, vector<16xf32>,
        tpu.vector_store %arg23[%swap3A_752, %swap3A_753], %mul3A_751 {strides = array<i32>} : memref<64x144xf32, #tpu.memory_space<vmem>>, vector<16xf32>,
        %get3A_755 = arith.index_cast %scan3A_652 : i32 to index
        %get3A_756 = arith.constant 32 : index
        %get3A_757 = tpu.vector_load %arg21[%get3A_755, %get3A_756] {strides = array<i32>} : memref<64x80xi32, #tpu.memory_space<vmem>>, vector<16xi32>,
        %shift_left3A_758 = arith.constant 16 : i32
        %shift_left3A_759 = vector.broadcast %shift_left3A_758 : i32 to vector<16xi32>
        %shift_left3A_760 = arith.shli %get3A_757, %shift_left3A_759 : vector<16xi32>
        %bitcast3A_761 = vector.bitcast %shift_left3A_760 : vector<16xi32> to vector<16xf32>
        %and3A_762 = arith.andi %get3A_757, %broadcast_in_dim3A_3 : vector<16xi32>
        %bitcast3A_763 = vector.bitcast %and3A_762 : vector<16xi32> to vector<16xf32>
        %broadcast_in_dim3A_764 = arith.constant 2 : i32
        %broadcast_in_dim3A_765 = vector.broadcast %broadcast_in_dim3A_764 : i32 to vector<16xi32>
        %lt3A_766 = arith.constant 0 : i32
        %lt3A_767 = vector.broadcast %lt3A_766 : i32 to vector<16xi32>
        %lt3A_768 = arith.cmpi slt, %broadcast_in_dim3A_765, %lt3A_767 : vector<16xi32>
        %add3A_769 = arith.constant 16 : i32
        %add3A_770 = vector.broadcast %add3A_769 : i32 to vector<16xi32>
        %add3A_771 = arith.addi %broadcast_in_dim3A_765, %add3A_770 : vector<16xi32>
        %select_n3A_772 = arith.select %lt3A_768, %add3A_771, %broadcast_in_dim3A_765 : vector<16xi1>, vector<16xi32>
        %broadcast_in_dim3A_773 = vector.shape_cast %select_n3A_772 : vector<16xi32> to vector<16x1xi32>
        %gather3A_774 = vector.shape_cast %broadcast_in_dim3A_773 : vector<16x1xi32> to vector<16xi32>
        %gather3A_775 = tpu.dynamic_gather %exp3A_669[%gather3A_774] in [0] : vector<16xf32>, vector<16xi32> -> vector<16xf32>
        %broadcast_in_dim3A_776 = arith.constant 6 : i32
        %broadcast_in_dim3A_777 = vector.broadcast %broadcast_in_dim3A_776 : i32 to vector<16xi32>
        %lt3A_778 = arith.constant 0 : i32
        %lt3A_779 = vector.broadcast %lt3A_778 : i32 to vector<16xi32>
        %lt3A_780 = arith.cmpi slt, %broadcast_in_dim3A_777, %lt3A_779 : vector<16xi32>
        %add3A_781 = arith.constant 16 : i32
        %add3A_782 = vector.broadcast %add3A_781 : i32 to vector<16xi32>
        %add3A_783 = arith.addi %broadcast_in_dim3A_777, %add3A_782 : vector<16xi32>
        %select_n3A_784 = arith.select %lt3A_780, %add3A_783, %broadcast_in_dim3A_777 : vector<16xi1>, vector<16xi32>
        %broadcast_in_dim3A_785 = vector.shape_cast %select_n3A_784 : vector<16xi32> to vector<16x1xi32>
        %gather3A_786 = vector.shape_cast %broadcast_in_dim3A_785 : vector<16x1xi32> to vector<16xi32>
        %gather3A_787 = tpu.dynamic_gather %exp3A_669[%gather3A_786] in [0] : vector<16xf32>, vector<16xi32> -> vector<16xf32>
        %mul3A_788 = arith.mulf %bitcast3A_761, %gather3A_775 : vector<16xf32>
        %swap3A_789 = arith.index_cast %scan3A_652 : i32 to index
        %swap3A_790 = arith.constant 64 : index
        %swap3A_791 = tpu.vector_load %arg23[%swap3A_789, %swap3A_790] {strides = array<i32>} : memref<64x144xf32, #tpu.memory_space<vmem>>, vector<16xf32>,
        tpu.vector_store %arg23[%swap3A_789, %swap3A_790], %mul3A_788 {strides = array<i32>} : memref<64x144xf32, #tpu.memory_space<vmem>>, vector<16xf32>,
        %mul3A_792 = arith.mulf %bitcast3A_763, %gather3A_787 : vector<16xf32>
        %swap3A_793 = arith.index_cast %scan3A_652 : i32 to index
        %swap3A_794 = arith.constant 80 : index
        %swap3A_795 = tpu.vector_load %arg23[%swap3A_793, %swap3A_794] {strides = array<i32>} : memref<64x144xf32, #tpu.memory_space<vmem>>, vector<16xf32>,
        tpu.vector_store %arg23[%swap3A_793, %swap3A_794], %mul3A_792 {strides = array<i32>} : memref<64x144xf32, #tpu.memory_space<vmem>>, vector<16xf32>,
        %get3A_796 = arith.index_cast %scan3A_652 : i32 to index
        %get3A_797 = arith.constant 48 : index
        %get3A_798 = tpu.vector_load %arg21[%get3A_796, %get3A_797] {strides = array<i32>} : memref<64x80xi32, #tpu.memory_space<vmem>>, vector<16xi32>,
        %shift_left3A_799 = arith.constant 16 : i32
        %shift_left3A_800 = vector.broadcast %shift_left3A_799 : i32 to vector<16xi32>
        %shift_left3A_801 = arith.shli %get3A_798, %shift_left3A_800 : vector<16xi32>
        %bitcast3A_802 = vector.bitcast %shift_left3A_801 : vector<16xi32> to vector<16xf32>
        %and3A_803 = arith.andi %get3A_798, %broadcast_in_dim3A_3 : vector<16xi32>
        %bitcast3A_804 = vector.bitcast %and3A_803 : vector<16xi32> to vector<16xf32>
        %broadcast_in_dim3A_805 = arith.constant 3 : i32
        %broadcast_in_dim3A_806 = vector.broadcast %broadcast_in_dim3A_805 : i32 to vector<16xi32>
        %lt3A_807 = arith.constant 0 : i32
        %lt3A_808 = vector.broadcast %lt3A_807 : i32 to vector<16xi32>
        %lt3A_809 = arith.cmpi slt, %broadcast_in_dim3A_806, %lt3A_808 : vector<16xi32>
        %add3A_810 = arith.constant 16 : i32
        %add3A_811 = vector.broadcast %add3A_810 : i32 to vector<16xi32>
        %add3A_812 = arith.addi %broadcast_in_dim3A_806, %add3A_811 : vector<16xi32>
        %select_n3A_813 = arith.select %lt3A_809, %add3A_812, %broadcast_in_dim3A_806 : vector<16xi1>, vector<16xi32>
        %broadcast_in_dim3A_814 = vector.shape_cast %select_n3A_813 : vector<16xi32> to vector<16x1xi32>
        %gather3A_815 = vector.shape_cast %broadcast_in_dim3A_814 : vector<16x1xi32> to vector<16xi32>
        %gather3A_816 = tpu.dynamic_gather %exp3A_669[%gather3A_815] in [0] : vector<16xf32>, vector<16xi32> -> vector<16xf32>
        %broadcast_in_dim3A_817 = arith.constant 7 : i32
        %broadcast_in_dim3A_818 = vector.broadcast %broadcast_in_dim3A_817 : i32 to vector<16xi32>
        %lt3A_819 = arith.constant 0 : i32
        %lt3A_820 = vector.broadcast %lt3A_819 : i32 to vector<16xi32>
        %lt3A_821 = arith.cmpi slt, %broadcast_in_dim3A_818, %lt3A_820 : vector<16xi32>
        %add3A_822 = arith.constant 16 : i32
        %add3A_823 = vector.broadcast %add3A_822 : i32 to vector<16xi32>
        %add3A_824 = arith.addi %broadcast_in_dim3A_818, %add3A_823 : vector<16xi32>
        %select_n3A_825 = arith.select %lt3A_821, %add3A_824, %broadcast_in_dim3A_818 : vector<16xi1>, vector<16xi32>
        %broadcast_in_dim3A_826 = vector.shape_cast %select_n3A_825 : vector<16xi32> to vector<16x1xi32>
        %gather3A_827 = vector.shape_cast %broadcast_in_dim3A_826 : vector<16x1xi32> to vector<16xi32>
        %gather3A_828 = tpu.dynamic_gather %exp3A_669[%gather3A_827] in [0] : vector<16xf32>, vector<16xi32> -> vector<16xf32>
        %mul3A_829 = arith.mulf %bitcast3A_802, %gather3A_816 : vector<16xf32>
        %swap3A_830 = arith.index_cast %scan3A_652 : i32 to index
        %swap3A_831 = arith.constant 96 : index
        %swap3A_832 = tpu.vector_load %arg23[%swap3A_830, %swap3A_831] {strides = array<i32>} : memref<64x144xf32, #tpu.memory_space<vmem>>, vector<16xf32>,
        tpu.vector_store %arg23[%swap3A_830, %swap3A_831], %mul3A_829 {strides = array<i32>} : memref<64x144xf32, #tpu.memory_space<vmem>>, vector<16xf32>,
        %mul3A_833 = arith.mulf %bitcast3A_804, %gather3A_828 : vector<16xf32>
        %swap3A_834 = arith.index_cast %scan3A_652 : i32 to index
        %swap3A_835 = arith.constant 112 : index
        %swap3A_836 = tpu.vector_load %arg23[%swap3A_834, %swap3A_835] {strides = array<i32>} : memref<64x144xf32, #tpu.memory_space<vmem>>, vector<16xf32>,
        tpu.vector_store %arg23[%swap3A_834, %swap3A_835], %mul3A_833 {strides = array<i32>} : memref<64x144xf32, #tpu.memory_space<vmem>>, vector<16xf32>,
        %scan3A_837 = arith.constant 0 : i32
        %scan3A_838 = arith.constant 3 : i32
        %scan3A_839 = arith.addi %scan3A_285, %scan3A_838 : i32
        %get3A_840 = arith.index_cast %scan3A_839 : i32 to index
        %get3A_841 = arith.constant 64 : index
        %get3A_842 = tpu.vector_load %arg21[%get3A_840, %get3A_841] {strides = array<i32>} : memref<64x80xi32, #tpu.memory_space<vmem>>, vector<16xi32>,
        %bitcast3A_843 = vector.bitcast %get3A_842 : vector<16xi32> to vector<16xf32>
        %get3A_844 = arith.index_cast %scan3A_839 : i32 to index
        %get3A_845 = arith.constant 0 : index
        %get3A_846 = tpu.vector_load %arg22[%get3A_844, %get3A_845] {strides = array<i32>} : memref<64x16xf32, #tpu.memory_space<vmem>>, vector<16xf32>,
        %add3A_847 = arith.addf %bitcast3A_843, %get3A_846 : vector<16xf32>
        %gt3A_848 = arith.constant 0.000000e+00 : f32
        %gt3A_849 = vector.broadcast %gt3A_848 : f32 to vector<16xf32>
        %gt3A_850 = arith.cmpf ogt, %add3A_847, %gt3A_849 : vector<16xf32>
        %mul3A_851 = arith.constant 0.00999999977 : f32
        %mul3A_852 = vector.broadcast %mul3A_851 : f32 to vector<16xf32>
        %mul3A_853 = arith.mulf %mul3A_852, %add3A_847 : vector<16xf32>
        %select_n3A_854 = arith.select %gt3A_850, %add3A_847, %mul3A_853 : vector<16xi1>, vector<16xf32>
        %sub3A_855 = arith.subf %select_n3A_854, %get3A_50 : vector<16xf32>
        %exp3A_856 = math.exp %sub3A_855 : vector<16xf32>
        %swap3A_857 = arith.index_cast %scan3A_839 : i32 to index
        %swap3A_858 = arith.constant 128 : index
        %swap3A_859 = tpu.vector_load %arg23[%swap3A_857, %swap3A_858] {strides = array<i32>} : memref<64x144xf32, #tpu.memory_space<vmem>>, vector<16xf32>,
        tpu.vector_store %arg23[%swap3A_857, %swap3A_858], %exp3A_856 {strides = array<i32>} : memref<64x144xf32, #tpu.memory_space<vmem>>, vector<16xf32>,
        %get3A_860 = arith.index_cast %scan3A_839 : i32 to index
        %get3A_861 = arith.constant 0 : index
        %get3A_862 = tpu.vector_load %arg21[%get3A_860, %get3A_861] {strides = array<i32>} : memref<64x80xi32, #tpu.memory_space<vmem>>, vector<16xi32>,
        %shift_left3A_863 = arith.constant 16 : i32
        %shift_left3A_864 = vector.broadcast %shift_left3A_863 : i32 to vector<16xi32>
        %shift_left3A_865 = arith.shli %get3A_862, %shift_left3A_864 : vector<16xi32>
        %bitcast3A_866 = vector.bitcast %shift_left3A_865 : vector<16xi32> to vector<16xf32>
        %and3A_867 = arith.andi %get3A_862, %broadcast_in_dim3A_3 : vector<16xi32>
        %bitcast3A_868 = vector.bitcast %and3A_867 : vector<16xi32> to vector<16xf32>
        %broadcast_in_dim3A_869 = arith.constant 0 : i32
        %broadcast_in_dim3A_870 = vector.broadcast %broadcast_in_dim3A_869 : i32 to vector<16xi32>
        %lt3A_871 = arith.constant 0 : i32
        %lt3A_872 = vector.broadcast %lt3A_871 : i32 to vector<16xi32>
        %lt3A_873 = arith.cmpi slt, %broadcast_in_dim3A_870, %lt3A_872 : vector<16xi32>
        %add3A_874 = arith.constant 16 : i32
        %add3A_875 = vector.broadcast %add3A_874 : i32 to vector<16xi32>
        %add3A_876 = arith.addi %broadcast_in_dim3A_870, %add3A_875 : vector<16xi32>
        %select_n3A_877 = arith.select %lt3A_873, %add3A_876, %broadcast_in_dim3A_870 : vector<16xi1>, vector<16xi32>
        %broadcast_in_dim3A_878 = vector.shape_cast %select_n3A_877 : vector<16xi32> to vector<16x1xi32>
        %gather3A_879 = vector.shape_cast %broadcast_in_dim3A_878 : vector<16x1xi32> to vector<16xi32>
        %gather3A_880 = tpu.dynamic_gather %exp3A_856[%gather3A_879] in [0] : vector<16xf32>, vector<16xi32> -> vector<16xf32>
        %broadcast_in_dim3A_881 = arith.constant 4 : i32
        %broadcast_in_dim3A_882 = vector.broadcast %broadcast_in_dim3A_881 : i32 to vector<16xi32>
        %lt3A_883 = arith.constant 0 : i32
        %lt3A_884 = vector.broadcast %lt3A_883 : i32 to vector<16xi32>
        %lt3A_885 = arith.cmpi slt, %broadcast_in_dim3A_882, %lt3A_884 : vector<16xi32>
        %add3A_886 = arith.constant 16 : i32
        %add3A_887 = vector.broadcast %add3A_886 : i32 to vector<16xi32>
        %add3A_888 = arith.addi %broadcast_in_dim3A_882, %add3A_887 : vector<16xi32>
        %select_n3A_889 = arith.select %lt3A_885, %add3A_888, %broadcast_in_dim3A_882 : vector<16xi1>, vector<16xi32>
        %broadcast_in_dim3A_890 = vector.shape_cast %select_n3A_889 : vector<16xi32> to vector<16x1xi32>
        %gather3A_891 = vector.shape_cast %broadcast_in_dim3A_890 : vector<16x1xi32> to vector<16xi32>
        %gather3A_892 = tpu.dynamic_gather %exp3A_856[%gather3A_891] in [0] : vector<16xf32>, vector<16xi32> -> vector<16xf32>
        %mul3A_893 = arith.mulf %bitcast3A_866, %gather3A_880 : vector<16xf32>
        %swap3A_894 = arith.index_cast %scan3A_839 : i32 to index
        %swap3A_895 = arith.constant 0 : index
        %swap3A_896 = tpu.vector_load %arg23[%swap3A_894, %swap3A_895] {strides = array<i32>} : memref<64x144xf32, #tpu.memory_space<vmem>>, vector<16xf32>,
        tpu.vector_store %arg23[%swap3A_894, %swap3A_895], %mul3A_893 {strides = array<i32>} : memref<64x144xf32, #tpu.memory_space<vmem>>, vector<16xf32>,
        %mul3A_897 = arith.mulf %bitcast3A_868, %gather3A_892 : vector<16xf32>
        %swap3A_898 = arith.index_cast %scan3A_839 : i32 to index
        %swap3A_899 = arith.constant 16 : index
        %swap3A_900 = tpu.vector_load %arg23[%swap3A_898, %swap3A_899] {strides = array<i32>} : memref<64x144xf32, #tpu.memory_space<vmem>>, vector<16xf32>,
        tpu.vector_store %arg23[%swap3A_898, %swap3A_899], %mul3A_897 {strides = array<i32>} : memref<64x144xf32, #tpu.memory_space<vmem>>, vector<16xf32>,
        %get3A_901 = arith.index_cast %scan3A_839 : i32 to index
        %get3A_902 = arith.constant 16 : index
        %get3A_903 = tpu.vector_load %arg21[%get3A_901, %get3A_902] {strides = array<i32>} : memref<64x80xi32, #tpu.memory_space<vmem>>, vector<16xi32>,
        %shift_left3A_904 = arith.constant 16 : i32
        %shift_left3A_905 = vector.broadcast %shift_left3A_904 : i32 to vector<16xi32>
        %shift_left3A_906 = arith.shli %get3A_903, %shift_left3A_905 : vector<16xi32>
        %bitcast3A_907 = vector.bitcast %shift_left3A_906 : vector<16xi32> to vector<16xf32>
        %and3A_908 = arith.andi %get3A_903, %broadcast_in_dim3A_3 : vector<16xi32>
        %bitcast3A_909 = vector.bitcast %and3A_908 : vector<16xi32> to vector<16xf32>
        %broadcast_in_dim3A_910 = arith.constant 1 : i32
        %broadcast_in_dim3A_911 = vector.broadcast %broadcast_in_dim3A_910 : i32 to vector<16xi32>
        %lt3A_912 = arith.constant 0 : i32
        %lt3A_913 = vector.broadcast %lt3A_912 : i32 to vector<16xi32>
        %lt3A_914 = arith.cmpi slt, %broadcast_in_dim3A_911, %lt3A_913 : vector<16xi32>
        %add3A_915 = arith.constant 16 : i32
        %add3A_916 = vector.broadcast %add3A_915 : i32 to vector<16xi32>
        %add3A_917 = arith.addi %broadcast_in_dim3A_911, %add3A_916 : vector<16xi32>
        %select_n3A_918 = arith.select %lt3A_914, %add3A_917, %broadcast_in_dim3A_911 : vector<16xi1>, vector<16xi32>
        %broadcast_in_dim3A_919 = vector.shape_cast %select_n3A_918 : vector<16xi32> to vector<16x1xi32>
        %gather3A_920 = vector.shape_cast %broadcast_in_dim3A_919 : vector<16x1xi32> to vector<16xi32>
        %gather3A_921 = tpu.dynamic_gather %exp3A_856[%gather3A_920] in [0] : vector<16xf32>, vector<16xi32> -> vector<16xf32>
        %broadcast_in_dim3A_922 = arith.constant 5 : i32
        %broadcast_in_dim3A_923 = vector.broadcast %broadcast_in_dim3A_922 : i32 to vector<16xi32>
        %lt3A_924 = arith.constant 0 : i32
        %lt3A_925 = vector.broadcast %lt3A_924 : i32 to vector<16xi32>
        %lt3A_926 = arith.cmpi slt, %broadcast_in_dim3A_923, %lt3A_925 : vector<16xi32>
        %add3A_927 = arith.constant 16 : i32
        %add3A_928 = vector.broadcast %add3A_927 : i32 to vector<16xi32>
        %add3A_929 = arith.addi %broadcast_in_dim3A_923, %add3A_928 : vector<16xi32>
        %select_n3A_930 = arith.select %lt3A_926, %add3A_929, %broadcast_in_dim3A_923 : vector<16xi1>, vector<16xi32>
        %broadcast_in_dim3A_931 = vector.shape_cast %select_n3A_930 : vector<16xi32> to vector<16x1xi32>
        %gather3A_932 = vector.shape_cast %broadcast_in_dim3A_931 : vector<16x1xi32> to vector<16xi32>
        %gather3A_933 = tpu.dynamic_gather %exp3A_856[%gather3A_932] in [0] : vector<16xf32>, vector<16xi32> -> vector<16xf32>
        %mul3A_934 = arith.mulf %bitcast3A_907, %gather3A_921 : vector<16xf32>
        %swap3A_935 = arith.index_cast %scan3A_839 : i32 to index
        %swap3A_936 = arith.constant 32 : index
        %swap3A_937 = tpu.vector_load %arg23[%swap3A_935, %swap3A_936] {strides = array<i32>} : memref<64x144xf32, #tpu.memory_space<vmem>>, vector<16xf32>,
        tpu.vector_store %arg23[%swap3A_935, %swap3A_936], %mul3A_934 {strides = array<i32>} : memref<64x144xf32, #tpu.memory_space<vmem>>, vector<16xf32>,
        %mul3A_938 = arith.mulf %bitcast3A_909, %gather3A_933 : vector<16xf32>
        %swap3A_939 = arith.index_cast %scan3A_839 : i32 to index
        %swap3A_940 = arith.constant 48 : index
        %swap3A_941 = tpu.vector_load %arg23[%swap3A_939, %swap3A_940] {strides = array<i32>} : memref<64x144xf32, #tpu.memory_space<vmem>>, vector<16xf32>,
        tpu.vector_store %arg23[%swap3A_939, %swap3A_940], %mul3A_938 {strides = array<i32>} : memref<64x144xf32, #tpu.memory_space<vmem>>, vector<16xf32>,
        %get3A_942 = arith.index_cast %scan3A_839 : i32 to index
        %get3A_943 = arith.constant 32 : index
        %get3A_944 = tpu.vector_load %arg21[%get3A_942, %get3A_943] {strides = array<i32>} : memref<64x80xi32, #tpu.memory_space<vmem>>, vector<16xi32>,
        %shift_left3A_945 = arith.constant 16 : i32
        %shift_left3A_946 = vector.broadcast %shift_left3A_945 : i32 to vector<16xi32>
        %shift_left3A_947 = arith.shli %get3A_944, %shift_left3A_946 : vector<16xi32>
        %bitcast3A_948 = vector.bitcast %shift_left3A_947 : vector<16xi32> to vector<16xf32>
        %and3A_949 = arith.andi %get3A_944, %broadcast_in_dim3A_3 : vector<16xi32>
        %bitcast3A_950 = vector.bitcast %and3A_949 : vector<16xi32> to vector<16xf32>
        %broadcast_in_dim3A_951 = arith.constant 2 : i32
        %broadcast_in_dim3A_952 = vector.broadcast %broadcast_in_dim3A_951 : i32 to vector<16xi32>
        %lt3A_953 = arith.constant 0 : i32
        %lt3A_954 = vector.broadcast %lt3A_953 : i32 to vector<16xi32>
        %lt3A_955 = arith.cmpi slt, %broadcast_in_dim3A_952, %lt3A_954 : vector<16xi32>
        %add3A_956 = arith.constant 16 : i32
        %add3A_957 = vector.broadcast %add3A_956 : i32 to vector<16xi32>
        %add3A_958 = arith.addi %broadcast_in_dim3A_952, %add3A_957 : vector<16xi32>
        %select_n3A_959 = arith.select %lt3A_955, %add3A_958, %broadcast_in_dim3A_952 : vector<16xi1>, vector<16xi32>
        %broadcast_in_dim3A_960 = vector.shape_cast %select_n3A_959 : vector<16xi32> to vector<16x1xi32>
        %gather3A_961 = vector.shape_cast %broadcast_in_dim3A_960 : vector<16x1xi32> to vector<16xi32>
        %gather3A_962 = tpu.dynamic_gather %exp3A_856[%gather3A_961] in [0] : vector<16xf32>, vector<16xi32> -> vector<16xf32>
        %broadcast_in_dim3A_963 = arith.constant 6 : i32
        %broadcast_in_dim3A_964 = vector.broadcast %broadcast_in_dim3A_963 : i32 to vector<16xi32>
        %lt3A_965 = arith.constant 0 : i32
        %lt3A_966 = vector.broadcast %lt3A_965 : i32 to vector<16xi32>
        %lt3A_967 = arith.cmpi slt, %broadcast_in_dim3A_964, %lt3A_966 : vector<16xi32>
        %add3A_968 = arith.constant 16 : i32
        %add3A_969 = vector.broadcast %add3A_968 : i32 to vector<16xi32>
        %add3A_970 = arith.addi %broadcast_in_dim3A_964, %add3A_969 : vector<16xi32>
        %select_n3A_971 = arith.select %lt3A_967, %add3A_970, %broadcast_in_dim3A_964 : vector<16xi1>, vector<16xi32>
        %broadcast_in_dim3A_972 = vector.shape_cast %select_n3A_971 : vector<16xi32> to vector<16x1xi32>
        %gather3A_973 = vector.shape_cast %broadcast_in_dim3A_972 : vector<16x1xi32> to vector<16xi32>
        %gather3A_974 = tpu.dynamic_gather %exp3A_856[%gather3A_973] in [0] : vector<16xf32>, vector<16xi32> -> vector<16xf32>
        %mul3A_975 = arith.mulf %bitcast3A_948, %gather3A_962 : vector<16xf32>
        %swap3A_976 = arith.index_cast %scan3A_839 : i32 to index
        %swap3A_977 = arith.constant 64 : index
        %swap3A_978 = tpu.vector_load %arg23[%swap3A_976, %swap3A_977] {strides = array<i32>} : memref<64x144xf32, #tpu.memory_space<vmem>>, vector<16xf32>,
        tpu.vector_store %arg23[%swap3A_976, %swap3A_977], %mul3A_975 {strides = array<i32>} : memref<64x144xf32, #tpu.memory_space<vmem>>, vector<16xf32>,
        %mul3A_979 = arith.mulf %bitcast3A_950, %gather3A_974 : vector<16xf32>
        %swap3A_980 = arith.index_cast %scan3A_839 : i32 to index
        %swap3A_981 = arith.constant 80 : index
        %swap3A_982 = tpu.vector_load %arg23[%swap3A_980, %swap3A_981] {strides = array<i32>} : memref<64x144xf32, #tpu.memory_space<vmem>>, vector<16xf32>,
        tpu.vector_store %arg23[%swap3A_980, %swap3A_981], %mul3A_979 {strides = array<i32>} : memref<64x144xf32, #tpu.memory_space<vmem>>, vector<16xf32>,
        %get3A_983 = arith.index_cast %scan3A_839 : i32 to index
        %get3A_984 = arith.constant 48 : index
        %get3A_985 = tpu.vector_load %arg21[%get3A_983, %get3A_984] {strides = array<i32>} : memref<64x80xi32, #tpu.memory_space<vmem>>, vector<16xi32>,
        %shift_left3A_986 = arith.constant 16 : i32
        %shift_left3A_987 = vector.broadcast %shift_left3A_986 : i32 to vector<16xi32>
        %shift_left3A_988 = arith.shli %get3A_985, %shift_left3A_987 : vector<16xi32>
        %bitcast3A_989 = vector.bitcast %shift_left3A_988 : vector<16xi32> to vector<16xf32>
        %and3A_990 = arith.andi %get3A_985, %broadcast_in_dim3A_3 : vector<16xi32>
        %bitcast3A_991 = vector.bitcast %and3A_990 : vector<16xi32> to vector<16xf32>
        %broadcast_in_dim3A_992 = arith.constant 3 : i32
        %broadcast_in_dim3A_993 = vector.broadcast %broadcast_in_dim3A_992 : i32 to vector<16xi32>
        %lt3A_994 = arith.constant 0 : i32
        %lt3A_995 = vector.broadcast %lt3A_994 : i32 to vector<16xi32>
        %lt3A_996 = arith.cmpi slt, %broadcast_in_dim3A_993, %lt3A_995 : vector<16xi32>
        %add3A_997 = arith.constant 16 : i32
        %add3A_998 = vector.broadcast %add3A_997 : i32 to vector<16xi32>
        %add3A_999 = arith.addi %broadcast_in_dim3A_993, %add3A_998 : vector<16xi32>
        %select_n3A_1000 = arith.select %lt3A_996, %add3A_999, %broadcast_in_dim3A_993 : vector<16xi1>, vector<16xi32>
        %broadcast_in_dim3A_1001 = vector.shape_cast %select_n3A_1000 : vector<16xi32> to vector<16x1xi32>
        %gather3A_1002 = vector.shape_cast %broadcast_in_dim3A_1001 : vector<16x1xi32> to vector<16xi32>
        %gather3A_1003 = tpu.dynamic_gather %exp3A_856[%gather3A_1002] in [0] : vector<16xf32>, vector<16xi32> -> vector<16xf32>
        %broadcast_in_dim3A_1004 = arith.constant 7 : i32
        %broadcast_in_dim3A_1005 = vector.broadcast %broadcast_in_dim3A_1004 : i32 to vector<16xi32>
        %lt3A_1006 = arith.constant 0 : i32
        %lt3A_1007 = vector.broadcast %lt3A_1006 : i32 to vector<16xi32>
        %lt3A_1008 = arith.cmpi slt, %broadcast_in_dim3A_1005, %lt3A_1007 : vector<16xi32>
        %add3A_1009 = arith.constant 16 : i32
        %add3A_1010 = vector.broadcast %add3A_1009 : i32 to vector<16xi32>
        %add3A_1011 = arith.addi %broadcast_in_dim3A_1005, %add3A_1010 : vector<16xi32>
        %select_n3A_1012 = arith.select %lt3A_1008, %add3A_1011, %broadcast_in_dim3A_1005 : vector<16xi1>, vector<16xi32>
        %broadcast_in_dim3A_1013 = vector.shape_cast %select_n3A_1012 : vector<16xi32> to vector<16x1xi32>
        %gather3A_1014 = vector.shape_cast %broadcast_in_dim3A_1013 : vector<16x1xi32> to vector<16xi32>
        %gather3A_1015 = tpu.dynamic_gather %exp3A_856[%gather3A_1014] in [0] : vector<16xf32>, vector<16xi32> -> vector<16xf32>
        %mul3A_1016 = arith.mulf %bitcast3A_989, %gather3A_1003 : vector<16xf32>
        %swap3A_1017 = arith.index_cast %scan3A_839 : i32 to index
        %swap3A_1018 = arith.constant 96 : index
        %swap3A_1019 = tpu.vector_load %arg23[%swap3A_1017, %swap3A_1018] {strides = array<i32>} : memref<64x144xf32, #tpu.memory_space<vmem>>, vector<16xf32>,
        tpu.vector_store %arg23[%swap3A_1017, %swap3A_1018], %mul3A_1016 {strides = array<i32>} : memref<64x144xf32, #tpu.memory_space<vmem>>, vector<16xf32>,
        %mul3A_1020 = arith.mulf %bitcast3A_991, %gather3A_1015 : vector<16xf32>
        %swap3A_1021 = arith.index_cast %scan3A_839 : i32 to index
        %swap3A_1022 = arith.constant 112 : index
        %swap3A_1023 = tpu.vector_load %arg23[%swap3A_1021, %swap3A_1022] {strides = array<i32>} : memref<64x144xf32, #tpu.memory_space<vmem>>, vector<16xf32>,
        tpu.vector_store %arg23[%swap3A_1021, %swap3A_1022], %mul3A_1020 {strides = array<i32>} : memref<64x144xf32, #tpu.memory_space<vmem>>, vector<16xf32>,
        %scan3A_1024 = arith.constant 0 : i32
        scf.yield %scan3A_1024 : i32
      }
      %scan3A_280 = arith.constant 64 : i32
      %dma_start3A_281 = arith.constant 0 : i32
      %dma_start3A_282 = arith.constant 0 : i32
      %dma_start3A_283 = tpu.memref_slice %arg25[%dma_start3A_281, %dma_start3A_282] : memref<10240x144xf32, #tpu.memory_space<vmem_shared>> -> memref<10240x144xf32, #tpu.memory_space<vmem_shared>>
      tpu.enqueue_indirect_dma source(%arg23 : memref<64x144xf32, #tpu.memory_space<vmem>>) target(%dma_start3A_283 : memref<10240x144xf32, #tpu.memory_space<vmem_shared>>) offsets(%arg16 : memref<64xi32, #tpu.memory_space<vmem>>) semaphore(%arg32 : memref<!tpu.dma_semaphore, #tpu.memory_space<semaphore_mem>>) {add = true}
      %scan3A_284 = arith.constant 0 : i32
      scf.yield %scan3A_284 : i32
    }
    %scan3A_85 = arith.constant 53 : i32
    %dma_wait3A = arith.constant 0 : i32
    %dma_wait3A_86 = arith.constant 0 : i32
    %dma_wait3A_87 = tpu.memref_slice %arg2[%dma_wait3A, %dma_wait3A_86] : memref<10240x80xi32, #tpu.memory_space<hbm>> -> memref<10240x80xi32, #tpu.memory_space<hbm>>
    tpu.wait_indirect_dma semaphore(%arg26 : memref<!tpu.dma_semaphore, #tpu.memory_space<semaphore_mem>>) src(%dma_wait3A_87 : memref<10240x80xi32, #tpu.memory_space<hbm>>) dst(%arg17 : memref<64x80xi32, #tpu.memory_space<vmem>>)
    %dma_wait3A_88 = arith.constant 0 : i32
    %dma_wait3A_89 = arith.constant 0 : i32
    %dma_wait3A_90 = tpu.memref_slice %arg3[%dma_wait3A_88, %dma_wait3A_89] : memref<10240x16xf32, #tpu.memory_space<hbm>> -> memref<10240x16xf32, #tpu.memory_space<hbm>>
    tpu.wait_indirect_dma semaphore(%arg26 : memref<!tpu.dma_semaphore, #tpu.memory_space<semaphore_mem>>) src(%dma_wait3A_90 : memref<10240x16xf32, #tpu.memory_space<hbm>>) dst(%arg18 : memref<64x16xf32, #tpu.memory_space<vmem>>)
    %dma_wait3A_91 = arith.constant 0 : i32
    %dma_wait3A_92 = arith.constant 0 : i32
    %dma_wait3A_93 = tpu.memref_slice %arg25[%dma_wait3A_91, %dma_wait3A_92] : memref<10240x144xf32, #tpu.memory_space<vmem_shared>> -> memref<10240x144xf32, #tpu.memory_space<vmem_shared>>
    tpu.wait_indirect_dma semaphore(%arg32 : memref<!tpu.dma_semaphore, #tpu.memory_space<semaphore_mem>>) src(%arg23 : memref<64x144xf32, #tpu.memory_space<vmem>>) dst(%dma_wait3A_93 : memref<10240x144xf32, #tpu.memory_space<vmem_shared>>)
    %get3A_94 = arith.constant 0 : index
    %get3A_95 = tpu.vector_load %arg9[%get3A_94] {strides = array<i32>} : memref<64xi32, #tpu.memory_space<vmem>>, vector<16xi32>,
    %swap3A = arith.constant 0 : index
    %swap3A_96 = tpu.vector_load %arg14[%swap3A] {strides = array<i32>} : memref<64xi32, #tpu.memory_space<vmem>>, vector<16xi32>,
    tpu.vector_store %arg14[%swap3A], %get3A_95 {strides = array<i32>} : memref<64xi32, #tpu.memory_space<vmem>>, vector<16xi32>,
    %get3A_97 = arith.constant 16 : index
    %get3A_98 = tpu.vector_load %arg9[%get3A_97] {strides = array<i32>} : memref<64xi32, #tpu.memory_space<vmem>>, vector<16xi32>,
    %swap3A_99 = arith.constant 16 : index
    %swap3A_100 = tpu.vector_load %arg14[%swap3A_99] {strides = array<i32>} : memref<64xi32, #tpu.memory_space<vmem>>, vector<16xi32>,
    tpu.vector_store %arg14[%swap3A_99], %get3A_98 {strides = array<i32>} : memref<64xi32, #tpu.memory_space<vmem>>, vector<16xi32>,
    %get3A_101 = arith.constant 32 : index
    %get3A_102 = tpu.vector_load %arg9[%get3A_101] {strides = array<i32>} : memref<64xi32, #tpu.memory_space<vmem>>, vector<16xi32>,
    %swap3A_103 = arith.constant 32 : index
    %swap3A_104 = tpu.vector_load %arg14[%swap3A_103] {strides = array<i32>} : memref<64xi32, #tpu.memory_space<vmem>>, vector<16xi32>,
    tpu.vector_store %arg14[%swap3A_103], %get3A_102 {strides = array<i32>} : memref<64xi32, #tpu.memory_space<vmem>>, vector<16xi32>,
    %get3A_105 = arith.constant 48 : index
    %get3A_106 = tpu.vector_load %arg9[%get3A_105] {strides = array<i32>} : memref<64xi32, #tpu.memory_space<vmem>>, vector<16xi32>,
    %swap3A_107 = arith.constant 48 : index
    %swap3A_108 = tpu.vector_load %arg14[%swap3A_107] {strides = array<i32>} : memref<64xi32, #tpu.memory_space<vmem>>, vector<16xi32>,
    tpu.vector_store %arg14[%swap3A_107], %get3A_106 {strides = array<i32>} : memref<64xi32, #tpu.memory_space<vmem>>, vector<16xi32>,
    %scan3A_109 = arith.constant 0 : i32
    %scan3A_110 = arith.constant 0 : i32
    %scan3A_111 = arith.constant 64 : i32
    %scan3A_112 = arith.addi %scan3A_110, %scan3A_111 : i32
    %scan3A_113 = arith.constant 4 : i32
    %scan3A_114 = scf.for %scan3A_127 = %scan3A_110 to %scan3A_112 step %scan3A_113 iter_args(%scan3A_128 = %scan3A_109) -> (i32)  : i32 {
      %get3A_129 = arith.index_cast %scan3A_127 : i32 to index
      %get3A_130 = arith.constant 64 : index
      %get3A_131 = tpu.vector_load %arg17[%get3A_129, %get3A_130] {strides = array<i32>} : memref<64x80xi32, #tpu.memory_space<vmem>>, vector<16xi32>,
      %bitcast3A = vector.bitcast %get3A_131 : vector<16xi32> to vector<16xf32>
      %get3A_132 = arith.index_cast %scan3A_127 : i32 to index
      %get3A_133 = arith.constant 0 : index
      %get3A_134 = tpu.vector_load %arg18[%get3A_132, %get3A_133] {strides = array<i32>} : memref<64x16xf32, #tpu.memory_space<vmem>>, vector<16xf32>,
      %add3A_135 = arith.addf %bitcast3A, %get3A_134 : vector<16xf32>
      %gt3A = arith.constant 0.000000e+00 : f32
      %gt3A_136 = vector.broadcast %gt3A : f32 to vector<16xf32>
      %gt3A_137 = arith.cmpf ogt, %add3A_135, %gt3A_136 : vector<16xf32>
      %mul3A_138 = arith.constant 0.00999999977 : f32
      %mul3A_139 = vector.broadcast %mul3A_138 : f32 to vector<16xf32>
      %mul3A_140 = arith.mulf %mul3A_139, %add3A_135 : vector<16xf32>
      %select_n3A = arith.select %gt3A_137, %add3A_135, %mul3A_140 : vector<16xi1>, vector<16xf32>
      %sub3A = arith.subf %select_n3A, %get3A_50 : vector<16xf32>
      %exp3A = math.exp %sub3A : vector<16xf32>
      %swap3A_141 = arith.index_cast %scan3A_127 : i32 to index
      %swap3A_142 = arith.constant 128 : index
      %swap3A_143 = tpu.vector_load %arg23[%swap3A_141, %swap3A_142] {strides = array<i32>} : memref<64x144xf32, #tpu.memory_space<vmem>>, vector<16xf32>,
      tpu.vector_store %arg23[%swap3A_141, %swap3A_142], %exp3A {strides = array<i32>} : memref<64x144xf32, #tpu.memory_space<vmem>>, vector<16xf32>,
      %get3A_144 = arith.index_cast %scan3A_127 : i32 to index
      %get3A_145 = arith.constant 0 : index
      %get3A_146 = tpu.vector_load %arg17[%get3A_144, %get3A_145] {strides = array<i32>} : memref<64x80xi32, #tpu.memory_space<vmem>>, vector<16xi32>,
      %shift_left3A = arith.constant 16 : i32
      %shift_left3A_147 = vector.broadcast %shift_left3A : i32 to vector<16xi32>
      %shift_left3A_148 = arith.shli %get3A_146, %shift_left3A_147 : vector<16xi32>
      %bitcast3A_149 = vector.bitcast %shift_left3A_148 : vector<16xi32> to vector<16xf32>
      %and3A = arith.andi %get3A_146, %broadcast_in_dim3A_3 : vector<16xi32>
      %bitcast3A_150 = vector.bitcast %and3A : vector<16xi32> to vector<16xf32>
      %broadcast_in_dim3A_151 = arith.constant 0 : i32
      %broadcast_in_dim3A_152 = vector.broadcast %broadcast_in_dim3A_151 : i32 to vector<16xi32>
      %lt3A = arith.constant 0 : i32
      %lt3A_153 = vector.broadcast %lt3A : i32 to vector<16xi32>
      %lt3A_154 = arith.cmpi slt, %broadcast_in_dim3A_152, %lt3A_153 : vector<16xi32>
      %add3A_155 = arith.constant 16 : i32
      %add3A_156 = vector.broadcast %add3A_155 : i32 to vector<16xi32>
      %add3A_157 = arith.addi %broadcast_in_dim3A_152, %add3A_156 : vector<16xi32>
      %select_n3A_158 = arith.select %lt3A_154, %add3A_157, %broadcast_in_dim3A_152 : vector<16xi1>, vector<16xi32>
      %broadcast_in_dim3A_159 = vector.shape_cast %select_n3A_158 : vector<16xi32> to vector<16x1xi32>
      %gather3A = vector.shape_cast %broadcast_in_dim3A_159 : vector<16x1xi32> to vector<16xi32>
      %gather3A_160 = tpu.dynamic_gather %exp3A[%gather3A] in [0] : vector<16xf32>, vector<16xi32> -> vector<16xf32>
      %broadcast_in_dim3A_161 = arith.constant 4 : i32
      %broadcast_in_dim3A_162 = vector.broadcast %broadcast_in_dim3A_161 : i32 to vector<16xi32>
      %lt3A_163 = arith.constant 0 : i32
      %lt3A_164 = vector.broadcast %lt3A_163 : i32 to vector<16xi32>
      %lt3A_165 = arith.cmpi slt, %broadcast_in_dim3A_162, %lt3A_164 : vector<16xi32>
      %add3A_166 = arith.constant 16 : i32
      %add3A_167 = vector.broadcast %add3A_166 : i32 to vector<16xi32>
      %add3A_168 = arith.addi %broadcast_in_dim3A_162, %add3A_167 : vector<16xi32>
      %select_n3A_169 = arith.select %lt3A_165, %add3A_168, %broadcast_in_dim3A_162 : vector<16xi1>, vector<16xi32>
      %broadcast_in_dim3A_170 = vector.shape_cast %select_n3A_169 : vector<16xi32> to vector<16x1xi32>
      %gather3A_171 = vector.shape_cast %broadcast_in_dim3A_170 : vector<16x1xi32> to vector<16xi32>
      %gather3A_172 = tpu.dynamic_gather %exp3A[%gather3A_171] in [0] : vector<16xf32>, vector<16xi32> -> vector<16xf32>
      %mul3A_173 = arith.mulf %bitcast3A_149, %gather3A_160 : vector<16xf32>
      %swap3A_174 = arith.index_cast %scan3A_127 : i32 to index
      %swap3A_175 = arith.constant 0 : index
      %swap3A_176 = tpu.vector_load %arg23[%swap3A_174, %swap3A_175] {strides = array<i32>} : memref<64x144xf32, #tpu.memory_space<vmem>>, vector<16xf32>,
      tpu.vector_store %arg23[%swap3A_174, %swap3A_175], %mul3A_173 {strides = array<i32>} : memref<64x144xf32, #tpu.memory_space<vmem>>, vector<16xf32>,
      %mul3A_177 = arith.mulf %bitcast3A_150, %gather3A_172 : vector<16xf32>
      %swap3A_178 = arith.index_cast %scan3A_127 : i32 to index
      %swap3A_179 = arith.constant 16 : index
      %swap3A_180 = tpu.vector_load %arg23[%swap3A_178, %swap3A_179] {strides = array<i32>} : memref<64x144xf32, #tpu.memory_space<vmem>>, vector<16xf32>,
      tpu.vector_store %arg23[%swap3A_178, %swap3A_179], %mul3A_177 {strides = array<i32>} : memref<64x144xf32, #tpu.memory_space<vmem>>, vector<16xf32>,
      %get3A_181 = arith.index_cast %scan3A_127 : i32 to index
      %get3A_182 = arith.constant 16 : index
      %get3A_183 = tpu.vector_load %arg17[%get3A_181, %get3A_182] {strides = array<i32>} : memref<64x80xi32, #tpu.memory_space<vmem>>, vector<16xi32>,
      %shift_left3A_184 = arith.constant 16 : i32
      %shift_left3A_185 = vector.broadcast %shift_left3A_184 : i32 to vector<16xi32>
      %shift_left3A_186 = arith.shli %get3A_183, %shift_left3A_185 : vector<16xi32>
      %bitcast3A_187 = vector.bitcast %shift_left3A_186 : vector<16xi32> to vector<16xf32>
      %and3A_188 = arith.andi %get3A_183, %broadcast_in_dim3A_3 : vector<16xi32>
      %bitcast3A_189 = vector.bitcast %and3A_188 : vector<16xi32> to vector<16xf32>
      %broadcast_in_dim3A_190 = arith.constant 1 : i32
      %broadcast_in_dim3A_191 = vector.broadcast %broadcast_in_dim3A_190 : i32 to vector<16xi32>
      %lt3A_192 = arith.constant 0 : i32
      %lt3A_193 = vector.broadcast %lt3A_192 : i32 to vector<16xi32>
      %lt3A_194 = arith.cmpi slt, %broadcast_in_dim3A_191, %lt3A_193 : vector<16xi32>
      %add3A_195 = arith.constant 16 : i32
      %add3A_196 = vector.broadcast %add3A_195 : i32 to vector<16xi32>
      %add3A_197 = arith.addi %broadcast_in_dim3A_191, %add3A_196 : vector<16xi32>
      %select_n3A_198 = arith.select %lt3A_194, %add3A_197, %broadcast_in_dim3A_191 : vector<16xi1>, vector<16xi32>
      %broadcast_in_dim3A_199 = vector.shape_cast %select_n3A_198 : vector<16xi32> to vector<16x1xi32>
      %gather3A_200 = vector.shape_cast %broadcast_in_dim3A_199 : vector<16x1xi32> to vector<16xi32>
      %gather3A_201 = tpu.dynamic_gather %exp3A[%gather3A_200] in [0] : vector<16xf32>, vector<16xi32> -> vector<16xf32>
      %broadcast_in_dim3A_202 = arith.constant 5 : i32
      %broadcast_in_dim3A_203 = vector.broadcast %broadcast_in_dim3A_202 : i32 to vector<16xi32>
      %lt3A_204 = arith.constant 0 : i32
      %lt3A_205 = vector.broadcast %lt3A_204 : i32 to vector<16xi32>
      %lt3A_206 = arith.cmpi slt, %broadcast_in_dim3A_203, %lt3A_205 : vector<16xi32>
      %add3A_207 = arith.constant 16 : i32
      %add3A_208 = vector.broadcast %add3A_207 : i32 to vector<16xi32>
      %add3A_209 = arith.addi %broadcast_in_dim3A_203, %add3A_208 : vector<16xi32>
      %select_n3A_210 = arith.select %lt3A_206, %add3A_209, %broadcast_in_dim3A_203 : vector<16xi1>, vector<16xi32>
      %broadcast_in_dim3A_211 = vector.shape_cast %select_n3A_210 : vector<16xi32> to vector<16x1xi32>
      %gather3A_212 = vector.shape_cast %broadcast_in_dim3A_211 : vector<16x1xi32> to vector<16xi32>
      %gather3A_213 = tpu.dynamic_gather %exp3A[%gather3A_212] in [0] : vector<16xf32>, vector<16xi32> -> vector<16xf32>
      %mul3A_214 = arith.mulf %bitcast3A_187, %gather3A_201 : vector<16xf32>
      %swap3A_215 = arith.index_cast %scan3A_127 : i32 to index
      %swap3A_216 = arith.constant 32 : index
      %swap3A_217 = tpu.vector_load %arg23[%swap3A_215, %swap3A_216] {strides = array<i32>} : memref<64x144xf32, #tpu.memory_space<vmem>>, vector<16xf32>,
      tpu.vector_store %arg23[%swap3A_215, %swap3A_216], %mul3A_214 {strides = array<i32>} : memref<64x144xf32, #tpu.memory_space<vmem>>, vector<16xf32>,
      %mul3A_218 = arith.mulf %bitcast3A_189, %gather3A_213 : vector<16xf32>
      %swap3A_219 = arith.index_cast %scan3A_127 : i32 to index
      %swap3A_220 = arith.constant 48 : index
      %swap3A_221 = tpu.vector_load %arg23[%swap3A_219, %swap3A_220] {strides = array<i32>} : memref<64x144xf32, #tpu.memory_space<vmem>>, vector<16xf32>,
      tpu.vector_store %arg23[%swap3A_219, %swap3A_220], %mul3A_218 {strides = array<i32>} : memref<64x144xf32, #tpu.memory_space<vmem>>, vector<16xf32>,
      %get3A_222 = arith.index_cast %scan3A_127 : i32 to index
      %get3A_223 = arith.constant 32 : index
      %get3A_224 = tpu.vector_load %arg17[%get3A_222, %get3A_223] {strides = array<i32>} : memref<64x80xi32, #tpu.memory_space<vmem>>, vector<16xi32>,
      %shift_left3A_225 = arith.constant 16 : i32
      %shift_left3A_226 = vector.broadcast %shift_left3A_225 : i32 to vector<16xi32>
      %shift_left3A_227 = arith.shli %get3A_224, %shift_left3A_226 : vector<16xi32>
      %bitcast3A_228 = vector.bitcast %shift_left3A_227 : vector<16xi32> to vector<16xf32>
      %and3A_229 = arith.andi %get3A_224, %broadcast_in_dim3A_3 : vector<16xi32>
      %bitcast3A_230 = vector.bitcast %and3A_229 : vector<16xi32> to vector<16xf32>
      %broadcast_in_dim3A_231 = arith.constant 2 : i32
      %broadcast_in_dim3A_232 = vector.broadcast %broadcast_in_dim3A_231 : i32 to vector<16xi32>
      %lt3A_233 = arith.constant 0 : i32
      %lt3A_234 = vector.broadcast %lt3A_233 : i32 to vector<16xi32>
      %lt3A_235 = arith.cmpi slt, %broadcast_in_dim3A_232, %lt3A_234 : vector<16xi32>
      %add3A_236 = arith.constant 16 : i32
      %add3A_237 = vector.broadcast %add3A_236 : i32 to vector<16xi32>
      %add3A_238 = arith.addi %broadcast_in_dim3A_232, %add3A_237 : vector<16xi32>
      %select_n3A_239 = arith.select %lt3A_235, %add3A_238, %broadcast_in_dim3A_232 : vector<16xi1>, vector<16xi32>
      %broadcast_in_dim3A_240 = vector.shape_cast %select_n3A_239 : vector<16xi32> to vector<16x1xi32>
      %gather3A_241 = vector.shape_cast %broadcast_in_dim3A_240 : vector<16x1xi32> to vector<16xi32>
      %gather3A_242 = tpu.dynamic_gather %exp3A[%gather3A_241] in [0] : vector<16xf32>, vector<16xi32> -> vector<16xf32>
      %broadcast_in_dim3A_243 = arith.constant 6 : i32
      %broadcast_in_dim3A_244 = vector.broadcast %broadcast_in_dim3A_243 : i32 to vector<16xi32>
      %lt3A_245 = arith.constant 0 : i32
      %lt3A_246 = vector.broadcast %lt3A_245 : i32 to vector<16xi32>
      %lt3A_247 = arith.cmpi slt, %broadcast_in_dim3A_244, %lt3A_246 : vector<16xi32>
      %add3A_248 = arith.constant 16 : i32
      %add3A_249 = vector.broadcast %add3A_248 : i32 to vector<16xi32>
      %add3A_250 = arith.addi %broadcast_in_dim3A_244, %add3A_249 : vector<16xi32>
      %select_n3A_251 = arith.select %lt3A_247, %add3A_250, %broadcast_in_dim3A_244 : vector<16xi1>, vector<16xi32>
      %broadcast_in_dim3A_252 = vector.shape_cast %select_n3A_251 : vector<16xi32> to vector<16x1xi32>
      %gather3A_253 = vector.shape_cast %broadcast_in_dim3A_252 : vector<16x1xi32> to vector<16xi32>
      %gather3A_254 = tpu.dynamic_gather %exp3A[%gather3A_253] in [0] : vector<16xf32>, vector<16xi32> -> vector<16xf32>
      %mul3A_255 = arith.mulf %bitcast3A_228, %gather3A_242 : vector<16xf32>
      %swap3A_256 = arith.index_cast %scan3A_127 : i32 to index
      %swap3A_257 = arith.constant 64 : index
      %swap3A_258 = tpu.vector_load %arg23[%swap3A_256, %swap3A_257] {strides = array<i32>} : memref<64x144xf32, #tpu.memory_space<vmem>>, vector<16xf32>,
      tpu.vector_store %arg23[%swap3A_256, %swap3A_257], %mul3A_255 {strides = array<i32>} : memref<64x144xf32, #tpu.memory_space<vmem>>, vector<16xf32>,
      %mul3A_259 = arith.mulf %bitcast3A_230, %gather3A_254 : vector<16xf32>
      %swap3A_260 = arith.index_cast %scan3A_127 : i32 to index
      %swap3A_261 = arith.constant 80 : index
      %swap3A_262 = tpu.vector_load %arg23[%swap3A_260, %swap3A_261] {strides = array<i32>} : memref<64x144xf32, #tpu.memory_space<vmem>>, vector<16xf32>,
      tpu.vector_store %arg23[%swap3A_260, %swap3A_261], %mul3A_259 {strides = array<i32>} : memref<64x144xf32, #tpu.memory_space<vmem>>, vector<16xf32>,
      %get3A_263 = arith.index_cast %scan3A_127 : i32 to index
      %get3A_264 = arith.constant 48 : index
      %get3A_265 = tpu.vector_load %arg17[%get3A_263, %get3A_264] {strides = array<i32>} : memref<64x80xi32, #tpu.memory_space<vmem>>, vector<16xi32>,
      %shift_left3A_266 = arith.constant 16 : i32
      %shift_left3A_267 = vector.broadcast %shift_left3A_266 : i32 to vector<16xi32>
      %shift_left3A_268 = arith.shli %get3A_265, %shift_left3A_267 : vector<16xi32>
      %bitcast3A_269 = vector.bitcast %shift_left3A_268 : vector<16xi32> to vector<16xf32>
      %and3A_270 = arith.andi %get3A_265, %broadcast_in_dim3A_3 : vector<16xi32>
      %bitcast3A_271 = vector.bitcast %and3A_270 : vector<16xi32> to vector<16xf32>
      %broadcast_in_dim3A_272 = arith.constant 3 : i32
      %broadcast_in_dim3A_273 = vector.broadcast %broadcast_in_dim3A_272 : i32 to vector<16xi32>
      %lt3A_274 = arith.constant 0 : i32
      %lt3A_275 = vector.broadcast %lt3A_274 : i32 to vector<16xi32>
      %lt3A_276 = arith.cmpi slt, %broadcast_in_dim3A_273, %lt3A_275 : vector<16xi32>
      %add3A_277 = arith.constant 16 : i32
      %add3A_278 = vector.broadcast %add3A_277 : i32 to vector<16xi32>
      %add3A_279 = arith.addi %broadcast_in_dim3A_273, %add3A_278 : vector<16xi32>
      %select_n3A_280 = arith.select %lt3A_276, %add3A_279, %broadcast_in_dim3A_273 : vector<16xi1>, vector<16xi32>
      %broadcast_in_dim3A_281 = vector.shape_cast %select_n3A_280 : vector<16xi32> to vector<16x1xi32>
      %gather3A_282 = vector.shape_cast %broadcast_in_dim3A_281 : vector<16x1xi32> to vector<16xi32>
      %gather3A_283 = tpu.dynamic_gather %exp3A[%gather3A_282] in [0] : vector<16xf32>, vector<16xi32> -> vector<16xf32>
      %broadcast_in_dim3A_284 = arith.constant 7 : i32
      %broadcast_in_dim3A_285 = vector.broadcast %broadcast_in_dim3A_284 : i32 to vector<16xi32>
      %lt3A_286 = arith.constant 0 : i32
      %lt3A_287 = vector.broadcast %lt3A_286 : i32 to vector<16xi32>
      %lt3A_288 = arith.cmpi slt, %broadcast_in_dim3A_285, %lt3A_287 : vector<16xi32>
      %add3A_289 = arith.constant 16 : i32
      %add3A_290 = vector.broadcast %add3A_289 : i32 to vector<16xi32>
      %add3A_291 = arith.addi %broadcast_in_dim3A_285, %add3A_290 : vector<16xi32>
      %select_n3A_292 = arith.select %lt3A_288, %add3A_291, %broadcast_in_dim3A_285 : vector<16xi1>, vector<16xi32>
      %broadcast_in_dim3A_293 = vector.shape_cast %select_n3A_292 : vector<16xi32> to vector<16x1xi32>
      %gather3A_294 = vector.shape_cast %broadcast_in_dim3A_293 : vector<16x1xi32> to vector<16xi32>
      %gather3A_295 = tpu.dynamic_gather %exp3A[%gather3A_294] in [0] : vector<16xf32>, vector<16xi32> -> vector<16xf32>
      %mul3A_296 = arith.mulf %bitcast3A_269, %gather3A_283 : vector<16xf32>
      %swap3A_297 = arith.index_cast %scan3A_127 : i32 to index
      %swap3A_298 = arith.constant 96 : index
      %swap3A_299 = tpu.vector_load %arg23[%swap3A_297, %swap3A_298] {strides = array<i32>} : memref<64x144xf32, #tpu.memory_space<vmem>>, vector<16xf32>,
      tpu.vector_store %arg23[%swap3A_297, %swap3A_298], %mul3A_296 {strides = array<i32>} : memref<64x144xf32, #tpu.memory_space<vmem>>, vector<16xf32>,
      %mul3A_300 = arith.mulf %bitcast3A_271, %gather3A_295 : vector<16xf32>
      %swap3A_301 = arith.index_cast %scan3A_127 : i32 to index
      %swap3A_302 = arith.constant 112 : index
      %swap3A_303 = tpu.vector_load %arg23[%swap3A_301, %swap3A_302] {strides = array<i32>} : memref<64x144xf32, #tpu.memory_space<vmem>>, vector<16xf32>,
      tpu.vector_store %arg23[%swap3A_301, %swap3A_302], %mul3A_300 {strides = array<i32>} : memref<64x144xf32, #tpu.memory_space<vmem>>, vector<16xf32>,
      %scan3A_304 = arith.constant 0 : i32
      %scan3A_305 = arith.constant 1 : i32
      %scan3A_306 = arith.addi %scan3A_127, %scan3A_305 : i32
      %get3A_307 = arith.index_cast %scan3A_306 : i32 to index
      %get3A_308 = arith.constant 64 : index
      %get3A_309 = tpu.vector_load %arg17[%get3A_307, %get3A_308] {strides = array<i32>} : memref<64x80xi32, #tpu.memory_space<vmem>>, vector<16xi32>,
      %bitcast3A_310 = vector.bitcast %get3A_309 : vector<16xi32> to vector<16xf32>
      %get3A_311 = arith.index_cast %scan3A_306 : i32 to index
      %get3A_312 = arith.constant 0 : index
      %get3A_313 = tpu.vector_load %arg18[%get3A_311, %get3A_312] {strides = array<i32>} : memref<64x16xf32, #tpu.memory_space<vmem>>, vector<16xf32>,
      %add3A_314 = arith.addf %bitcast3A_310, %get3A_313 : vector<16xf32>
      %gt3A_315 = arith.constant 0.000000e+00 : f32
      %gt3A_316 = vector.broadcast %gt3A_315 : f32 to vector<16xf32>
      %gt3A_317 = arith.cmpf ogt, %add3A_314, %gt3A_316 : vector<16xf32>
      %mul3A_318 = arith.constant 0.00999999977 : f32
      %mul3A_319 = vector.broadcast %mul3A_318 : f32 to vector<16xf32>
      %mul3A_320 = arith.mulf %mul3A_319, %add3A_314 : vector<16xf32>
      %select_n3A_321 = arith.select %gt3A_317, %add3A_314, %mul3A_320 : vector<16xi1>, vector<16xf32>
      %sub3A_322 = arith.subf %select_n3A_321, %get3A_50 : vector<16xf32>
      %exp3A_323 = math.exp %sub3A_322 : vector<16xf32>
      %swap3A_324 = arith.index_cast %scan3A_306 : i32 to index
      %swap3A_325 = arith.constant 128 : index
      %swap3A_326 = tpu.vector_load %arg23[%swap3A_324, %swap3A_325] {strides = array<i32>} : memref<64x144xf32, #tpu.memory_space<vmem>>, vector<16xf32>,
      tpu.vector_store %arg23[%swap3A_324, %swap3A_325], %exp3A_323 {strides = array<i32>} : memref<64x144xf32, #tpu.memory_space<vmem>>, vector<16xf32>,
      %get3A_327 = arith.index_cast %scan3A_306 : i32 to index
      %get3A_328 = arith.constant 0 : index
      %get3A_329 = tpu.vector_load %arg17[%get3A_327, %get3A_328] {strides = array<i32>} : memref<64x80xi32, #tpu.memory_space<vmem>>, vector<16xi32>,
      %shift_left3A_330 = arith.constant 16 : i32
      %shift_left3A_331 = vector.broadcast %shift_left3A_330 : i32 to vector<16xi32>
      %shift_left3A_332 = arith.shli %get3A_329, %shift_left3A_331 : vector<16xi32>
      %bitcast3A_333 = vector.bitcast %shift_left3A_332 : vector<16xi32> to vector<16xf32>
      %and3A_334 = arith.andi %get3A_329, %broadcast_in_dim3A_3 : vector<16xi32>
      %bitcast3A_335 = vector.bitcast %and3A_334 : vector<16xi32> to vector<16xf32>
      %broadcast_in_dim3A_336 = arith.constant 0 : i32
      %broadcast_in_dim3A_337 = vector.broadcast %broadcast_in_dim3A_336 : i32 to vector<16xi32>
      %lt3A_338 = arith.constant 0 : i32
      %lt3A_339 = vector.broadcast %lt3A_338 : i32 to vector<16xi32>
      %lt3A_340 = arith.cmpi slt, %broadcast_in_dim3A_337, %lt3A_339 : vector<16xi32>
      %add3A_341 = arith.constant 16 : i32
      %add3A_342 = vector.broadcast %add3A_341 : i32 to vector<16xi32>
      %add3A_343 = arith.addi %broadcast_in_dim3A_337, %add3A_342 : vector<16xi32>
      %select_n3A_344 = arith.select %lt3A_340, %add3A_343, %broadcast_in_dim3A_337 : vector<16xi1>, vector<16xi32>
      %broadcast_in_dim3A_345 = vector.shape_cast %select_n3A_344 : vector<16xi32> to vector<16x1xi32>
      %gather3A_346 = vector.shape_cast %broadcast_in_dim3A_345 : vector<16x1xi32> to vector<16xi32>
      %gather3A_347 = tpu.dynamic_gather %exp3A_323[%gather3A_346] in [0] : vector<16xf32>, vector<16xi32> -> vector<16xf32>
      %broadcast_in_dim3A_348 = arith.constant 4 : i32
      %broadcast_in_dim3A_349 = vector.broadcast %broadcast_in_dim3A_348 : i32 to vector<16xi32>
      %lt3A_350 = arith.constant 0 : i32
      %lt3A_351 = vector.broadcast %lt3A_350 : i32 to vector<16xi32>
      %lt3A_352 = arith.cmpi slt, %broadcast_in_dim3A_349, %lt3A_351 : vector<16xi32>
      %add3A_353 = arith.constant 16 : i32
      %add3A_354 = vector.broadcast %add3A_353 : i32 to vector<16xi32>
      %add3A_355 = arith.addi %broadcast_in_dim3A_349, %add3A_354 : vector<16xi32>
      %select_n3A_356 = arith.select %lt3A_352, %add3A_355, %broadcast_in_dim3A_349 : vector<16xi1>, vector<16xi32>
      %broadcast_in_dim3A_357 = vector.shape_cast %select_n3A_356 : vector<16xi32> to vector<16x1xi32>
      %gather3A_358 = vector.shape_cast %broadcast_in_dim3A_357 : vector<16x1xi32> to vector<16xi32>
      %gather3A_359 = tpu.dynamic_gather %exp3A_323[%gather3A_358] in [0] : vector<16xf32>, vector<16xi32> -> vector<16xf32>
      %mul3A_360 = arith.mulf %bitcast3A_333, %gather3A_347 : vector<16xf32>
      %swap3A_361 = arith.index_cast %scan3A_306 : i32 to index
      %swap3A_362 = arith.constant 0 : index
      %swap3A_363 = tpu.vector_load %arg23[%swap3A_361, %swap3A_362] {strides = array<i32>} : memref<64x144xf32, #tpu.memory_space<vmem>>, vector<16xf32>,
      tpu.vector_store %arg23[%swap3A_361, %swap3A_362], %mul3A_360 {strides = array<i32>} : memref<64x144xf32, #tpu.memory_space<vmem>>, vector<16xf32>,
      %mul3A_364 = arith.mulf %bitcast3A_335, %gather3A_359 : vector<16xf32>
      %swap3A_365 = arith.index_cast %scan3A_306 : i32 to index
      %swap3A_366 = arith.constant 16 : index
      %swap3A_367 = tpu.vector_load %arg23[%swap3A_365, %swap3A_366] {strides = array<i32>} : memref<64x144xf32, #tpu.memory_space<vmem>>, vector<16xf32>,
      tpu.vector_store %arg23[%swap3A_365, %swap3A_366], %mul3A_364 {strides = array<i32>} : memref<64x144xf32, #tpu.memory_space<vmem>>, vector<16xf32>,
      %get3A_368 = arith.index_cast %scan3A_306 : i32 to index
      %get3A_369 = arith.constant 16 : index
      %get3A_370 = tpu.vector_load %arg17[%get3A_368, %get3A_369] {strides = array<i32>} : memref<64x80xi32, #tpu.memory_space<vmem>>, vector<16xi32>,
      %shift_left3A_371 = arith.constant 16 : i32
      %shift_left3A_372 = vector.broadcast %shift_left3A_371 : i32 to vector<16xi32>
      %shift_left3A_373 = arith.shli %get3A_370, %shift_left3A_372 : vector<16xi32>
      %bitcast3A_374 = vector.bitcast %shift_left3A_373 : vector<16xi32> to vector<16xf32>
      %and3A_375 = arith.andi %get3A_370, %broadcast_in_dim3A_3 : vector<16xi32>
      %bitcast3A_376 = vector.bitcast %and3A_375 : vector<16xi32> to vector<16xf32>
      %broadcast_in_dim3A_377 = arith.constant 1 : i32
      %broadcast_in_dim3A_378 = vector.broadcast %broadcast_in_dim3A_377 : i32 to vector<16xi32>
      %lt3A_379 = arith.constant 0 : i32
      %lt3A_380 = vector.broadcast %lt3A_379 : i32 to vector<16xi32>
      %lt3A_381 = arith.cmpi slt, %broadcast_in_dim3A_378, %lt3A_380 : vector<16xi32>
      %add3A_382 = arith.constant 16 : i32
      %add3A_383 = vector.broadcast %add3A_382 : i32 to vector<16xi32>
      %add3A_384 = arith.addi %broadcast_in_dim3A_378, %add3A_383 : vector<16xi32>
      %select_n3A_385 = arith.select %lt3A_381, %add3A_384, %broadcast_in_dim3A_378 : vector<16xi1>, vector<16xi32>
      %broadcast_in_dim3A_386 = vector.shape_cast %select_n3A_385 : vector<16xi32> to vector<16x1xi32>
      %gather3A_387 = vector.shape_cast %broadcast_in_dim3A_386 : vector<16x1xi32> to vector<16xi32>
      %gather3A_388 = tpu.dynamic_gather %exp3A_323[%gather3A_387] in [0] : vector<16xf32>, vector<16xi32> -> vector<16xf32>
      %broadcast_in_dim3A_389 = arith.constant 5 : i32
      %broadcast_in_dim3A_390 = vector.broadcast %broadcast_in_dim3A_389 : i32 to vector<16xi32>
      %lt3A_391 = arith.constant 0 : i32
      %lt3A_392 = vector.broadcast %lt3A_391 : i32 to vector<16xi32>
      %lt3A_393 = arith.cmpi slt, %broadcast_in_dim3A_390, %lt3A_392 : vector<16xi32>
      %add3A_394 = arith.constant 16 : i32
      %add3A_395 = vector.broadcast %add3A_394 : i32 to vector<16xi32>
      %add3A_396 = arith.addi %broadcast_in_dim3A_390, %add3A_395 : vector<16xi32>
      %select_n3A_397 = arith.select %lt3A_393, %add3A_396, %broadcast_in_dim3A_390 : vector<16xi1>, vector<16xi32>
      %broadcast_in_dim3A_398 = vector.shape_cast %select_n3A_397 : vector<16xi32> to vector<16x1xi32>
      %gather3A_399 = vector.shape_cast %broadcast_in_dim3A_398 : vector<16x1xi32> to vector<16xi32>
      %gather3A_400 = tpu.dynamic_gather %exp3A_323[%gather3A_399] in [0] : vector<16xf32>, vector<16xi32> -> vector<16xf32>
      %mul3A_401 = arith.mulf %bitcast3A_374, %gather3A_388 : vector<16xf32>
      %swap3A_402 = arith.index_cast %scan3A_306 : i32 to index
      %swap3A_403 = arith.constant 32 : index
      %swap3A_404 = tpu.vector_load %arg23[%swap3A_402, %swap3A_403] {strides = array<i32>} : memref<64x144xf32, #tpu.memory_space<vmem>>, vector<16xf32>,
      tpu.vector_store %arg23[%swap3A_402, %swap3A_403], %mul3A_401 {strides = array<i32>} : memref<64x144xf32, #tpu.memory_space<vmem>>, vector<16xf32>,
      %mul3A_405 = arith.mulf %bitcast3A_376, %gather3A_400 : vector<16xf32>
      %swap3A_406 = arith.index_cast %scan3A_306 : i32 to index
      %swap3A_407 = arith.constant 48 : index
      %swap3A_408 = tpu.vector_load %arg23[%swap3A_406, %swap3A_407] {strides = array<i32>} : memref<64x144xf32, #tpu.memory_space<vmem>>, vector<16xf32>,
      tpu.vector_store %arg23[%swap3A_406, %swap3A_407], %mul3A_405 {strides = array<i32>} : memref<64x144xf32, #tpu.memory_space<vmem>>, vector<16xf32>,
      %get3A_409 = arith.index_cast %scan3A_306 : i32 to index
      %get3A_410 = arith.constant 32 : index
      %get3A_411 = tpu.vector_load %arg17[%get3A_409, %get3A_410] {strides = array<i32>} : memref<64x80xi32, #tpu.memory_space<vmem>>, vector<16xi32>,
      %shift_left3A_412 = arith.constant 16 : i32
      %shift_left3A_413 = vector.broadcast %shift_left3A_412 : i32 to vector<16xi32>
      %shift_left3A_414 = arith.shli %get3A_411, %shift_left3A_413 : vector<16xi32>
      %bitcast3A_415 = vector.bitcast %shift_left3A_414 : vector<16xi32> to vector<16xf32>
      %and3A_416 = arith.andi %get3A_411, %broadcast_in_dim3A_3 : vector<16xi32>
      %bitcast3A_417 = vector.bitcast %and3A_416 : vector<16xi32> to vector<16xf32>
      %broadcast_in_dim3A_418 = arith.constant 2 : i32
      %broadcast_in_dim3A_419 = vector.broadcast %broadcast_in_dim3A_418 : i32 to vector<16xi32>
      %lt3A_420 = arith.constant 0 : i32
      %lt3A_421 = vector.broadcast %lt3A_420 : i32 to vector<16xi32>
      %lt3A_422 = arith.cmpi slt, %broadcast_in_dim3A_419, %lt3A_421 : vector<16xi32>
      %add3A_423 = arith.constant 16 : i32
      %add3A_424 = vector.broadcast %add3A_423 : i32 to vector<16xi32>
      %add3A_425 = arith.addi %broadcast_in_dim3A_419, %add3A_424 : vector<16xi32>
      %select_n3A_426 = arith.select %lt3A_422, %add3A_425, %broadcast_in_dim3A_419 : vector<16xi1>, vector<16xi32>
      %broadcast_in_dim3A_427 = vector.shape_cast %select_n3A_426 : vector<16xi32> to vector<16x1xi32>
      %gather3A_428 = vector.shape_cast %broadcast_in_dim3A_427 : vector<16x1xi32> to vector<16xi32>
      %gather3A_429 = tpu.dynamic_gather %exp3A_323[%gather3A_428] in [0] : vector<16xf32>, vector<16xi32> -> vector<16xf32>
      %broadcast_in_dim3A_430 = arith.constant 6 : i32
      %broadcast_in_dim3A_431 = vector.broadcast %broadcast_in_dim3A_430 : i32 to vector<16xi32>
      %lt3A_432 = arith.constant 0 : i32
      %lt3A_433 = vector.broadcast %lt3A_432 : i32 to vector<16xi32>
      %lt3A_434 = arith.cmpi slt, %broadcast_in_dim3A_431, %lt3A_433 : vector<16xi32>
      %add3A_435 = arith.constant 16 : i32
      %add3A_436 = vector.broadcast %add3A_435 : i32 to vector<16xi32>
      %add3A_437 = arith.addi %broadcast_in_dim3A_431, %add3A_436 : vector<16xi32>
      %select_n3A_438 = arith.select %lt3A_434, %add3A_437, %broadcast_in_dim3A_431 : vector<16xi1>, vector<16xi32>
      %broadcast_in_dim3A_439 = vector.shape_cast %select_n3A_438 : vector<16xi32> to vector<16x1xi32>
      %gather3A_440 = vector.shape_cast %broadcast_in_dim3A_439 : vector<16x1xi32> to vector<16xi32>
      %gather3A_441 = tpu.dynamic_gather %exp3A_323[%gather3A_440] in [0] : vector<16xf32>, vector<16xi32> -> vector<16xf32>
      %mul3A_442 = arith.mulf %bitcast3A_415, %gather3A_429 : vector<16xf32>
      %swap3A_443 = arith.index_cast %scan3A_306 : i32 to index
      %swap3A_444 = arith.constant 64 : index
      %swap3A_445 = tpu.vector_load %arg23[%swap3A_443, %swap3A_444] {strides = array<i32>} : memref<64x144xf32, #tpu.memory_space<vmem>>, vector<16xf32>,
      tpu.vector_store %arg23[%swap3A_443, %swap3A_444], %mul3A_442 {strides = array<i32>} : memref<64x144xf32, #tpu.memory_space<vmem>>, vector<16xf32>,
      %mul3A_446 = arith.mulf %bitcast3A_417, %gather3A_441 : vector<16xf32>
      %swap3A_447 = arith.index_cast %scan3A_306 : i32 to index
      %swap3A_448 = arith.constant 80 : index
      %swap3A_449 = tpu.vector_load %arg23[%swap3A_447, %swap3A_448] {strides = array<i32>} : memref<64x144xf32, #tpu.memory_space<vmem>>, vector<16xf32>,
      tpu.vector_store %arg23[%swap3A_447, %swap3A_448], %mul3A_446 {strides = array<i32>} : memref<64x144xf32, #tpu.memory_space<vmem>>, vector<16xf32>,
      %get3A_450 = arith.index_cast %scan3A_306 : i32 to index
      %get3A_451 = arith.constant 48 : index
      %get3A_452 = tpu.vector_load %arg17[%get3A_450, %get3A_451] {strides = array<i32>} : memref<64x80xi32, #tpu.memory_space<vmem>>, vector<16xi32>,
      %shift_left3A_453 = arith.constant 16 : i32
      %shift_left3A_454 = vector.broadcast %shift_left3A_453 : i32 to vector<16xi32>
      %shift_left3A_455 = arith.shli %get3A_452, %shift_left3A_454 : vector<16xi32>
      %bitcast3A_456 = vector.bitcast %shift_left3A_455 : vector<16xi32> to vector<16xf32>
      %and3A_457 = arith.andi %get3A_452, %broadcast_in_dim3A_3 : vector<16xi32>
      %bitcast3A_458 = vector.bitcast %and3A_457 : vector<16xi32> to vector<16xf32>
      %broadcast_in_dim3A_459 = arith.constant 3 : i32
      %broadcast_in_dim3A_460 = vector.broadcast %broadcast_in_dim3A_459 : i32 to vector<16xi32>
      %lt3A_461 = arith.constant 0 : i32
      %lt3A_462 = vector.broadcast %lt3A_461 : i32 to vector<16xi32>
      %lt3A_463 = arith.cmpi slt, %broadcast_in_dim3A_460, %lt3A_462 : vector<16xi32>
      %add3A_464 = arith.constant 16 : i32
      %add3A_465 = vector.broadcast %add3A_464 : i32 to vector<16xi32>
      %add3A_466 = arith.addi %broadcast_in_dim3A_460, %add3A_465 : vector<16xi32>
      %select_n3A_467 = arith.select %lt3A_463, %add3A_466, %broadcast_in_dim3A_460 : vector<16xi1>, vector<16xi32>
      %broadcast_in_dim3A_468 = vector.shape_cast %select_n3A_467 : vector<16xi32> to vector<16x1xi32>
      %gather3A_469 = vector.shape_cast %broadcast_in_dim3A_468 : vector<16x1xi32> to vector<16xi32>
      %gather3A_470 = tpu.dynamic_gather %exp3A_323[%gather3A_469] in [0] : vector<16xf32>, vector<16xi32> -> vector<16xf32>
      %broadcast_in_dim3A_471 = arith.constant 7 : i32
      %broadcast_in_dim3A_472 = vector.broadcast %broadcast_in_dim3A_471 : i32 to vector<16xi32>
      %lt3A_473 = arith.constant 0 : i32
      %lt3A_474 = vector.broadcast %lt3A_473 : i32 to vector<16xi32>
      %lt3A_475 = arith.cmpi slt, %broadcast_in_dim3A_472, %lt3A_474 : vector<16xi32>
      %add3A_476 = arith.constant 16 : i32
      %add3A_477 = vector.broadcast %add3A_476 : i32 to vector<16xi32>
      %add3A_478 = arith.addi %broadcast_in_dim3A_472, %add3A_477 : vector<16xi32>
      %select_n3A_479 = arith.select %lt3A_475, %add3A_478, %broadcast_in_dim3A_472 : vector<16xi1>, vector<16xi32>
      %broadcast_in_dim3A_480 = vector.shape_cast %select_n3A_479 : vector<16xi32> to vector<16x1xi32>
      %gather3A_481 = vector.shape_cast %broadcast_in_dim3A_480 : vector<16x1xi32> to vector<16xi32>
      %gather3A_482 = tpu.dynamic_gather %exp3A_323[%gather3A_481] in [0] : vector<16xf32>, vector<16xi32> -> vector<16xf32>
      %mul3A_483 = arith.mulf %bitcast3A_456, %gather3A_470 : vector<16xf32>
      %swap3A_484 = arith.index_cast %scan3A_306 : i32 to index
      %swap3A_485 = arith.constant 96 : index
      %swap3A_486 = tpu.vector_load %arg23[%swap3A_484, %swap3A_485] {strides = array<i32>} : memref<64x144xf32, #tpu.memory_space<vmem>>, vector<16xf32>,
      tpu.vector_store %arg23[%swap3A_484, %swap3A_485], %mul3A_483 {strides = array<i32>} : memref<64x144xf32, #tpu.memory_space<vmem>>, vector<16xf32>,
      %mul3A_487 = arith.mulf %bitcast3A_458, %gather3A_482 : vector<16xf32>
      %swap3A_488 = arith.index_cast %scan3A_306 : i32 to index
      %swap3A_489 = arith.constant 112 : index
      %swap3A_490 = tpu.vector_load %arg23[%swap3A_488, %swap3A_489] {strides = array<i32>} : memref<64x144xf32, #tpu.memory_space<vmem>>, vector<16xf32>,
      tpu.vector_store %arg23[%swap3A_488, %swap3A_489], %mul3A_487 {strides = array<i32>} : memref<64x144xf32, #tpu.memory_space<vmem>>, vector<16xf32>,
      %scan3A_491 = arith.constant 0 : i32
      %scan3A_492 = arith.constant 2 : i32
      %scan3A_493 = arith.addi %scan3A_127, %scan3A_492 : i32
      %get3A_494 = arith.index_cast %scan3A_493 : i32 to index
      %get3A_495 = arith.constant 64 : index
      %get3A_496 = tpu.vector_load %arg17[%get3A_494, %get3A_495] {strides = array<i32>} : memref<64x80xi32, #tpu.memory_space<vmem>>, vector<16xi32>,
      %bitcast3A_497 = vector.bitcast %get3A_496 : vector<16xi32> to vector<16xf32>
      %get3A_498 = arith.index_cast %scan3A_493 : i32 to index
      %get3A_499 = arith.constant 0 : index
      %get3A_500 = tpu.vector_load %arg18[%get3A_498, %get3A_499] {strides = array<i32>} : memref<64x16xf32, #tpu.memory_space<vmem>>, vector<16xf32>,
      %add3A_501 = arith.addf %bitcast3A_497, %get3A_500 : vector<16xf32>
      %gt3A_502 = arith.constant 0.000000e+00 : f32
      %gt3A_503 = vector.broadcast %gt3A_502 : f32 to vector<16xf32>
      %gt3A_504 = arith.cmpf ogt, %add3A_501, %gt3A_503 : vector<16xf32>
      %mul3A_505 = arith.constant 0.00999999977 : f32
      %mul3A_506 = vector.broadcast %mul3A_505 : f32 to vector<16xf32>
      %mul3A_507 = arith.mulf %mul3A_506, %add3A_501 : vector<16xf32>
      %select_n3A_508 = arith.select %gt3A_504, %add3A_501, %mul3A_507 : vector<16xi1>, vector<16xf32>
      %sub3A_509 = arith.subf %select_n3A_508, %get3A_50 : vector<16xf32>
      %exp3A_510 = math.exp %sub3A_509 : vector<16xf32>
      %swap3A_511 = arith.index_cast %scan3A_493 : i32 to index
      %swap3A_512 = arith.constant 128 : index
      %swap3A_513 = tpu.vector_load %arg23[%swap3A_511, %swap3A_512] {strides = array<i32>} : memref<64x144xf32, #tpu.memory_space<vmem>>, vector<16xf32>,
      tpu.vector_store %arg23[%swap3A_511, %swap3A_512], %exp3A_510 {strides = array<i32>} : memref<64x144xf32, #tpu.memory_space<vmem>>, vector<16xf32>,
      %get3A_514 = arith.index_cast %scan3A_493 : i32 to index
      %get3A_515 = arith.constant 0 : index
      %get3A_516 = tpu.vector_load %arg17[%get3A_514, %get3A_515] {strides = array<i32>} : memref<64x80xi32, #tpu.memory_space<vmem>>, vector<16xi32>,
      %shift_left3A_517 = arith.constant 16 : i32
      %shift_left3A_518 = vector.broadcast %shift_left3A_517 : i32 to vector<16xi32>
      %shift_left3A_519 = arith.shli %get3A_516, %shift_left3A_518 : vector<16xi32>
      %bitcast3A_520 = vector.bitcast %shift_left3A_519 : vector<16xi32> to vector<16xf32>
      %and3A_521 = arith.andi %get3A_516, %broadcast_in_dim3A_3 : vector<16xi32>
      %bitcast3A_522 = vector.bitcast %and3A_521 : vector<16xi32> to vector<16xf32>
      %broadcast_in_dim3A_523 = arith.constant 0 : i32
      %broadcast_in_dim3A_524 = vector.broadcast %broadcast_in_dim3A_523 : i32 to vector<16xi32>
      %lt3A_525 = arith.constant 0 : i32
      %lt3A_526 = vector.broadcast %lt3A_525 : i32 to vector<16xi32>
      %lt3A_527 = arith.cmpi slt, %broadcast_in_dim3A_524, %lt3A_526 : vector<16xi32>
      %add3A_528 = arith.constant 16 : i32
      %add3A_529 = vector.broadcast %add3A_528 : i32 to vector<16xi32>
      %add3A_530 = arith.addi %broadcast_in_dim3A_524, %add3A_529 : vector<16xi32>
      %select_n3A_531 = arith.select %lt3A_527, %add3A_530, %broadcast_in_dim3A_524 : vector<16xi1>, vector<16xi32>
      %broadcast_in_dim3A_532 = vector.shape_cast %select_n3A_531 : vector<16xi32> to vector<16x1xi32>
      %gather3A_533 = vector.shape_cast %broadcast_in_dim3A_532 : vector<16x1xi32> to vector<16xi32>
      %gather3A_534 = tpu.dynamic_gather %exp3A_510[%gather3A_533] in [0] : vector<16xf32>, vector<16xi32> -> vector<16xf32>
      %broadcast_in_dim3A_535 = arith.constant 4 : i32
      %broadcast_in_dim3A_536 = vector.broadcast %broadcast_in_dim3A_535 : i32 to vector<16xi32>
      %lt3A_537 = arith.constant 0 : i32
      %lt3A_538 = vector.broadcast %lt3A_537 : i32 to vector<16xi32>
      %lt3A_539 = arith.cmpi slt, %broadcast_in_dim3A_536, %lt3A_538 : vector<16xi32>
      %add3A_540 = arith.constant 16 : i32
      %add3A_541 = vector.broadcast %add3A_540 : i32 to vector<16xi32>
      %add3A_542 = arith.addi %broadcast_in_dim3A_536, %add3A_541 : vector<16xi32>
      %select_n3A_543 = arith.select %lt3A_539, %add3A_542, %broadcast_in_dim3A_536 : vector<16xi1>, vector<16xi32>
      %broadcast_in_dim3A_544 = vector.shape_cast %select_n3A_543 : vector<16xi32> to vector<16x1xi32>
      %gather3A_545 = vector.shape_cast %broadcast_in_dim3A_544 : vector<16x1xi32> to vector<16xi32>
      %gather3A_546 = tpu.dynamic_gather %exp3A_510[%gather3A_545] in [0] : vector<16xf32>, vector<16xi32> -> vector<16xf32>
      %mul3A_547 = arith.mulf %bitcast3A_520, %gather3A_534 : vector<16xf32>
      %swap3A_548 = arith.index_cast %scan3A_493 : i32 to index
      %swap3A_549 = arith.constant 0 : index
      %swap3A_550 = tpu.vector_load %arg23[%swap3A_548, %swap3A_549] {strides = array<i32>} : memref<64x144xf32, #tpu.memory_space<vmem>>, vector<16xf32>,
      tpu.vector_store %arg23[%swap3A_548, %swap3A_549], %mul3A_547 {strides = array<i32>} : memref<64x144xf32, #tpu.memory_space<vmem>>, vector<16xf32>,
      %mul3A_551 = arith.mulf %bitcast3A_522, %gather3A_546 : vector<16xf32>
      %swap3A_552 = arith.index_cast %scan3A_493 : i32 to index
      %swap3A_553 = arith.constant 16 : index
      %swap3A_554 = tpu.vector_load %arg23[%swap3A_552, %swap3A_553] {strides = array<i32>} : memref<64x144xf32, #tpu.memory_space<vmem>>, vector<16xf32>,
      tpu.vector_store %arg23[%swap3A_552, %swap3A_553], %mul3A_551 {strides = array<i32>} : memref<64x144xf32, #tpu.memory_space<vmem>>, vector<16xf32>,
      %get3A_555 = arith.index_cast %scan3A_493 : i32 to index
      %get3A_556 = arith.constant 16 : index
      %get3A_557 = tpu.vector_load %arg17[%get3A_555, %get3A_556] {strides = array<i32>} : memref<64x80xi32, #tpu.memory_space<vmem>>, vector<16xi32>,
      %shift_left3A_558 = arith.constant 16 : i32
      %shift_left3A_559 = vector.broadcast %shift_left3A_558 : i32 to vector<16xi32>
      %shift_left3A_560 = arith.shli %get3A_557, %shift_left3A_559 : vector<16xi32>
      %bitcast3A_561 = vector.bitcast %shift_left3A_560 : vector<16xi32> to vector<16xf32>
      %and3A_562 = arith.andi %get3A_557, %broadcast_in_dim3A_3 : vector<16xi32>
      %bitcast3A_563 = vector.bitcast %and3A_562 : vector<16xi32> to vector<16xf32>
      %broadcast_in_dim3A_564 = arith.constant 1 : i32
      %broadcast_in_dim3A_565 = vector.broadcast %broadcast_in_dim3A_564 : i32 to vector<16xi32>
      %lt3A_566 = arith.constant 0 : i32
      %lt3A_567 = vector.broadcast %lt3A_566 : i32 to vector<16xi32>
      %lt3A_568 = arith.cmpi slt, %broadcast_in_dim3A_565, %lt3A_567 : vector<16xi32>
      %add3A_569 = arith.constant 16 : i32
      %add3A_570 = vector.broadcast %add3A_569 : i32 to vector<16xi32>
      %add3A_571 = arith.addi %broadcast_in_dim3A_565, %add3A_570 : vector<16xi32>
      %select_n3A_572 = arith.select %lt3A_568, %add3A_571, %broadcast_in_dim3A_565 : vector<16xi1>, vector<16xi32>
      %broadcast_in_dim3A_573 = vector.shape_cast %select_n3A_572 : vector<16xi32> to vector<16x1xi32>
      %gather3A_574 = vector.shape_cast %broadcast_in_dim3A_573 : vector<16x1xi32> to vector<16xi32>
      %gather3A_575 = tpu.dynamic_gather %exp3A_510[%gather3A_574] in [0] : vector<16xf32>, vector<16xi32> -> vector<16xf32>
      %broadcast_in_dim3A_576 = arith.constant 5 : i32
      %broadcast_in_dim3A_577 = vector.broadcast %broadcast_in_dim3A_576 : i32 to vector<16xi32>
      %lt3A_578 = arith.constant 0 : i32
      %lt3A_579 = vector.broadcast %lt3A_578 : i32 to vector<16xi32>
      %lt3A_580 = arith.cmpi slt, %broadcast_in_dim3A_577, %lt3A_579 : vector<16xi32>
      %add3A_581 = arith.constant 16 : i32
      %add3A_582 = vector.broadcast %add3A_581 : i32 to vector<16xi32>
      %add3A_583 = arith.addi %broadcast_in_dim3A_577, %add3A_582 : vector<16xi32>
      %select_n3A_584 = arith.select %lt3A_580, %add3A_583, %broadcast_in_dim3A_577 : vector<16xi1>, vector<16xi32>
      %broadcast_in_dim3A_585 = vector.shape_cast %select_n3A_584 : vector<16xi32> to vector<16x1xi32>
      %gather3A_586 = vector.shape_cast %broadcast_in_dim3A_585 : vector<16x1xi32> to vector<16xi32>
      %gather3A_587 = tpu.dynamic_gather %exp3A_510[%gather3A_586] in [0] : vector<16xf32>, vector<16xi32> -> vector<16xf32>
      %mul3A_588 = arith.mulf %bitcast3A_561, %gather3A_575 : vector<16xf32>
      %swap3A_589 = arith.index_cast %scan3A_493 : i32 to index
      %swap3A_590 = arith.constant 32 : index
      %swap3A_591 = tpu.vector_load %arg23[%swap3A_589, %swap3A_590] {strides = array<i32>} : memref<64x144xf32, #tpu.memory_space<vmem>>, vector<16xf32>,
      tpu.vector_store %arg23[%swap3A_589, %swap3A_590], %mul3A_588 {strides = array<i32>} : memref<64x144xf32, #tpu.memory_space<vmem>>, vector<16xf32>,
      %mul3A_592 = arith.mulf %bitcast3A_563, %gather3A_587 : vector<16xf32>
      %swap3A_593 = arith.index_cast %scan3A_493 : i32 to index
      %swap3A_594 = arith.constant 48 : index
      %swap3A_595 = tpu.vector_load %arg23[%swap3A_593, %swap3A_594] {strides = array<i32>} : memref<64x144xf32, #tpu.memory_space<vmem>>, vector<16xf32>,
      tpu.vector_store %arg23[%swap3A_593, %swap3A_594], %mul3A_592 {strides = array<i32>} : memref<64x144xf32, #tpu.memory_space<vmem>>, vector<16xf32>,
      %get3A_596 = arith.index_cast %scan3A_493 : i32 to index
      %get3A_597 = arith.constant 32 : index
      %get3A_598 = tpu.vector_load %arg17[%get3A_596, %get3A_597] {strides = array<i32>} : memref<64x80xi32, #tpu.memory_space<vmem>>, vector<16xi32>,
      %shift_left3A_599 = arith.constant 16 : i32
      %shift_left3A_600 = vector.broadcast %shift_left3A_599 : i32 to vector<16xi32>
      %shift_left3A_601 = arith.shli %get3A_598, %shift_left3A_600 : vector<16xi32>
      %bitcast3A_602 = vector.bitcast %shift_left3A_601 : vector<16xi32> to vector<16xf32>
      %and3A_603 = arith.andi %get3A_598, %broadcast_in_dim3A_3 : vector<16xi32>
      %bitcast3A_604 = vector.bitcast %and3A_603 : vector<16xi32> to vector<16xf32>
      %broadcast_in_dim3A_605 = arith.constant 2 : i32
      %broadcast_in_dim3A_606 = vector.broadcast %broadcast_in_dim3A_605 : i32 to vector<16xi32>
      %lt3A_607 = arith.constant 0 : i32
      %lt3A_608 = vector.broadcast %lt3A_607 : i32 to vector<16xi32>
      %lt3A_609 = arith.cmpi slt, %broadcast_in_dim3A_606, %lt3A_608 : vector<16xi32>
      %add3A_610 = arith.constant 16 : i32
      %add3A_611 = vector.broadcast %add3A_610 : i32 to vector<16xi32>
      %add3A_612 = arith.addi %broadcast_in_dim3A_606, %add3A_611 : vector<16xi32>
      %select_n3A_613 = arith.select %lt3A_609, %add3A_612, %broadcast_in_dim3A_606 : vector<16xi1>, vector<16xi32>
      %broadcast_in_dim3A_614 = vector.shape_cast %select_n3A_613 : vector<16xi32> to vector<16x1xi32>
      %gather3A_615 = vector.shape_cast %broadcast_in_dim3A_614 : vector<16x1xi32> to vector<16xi32>
      %gather3A_616 = tpu.dynamic_gather %exp3A_510[%gather3A_615] in [0] : vector<16xf32>, vector<16xi32> -> vector<16xf32>
      %broadcast_in_dim3A_617 = arith.constant 6 : i32
      %broadcast_in_dim3A_618 = vector.broadcast %broadcast_in_dim3A_617 : i32 to vector<16xi32>
      %lt3A_619 = arith.constant 0 : i32
      %lt3A_620 = vector.broadcast %lt3A_619 : i32 to vector<16xi32>
      %lt3A_621 = arith.cmpi slt, %broadcast_in_dim3A_618, %lt3A_620 : vector<16xi32>
      %add3A_622 = arith.constant 16 : i32
      %add3A_623 = vector.broadcast %add3A_622 : i32 to vector<16xi32>
      %add3A_624 = arith.addi %broadcast_in_dim3A_618, %add3A_623 : vector<16xi32>
      %select_n3A_625 = arith.select %lt3A_621, %add3A_624, %broadcast_in_dim3A_618 : vector<16xi1>, vector<16xi32>
      %broadcast_in_dim3A_626 = vector.shape_cast %select_n3A_625 : vector<16xi32> to vector<16x1xi32>
      %gather3A_627 = vector.shape_cast %broadcast_in_dim3A_626 : vector<16x1xi32> to vector<16xi32>
      %gather3A_628 = tpu.dynamic_gather %exp3A_510[%gather3A_627] in [0] : vector<16xf32>, vector<16xi32> -> vector<16xf32>
      %mul3A_629 = arith.mulf %bitcast3A_602, %gather3A_616 : vector<16xf32>
      %swap3A_630 = arith.index_cast %scan3A_493 : i32 to index
      %swap3A_631 = arith.constant 64 : index
      %swap3A_632 = tpu.vector_load %arg23[%swap3A_630, %swap3A_631] {strides = array<i32>} : memref<64x144xf32, #tpu.memory_space<vmem>>, vector<16xf32>,
      tpu.vector_store %arg23[%swap3A_630, %swap3A_631], %mul3A_629 {strides = array<i32>} : memref<64x144xf32, #tpu.memory_space<vmem>>, vector<16xf32>,
      %mul3A_633 = arith.mulf %bitcast3A_604, %gather3A_628 : vector<16xf32>
      %swap3A_634 = arith.index_cast %scan3A_493 : i32 to index
      %swap3A_635 = arith.constant 80 : index
      %swap3A_636 = tpu.vector_load %arg23[%swap3A_634, %swap3A_635] {strides = array<i32>} : memref<64x144xf32, #tpu.memory_space<vmem>>, vector<16xf32>,
      tpu.vector_store %arg23[%swap3A_634, %swap3A_635], %mul3A_633 {strides = array<i32>} : memref<64x144xf32, #tpu.memory_space<vmem>>, vector<16xf32>,
      %get3A_637 = arith.index_cast %scan3A_493 : i32 to index
      %get3A_638 = arith.constant 48 : index
      %get3A_639 = tpu.vector_load %arg17[%get3A_637, %get3A_638] {strides = array<i32>} : memref<64x80xi32, #tpu.memory_space<vmem>>, vector<16xi32>,
      %shift_left3A_640 = arith.constant 16 : i32
      %shift_left3A_641 = vector.broadcast %shift_left3A_640 : i32 to vector<16xi32>
      %shift_left3A_642 = arith.shli %get3A_639, %shift_left3A_641 : vector<16xi32>
      %bitcast3A_643 = vector.bitcast %shift_left3A_642 : vector<16xi32> to vector<16xf32>
      %and3A_644 = arith.andi %get3A_639, %broadcast_in_dim3A_3 : vector<16xi32>
      %bitcast3A_645 = vector.bitcast %and3A_644 : vector<16xi32> to vector<16xf32>
      %broadcast_in_dim3A_646 = arith.constant 3 : i32
      %broadcast_in_dim3A_647 = vector.broadcast %broadcast_in_dim3A_646 : i32 to vector<16xi32>
      %lt3A_648 = arith.constant 0 : i32
      %lt3A_649 = vector.broadcast %lt3A_648 : i32 to vector<16xi32>
      %lt3A_650 = arith.cmpi slt, %broadcast_in_dim3A_647, %lt3A_649 : vector<16xi32>
      %add3A_651 = arith.constant 16 : i32
      %add3A_652 = vector.broadcast %add3A_651 : i32 to vector<16xi32>
      %add3A_653 = arith.addi %broadcast_in_dim3A_647, %add3A_652 : vector<16xi32>
      %select_n3A_654 = arith.select %lt3A_650, %add3A_653, %broadcast_in_dim3A_647 : vector<16xi1>, vector<16xi32>
      %broadcast_in_dim3A_655 = vector.shape_cast %select_n3A_654 : vector<16xi32> to vector<16x1xi32>
      %gather3A_656 = vector.shape_cast %broadcast_in_dim3A_655 : vector<16x1xi32> to vector<16xi32>
      %gather3A_657 = tpu.dynamic_gather %exp3A_510[%gather3A_656] in [0] : vector<16xf32>, vector<16xi32> -> vector<16xf32>
      %broadcast_in_dim3A_658 = arith.constant 7 : i32
      %broadcast_in_dim3A_659 = vector.broadcast %broadcast_in_dim3A_658 : i32 to vector<16xi32>
      %lt3A_660 = arith.constant 0 : i32
      %lt3A_661 = vector.broadcast %lt3A_660 : i32 to vector<16xi32>
      %lt3A_662 = arith.cmpi slt, %broadcast_in_dim3A_659, %lt3A_661 : vector<16xi32>
      %add3A_663 = arith.constant 16 : i32
      %add3A_664 = vector.broadcast %add3A_663 : i32 to vector<16xi32>
      %add3A_665 = arith.addi %broadcast_in_dim3A_659, %add3A_664 : vector<16xi32>
      %select_n3A_666 = arith.select %lt3A_662, %add3A_665, %broadcast_in_dim3A_659 : vector<16xi1>, vector<16xi32>
      %broadcast_in_dim3A_667 = vector.shape_cast %select_n3A_666 : vector<16xi32> to vector<16x1xi32>
      %gather3A_668 = vector.shape_cast %broadcast_in_dim3A_667 : vector<16x1xi32> to vector<16xi32>
      %gather3A_669 = tpu.dynamic_gather %exp3A_510[%gather3A_668] in [0] : vector<16xf32>, vector<16xi32> -> vector<16xf32>
      %mul3A_670 = arith.mulf %bitcast3A_643, %gather3A_657 : vector<16xf32>
      %swap3A_671 = arith.index_cast %scan3A_493 : i32 to index
      %swap3A_672 = arith.constant 96 : index
      %swap3A_673 = tpu.vector_load %arg23[%swap3A_671, %swap3A_672] {strides = array<i32>} : memref<64x144xf32, #tpu.memory_space<vmem>>, vector<16xf32>,
      tpu.vector_store %arg23[%swap3A_671, %swap3A_672], %mul3A_670 {strides = array<i32>} : memref<64x144xf32, #tpu.memory_space<vmem>>, vector<16xf32>,
      %mul3A_674 = arith.mulf %bitcast3A_645, %gather3A_669 : vector<16xf32>
      %swap3A_675 = arith.index_cast %scan3A_493 : i32 to index
      %swap3A_676 = arith.constant 112 : index
      %swap3A_677 = tpu.vector_load %arg23[%swap3A_675, %swap3A_676] {strides = array<i32>} : memref<64x144xf32, #tpu.memory_space<vmem>>, vector<16xf32>,
      tpu.vector_store %arg23[%swap3A_675, %swap3A_676], %mul3A_674 {strides = array<i32>} : memref<64x144xf32, #tpu.memory_space<vmem>>, vector<16xf32>,
      %scan3A_678 = arith.constant 0 : i32
      %scan3A_679 = arith.constant 3 : i32
      %scan3A_680 = arith.addi %scan3A_127, %scan3A_679 : i32
      %get3A_681 = arith.index_cast %scan3A_680 : i32 to index
      %get3A_682 = arith.constant 64 : index
      %get3A_683 = tpu.vector_load %arg17[%get3A_681, %get3A_682] {strides = array<i32>} : memref<64x80xi32, #tpu.memory_space<vmem>>, vector<16xi32>,
      %bitcast3A_684 = vector.bitcast %get3A_683 : vector<16xi32> to vector<16xf32>
      %get3A_685 = arith.index_cast %scan3A_680 : i32 to index
      %get3A_686 = arith.constant 0 : index
      %get3A_687 = tpu.vector_load %arg18[%get3A_685, %get3A_686] {strides = array<i32>} : memref<64x16xf32, #tpu.memory_space<vmem>>, vector<16xf32>,
      %add3A_688 = arith.addf %bitcast3A_684, %get3A_687 : vector<16xf32>
      %gt3A_689 = arith.constant 0.000000e+00 : f32
      %gt3A_690 = vector.broadcast %gt3A_689 : f32 to vector<16xf32>
      %gt3A_691 = arith.cmpf ogt, %add3A_688, %gt3A_690 : vector<16xf32>
      %mul3A_692 = arith.constant 0.00999999977 : f32
      %mul3A_693 = vector.broadcast %mul3A_692 : f32 to vector<16xf32>
      %mul3A_694 = arith.mulf %mul3A_693, %add3A_688 : vector<16xf32>
      %select_n3A_695 = arith.select %gt3A_691, %add3A_688, %mul3A_694 : vector<16xi1>, vector<16xf32>
      %sub3A_696 = arith.subf %select_n3A_695, %get3A_50 : vector<16xf32>
      %exp3A_697 = math.exp %sub3A_696 : vector<16xf32>
      %swap3A_698 = arith.index_cast %scan3A_680 : i32 to index
      %swap3A_699 = arith.constant 128 : index
      %swap3A_700 = tpu.vector_load %arg23[%swap3A_698, %swap3A_699] {strides = array<i32>} : memref<64x144xf32, #tpu.memory_space<vmem>>, vector<16xf32>,
      tpu.vector_store %arg23[%swap3A_698, %swap3A_699], %exp3A_697 {strides = array<i32>} : memref<64x144xf32, #tpu.memory_space<vmem>>, vector<16xf32>,
      %get3A_701 = arith.index_cast %scan3A_680 : i32 to index
      %get3A_702 = arith.constant 0 : index
      %get3A_703 = tpu.vector_load %arg17[%get3A_701, %get3A_702] {strides = array<i32>} : memref<64x80xi32, #tpu.memory_space<vmem>>, vector<16xi32>,
      %shift_left3A_704 = arith.constant 16 : i32
      %shift_left3A_705 = vector.broadcast %shift_left3A_704 : i32 to vector<16xi32>
      %shift_left3A_706 = arith.shli %get3A_703, %shift_left3A_705 : vector<16xi32>
      %bitcast3A_707 = vector.bitcast %shift_left3A_706 : vector<16xi32> to vector<16xf32>
      %and3A_708 = arith.andi %get3A_703, %broadcast_in_dim3A_3 : vector<16xi32>
      %bitcast3A_709 = vector.bitcast %and3A_708 : vector<16xi32> to vector<16xf32>
      %broadcast_in_dim3A_710 = arith.constant 0 : i32
      %broadcast_in_dim3A_711 = vector.broadcast %broadcast_in_dim3A_710 : i32 to vector<16xi32>
      %lt3A_712 = arith.constant 0 : i32
      %lt3A_713 = vector.broadcast %lt3A_712 : i32 to vector<16xi32>
      %lt3A_714 = arith.cmpi slt, %broadcast_in_dim3A_711, %lt3A_713 : vector<16xi32>
      %add3A_715 = arith.constant 16 : i32
      %add3A_716 = vector.broadcast %add3A_715 : i32 to vector<16xi32>
      %add3A_717 = arith.addi %broadcast_in_dim3A_711, %add3A_716 : vector<16xi32>
      %select_n3A_718 = arith.select %lt3A_714, %add3A_717, %broadcast_in_dim3A_711 : vector<16xi1>, vector<16xi32>
      %broadcast_in_dim3A_719 = vector.shape_cast %select_n3A_718 : vector<16xi32> to vector<16x1xi32>
      %gather3A_720 = vector.shape_cast %broadcast_in_dim3A_719 : vector<16x1xi32> to vector<16xi32>
      %gather3A_721 = tpu.dynamic_gather %exp3A_697[%gather3A_720] in [0] : vector<16xf32>, vector<16xi32> -> vector<16xf32>
      %broadcast_in_dim3A_722 = arith.constant 4 : i32
      %broadcast_in_dim3A_723 = vector.broadcast %broadcast_in_dim3A_722 : i32 to vector<16xi32>
      %lt3A_724 = arith.constant 0 : i32
      %lt3A_725 = vector.broadcast %lt3A_724 : i32 to vector<16xi32>
      %lt3A_726 = arith.cmpi slt, %broadcast_in_dim3A_723, %lt3A_725 : vector<16xi32>
      %add3A_727 = arith.constant 16 : i32
      %add3A_728 = vector.broadcast %add3A_727 : i32 to vector<16xi32>
      %add3A_729 = arith.addi %broadcast_in_dim3A_723, %add3A_728 : vector<16xi32>
      %select_n3A_730 = arith.select %lt3A_726, %add3A_729, %broadcast_in_dim3A_723 : vector<16xi1>, vector<16xi32>
      %broadcast_in_dim3A_731 = vector.shape_cast %select_n3A_730 : vector<16xi32> to vector<16x1xi32>
      %gather3A_732 = vector.shape_cast %broadcast_in_dim3A_731 : vector<16x1xi32> to vector<16xi32>
      %gather3A_733 = tpu.dynamic_gather %exp3A_697[%gather3A_732] in [0] : vector<16xf32>, vector<16xi32> -> vector<16xf32>
      %mul3A_734 = arith.mulf %bitcast3A_707, %gather3A_721 : vector<16xf32>
      %swap3A_735 = arith.index_cast %scan3A_680 : i32 to index
      %swap3A_736 = arith.constant 0 : index
      %swap3A_737 = tpu.vector_load %arg23[%swap3A_735, %swap3A_736] {strides = array<i32>} : memref<64x144xf32, #tpu.memory_space<vmem>>, vector<16xf32>,
      tpu.vector_store %arg23[%swap3A_735, %swap3A_736], %mul3A_734 {strides = array<i32>} : memref<64x144xf32, #tpu.memory_space<vmem>>, vector<16xf32>,
      %mul3A_738 = arith.mulf %bitcast3A_709, %gather3A_733 : vector<16xf32>
      %swap3A_739 = arith.index_cast %scan3A_680 : i32 to index
      %swap3A_740 = arith.constant 16 : index
      %swap3A_741 = tpu.vector_load %arg23[%swap3A_739, %swap3A_740] {strides = array<i32>} : memref<64x144xf32, #tpu.memory_space<vmem>>, vector<16xf32>,
      tpu.vector_store %arg23[%swap3A_739, %swap3A_740], %mul3A_738 {strides = array<i32>} : memref<64x144xf32, #tpu.memory_space<vmem>>, vector<16xf32>,
      %get3A_742 = arith.index_cast %scan3A_680 : i32 to index
      %get3A_743 = arith.constant 16 : index
      %get3A_744 = tpu.vector_load %arg17[%get3A_742, %get3A_743] {strides = array<i32>} : memref<64x80xi32, #tpu.memory_space<vmem>>, vector<16xi32>,
      %shift_left3A_745 = arith.constant 16 : i32
      %shift_left3A_746 = vector.broadcast %shift_left3A_745 : i32 to vector<16xi32>
      %shift_left3A_747 = arith.shli %get3A_744, %shift_left3A_746 : vector<16xi32>
      %bitcast3A_748 = vector.bitcast %shift_left3A_747 : vector<16xi32> to vector<16xf32>
      %and3A_749 = arith.andi %get3A_744, %broadcast_in_dim3A_3 : vector<16xi32>
      %bitcast3A_750 = vector.bitcast %and3A_749 : vector<16xi32> to vector<16xf32>
      %broadcast_in_dim3A_751 = arith.constant 1 : i32
      %broadcast_in_dim3A_752 = vector.broadcast %broadcast_in_dim3A_751 : i32 to vector<16xi32>
      %lt3A_753 = arith.constant 0 : i32
      %lt3A_754 = vector.broadcast %lt3A_753 : i32 to vector<16xi32>
      %lt3A_755 = arith.cmpi slt, %broadcast_in_dim3A_752, %lt3A_754 : vector<16xi32>
      %add3A_756 = arith.constant 16 : i32
      %add3A_757 = vector.broadcast %add3A_756 : i32 to vector<16xi32>
      %add3A_758 = arith.addi %broadcast_in_dim3A_752, %add3A_757 : vector<16xi32>
      %select_n3A_759 = arith.select %lt3A_755, %add3A_758, %broadcast_in_dim3A_752 : vector<16xi1>, vector<16xi32>
      %broadcast_in_dim3A_760 = vector.shape_cast %select_n3A_759 : vector<16xi32> to vector<16x1xi32>
      %gather3A_761 = vector.shape_cast %broadcast_in_dim3A_760 : vector<16x1xi32> to vector<16xi32>
      %gather3A_762 = tpu.dynamic_gather %exp3A_697[%gather3A_761] in [0] : vector<16xf32>, vector<16xi32> -> vector<16xf32>
      %broadcast_in_dim3A_763 = arith.constant 5 : i32
      %broadcast_in_dim3A_764 = vector.broadcast %broadcast_in_dim3A_763 : i32 to vector<16xi32>
      %lt3A_765 = arith.constant 0 : i32
      %lt3A_766 = vector.broadcast %lt3A_765 : i32 to vector<16xi32>
      %lt3A_767 = arith.cmpi slt, %broadcast_in_dim3A_764, %lt3A_766 : vector<16xi32>
      %add3A_768 = arith.constant 16 : i32
      %add3A_769 = vector.broadcast %add3A_768 : i32 to vector<16xi32>
      %add3A_770 = arith.addi %broadcast_in_dim3A_764, %add3A_769 : vector<16xi32>
      %select_n3A_771 = arith.select %lt3A_767, %add3A_770, %broadcast_in_dim3A_764 : vector<16xi1>, vector<16xi32>
      %broadcast_in_dim3A_772 = vector.shape_cast %select_n3A_771 : vector<16xi32> to vector<16x1xi32>
      %gather3A_773 = vector.shape_cast %broadcast_in_dim3A_772 : vector<16x1xi32> to vector<16xi32>
      %gather3A_774 = tpu.dynamic_gather %exp3A_697[%gather3A_773] in [0] : vector<16xf32>, vector<16xi32> -> vector<16xf32>
      %mul3A_775 = arith.mulf %bitcast3A_748, %gather3A_762 : vector<16xf32>
      %swap3A_776 = arith.index_cast %scan3A_680 : i32 to index
      %swap3A_777 = arith.constant 32 : index
      %swap3A_778 = tpu.vector_load %arg23[%swap3A_776, %swap3A_777] {strides = array<i32>} : memref<64x144xf32, #tpu.memory_space<vmem>>, vector<16xf32>,
      tpu.vector_store %arg23[%swap3A_776, %swap3A_777], %mul3A_775 {strides = array<i32>} : memref<64x144xf32, #tpu.memory_space<vmem>>, vector<16xf32>,
      %mul3A_779 = arith.mulf %bitcast3A_750, %gather3A_774 : vector<16xf32>
      %swap3A_780 = arith.index_cast %scan3A_680 : i32 to index
      %swap3A_781 = arith.constant 48 : index
      %swap3A_782 = tpu.vector_load %arg23[%swap3A_780, %swap3A_781] {strides = array<i32>} : memref<64x144xf32, #tpu.memory_space<vmem>>, vector<16xf32>,
      tpu.vector_store %arg23[%swap3A_780, %swap3A_781], %mul3A_779 {strides = array<i32>} : memref<64x144xf32, #tpu.memory_space<vmem>>, vector<16xf32>,
      %get3A_783 = arith.index_cast %scan3A_680 : i32 to index
      %get3A_784 = arith.constant 32 : index
      %get3A_785 = tpu.vector_load %arg17[%get3A_783, %get3A_784] {strides = array<i32>} : memref<64x80xi32, #tpu.memory_space<vmem>>, vector<16xi32>,
      %shift_left3A_786 = arith.constant 16 : i32
      %shift_left3A_787 = vector.broadcast %shift_left3A_786 : i32 to vector<16xi32>
      %shift_left3A_788 = arith.shli %get3A_785, %shift_left3A_787 : vector<16xi32>
      %bitcast3A_789 = vector.bitcast %shift_left3A_788 : vector<16xi32> to vector<16xf32>
      %and3A_790 = arith.andi %get3A_785, %broadcast_in_dim3A_3 : vector<16xi32>
      %bitcast3A_791 = vector.bitcast %and3A_790 : vector<16xi32> to vector<16xf32>
      %broadcast_in_dim3A_792 = arith.constant 2 : i32
      %broadcast_in_dim3A_793 = vector.broadcast %broadcast_in_dim3A_792 : i32 to vector<16xi32>
      %lt3A_794 = arith.constant 0 : i32
      %lt3A_795 = vector.broadcast %lt3A_794 : i32 to vector<16xi32>
      %lt3A_796 = arith.cmpi slt, %broadcast_in_dim3A_793, %lt3A_795 : vector<16xi32>
      %add3A_797 = arith.constant 16 : i32
      %add3A_798 = vector.broadcast %add3A_797 : i32 to vector<16xi32>
      %add3A_799 = arith.addi %broadcast_in_dim3A_793, %add3A_798 : vector<16xi32>
      %select_n3A_800 = arith.select %lt3A_796, %add3A_799, %broadcast_in_dim3A_793 : vector<16xi1>, vector<16xi32>
      %broadcast_in_dim3A_801 = vector.shape_cast %select_n3A_800 : vector<16xi32> to vector<16x1xi32>
      %gather3A_802 = vector.shape_cast %broadcast_in_dim3A_801 : vector<16x1xi32> to vector<16xi32>
      %gather3A_803 = tpu.dynamic_gather %exp3A_697[%gather3A_802] in [0] : vector<16xf32>, vector<16xi32> -> vector<16xf32>
      %broadcast_in_dim3A_804 = arith.constant 6 : i32
      %broadcast_in_dim3A_805 = vector.broadcast %broadcast_in_dim3A_804 : i32 to vector<16xi32>
      %lt3A_806 = arith.constant 0 : i32
      %lt3A_807 = vector.broadcast %lt3A_806 : i32 to vector<16xi32>
      %lt3A_808 = arith.cmpi slt, %broadcast_in_dim3A_805, %lt3A_807 : vector<16xi32>
      %add3A_809 = arith.constant 16 : i32
      %add3A_810 = vector.broadcast %add3A_809 : i32 to vector<16xi32>
      %add3A_811 = arith.addi %broadcast_in_dim3A_805, %add3A_810 : vector<16xi32>
      %select_n3A_812 = arith.select %lt3A_808, %add3A_811, %broadcast_in_dim3A_805 : vector<16xi1>, vector<16xi32>
      %broadcast_in_dim3A_813 = vector.shape_cast %select_n3A_812 : vector<16xi32> to vector<16x1xi32>
      %gather3A_814 = vector.shape_cast %broadcast_in_dim3A_813 : vector<16x1xi32> to vector<16xi32>
      %gather3A_815 = tpu.dynamic_gather %exp3A_697[%gather3A_814] in [0] : vector<16xf32>, vector<16xi32> -> vector<16xf32>
      %mul3A_816 = arith.mulf %bitcast3A_789, %gather3A_803 : vector<16xf32>
      %swap3A_817 = arith.index_cast %scan3A_680 : i32 to index
      %swap3A_818 = arith.constant 64 : index
      %swap3A_819 = tpu.vector_load %arg23[%swap3A_817, %swap3A_818] {strides = array<i32>} : memref<64x144xf32, #tpu.memory_space<vmem>>, vector<16xf32>,
      tpu.vector_store %arg23[%swap3A_817, %swap3A_818], %mul3A_816 {strides = array<i32>} : memref<64x144xf32, #tpu.memory_space<vmem>>, vector<16xf32>,
      %mul3A_820 = arith.mulf %bitcast3A_791, %gather3A_815 : vector<16xf32>
      %swap3A_821 = arith.index_cast %scan3A_680 : i32 to index
      %swap3A_822 = arith.constant 80 : index
      %swap3A_823 = tpu.vector_load %arg23[%swap3A_821, %swap3A_822] {strides = array<i32>} : memref<64x144xf32, #tpu.memory_space<vmem>>, vector<16xf32>,
      tpu.vector_store %arg23[%swap3A_821, %swap3A_822], %mul3A_820 {strides = array<i32>} : memref<64x144xf32, #tpu.memory_space<vmem>>, vector<16xf32>,
      %get3A_824 = arith.index_cast %scan3A_680 : i32 to index
      %get3A_825 = arith.constant 48 : index
      %get3A_826 = tpu.vector_load %arg17[%get3A_824, %get3A_825] {strides = array<i32>} : memref<64x80xi32, #tpu.memory_space<vmem>>, vector<16xi32>,
      %shift_left3A_827 = arith.constant 16 : i32
      %shift_left3A_828 = vector.broadcast %shift_left3A_827 : i32 to vector<16xi32>
      %shift_left3A_829 = arith.shli %get3A_826, %shift_left3A_828 : vector<16xi32>
      %bitcast3A_830 = vector.bitcast %shift_left3A_829 : vector<16xi32> to vector<16xf32>
      %and3A_831 = arith.andi %get3A_826, %broadcast_in_dim3A_3 : vector<16xi32>
      %bitcast3A_832 = vector.bitcast %and3A_831 : vector<16xi32> to vector<16xf32>
      %broadcast_in_dim3A_833 = arith.constant 3 : i32
      %broadcast_in_dim3A_834 = vector.broadcast %broadcast_in_dim3A_833 : i32 to vector<16xi32>
      %lt3A_835 = arith.constant 0 : i32
      %lt3A_836 = vector.broadcast %lt3A_835 : i32 to vector<16xi32>
      %lt3A_837 = arith.cmpi slt, %broadcast_in_dim3A_834, %lt3A_836 : vector<16xi32>
      %add3A_838 = arith.constant 16 : i32
      %add3A_839 = vector.broadcast %add3A_838 : i32 to vector<16xi32>
      %add3A_840 = arith.addi %broadcast_in_dim3A_834, %add3A_839 : vector<16xi32>
      %select_n3A_841 = arith.select %lt3A_837, %add3A_840, %broadcast_in_dim3A_834 : vector<16xi1>, vector<16xi32>
      %broadcast_in_dim3A_842 = vector.shape_cast %select_n3A_841 : vector<16xi32> to vector<16x1xi32>
      %gather3A_843 = vector.shape_cast %broadcast_in_dim3A_842 : vector<16x1xi32> to vector<16xi32>
      %gather3A_844 = tpu.dynamic_gather %exp3A_697[%gather3A_843] in [0] : vector<16xf32>, vector<16xi32> -> vector<16xf32>
      %broadcast_in_dim3A_845 = arith.constant 7 : i32
      %broadcast_in_dim3A_846 = vector.broadcast %broadcast_in_dim3A_845 : i32 to vector<16xi32>
      %lt3A_847 = arith.constant 0 : i32
      %lt3A_848 = vector.broadcast %lt3A_847 : i32 to vector<16xi32>
      %lt3A_849 = arith.cmpi slt, %broadcast_in_dim3A_846, %lt3A_848 : vector<16xi32>
      %add3A_850 = arith.constant 16 : i32
      %add3A_851 = vector.broadcast %add3A_850 : i32 to vector<16xi32>
      %add3A_852 = arith.addi %broadcast_in_dim3A_846, %add3A_851 : vector<16xi32>
      %select_n3A_853 = arith.select %lt3A_849, %add3A_852, %broadcast_in_dim3A_846 : vector<16xi1>, vector<16xi32>
      %broadcast_in_dim3A_854 = vector.shape_cast %select_n3A_853 : vector<16xi32> to vector<16x1xi32>
      %gather3A_855 = vector.shape_cast %broadcast_in_dim3A_854 : vector<16x1xi32> to vector<16xi32>
      %gather3A_856 = tpu.dynamic_gather %exp3A_697[%gather3A_855] in [0] : vector<16xf32>, vector<16xi32> -> vector<16xf32>
      %mul3A_857 = arith.mulf %bitcast3A_830, %gather3A_844 : vector<16xf32>
      %swap3A_858 = arith.index_cast %scan3A_680 : i32 to index
      %swap3A_859 = arith.constant 96 : index
      %swap3A_860 = tpu.vector_load %arg23[%swap3A_858, %swap3A_859] {strides = array<i32>} : memref<64x144xf32, #tpu.memory_space<vmem>>, vector<16xf32>,
      tpu.vector_store %arg23[%swap3A_858, %swap3A_859], %mul3A_857 {strides = array<i32>} : memref<64x144xf32, #tpu.memory_space<vmem>>, vector<16xf32>,
      %mul3A_861 = arith.mulf %bitcast3A_832, %gather3A_856 : vector<16xf32>
      %swap3A_862 = arith.index_cast %scan3A_680 : i32 to index
      %swap3A_863 = arith.constant 112 : index
      %swap3A_864 = tpu.vector_load %arg23[%swap3A_862, %swap3A_863] {strides = array<i32>} : memref<64x144xf32, #tpu.memory_space<vmem>>, vector<16xf32>,
      tpu.vector_store %arg23[%swap3A_862, %swap3A_863], %mul3A_861 {strides = array<i32>} : memref<64x144xf32, #tpu.memory_space<vmem>>, vector<16xf32>,
      %scan3A_865 = arith.constant 0 : i32
      scf.yield %scan3A_865 : i32
    }
    %scan3A_115 = arith.constant 64 : i32
    %dma_start3A_116 = arith.constant 0 : i32
    %dma_start3A_117 = arith.constant 0 : i32
    %dma_start3A_118 = tpu.memref_slice %arg25[%dma_start3A_116, %dma_start3A_117] : memref<10240x144xf32, #tpu.memory_space<vmem_shared>> -> memref<10240x144xf32, #tpu.memory_space<vmem_shared>>
    tpu.enqueue_indirect_dma source(%arg23 : memref<64x144xf32, #tpu.memory_space<vmem>>) target(%dma_start3A_118 : memref<10240x144xf32, #tpu.memory_space<vmem_shared>>) offsets(%arg14 : memref<64xi32, #tpu.memory_space<vmem>>) semaphore(%arg32 : memref<!tpu.dma_semaphore, #tpu.memory_space<semaphore_mem>>) {add = true}
    %dma_wait3A_119 = arith.constant 0 : i32
    %dma_wait3A_120 = arith.constant 0 : i32
    %dma_wait3A_121 = tpu.memref_slice %arg25[%dma_wait3A_119, %dma_wait3A_120] : memref<10240x144xf32, #tpu.memory_space<vmem_shared>> -> memref<10240x144xf32, #tpu.memory_space<vmem_shared>>
    tpu.wait_indirect_dma semaphore(%arg32 : memref<!tpu.dma_semaphore, #tpu.memory_space<semaphore_mem>>) src(%arg23 : memref<64x144xf32, #tpu.memory_space<vmem>>) dst(%dma_wait3A_121 : memref<10240x144xf32, #tpu.memory_space<vmem_shared>>)
    %barrier3A_122 = arith.constant 0 : index
    tpu.barrier barrier_id(%barrier3A_122)
    %mul3A_123 = arith.constant 640 : i32
    %mul3A_124 = arith.muli %arg1, %mul3A_123 : i32
    %mul3A_125 = arith.constant 640 : i32
    %mul3A_126 = arith.muli %arg1, %mul3A_125 : i32
    "tpu.region"() ({
      %run_scoped3A_127 = tpu.sem_alloc : memref<!tpu.dma_semaphore, #tpu.memory_space<semaphore_mem>>
      %dma_start3A_128 = arith.constant 0 : i32
      %dma_start3A_129 = tpu.memref_slice %arg7[%arg0, %mul3A_126, %dma_start3A_128] : memref<2x10240x144xf32, #tpu.memory_space<hbm>> -> memref<1x640x144xf32, #tpu.memory_space<hbm>>
      %dma_start3A_130 = tpu.memref_squeeze %dma_start3A_129 : memref<1x640x144xf32, #tpu.memory_space<hbm>> -> memref<640x144xf32, #tpu.memory_space<hbm>>
      %dma_start3A_131 = arith.constant 0 : i32
      %dma_start3A_132 = tpu.memref_slice %arg25[%mul3A_124, %dma_start3A_131] : memref<10240x144xf32, #tpu.memory_space<vmem_shared>> -> memref<640x144xf32, #tpu.memory_space<vmem_shared>>
      tpu.enqueue_dma source(%dma_start3A_132 : memref<640x144xf32, #tpu.memory_space<vmem_shared>>) target(%dma_start3A_130 : memref<640x144xf32, #tpu.memory_space<hbm>>) target_semaphore(%run_scoped3A_127 : memref<!tpu.dma_semaphore, #tpu.memory_space<semaphore_mem>>)
      %dma_wait3A_133 = arith.constant 0 : i32
      %dma_wait3A_134 = tpu.memref_slice %arg7[%arg0, %mul3A_126, %dma_wait3A_133] : memref<2x10240x144xf32, #tpu.memory_space<hbm>> -> memref<1x640x144xf32, #tpu.memory_space<hbm>>
      %dma_wait3A_135 = tpu.memref_squeeze %dma_wait3A_134 : memref<1x640x144xf32, #tpu.memory_space<hbm>> -> memref<640x144xf32, #tpu.memory_space<hbm>>
      %dma_wait3A_136 = arith.constant 0 : i32
      %dma_wait3A_137 = tpu.memref_slice %arg25[%mul3A_124, %dma_wait3A_136] : memref<10240x144xf32, #tpu.memory_space<vmem_shared>> -> memref<640x144xf32, #tpu.memory_space<vmem_shared>>
      tpu.wait_dma2 semaphore(%run_scoped3A_127 : memref<!tpu.dma_semaphore, #tpu.memory_space<semaphore_mem>>) src(%dma_wait3A_137 : memref<640x144xf32, #tpu.memory_space<vmem_shared>>) dst(%dma_wait3A_135 : memref<640x144xf32, #tpu.memory_space<hbm>>)
      tpu.yield
    }) : () -> ()
    return
  }
}

module attributes {stable_mosaic.version = 14 : i64} {
  func.func @_tc_pre_body(%arg0: i32, %arg1: memref<1024x128xf32, #tpu.memory_space<vmem>>, %arg2: memref<128x128xf32, #tpu.memory_space<vmem>>, %arg3: memref<128x16xf32, #tpu.memory_space<vmem>>, %arg4: memref<1024x80xi32, #tpu.memory_space<vmem>>, %arg5: memref<1024x16xf32, #tpu.memory_space<vmem>>, %arg6: memref<8x16xf32, #tpu.memory_space<vmem>>) attributes {dimension_semantics = [#tpu.dimension_semantics<arbitrary>], iteration_bounds = array<i64: 10>, scalar_prefetch = 0 : i64, scratch_operands = 0 : i64, tpu.core_type = #tpu.core_type<tc>, window_params = [{transform_indices = @transform_0, window_bounds = array<i64: 1024, 128>}, {pipeline_mode = #tpu.pipeline_mode<synchronous>, transform_indices = @transform_1, window_bounds = array<i64: 128, 128>}, {pipeline_mode = #tpu.pipeline_mode<synchronous>, transform_indices = @transform_2, window_bounds = array<i64: 128, 16>}, {transform_indices = @transform_3, window_bounds = array<i64: 1024, 80>}, {transform_indices = @transform_4, window_bounds = array<i64: 1024, 16>}, {pipeline_mode = #tpu.pipeline_mode<synchronous>, transform_indices = @transform_5, window_bounds = array<i64: 8, 16>}]} {
    %get3A = arith.constant 0 : index
    %get3A_0 = arith.constant 0 : index
    %get3A_1 = vector.load %arg1[%get3A, %get3A_0] : memref<1024x128xf32, #tpu.memory_space<vmem>>, vector<1024x128xf32>
    %get3A_2 = arith.constant 0 : index
    %get3A_3 = arith.constant 0 : index
    %get3A_4 = vector.load %arg2[%get3A_2, %get3A_3] : memref<128x128xf32, #tpu.memory_space<vmem>>, vector<128x128xf32>
    %dot_general3A = arith.constant dense<0.000000e+00> : vector<1024x128xf32>
    %dot_general3A_5 = tpu.matmul %get3A_1, %get3A_4, %dot_general3A {dimension_numbers = #tpu.dot_dimension_numbers<[1], [0], [0], [1], [0, 0, 1, 1], [], []>, transpose_lhs_hint = false} : vector<1024x128xf32>, vector<128x128xf32>, vector<1024x128xf32> -> vector<1024x128xf32>
    %get3A_6 = arith.constant 0 : index
    %get3A_7 = arith.constant 0 : index
    %get3A_8 = vector.load %arg3[%get3A_6, %get3A_7] : memref<128x16xf32, #tpu.memory_space<vmem>>, vector<128x16xf32>
    %dot_general3A_9 = arith.constant dense<0.000000e+00> : vector<1024x16xf32>
    %dot_general3A_10 = tpu.matmul %dot_general3A_5, %get3A_8, %dot_general3A_9 {dimension_numbers = #tpu.dot_dimension_numbers<[1], [0], [0], [1], [0, 0, 1, 1], [], []>, transpose_lhs_hint = false} : vector<1024x128xf32>, vector<128x16xf32>, vector<1024x16xf32> -> vector<1024x16xf32>
    %bitcast_convert_type3A = tpu.bitcast %dot_general3A_5 : vector<1024x128xf32> -> vector<1024x128xi32>
    %add3A = arith.constant 32767 : i32
    %add3A_11 = vector.broadcast %add3A : i32 to vector<1024x128xi32>
    %add3A_12 = arith.addi %bitcast_convert_type3A, %add3A_11 : vector<1024x128xi32>
    %shift_right_arithmetic3A = arith.constant 16 : i32
    %shift_right_arithmetic3A_13 = vector.broadcast %shift_right_arithmetic3A : i32 to vector<1024x128xi32>
    %shift_right_arithmetic3A_14 = arith.shrsi %bitcast_convert_type3A, %shift_right_arithmetic3A_13 : vector<1024x128xi32>
    %and3A = arith.constant 1 : i32
    %and3A_15 = vector.broadcast %and3A : i32 to vector<1024x128xi32>
    %and3A_16 = arith.andi %shift_right_arithmetic3A_14, %and3A_15 : vector<1024x128xi32>
    %add3A_17 = arith.addi %add3A_12, %and3A_16 : vector<1024x128xi32>
    %shift_right_arithmetic3A_18 = arith.constant 16 : i32
    %shift_right_arithmetic3A_19 = vector.broadcast %shift_right_arithmetic3A_18 : i32 to vector<1024x128xi32>
    %shift_right_arithmetic3A_20 = arith.shrsi %add3A_17, %shift_right_arithmetic3A_19 : vector<1024x128xi32>
    %and3A_21 = arith.constant 65535 : i32
    %and3A_22 = vector.broadcast %and3A_21 : i32 to vector<1024x128xi32>
    %and3A_23 = arith.andi %shift_right_arithmetic3A_20, %and3A_22 : vector<1024x128xi32>
    %slice3A = vector.extract_strided_slice %and3A_23 {offsets = [0, 0], sizes = [1024, 64], strides = [1, 1]} : vector<1024x128xi32> to vector<1024x64xi32>
    %slice3A_24 = vector.extract_strided_slice %and3A_23 {offsets = [0, 64], sizes = [1024, 64], strides = [1, 1]} : vector<1024x128xi32> to vector<1024x64xi32>
    %shift_left3A = arith.constant 16 : i32
    %shift_left3A_25 = vector.broadcast %shift_left3A : i32 to vector<1024x64xi32>
    %shift_left3A_26 = arith.shli %slice3A_24, %shift_left3A_25 : vector<1024x64xi32>
    %or3A = arith.ori %slice3A, %shift_left3A_26 : vector<1024x64xi32>
    %slice3A_27 = vector.extract_strided_slice %dot_general3A_10 {offsets = [0, 0], sizes = [1024, 8], strides = [1, 1]} : vector<1024x16xf32> to vector<1024x8xf32>
    %bitcast_convert_type3A_28 = tpu.bitcast %slice3A_27 : vector<1024x8xf32> -> vector<1024x8xi32>
    %broadcast_in_dim3A = arith.constant 0 : i32
    %broadcast_in_dim3A_29 = vector.broadcast %broadcast_in_dim3A : i32 to vector<1024x8xi32>
    %concatenate3A = tpu.concatenate %or3A, %bitcast_convert_type3A_28, %broadcast_in_dim3A_29 in 1 : vector<1024x64xi32>, vector<1024x8xi32>, vector<1024x8xi32> -> vector<1024x80xi32>
    %swap3A = arith.constant 0 : index
    %swap3A_30 = arith.constant 0 : index
    %swap3A_31 = vector.load %arg4[%swap3A, %swap3A_30] : memref<1024x80xi32, #tpu.memory_space<vmem>>, vector<1024x80xi32>
    tpu.vector_store %arg4[%swap3A, %swap3A_30], %concatenate3A {strides = array<i32>} : memref<1024x80xi32, #tpu.memory_space<vmem>>, vector<1024x80xi32>,
    %slice3A_32 = vector.extract_strided_slice %dot_general3A_10 {offsets = [0, 8], sizes = [1024, 8], strides = [1, 1]} : vector<1024x16xf32> to vector<1024x8xf32>
    %slice3A_33 = vector.extract_strided_slice %dot_general3A_10 {offsets = [0, 0], sizes = [1024, 8], strides = [1, 1]} : vector<1024x16xf32> to vector<1024x8xf32>
    %concatenate3A_34 = tpu.concatenate %slice3A_32, %slice3A_33 in 1 : vector<1024x8xf32>, vector<1024x8xf32> -> vector<1024x16xf32>
    %swap3A_35 = arith.constant 0 : index
    %swap3A_36 = arith.constant 0 : index
    %swap3A_37 = vector.load %arg5[%swap3A_35, %swap3A_36] : memref<1024x16xf32, #tpu.memory_space<vmem>>, vector<1024x16xf32>
    tpu.vector_store %arg5[%swap3A_35, %swap3A_36], %concatenate3A_34 {strides = array<i32>} : memref<1024x16xf32, #tpu.memory_space<vmem>>, vector<1024x16xf32>,
    %reduce_max3A = arith.constant dense<0xFF800000> : vector<16xf32>
    %reduce_max3A_38 = vector.multi_reduction <maximumf>, %dot_general3A_10, %reduce_max3A [0] : vector<1024x16xf32> to vector<16xf32>
    %broadcast_in_dim3A_39 = vector.shape_cast %reduce_max3A_38 : vector<16xf32> to vector<1x16xf32>
    %broadcast_in_dim3A_40 = vector.shape_cast %broadcast_in_dim3A_39 : vector<1x16xf32> to vector<1x16xf32>
    %broadcast_in_dim3A_41 = vector.broadcast %broadcast_in_dim3A_40 : vector<1x16xf32> to vector<8x16xf32>
    %eq3A = arith.constant 0 : i32
    %eq3A_42 = arith.cmpi eq, %arg0, %eq3A : i32
    %convert_element_type3A = arith.extui %eq3A_42 : i1 to i32
    %cond3A = arith.constant 0 : i32
    %cond3A_43 = arith.cmpi ne, %convert_element_type3A, %cond3A : i32
    scf.if %cond3A_43 {
      %broadcast_in_dim3A_50 = arith.constant 0xFF800000 : f32
      %broadcast_in_dim3A_51 = vector.broadcast %broadcast_in_dim3A_50 : f32 to vector<8x16xf32>
      %swap3A_52 = arith.constant 0 : index
      %swap3A_53 = arith.constant 0 : index
      %swap3A_54 = vector.load %arg6[%swap3A_52, %swap3A_53] : memref<8x16xf32, #tpu.memory_space<vmem>>, vector<8x16xf32>
      tpu.vector_store %arg6[%swap3A_52, %swap3A_53], %broadcast_in_dim3A_51 {strides = array<i32>} : memref<8x16xf32, #tpu.memory_space<vmem>>, vector<8x16xf32>,
    } else {
    }
    %get3A_44 = arith.constant 0 : index
    %get3A_45 = arith.constant 0 : index
    %get3A_46 = vector.load %arg6[%get3A_44, %get3A_45] : memref<8x16xf32, #tpu.memory_space<vmem>>, vector<8x16xf32>
    %max3A = arith.maximumf %get3A_46, %broadcast_in_dim3A_41 : vector<8x16xf32>
    %swap3A_47 = arith.constant 0 : index
    %swap3A_48 = arith.constant 0 : index
    %swap3A_49 = vector.load %arg6[%swap3A_47, %swap3A_48] : memref<8x16xf32, #tpu.memory_space<vmem>>, vector<8x16xf32>
    tpu.vector_store %arg6[%swap3A_47, %swap3A_48], %max3A {strides = array<i32>} : memref<8x16xf32, #tpu.memory_space<vmem>>, vector<8x16xf32>,
    return
  }
  func.func @transform_0(%arg0: i32) -> (i32, i32) {
    %c0_i32 = arith.constant 0 : i32
    %c0_i32_0 = arith.constant 0 : i32
    return %arg0, %c0_i32 : i32, i32
  }
  func.func @transform_1(%arg0: i32) -> (i32, i32) {
    %c0_i32 = arith.constant 0 : i32
    %c0_i32_0 = arith.constant 0 : i32
    %c0_i32_1 = arith.constant 0 : i32
    return %c0_i32, %c0_i32_0 : i32, i32
  }
  func.func @transform_2(%arg0: i32) -> (i32, i32) {
    %c0_i32 = arith.constant 0 : i32
    %c0_i32_0 = arith.constant 0 : i32
    %c0_i32_1 = arith.constant 0 : i32
    return %c0_i32, %c0_i32_0 : i32, i32
  }
  func.func @transform_3(%arg0: i32) -> (i32, i32) {
    %c0_i32 = arith.constant 0 : i32
    %c0_i32_0 = arith.constant 0 : i32
    return %arg0, %c0_i32 : i32, i32
  }
  func.func @transform_4(%arg0: i32) -> (i32, i32) {
    %c0_i32 = arith.constant 0 : i32
    %c0_i32_0 = arith.constant 0 : i32
    return %arg0, %c0_i32 : i32, i32
  }
  func.func @transform_5(%arg0: i32) -> (i32, i32) {
    %c0_i32 = arith.constant 0 : i32
    %c0_i32_0 = arith.constant 0 : i32
    %c0_i32_1 = arith.constant 0 : i32
    return %c0_i32, %c0_i32_0 : i32, i32
  }
}

module attributes {stable_mosaic.version = 14 : i64} {
  func.func @_tc_post_body(%arg0: i32, %arg1: memref<2x1024x144xf32, #tpu.memory_space<vmem>>, %arg2: memref<1024x128xf32, #tpu.memory_space<vmem>>, %arg3: memref<1x128xf32, #tpu.memory_space<vmem>>, %arg4: memref<1x128xf32, #tpu.memory_space<vmem>>, %arg5: memref<128x512xf32, #tpu.memory_space<vmem>>, %arg6: memref<1x512xf32, #tpu.memory_space<vmem>>, %arg7: memref<512x128xf32, #tpu.memory_space<vmem>>, %arg8: memref<1x128xf32, #tpu.memory_space<vmem>>, %arg9: memref<8x128xf32, #tpu.memory_space<vmem>>, %arg10: memref<128x128xf32, #tpu.memory_space<vmem>>, %arg11: memref<1024x128xf32, #tpu.memory_space<vmem>>) attributes {dimension_semantics = [#tpu.dimension_semantics<arbitrary>], iteration_bounds = array<i64: 10>, scalar_prefetch = 0 : i64, scratch_operands = 0 : i64, tpu.core_type = #tpu.core_type<tc>, window_params = [{transform_indices = @transform_0, window_bounds = array<i64: 2, 1024, 144>}, {transform_indices = @transform_1, window_bounds = array<i64: 1024, 128>}, {pipeline_mode = #tpu.pipeline_mode<synchronous>, transform_indices = @transform_2, window_bounds = array<i64: 1, 128>}, {pipeline_mode = #tpu.pipeline_mode<synchronous>, transform_indices = @transform_3, window_bounds = array<i64: 1, 128>}, {pipeline_mode = #tpu.pipeline_mode<synchronous>, transform_indices = @transform_4, window_bounds = array<i64: 128, 512>}, {pipeline_mode = #tpu.pipeline_mode<synchronous>, transform_indices = @transform_5, window_bounds = array<i64: 1, 512>}, {pipeline_mode = #tpu.pipeline_mode<synchronous>, transform_indices = @transform_6, window_bounds = array<i64: 512, 128>}, {pipeline_mode = #tpu.pipeline_mode<synchronous>, transform_indices = @transform_7, window_bounds = array<i64: 1, 128>}, {pipeline_mode = #tpu.pipeline_mode<synchronous>, transform_indices = @transform_8, window_bounds = array<i64: 8, 128>}, {pipeline_mode = #tpu.pipeline_mode<synchronous>, transform_indices = @transform_9, window_bounds = array<i64: 128, 128>}, {transform_indices = @transform_10, window_bounds = array<i64: 1024, 128>}]} {
    %get3A = arith.constant 0 : index
    %get3A_0 = arith.constant 0 : index
    %get3A_1 = arith.constant 0 : index
    %get3A_2 = vector.load %arg1[%get3A, %get3A_0, %get3A_1] : memref<2x1024x144xf32, #tpu.memory_space<vmem>>, vector<1x1024x144xf32>
    %get3A_3 = vector.shape_cast %get3A_2 : vector<1x1024x144xf32> to vector<1024x144xf32>
    %get3A_4 = arith.constant 1 : index
    %get3A_5 = arith.constant 0 : index
    %get3A_6 = arith.constant 0 : index
    %get3A_7 = vector.load %arg1[%get3A_4, %get3A_5, %get3A_6] : memref<2x1024x144xf32, #tpu.memory_space<vmem>>, vector<1x1024x144xf32>
    %get3A_8 = vector.shape_cast %get3A_7 : vector<1x1024x144xf32> to vector<1024x144xf32>
    %add3A = arith.addf %get3A_3, %get3A_8 : vector<1024x144xf32>
    %slice3A = vector.extract_strided_slice %add3A {offsets = [0, 0], sizes = [1024, 128], strides = [1, 1]} : vector<1024x144xf32> to vector<1024x128xf32>
    %slice3A_9 = vector.extract_strided_slice %add3A {offsets = [0, 128], sizes = [1024, 8], strides = [1, 1]} : vector<1024x144xf32> to vector<1024x8xf32>
    %add3A_10 = arith.constant 9.99999996E-13 : f32
    %add3A_11 = vector.broadcast %add3A_10 : f32 to vector<1024x8xf32>
    %add3A_12 = arith.addf %slice3A_9, %add3A_11 : vector<1024x8xf32>
    %div3A = arith.constant 1.000000e+00 : f32
    %div3A_13 = vector.broadcast %div3A : f32 to vector<1024x8xf32>
    %div3A_14 = arith.divf %div3A_13, %add3A_12 : vector<1024x8xf32>
    %get3A_15 = arith.constant 0 : index
    %get3A_16 = arith.constant 0 : index
    %get3A_17 = vector.load %arg9[%get3A_15, %get3A_16] : memref<8x128xf32, #tpu.memory_space<vmem>>, vector<8x128xf32>
    %dot_general3A = arith.constant dense<0.000000e+00> : vector<1024x128xf32>
    %dot_general3A_18 = tpu.matmul %div3A_14, %get3A_17, %dot_general3A {dimension_numbers = #tpu.dot_dimension_numbers<[1], [0], [0], [1], [0, 0, 1, 1], [], []>, transpose_lhs_hint = false} : vector<1024x8xf32>, vector<8x128xf32>, vector<1024x128xf32> -> vector<1024x128xf32>
    %mul3A = arith.mulf %slice3A, %dot_general3A_18 : vector<1024x128xf32>
    %get3A_19 = arith.constant 0 : index
    %get3A_20 = arith.constant 0 : index
    %get3A_21 = vector.load %arg10[%get3A_19, %get3A_20] : memref<128x128xf32, #tpu.memory_space<vmem>>, vector<128x128xf32>
    %dot_general3A_22 = arith.constant dense<0.000000e+00> : vector<1024x128xf32>
    %dot_general3A_23 = tpu.matmul %mul3A, %get3A_21, %dot_general3A_22 {dimension_numbers = #tpu.dot_dimension_numbers<[1], [0], [0], [1], [0, 0, 1, 1], [], []>, transpose_lhs_hint = false} : vector<1024x128xf32>, vector<128x128xf32>, vector<1024x128xf32> -> vector<1024x128xf32>
    %gt3A = arith.constant 0.000000e+00 : f32
    %gt3A_24 = vector.broadcast %gt3A : f32 to vector<1024x128xf32>
    %gt3A_25 = arith.cmpf ogt, %dot_general3A_23, %gt3A_24 : vector<1024x128xf32>
    %exp3A = math.exp %dot_general3A_23 : vector<1024x128xf32>
    %sub3A = arith.constant 1.000000e+00 : f32
    %sub3A_26 = vector.broadcast %sub3A : f32 to vector<1024x128xf32>
    %sub3A_27 = arith.subf %exp3A, %sub3A_26 : vector<1024x128xf32>
    %select_n3A = arith.select %gt3A_25, %dot_general3A_23, %sub3A_27 : vector<1024x128xi1>, vector<1024x128xf32>
    %get3A_28 = arith.constant 0 : index
    %get3A_29 = arith.constant 0 : index
    %get3A_30 = vector.load %arg2[%get3A_28, %get3A_29] : memref<1024x128xf32, #tpu.memory_space<vmem>>, vector<1024x128xf32>
    %add3A_31 = arith.addf %get3A_30, %select_n3A : vector<1024x128xf32>
    %reduce_sum3A = arith.constant dense<0.000000e+00> : vector<1024xf32>
    %reduce_sum3A_32 = vector.multi_reduction <add>, %add3A_31, %reduce_sum3A [1] : vector<1024x128xf32> to vector<1024xf32>
    %broadcast_in_dim3A = vector.shape_cast %reduce_sum3A_32 : vector<1024xf32> to vector<1024x1xf32>
    %div3A_33 = arith.constant 1.280000e+02 : f32
    %div3A_34 = vector.broadcast %div3A_33 : f32 to vector<1024x1xf32>
    %div3A_35 = arith.divf %broadcast_in_dim3A, %div3A_34 : vector<1024x1xf32>
    %sub3A_36 = vector.broadcast %div3A_35 : vector<1024x1xf32> to vector<1024x128xf32>
    %sub3A_37 = arith.subf %add3A_31, %sub3A_36 : vector<1024x128xf32>
    %integer_pow3A = arith.mulf %sub3A_37, %sub3A_37 : vector<1024x128xf32>
    %reduce_sum3A_38 = arith.constant dense<0.000000e+00> : vector<1024xf32>
    %reduce_sum3A_39 = vector.multi_reduction <add>, %integer_pow3A, %reduce_sum3A_38 [1] : vector<1024x128xf32> to vector<1024xf32>
    %broadcast_in_dim3A_40 = vector.shape_cast %reduce_sum3A_39 : vector<1024xf32> to vector<1024x1xf32>
    %div3A_41 = arith.constant 1.280000e+02 : f32
    %div3A_42 = vector.broadcast %div3A_41 : f32 to vector<1024x1xf32>
    %div3A_43 = arith.divf %broadcast_in_dim3A_40, %div3A_42 : vector<1024x1xf32>
    %sub3A_44 = vector.broadcast %div3A_35 : vector<1024x1xf32> to vector<1024x128xf32>
    %sub3A_45 = arith.subf %add3A_31, %sub3A_44 : vector<1024x128xf32>
    %add3A_46 = arith.constant 9.99999997E-7 : f32
    %add3A_47 = vector.broadcast %add3A_46 : f32 to vector<1024x1xf32>
    %add3A_48 = arith.addf %div3A_43, %add3A_47 : vector<1024x1xf32>
    %sqrt3A = math.sqrt %add3A_48 : vector<1024x1xf32>
    %div3A_49 = vector.broadcast %sqrt3A : vector<1024x1xf32> to vector<1024x128xf32>
    %div3A_50 = arith.divf %sub3A_45, %div3A_49 : vector<1024x128xf32>
    %get3A_51 = arith.constant 0 : index
    %get3A_52 = arith.constant 0 : index
    %get3A_53 = vector.load %arg3[%get3A_51, %get3A_52] : memref<1x128xf32, #tpu.memory_space<vmem>>, vector<1x128xf32>
    %mul3A_54 = vector.broadcast %get3A_53 : vector<1x128xf32> to vector<1024x128xf32>
    %mul3A_55 = arith.mulf %div3A_50, %mul3A_54 : vector<1024x128xf32>
    %get3A_56 = arith.constant 0 : index
    %get3A_57 = arith.constant 0 : index
    %get3A_58 = vector.load %arg4[%get3A_56, %get3A_57] : memref<1x128xf32, #tpu.memory_space<vmem>>, vector<1x128xf32>
    %add3A_59 = vector.broadcast %get3A_58 : vector<1x128xf32> to vector<1024x128xf32>
    %add3A_60 = arith.addf %mul3A_55, %add3A_59 : vector<1024x128xf32>
    %get3A_61 = arith.constant 0 : index
    %get3A_62 = arith.constant 0 : index
    %get3A_63 = vector.load %arg5[%get3A_61, %get3A_62] : memref<128x512xf32, #tpu.memory_space<vmem>>, vector<128x512xf32>
    %dot_general3A_64 = arith.constant dense<0.000000e+00> : vector<1024x512xf32>
    %dot_general3A_65 = tpu.matmul %add3A_60, %get3A_63, %dot_general3A_64 {dimension_numbers = #tpu.dot_dimension_numbers<[1], [0], [0], [1], [0, 0, 1, 1], [], []>, transpose_lhs_hint = false} : vector<1024x128xf32>, vector<128x512xf32>, vector<1024x512xf32> -> vector<1024x512xf32>
    %get3A_66 = arith.constant 0 : index
    %get3A_67 = arith.constant 0 : index
    %get3A_68 = vector.load %arg6[%get3A_66, %get3A_67] : memref<1x512xf32, #tpu.memory_space<vmem>>, vector<1x512xf32>
    %add3A_69 = vector.broadcast %get3A_68 : vector<1x512xf32> to vector<1024x512xf32>
    %add3A_70 = arith.addf %dot_general3A_65, %add3A_69 : vector<1024x512xf32>
    %max3A = arith.constant 0.000000e+00 : f32
    %max3A_71 = vector.broadcast %max3A : f32 to vector<1024x512xf32>
    %max3A_72 = arith.maximumf %add3A_70, %max3A_71 : vector<1024x512xf32>
    %get3A_73 = arith.constant 0 : index
    %get3A_74 = arith.constant 0 : index
    %get3A_75 = vector.load %arg7[%get3A_73, %get3A_74] : memref<512x128xf32, #tpu.memory_space<vmem>>, vector<512x128xf32>
    %dot_general3A_76 = arith.constant dense<0.000000e+00> : vector<1024x128xf32>
    %dot_general3A_77 = tpu.matmul %max3A_72, %get3A_75, %dot_general3A_76 {dimension_numbers = #tpu.dot_dimension_numbers<[1], [0], [0], [1], [0, 0, 1, 1], [], []>, transpose_lhs_hint = false} : vector<1024x512xf32>, vector<512x128xf32>, vector<1024x128xf32> -> vector<1024x128xf32>
    %get3A_78 = arith.constant 0 : index
    %get3A_79 = arith.constant 0 : index
    %get3A_80 = vector.load %arg8[%get3A_78, %get3A_79] : memref<1x128xf32, #tpu.memory_space<vmem>>, vector<1x128xf32>
    %add3A_81 = vector.broadcast %get3A_80 : vector<1x128xf32> to vector<1024x128xf32>
    %add3A_82 = arith.addf %dot_general3A_77, %add3A_81 : vector<1024x128xf32>
    %add3A_83 = arith.addf %add3A_82, %add3A_31 : vector<1024x128xf32>
    %swap3A = arith.constant 0 : index
    %swap3A_84 = arith.constant 0 : index
    %swap3A_85 = vector.load %arg11[%swap3A, %swap3A_84] : memref<1024x128xf32, #tpu.memory_space<vmem>>, vector<1024x128xf32>
    tpu.vector_store %arg11[%swap3A, %swap3A_84], %add3A_83 {strides = array<i32>} : memref<1024x128xf32, #tpu.memory_space<vmem>>, vector<1024x128xf32>,
    return
  }
  func.func @transform_0(%arg0: i32) -> (i32, i32, i32) {
    %c0_i32 = arith.constant 0 : i32
    %c0_i32_0 = arith.constant 0 : i32
    %c0_i32_1 = arith.constant 0 : i32
    return %c0_i32, %arg0, %c0_i32_0 : i32, i32, i32
  }
  func.func @transform_1(%arg0: i32) -> (i32, i32) {
    %c0_i32 = arith.constant 0 : i32
    %c0_i32_0 = arith.constant 0 : i32
    return %arg0, %c0_i32 : i32, i32
  }
  func.func @transform_2(%arg0: i32) -> (i32, i32) {
    %c0_i32 = arith.constant 0 : i32
    %c0_i32_0 = arith.constant 0 : i32
    %c0_i32_1 = arith.constant 0 : i32
    return %c0_i32, %c0_i32_0 : i32, i32
  }
  func.func @transform_3(%arg0: i32) -> (i32, i32) {
    %c0_i32 = arith.constant 0 : i32
    %c0_i32_0 = arith.constant 0 : i32
    %c0_i32_1 = arith.constant 0 : i32
    return %c0_i32, %c0_i32_0 : i32, i32
  }
  func.func @transform_4(%arg0: i32) -> (i32, i32) {
    %c0_i32 = arith.constant 0 : i32
    %c0_i32_0 = arith.constant 0 : i32
    %c0_i32_1 = arith.constant 0 : i32
    return %c0_i32, %c0_i32_0 : i32, i32
  }
  func.func @transform_5(%arg0: i32) -> (i32, i32) {
    %c0_i32 = arith.constant 0 : i32
    %c0_i32_0 = arith.constant 0 : i32
    %c0_i32_1 = arith.constant 0 : i32
    return %c0_i32, %c0_i32_0 : i32, i32
  }
  func.func @transform_6(%arg0: i32) -> (i32, i32) {
    %c0_i32 = arith.constant 0 : i32
    %c0_i32_0 = arith.constant 0 : i32
    %c0_i32_1 = arith.constant 0 : i32
    return %c0_i32, %c0_i32_0 : i32, i32
  }
  func.func @transform_7(%arg0: i32) -> (i32, i32) {
    %c0_i32 = arith.constant 0 : i32
    %c0_i32_0 = arith.constant 0 : i32
    %c0_i32_1 = arith.constant 0 : i32
    return %c0_i32, %c0_i32_0 : i32, i32
  }
  func.func @transform_8(%arg0: i32) -> (i32, i32) {
    %c0_i32 = arith.constant 0 : i32
    %c0_i32_0 = arith.constant 0 : i32
    %c0_i32_1 = arith.constant 0 : i32
    return %c0_i32, %c0_i32_0 : i32, i32
  }
  func.func @transform_9(%arg0: i32) -> (i32, i32) {
    %c0_i32 = arith.constant 0 : i32
    %c0_i32_0 = arith.constant 0 : i32
    %c0_i32_1 = arith.constant 0 : i32
    return %c0_i32, %c0_i32_0 : i32, i32
  }
  func.func @transform_10(%arg0: i32) -> (i32, i32) {
    %c0_i32 = arith.constant 0 : i32
    %c0_i32_0 = arith.constant 0 : i32
    return %arg0, %c0_i32 : i32, i32
  }
}

</mosaic_0001>

<sc_bundles>
// kernel: kernel.5.cloned.1.call-start
scs
__scs_entry_jumppad:
0x0: {  	(pc) =	sbr.rel $0x88, $3  }
0x1: {  	(tag) =	ssettag $0x0;
	lr =	simm.s32 $0x1  }
0x2: {  	[smem:$0x3F96] =	sst lr;
	_ =	strace $0xD0000000  }
0x3: {  	_ = 	snop  }
0x4: {  	_ = 	snop  }
0x5: {  	_ = 	snop  }
0x6: {  	_ = 	snop  }
0x7: {  	_ = 	snop  }
__scs_overlays_trampoline_lowered:
0x8: {  	[smem:$0x3FA5] =	sst s0  }
0x9: {  	[smem:$0x3FA6] =	sst s1  }
0xa: {  	[smem:$0x3FA7] =	sst s2  }
0xb: {  	[smem:$0x3FA8] =	sst s3  }
0xc: {  	[smem:$0x3FA9] =	sst s4  }
0xd: {  	[smem:$0x3FAA] =	sst s5  }
0xe: {  	[smem:$0x3FAB] =	sst s6  }
0xf: {  	[smem:$0x3FAC] =	sst s7  }
0x10: {  	[smem:$0x3FAD] =	sst s8  }
0x11: {  	[smem:$0x3FAE] =	sst s9;
	s0 =	simm.s32 @!p0 $0x0  }
0x12: {  	s1 =	sld [smem:$0x3F94];
	s0 =	simm.s32 @p0 $0x1  }
0x13: {  	[smem:$0x3FAF] =	sst s0;
	s0 =	simm.s32 @!p1 $0x0  }
0x14: {  	s2 =	sld [smem:$0x3F93];
	s0 =	simm.s32 @p1 $0x1  }
0x15: {  	[smem:$0x3FB0] =	sst s0;
	s0 =	simm.s32 @!p2 $0x0  }
0x16: {  	s3 =	sld [smem:$0x3FDB];
	s0 =	simm.s32 @p2 $0x1  }
0x17: {  	s4 =	simm.s32 $0x1BF5;
	[smem:$0x3FB2] =	sst s0  }
0x18: {  	s0 =	sld [smem:$0x3F95];
	_ =	swait.ge [sflag:s4], $0x0  }
0x19: {  	s7 =	sld [smem:$0x3F96]  }
0x1a: {  	s8 =	sadd.s32 $0xFFFFE003, lr  }
0x1b: {  	s9 =	sadd.s32 $0xFFFFFEF7, lr;
	s5 =	simm.s32 $0xFFFFFFFF;
	p2 =	slt.u32 s8, $0xFFFFF086  }
0x1c: {  	p1 =	slt.u32 s9, $0xF7A;
	s5 =	simm.s32 @!p2 $0x0  }
0x1d: {  	s5 =	simm.s32 @p1 $0x1;
	p0 =	seq.s32 s7, s2  }
0x1e: {  	s7 =	smul.u32 @!p0 $0xF7A, s2;
	p2 =	seq.s32 @!p0 s5, $0x0  }
0x1f: {  	s9 =	smul.u32 $0xF7A, s1;
	s8 =	simm.s32 @!p0 $0x1BF5;
	p2 =	por !p2, p0  }
0x20: {  	[sflag:s8] =	ssyncset.s32 @!p0 $0xFFFFF086;
	s6 =	sadd.s32 @!p0 s3, s7;
	s7 =	simm.s32 @!p0 $0x108  }
0x21: {  	s3 =	sadd.s32 s3, s9;
	s6 =	sadd.s32 @!p0 $0x88, s6;
	s7 =	simm.s32 @p2 $0x1082  }
0x22: {  	[simem:s7], [sflag:s8] =	dma.local @!p0 [hbm:s6], $0xF7A  }
0x23: {  	s9 =	sor.u32 $0xD0000000, s2;
	s6 =	simm.s32 $0x108;
	_ =	swait.ge @!p0 [sflag:s8], $0x0  }
0x24: {  	s3 =	sadd.s32 $0x88, s3;
	s6 =	simm.s32 @!p1 $0x1082;
	[sflag:s4] =	ssyncset.s32 $0xFFFFF086  }
0x25: {  	[simem:s6], [sflag:s4] =	dma.local [hbm:s3], $0xF7A  }
0x26: {  	[smem:$0x3F96] =	sst s1;
	(tag) =	ssettag s2;
	_ =	strace s9  }
0x27: {  	s1 =	sld [smem:$0x3FA6]  }
0x28: {  	s2 =	sld [smem:$0x3FA7]  }
0x29: {  	s4 =	sld [smem:$0x3FA9]  }
0x2a: {  	p0 =	seq.s32 s5, $0x0;
	s5 =	sld [smem:$0x3FAA]  }
0x2b: {  	s6 =	sld [smem:$0x3FAB]  }
0x2c: {  	s7 =	sld [smem:$0x3FAC]  }
0x2d: {  	s3 =	simm.s32 $0x108;
	s8 =	sld [smem:$0x3FAD]  }
0x2e: {  	s3 =	simm.s32 @!p0 $0x1082;
	s9 =	sld [smem:$0x3FAE]  }
0x2f: {  	lr =	sadd.s32 s0, s3;
	s0 =	sld [smem:$0x3FA5]  }
0x30: {  	s3 =	sld [smem:$0x3FA8]  }
0x31: {  	[smem:$0x3FB1] =	sst s10  }
0x32: {  	s10 =	sld [smem:$0x3FAF];
	_ =	sdelay $0x3  }
0x33: {  	p0 =	seq.s32 s10, $0x1;
	s10 =	sld [smem:$0x3FB1];
	_ =	sdelay $0x3  }
0x34: {  	[smem:$0x3FB1] =	sst s10  }
0x35: {  	s10 =	sld [smem:$0x3FB0];
	_ =	sdelay $0x3  }
0x36: {  	p1 =	seq.s32 s10, $0x1;
	s10 =	sld [smem:$0x3FB1];
	_ =	sdelay $0x3  }
0x37: {  	[smem:$0x3FB1] =	sst s10  }
0x38: {  	s10 =	sld [smem:$0x3FB2]  }
0x39: {  	_ = 	snop;
	(pc) =	sbr.ind lr, $3  }
0x3a: {  	_ = 	snop  }
0x3b: {  	_ = 	snop  }
0x3c: {  	p2 =	seq.s32 s10, $0x1;
	s10 =	sld [smem:$0x3FB1]  }
0x3d: {  	_ =	shalt  }
0x3e: {  	_ =	shalt  }
0x3f: {  	_ =	shalt  }
0x40: {  	_ =	shalt  }
0x41: {  	_ =	shalt  }
0x42: {  	_ =	shalt  }
0x43: {  	_ =	shalt  }
0x44: {  	_ =	shalt  }
0x45: {  	_ =	shalt  }
0x46: {  	_ =	shalt  }
0x47: {  	_ =	shalt  }
0x48: {  	_ =	shalt  }
0x49: {  	_ =	shalt  }
0x4a: {  	_ =	shalt  }
0x4b: {  	_ =	shalt  }
0x4c: {  	_ =	shalt  }
0x4d: {  	_ =	shalt  }
0x4e: {  	_ =	shalt  }
0x4f: {  	_ =	shalt  }
0x50: {  	_ =	shalt  }
0x51: {  	_ =	shalt  }
0x52: {  	_ =	shalt  }
0x53: {  	_ =	shalt  }
0x54: {  	_ =	shalt  }
0x55: {  	_ =	shalt  }
0x56: {  	_ =	shalt  }
0x57: {  	_ =	shalt  }
0x58: {  	_ =	shalt  }
0x59: {  	_ =	shalt  }
0x5a: {  	_ =	shalt  }
0x5b: {  	_ =	shalt  }
0x5c: {  	_ =	shalt  }
0x5d: {  	_ =	shalt  }
0x5e: {  	_ =	shalt  }
0x5f: {  	_ =	shalt  }
0x60: {  	_ =	shalt  }
0x61: {  	_ =	shalt  }
0x62: {  	_ =	shalt  }
0x63: {  	_ =	shalt  }
0x64: {  	_ =	shalt  }
0x65: {  	_ =	shalt  }
0x66: {  	_ =	shalt  }
0x67: {  	_ =	shalt  }
0x68: {  	_ =	shalt  }
0x69: {  	_ =	shalt  }
0x6a: {  	_ =	shalt  }
0x6b: {  	_ =	shalt  }
0x6c: {  	_ =	shalt  }
0x6d: {  	_ =	shalt  }
0x6e: {  	_ =	shalt  }
0x6f: {  	_ =	shalt  }
0x70: {  	_ =	shalt  }
0x71: {  	_ =	shalt  }
0x72: {  	_ =	shalt  }
0x73: {  	_ =	shalt  }
0x74: {  	_ =	shalt  }
0x75: {  	_ =	shalt  }
0x76: {  	_ =	shalt  }
0x77: {  	_ =	shalt  }
0x78: {  	_ =	shalt  }
0x79: {  	_ =	shalt  }
0x7a: {  	_ =	shalt  }
0x7b: {  	_ =	shalt  }
0x7c: {  	_ =	shalt  }
0x7d: {  	_ =	shalt  }
0x7e: {  	_ =	shalt  }
0x7f: {  	_ =	shalt  }
0x80: {  	_ =	shalt  }
0x81: {  	_ =	shalt  }
0x82: {  	_ =	shalt  }
0x83: {  	_ =	shalt  }
0x84: {  	_ =	shalt  }
0x85: {  	_ =	shalt  }
0x86: {  	_ =	shalt  }
0x87: {  	_ =	shalt  }
.Lfunc_end0:
.L_simem_size_0:
called_computation_lowered:
.L_overlay_start_0:
0x88: {  	s2 =	sld [smem:$0x3FD9]  }
0x89: {  	s3 =	sld [smem:$0x3FFE];
	_ =	sdelay $0x1  }
0x8a: {  	s1 =	srdreg.scid  }
0x8b: {  	s0 =	sand.u32 $0x1, s1  }
0x8c: {  	s17 =	sshll.u32 s0, $0xA;
	s2 =	sadd.s32 s3, s2  }
0x8d: {  	s2 =	sadd.s32 s2, s17  }
0x8e: {  	[smem:$0x3FBD] =	sst s2  }
0x8f: {  	_ = 	snop  }
0x90: {  	s2 =	sld [smem:$0x3FD0];
	(tm) =	ssettm $0x1  }
0x91: {  	s18 =	sld [smem:$0x3FFB];
	_ =	sdelay $0x3  }
0x92: {  	_ =	strace s18  }
0x93: {  	s3 =	sld [smem:$0x3FFC];
	_ =	sdelay $0x3  }
0x94: {  	_ =	strace s3  }
0x95: {  	s3 =	sld [smem:$0x3FFD];
	_ =	sdelay $0x3  }
0x96: {  	_ =	strace s3  }
0x97: {  	_ =	strace $0x8FFFFFFF  }
0x98: {  	s19 =	sld [smem:$0x3FDB];
	_ =	sdelay $0x1  }
0x99: {  	s4 =	simm.s32 $_scs_section_size  }
0x9a: {  	s5 =	simm.s32 $_size__tile_overlayer_lowered;
	s6 =	simm.s32 $_tile_overlayer_lowered  }
0x9b: {  	s22 =	simm.s32 $0x1BFF;
	s21 =	sshll.u32 s6, $0x1;
	s3 =	sadd.s32 s4, s19  }
0x9c: {  	s7 =	simm.s32 $0x0;
	s20 =	sshll.u32 s5, $0x1;
	s5 =	sadd.s32 s21, s3  }
0x9d: {  	[timem:s7], [sflag:s22] =	dma.local [hbm:s5], s20  }
0x9e: {  	_ =	swait.ge [sflag:s22], s20  }
0x9f: {  	s4 =	ssub.s32 $0x0, s20;
	[sflag:s22] =	ssyncset.done $0x0  }
0xa0: {  	[sflag:s22] =	ssyncadd.s32 s4;
	_ =	sdelay $0x1  }
0xa1: {  	s23 =	simm.s32 $0x1B8B  }
0xa2: {  	_ =	swait.ge [sflag:s23], $0x1  }
0xa3: {  	[sflag:s23] =	ssyncset.done $0x0  }
0xa4: {  	s25 =	simm.s32 $0x1B8E;
	s24 =	sld [smem:$0x3FFE];
	[sflag:s23] =	ssyncadd.s32 $0xFFFFFFFF  }
0xa5: {  	s26 =	simm.s32 $execute0_lowered;
	[smem:$0x3FD2] =	sst s25  }
0xa6: {  	s5 =	sshll.u32 s26, $0x1;
	_ =	strace $0x80000046;
	[dreg:$0x1] =	wrdreg $0xFFFFFFFF  }
0xa7: {  	s28 =	simm.s32 $_size_execute0_lowered;
	s3 =	sadd.s32 s3, s5;
	[dreg:$0x0] =	wrdreg $0x0  }
0xa8: {  	s5 =	sshll.u32 s28, $0x1;
	[dreg:$0x2] =	wrdreg s3  }
0xa9: {  	[dreg:$0x3] =	wrdreg s5  }
0xaa: {  	[dreg:$0x4] =	wrdreg $0xC0  }
0xab: {  	_ =	task [dreg:s7], $0x5FFFF  }
0xac: {  	[dreg:$0x1] =	wrdreg $0xFFFFFFFF  }
0xad: {  	[dreg:$0x0] =	wrdreg $0x60  }
0xae: {  	[dreg:$0x2] =	wrdreg s2  }
0xaf: {  	[dreg:$0x3] =	wrdreg s24  }
0xb0: {  	[dreg:$0x4] =	wrdreg $0x6E500  }
0xb1: {  	[dreg:$0x5] =	wrdreg $0x9  }
0xb2: {  	_ =	task.clear_ibuf [dreg:s7], $0x6FFFF;
	_ =	strace $0x90000046  }
0xb3: {  	s29 =	simm.s32 $0x9;
	_ =	strace $0x80000048  }
0xb4: {  	_ =	swait.ge [sflag:s29], $0x1  }
0xb5: {  	[sflag:s29] =	ssyncadd.s32 $0xFFFFFFFF  }
0xb6: {  	_ =	strace $0x90000048  }
0xb7: {  	_ =	sfence  }
0xb8: {  	s30 =	sld [smem:$0x0];
	_ =	sdelay $0x2  }
0xb9: {  	s31 =	sshll.u32 s1, $0xD;
	s1 =	sshrl.u32 s1, $0x2  }
0xba: {  	s3 =	sand.u32 $0x4000, s31;
	s1 =	sadd.s32 s1, s30  }
0xbb: {  	s0 =	sor.u32 s3, s0;
	s1 =	sshll.u32 s1, $0x11  }
0xbc: {  	s0 =	sor.u32 s1, s0  }
0xbd: {  	s0 =	sadd.s32 $0x8F2B, s0  }
0xbe: {  	[sflag:s0] =	ssyncadd.remote.s32 $0x1  }
0xbf: {  	_ =	sfence.sel $0xFFFF  }
0xc0: {  	[dreg:$0x0] =	wrdreg $0xFFFFFFFF;
	(pc) =	sbr.abs _section_cstart, $3  }
0xc1: {  	[dreg:$0x1] =	wrdreg $0xFFFFFFFF  }
0xc2: {  	_ =	task.clear_ibuf [dreg:s7], $0x2FFFF;
	_ =	strace $0x9FFFFFFF  }
0xc3: {  	(tm) =	ssettm $0x7FFFFFFF  }
tec
execute0_lowered:
.L_overlay_start_1:
0x0: {  	(tag) =	ssettag $0x1  }
0x1: {  	s1 =	rddreg [dreg:$0x0]  }
0x2: {  	s3 =	rddreg [dreg:$0x1]  }
0x3: {  	s4 =	rddreg [dreg:$0x2]  }
0x4: {  	s0 =	srdreg.scid;
	s12 =	stileid.u32;
	s5 =	simm.s32 $0x0  }
0x5: {  	s31 =	simm.s32 $0x4A40;
	s0 =	sand.u32 $0x1, s0;
	s2 =	smul.u32 $0x16800, s12  }
0x6: {  	[smem:$0x7FF] =	sst s5;
	s6 =	sadd.s32 $0xF200, s3;
	s9 =	smul.u32 $0x5A000, s12  }
0x7: {  	s30 =	sshll.u32 s12, $0x1;
	s7 =	smul.u32 $0x168000, s0;
	_ =	strace $0x80000047  }
0x8: {  	s10 =	ssub.s32 $0x2, s0;
	s0 =	sor.u32 s0, s30;
	s30 =	sadd.s32 $0x5000, s3  }
0x9: {  	s11 =	sshrl.u32 s10, $0x1;
	s9 =	sshrl.u32 s9, $0x2;
	s15 =	sadd.s32 s2, s4  }
0xa: {  	s0 =	smul.u32 $0x2800, s0;
	[dreg:$0x16] =	wrdreg s30;
	s9 =	sadd.s32 s9, s4  }
0xb: {  	s8 =	sadd.s32 s2, s7;
	[dreg:$0x4] =	wrdreg s15;
	s12 =	sadd.s32 $0x2400, s9  }
0xc: {  	s7 =	sadd.s32 $0x5200, s3;
	s13 =	sadd.s32 $0x4800, s9;
	[dreg:$0x5] =	wrdreg s12  }
0xd: {  	s10 =	ssub.s32 s10, s11;
	s14 =	sadd.s32 $0x6C00, s9;
	[dreg:$0x6] =	wrdreg s13  }
0xe: {  	s11 =	simm.s32 $0x100;
	s16 =	sadd.s32 $0x9000, s9;
	[dreg:$0x7] =	wrdreg s14  }
0xf: {  	s8 =	sshrl.u32 s8, $0x3;
	s17 =	sadd.s32 $0xB400, s9;
	[dreg:$0x8] =	wrdreg s16  }
0x10: {  	s18 =	sadd.s32 $0xD800, s9;
	s19 =	sadd.s32 $0xFC00, s9;
	[dreg:$0x9] =	wrdreg s17  }
0x11: {  	s20 =	sadd.s32 $0x12000, s9;
	s21 =	sshrl.u32 s0, $0x3;
	[dreg:$0xa] =	wrdreg s18  }
0x12: {  	s9 =	sadd.s32 $0x14400, s9;
	s29 =	smax.u32 s10, $0x1;
	[dreg:$0xb] =	wrdreg s19  }
0x13: {  	s10 =	simm.s32 $0x1640;
	s8 =	sadd.s32 s8, s3;
	[dreg:$0xc] =	wrdreg s20  }
0x14: {  	[dreg:$0xd] =	wrdreg s9;
	s22 =	sadd.s32 s6, s21;
	s23 =	sor.u32 $0x8, s21  }
0x15: {  	s24 =	sadd.s32 s7, s21;
	s2 =	sor.u32 $0x10, s21;
	[dreg:$0x15] =	wrdreg s29  }
0x16: {  	s12 =	simm.s32 $0x140;
	s13 =	simm.s32 $0x6;
	s16 =	simm.s32 $0x1  }
0x17: {  	s17 =	simm.s32 $0x180;
	s18 =	simm.s32 $0x4;
	[dreg:$0xe] =	wrdreg s22  }
0x18: {  	s19 =	simm.s32 $0x2;
	[dreg:$0xf] =	wrdreg s24;
	s25 =	sadd.s32 s6, s23  }
0x19: {  	s20 =	simm.s32 $0x7;
	s9 =	sadd.s32 s7, s23;
	[dreg:$0x10] =	wrdreg s25  }
0x1a: {  	s14 =	simm.s32 $0x0;
	s26 =	sadd.s32 s6, s2;
	[dreg:$0x11] =	wrdreg s9  }
0x1b: {  	s2 =	sadd.s32 s7, s2;
	s24 =	sor.u32 $0xC0, s0;
	[dreg:$0x12] =	wrdreg s26  }
0x1c: {  	v0 =	vimm.f32 $0.0e+00;
	v1 =	vimm.s32 $0x0;
	v2 =	vimm.s32 $0x4;
	s28 =	sadd.s32 $0x19200, s8;
	s22 =	simm.s32 $0x3;
	[dreg:$0x13] =	wrdreg s2  }
0x1d: {  	v3 =	vimm.s32 $0x1;
	v4 =	vimm.s32 $0x5;
	v5 =	vimm.s32 $0x2;
	s25 =	sor.u32 $0x100, s0;
	s26 =	sor.u32 $0x140, s0;
	[dreg:$0x14] =	wrdreg s28  }
0x1e: {  	v6 =	vimm.s32 $0x6;
	v7 =	vimm.s32 $0x3;
	v8 =	vimm.s32 $0x7;
	s0 =	simm.s32 $0x8;
	s2 =	simm.s32 $0x40;
	s9 =	simm.s32 $0x240  }
.LBB2_1:
0x1f: {  	[dreg:$0x17] =	wrdreg s14;
	s8 =	simm.s32 $0x0;
	s14 =	simm.s32 $0x240  }
.LBB2_2:
0x20: {  	p0 =	sne.s32 s14, $0x8DC0;
	[tilespmem:s8+$0x4AC0] =	vst v0  }
0x21: {  	[tilespmem:s8+$0x4A40] =	vst v0  }
0x22: {  	[tilespmem:s8+$0x4A50] =	vst v0  }
0x23: {  	[tilespmem:s8+$0x4A60] =	vst v0  }
.Ltmp0:
0x24: {  	[tilespmem:s8+$0x4A70] =	vst v0;
	(pc) =	sbr.rel @p0 .LBB2_2-.Ltmp0, $4  }
0x25: {  	[tilespmem:s8+$0x4A80] =	vst v0  }
0x26: {  	[tilespmem:s8+$0x4A90] =	vst v0  }
0x27: {  	[tilespmem:s8+$0x4AA0] =	vst v0  }
0x28: {  	[tilespmem:s8+$0x4AB0] =	vst v0;
	s8 =	sshra.s32 s14, $0x2;
	s14 =	sadd.s32 $0x240, s14  }
0x29: {  	[tilespmem:s8+$0x4AC0] =	vst v0  }
0x2a: {  	[tilespmem:s8+$0x4A40] =	vst v0  }
0x2b: {  	[tilespmem:s8+$0x4A50] =	vst v0  }
0x2c: {  	[tilespmem:s8+$0x4A60] =	vst v0  }
0x2d: {  	[tilespmem:s8+$0x4A70] =	vst v0  }
0x2e: {  	[tilespmem:s8+$0x4A80] =	vst v0  }
0x2f: {  	[tilespmem:s8+$0x4A90] =	vst v0  }
0x30: {  	[tilespmem:s8+$0x4AA0] =	vst v0  }
0x31: {  	[tilespmem:s8+$0x4AB0] =	vst v0  }
0x32: {  	[spmem:s15] =	stream.linear.scatter [tilespmem:s31], [sflag:$0x8], $0x2400, $0x38;
	[tilespmem:$0x1D650] =	vst v63  }
0x33: {  	_ =	swait.ge [sflag:s0], $0x2400  }
0x34: {  	[sflag:s0] =	ssyncset.done $0x0  }
0x35: {  	s21 =	rddreg [dreg:$0x5];
	[sflag:s0] =	ssyncadd.s32 $0xFFFFDC00  }
0x36: {  	[spmem:s21] =	stream.linear.scatter [tilespmem:s31], [sflag:$0x8], $0x2400, $0x38;
	[tilespmem:$0x1D650] =	vst v63  }
0x37: {  	_ =	swait.ge [sflag:s0], $0x2400  }
0x38: {  	[sflag:s0] =	ssyncset.done $0x0  }
0x39: {  	s23 =	rddreg [dreg:$0x6];
	[sflag:s0] =	ssyncadd.s32 $0xFFFFDC00  }
0x3a: {  	[spmem:s23] =	stream.linear.scatter [tilespmem:s31], [sflag:$0x8], $0x2400, $0x38;
	[tilespmem:$0x1D650] =	vst v63  }
0x3b: {  	_ =	swait.ge [sflag:s0], $0x2400  }
0x3c: {  	[sflag:s0] =	ssyncset.done $0x0  }
0x3d: {  	s28 =	rddreg [dreg:$0x7];
	[sflag:s0] =	ssyncadd.s32 $0xFFFFDC00  }
0x3e: {  	[spmem:s28] =	stream.linear.scatter [tilespmem:s31], [sflag:$0x8], $0x2400, $0x38;
	[tilespmem:$0x1D650] =	vst v63  }
0x3f: {  	_ =	swait.ge [sflag:s0], $0x2400  }
0x40: {  	[sflag:s0] =	ssyncset.done $0x0  }
0x41: {  	s30 =	rddreg [dreg:$0x8];
	[sflag:s0] =	ssyncadd.s32 $0xFFFFDC00  }
0x42: {  	[spmem:s30] =	stream.linear.scatter [tilespmem:s31], [sflag:$0x8], $0x2400, $0x38;
	[tilespmem:$0x1D650] =	vst v63  }
0x43: {  	_ =	swait.ge [sflag:s0], $0x2400  }
0x44: {  	[sflag:s0] =	ssyncset.done $0x0  }
0x45: {  	s14 =	rddreg [dreg:$0x9];
	[sflag:s0] =	ssyncadd.s32 $0xFFFFDC00  }
0x46: {  	[spmem:s14] =	stream.linear.scatter [tilespmem:s31], [sflag:$0x8], $0x2400, $0x38;
	[tilespmem:$0x1D650] =	vst v63  }
0x47: {  	_ =	swait.ge [sflag:s0], $0x2400  }
0x48: {  	[sflag:s0] =	ssyncset.done $0x0  }
0x49: {  	s15 =	rddreg [dreg:$0xa];
	[sflag:s0] =	ssyncadd.s32 $0xFFFFDC00  }
0x4a: {  	[spmem:s15] =	stream.linear.scatter [tilespmem:s31], [sflag:$0x8], $0x2400, $0x38;
	[tilespmem:$0x1D650] =	vst v63  }
0x4b: {  	_ =	swait.ge [sflag:s0], $0x2400  }
0x4c: {  	[sflag:s0] =	ssyncset.done $0x0  }
0x4d: {  	s21 =	rddreg [dreg:$0xb];
	[sflag:s0] =	ssyncadd.s32 $0xFFFFDC00  }
0x4e: {  	[spmem:s21] =	stream.linear.scatter [tilespmem:s31], [sflag:$0x8], $0x2400, $0x38;
	[tilespmem:$0x1D650] =	vst v63  }
0x4f: {  	_ =	swait.ge [sflag:s0], $0x2400  }
0x50: {  	[sflag:s0] =	ssyncset.done $0x0  }
0x51: {  	s23 =	rddreg [dreg:$0xc];
	[sflag:s0] =	ssyncadd.s32 $0xFFFFDC00  }
0x52: {  	[spmem:s23] =	stream.linear.scatter [tilespmem:s31], [sflag:$0x8], $0x2400, $0x38;
	[tilespmem:$0x1D650] =	vst v63  }
0x53: {  	_ =	swait.ge [sflag:s0], $0x2400  }
0x54: {  	[sflag:s0] =	ssyncset.done $0x0  }
0x55: {  	s28 =	rddreg [dreg:$0xd];
	[sflag:s0] =	ssyncadd.s32 $0xFFFFDC00  }
0x56: {  	[spmem:s28] =	stream.linear.scatter [tilespmem:s31], [sflag:$0x8], $0x2400, $0x38;
	[tilespmem:$0x1D650] =	vst v63  }
0x57: {  	_ =	swait.ge [sflag:s0], $0x2400  }
0x58: {  	[sflag:s0] =	ssyncset.done $0x0  }
0x59: {  	[sflag:s0] =	ssyncadd.s32 $0xFFFFDC00  }
0x5a: {  	[bflag:$0x0] =	sbarrier.arrive $0xFFFF  }
0x5b: {  	s29 =	simm.s32 $0x0;
	s14 =	simm.s32 $0x6E40;
	s30 =	rddreg [dreg:$0x16]  }
0x5c: {  	[tilespmem:s14], [sflag:$0x8] =	stream.linear.gather [hbm4b:s30+s29], $0x10, $0x38;
	[tilespmem:$0x1D650] =	vst v63  }
0x5d: {  	_ =	swait.ge [sflag:s0], $0x10  }
0x5e: {  	[sflag:s0] =	ssyncset.done $0x0  }
0x5f: {  	s14 =	rddreg [dreg:$0xe];
	[sflag:s0] =	ssyncadd.s32 $0xFFFFFFF0  }
0x60: {  	v9 =	vld [tilespmem:$0x6E40];
	[tilespmem:s29], [sflag:$0x8] =	stream.linear.gather [hbm4b:s14+s29], $0x40, $0x38  }
0x61: {  	_ =	swait.ge [sflag:s0], $0x40  }
0x62: {  	[sflag:s0] =	ssyncset.done $0x0  }
0x63: {  	s15 =	rddreg [dreg:$0xf];
	[sflag:s0] =	ssyncadd.s32 $0xFFFFFFC0  }
0x64: {  	[tilespmem:s2], [sflag:$0x8] =	stream.linear.gather [hbm4b:s15+s29], $0x40, $0x38;
	[tilespmem:$0x1D650] =	vst v63  }
0x65: {  	_ =	swait.ge [sflag:s0], $0x40  }
0x66: {  	[sflag:s0] =	ssyncset.done $0x0  }
0x67: {  	[sflag:s0] =	ssyncadd.s32 $0xFFFFFFC0  }
0x68: {  	[tilespmem:s9], [sflag:$0x1] =	stream.indirect.gather [hbm4b:s1+s2], $0x50, s29, s2, $0xb8;
	[tilespmem:$0x1D650] =	vst v63  }
0x69: {  	_ = 	snop  }
0x6a: {  	[tilespmem:s10], [sflag:$0x1] =	stream.indirect.gather [hbm4b:s3+s2], $0x10, s2, s2, $0xb8;
	[tilespmem:$0x1D650] =	vst v63  }
0x6b: {  	s23 =	simm.s32 $0x80;
	s21 =	rddreg [dreg:$0x10]  }
0x6c: {  	[tilespmem:s23], [sflag:$0x8] =	stream.linear.gather [hbm4b:s21+s29], $0x40, $0x38;
	[tilespmem:$0x1D650] =	vst v63  }
0x6d: {  	_ =	swait.ge [sflag:s0], $0x40  }
0x6e: {  	[sflag:s0] =	ssyncset.done $0x0  }
0x6f: {  	s30 =	simm.s32 $0xC0;
	s28 =	rddreg [dreg:$0x11];
	[sflag:s0] =	ssyncadd.s32 $0xFFFFFFC0  }
0x70: {  	[tilespmem:s30], [sflag:$0x8] =	stream.linear.gather [hbm4b:s28+s29], $0x40, $0x38;
	[tilespmem:$0x1D650] =	vst v63  }
0x71: {  	_ =	swait.ge [sflag:s0], $0x40  }
0x72: {  	[sflag:s0] =	ssyncset.done $0x0  }
0x73: {  	s21 =	simm.s32 $0x1A40;
	[sflag:s0] =	ssyncadd.s32 $0xFFFFFFC0  }
0x74: {  	[tilespmem:s21], [sflag:$0x2] =	stream.indirect.gather [hbm4b:s1+s2], $0x50, s23, s2, $0xb8;
	[tilespmem:$0x1D650] =	vst v63  }
0x75: {  	s23 =	simm.s32 $0x2E40  }
0x76: {  	[tilespmem:s23], [sflag:$0x2] =	stream.indirect.gather [hbm4b:s3+s2], $0x10, s30, s2, $0xb8;
	[tilespmem:$0x1D650] =	vst v63  }
0x77: {  	s28 =	rddreg [dreg:$0x12]  }
0x78: {  	[tilespmem:s11], [sflag:$0x6] =	stream.linear.gather [hbm4b:s28+s29], $0x40, $0x38;
	[tilespmem:$0x1D650] =	vst v63  }
0x79: {  	s30 =	rddreg [dreg:$0x13]  }
0x7a: {  	[tilespmem:s12], [sflag:$0x6] =	stream.linear.gather [hbm4b:s30+s29], $0x40, $0x38;
	[tilespmem:$0x1D650] =	vst v63  }
.LBB2_4:
0x7b: {  	_ =	swait.ge [sflag:s13], $0x40  }
0x7c: {  	[sflag:s13] =	ssyncset.done $0x0  }
0x7d: {  	[sflag:s13] =	ssyncadd.s32 $0xFFFFFFC0  }
0x7e: {  	_ =	swait.ge [sflag:s13], $0x40  }
0x7f: {  	[sflag:s13] =	ssyncset.done $0x0  }
0x80: {  	s8 =	simm.s32 $0x3240;
	[sflag:s13] =	ssyncadd.s32 $0xFFFFFFC0  }
0x81: {  	[tilespmem:s8], [sflag:$0x3] =	stream.indirect.gather [hbm4b:s1+s2], $0x50, s11, s2, $0xb8;
	[tilespmem:$0x1D650] =	vst v63  }
0x82: {  	s15 =	simm.s32 $0x4640  }
0x83: {  	[tilespmem:s15], [sflag:$0x3] =	stream.indirect.gather [hbm4b:s3+s2], $0x10, s12, s2, $0xb8;
	[tilespmem:$0x1D650] =	vst v63  }
0x84: {  	_ =	swait.ge [sflag:s16], $0x1400  }
0x85: {  	[sflag:s16] =	ssyncset.done $0x0  }
0x86: {  	[sflag:s16] =	ssyncadd.s32 $0xFFFFEC00  }
0x87: {  	_ =	swait.ge [sflag:s16], $0x400  }
0x88: {  	p0 =	seq.s32 s29, $0x0;
	[sflag:s16] =	ssyncset.done $0x0  }
0x89: {  	s8 =	simm.s32 @!p0 $0x7;
	[sflag:s16] =	ssyncadd.s32 $0xFFFFFC00  }
0x8a: {  	_ =	swait.ge @!p0 [sflag:s8], $0x2400  }
0x8b: {  	[sflag:s8] =	ssyncset.done @!p0 $0x0  }
0x8c: {  	[sflag:s8] =	ssyncadd.s32 @!p0 $0xFFFFDC00  }
0x8d: {  	v10 =	vld [tilespmem:$0x40]  }
0x8e: {  	v11 =	vld [tilespmem:$0x50]  }
0x8f: {  	v12 =	vld [tilespmem:$0x60]  }
0x90: {  	v13 =	vld [tilespmem:$0x70]  }
0x91: {  	s30 =	smul.u32 $0xC0, s29  }
0x92: {  	[tilespmem:$0x180] =	vst v10  }
0x93: {  	s21 =	sadd.s32 s30, s24;
	[tilespmem:$0x190] =	vst v11  }
0x94: {  	s8 =	sshrl.u32 s21, $0x3;
	[tilespmem:$0x1A0] =	vst v12  }
0x95: {  	s14 =	sadd.s32 s6, s8;
	[tilespmem:$0x1B0] =	vst v13  }
0x96: {  	[tilespmem:s5], [sflag:$0x4] =	stream.linear.gather [hbm4b:s14+s5], $0x40, $0x38;
	[tilespmem:$0x1D650] =	vst v63  }
0x97: {  	s8 =	sadd.s32 s7, s8  }
0x98: {  	[tilespmem:s2], [sflag:$0x4] =	stream.linear.gather [hbm4b:s8+s5], $0x40, $0x38;
	[tilespmem:$0x1D650] =	vst v63  }
0x99: {  	s8 =	simm.s32 $0x2E0  }
0x9a: {  	s23 =	simm.s32 $0x1660;
	v10 =	vld [tilespmem:s8+$0xFFFFFFA0]  }
0x9b: {  	v11 =	vld [tilespmem:s23+$0xFFFFFFE0];
	_ =	sdelay $0x4  }
0x9c: {  	v10 =	vadd.f32 v11, v10;
	_ =	sdelay $0x1  }
0x9d: {  	v11 =	vmul.f32 $9.999999770e-03, v10  }
0x9e: {  	vm0 =	vgt.f32 v10, $0.0e+00  }
0x9f: {  	v10 =	vsel vm0, v10, v11  }
0xa0: {  	v10 =	vsub.f32 v10, v9;
	_ =	sdelay $0x1  }
0xa1: {  	v10 =	vmul.f32 $1.442695020e+00, v10;
	_ =	sdelay $0x1  }
0xa2: {  	(erf) = vpow2.f32 v10;
	_ =	sdelay $0x8  }
0xa3: {  	s28 =	simm.s32 $0x4B60;
	v10 =	vpop (erf)  }
0xa4: {  	[tilespmem:s28+$0xFFFFFF60] =	vst v10  }
0xa5: {  	v11 =	vld [tilespmem:s8+$0xFFFFFF60];
	_ =	sdelay $0x3  }
0xa6: {  	v12 =	vperm.xlane v10, v1  }
0xa7: {  	v13 =	vperm.xlane v10, v2;
	v14 =	vshll.u32 v11, $0x10  }
0xa8: {  	v11 =	vand.u32 $0xFFFF0000, v11;
	v12 =	vmul.f32 v14, v12  }
0xa9: {  	v11 =	vmul.f32 v11, v13  }
0xaa: {  	[tilespmem:s28+$0xFFFFFEE0] =	vst v12  }
0xab: {  	[tilespmem:s28+$0xFFFFFEF0] =	vst v11  }
0xac: {  	v11 =	vld [tilespmem:s8+$0xFFFFFF70];
	_ =	sdelay $0x3  }
0xad: {  	v12 =	vperm.xlane v10, v3  }
0xae: {  	v13 =	vperm.xlane v10, v4;
	v14 =	vshll.u32 v11, $0x10  }
0xaf: {  	v11 =	vand.u32 $0xFFFF0000, v11;
	v12 =	vmul.f32 v14, v12  }
0xb0: {  	v11 =	vmul.f32 v11, v13  }
0xb1: {  	[tilespmem:s28+$0xFFFFFF00] =	vst v12  }
0xb2: {  	[tilespmem:s28+$0xFFFFFF10] =	vst v11  }
0xb3: {  	v11 =	vld [tilespmem:s8+$0xFFFFFF80];
	_ =	sdelay $0x3  }
0xb4: {  	v12 =	vperm.xlane v10, v5  }
0xb5: {  	v13 =	vperm.xlane v10, v6;
	v14 =	vshll.u32 v11, $0x10  }
0xb6: {  	v11 =	vand.u32 $0xFFFF0000, v11;
	v12 =	vmul.f32 v14, v12  }
0xb7: {  	v11 =	vmul.f32 v11, v13  }
0xb8: {  	[tilespmem:s28+$0xFFFFFF20] =	vst v12  }
0xb9: {  	[tilespmem:s28+$0xFFFFFF30] =	vst v11  }
0xba: {  	v11 =	vld [tilespmem:s8+$0xFFFFFF90];
	_ =	sdelay $0x3  }
0xbb: {  	v12 =	vperm.xlane v10, v7  }
0xbc: {  	v10 =	vperm.xlane v10, v8;
	v13 =	vshll.u32 v11, $0x10  }
0xbd: {  	v11 =	vand.u32 $0xFFFF0000, v11;
	v12 =	vmul.f32 v13, v12  }
0xbe: {  	v10 =	vmul.f32 v11, v10  }
0xbf: {  	[tilespmem:s28+$0xFFFFFF40] =	vst v12  }
0xc0: {  	[tilespmem:s28+$0xFFFFFF50] =	vst v10  }
0xc1: {  	v10 =	vld [tilespmem:s8+$0xFFFFFFF0]  }
0xc2: {  	v11 =	vld [tilespmem:s23+$0xFFFFFFF0];
	_ =	sdelay $0x4  }
0xc3: {  	v10 =	vadd.f32 v11, v10;
	_ =	sdelay $0x1  }
0xc4: {  	v11 =	vmul.f32 $9.999999770e-03, v10  }
0xc5: {  	vm13 =	vgt.f32 v10, $0.0e+00  }
0xc6: {  	v10 =	vsel vm13, v10, v11  }
0xc7: {  	v10 =	vsub.f32 v10, v9;
	_ =	sdelay $0x1  }
0xc8: {  	v10 =	vmul.f32 $1.442695020e+00, v10;
	_ =	sdelay $0x1  }
0xc9: {  	(erf) = vpow2.f32 v10;
	_ =	sdelay $0x8  }
0xca: {  	v10 =	vpop (erf)  }
0xcb: {  	[tilespmem:s28+$0xFFFFFFF0] =	vst v10  }
0xcc: {  	v11 =	vld [tilespmem:s8+$0xFFFFFFB0];
	_ =	sdelay $0x3  }
0xcd: {  	v12 =	vperm.xlane v10, v1  }
0xce: {  	v13 =	vperm.xlane v10, v2;
	v14 =	vshll.u32 v11, $0x10  }
0xcf: {  	v11 =	vand.u32 $0xFFFF0000, v11;
	v12 =	vmul.f32 v14, v12  }
0xd0: {  	v11 =	vmul.f32 v11, v13  }
0xd1: {  	[tilespmem:s28+$0xFFFFFF70] =	vst v12  }
0xd2: {  	[tilespmem:s28+$0xFFFFFF80] =	vst v11  }
0xd3: {  	v11 =	vld [tilespmem:s8+$0xFFFFFFC0];
	_ =	sdelay $0x3  }
0xd4: {  	v12 =	vperm.xlane v10, v3  }
0xd5: {  	v13 =	vperm.xlane v10, v4;
	v14 =	vshll.u32 v11, $0x10  }
0xd6: {  	v11 =	vand.u32 $0xFFFF0000, v11;
	v12 =	vmul.f32 v14, v12  }
0xd7: {  	v11 =	vmul.f32 v11, v13  }
0xd8: {  	[tilespmem:s28+$0xFFFFFF90] =	vst v12  }
0xd9: {  	[tilespmem:s28+$0xFFFFFFA0] =	vst v11  }
0xda: {  	v11 =	vld [tilespmem:s8+$0xFFFFFFD0];
	_ =	sdelay $0x3  }
0xdb: {  	v12 =	vperm.xlane v10, v5  }
0xdc: {  	v13 =	vperm.xlane v10, v6;
	v14 =	vshll.u32 v11, $0x10  }
0xdd: {  	v11 =	vand.u32 $0xFFFF0000, v11;
	v12 =	vmul.f32 v14, v12  }
0xde: {  	v11 =	vmul.f32 v11, v13  }
0xdf: {  	[tilespmem:s28+$0xFFFFFFB0] =	vst v12  }
0xe0: {  	[tilespmem:s28+$0xFFFFFFC0] =	vst v11  }
0xe1: {  	v11 =	vld [tilespmem:s8+$0xFFFFFFE0];
	_ =	sdelay $0x3  }
0xe2: {  	v12 =	vperm.xlane v10, v7  }
0xe3: {  	v10 =	vperm.xlane v10, v8;
	v13 =	vshll.u32 v11, $0x10  }
0xe4: {  	v11 =	vand.u32 $0xFFFF0000, v11;
	v12 =	vmul.f32 v13, v12  }
0xe5: {  	v10 =	vmul.f32 v11, v10  }
0xe6: {  	[tilespmem:s28+$0xFFFFFFD0] =	vst v12  }
0xe7: {  	[tilespmem:s28+$0xFFFFFFE0] =	vst v10  }
0xe8: {  	v10 =	vld [tilespmem:s8+$0x40]  }
0xe9: {  	v11 =	vld [tilespmem:s23+$0x0];
	_ =	sdelay $0x4  }
0xea: {  	v10 =	vadd.f32 v11, v10;
	_ =	sdelay $0x1  }
0xeb: {  	v11 =	vmul.f32 $9.999999770e-03, v10  }
0xec: {  	vm14 =	vgt.f32 v10, $0.0e+00  }
0xed: {  	v10 =	vsel vm14, v10, v11  }
0xee: {  	v10 =	vsub.f32 v10, v9;
	_ =	sdelay $0x1  }
0xef: {  	v10 =	vmul.f32 $1.442695020e+00, v10;
	_ =	sdelay $0x1  }
0xf0: {  	(erf) = vpow2.f32 v10;
	_ =	sdelay $0x8  }
0xf1: {  	v10 =	vpop (erf)  }
0xf2: {  	[tilespmem:s28+$0x80] =	vst v10  }
0xf3: {  	v11 =	vld [tilespmem:s8+$0x0];
	_ =	sdelay $0x3  }
0xf4: {  	v12 =	vperm.xlane v10, v1  }
0xf5: {  	v13 =	vperm.xlane v10, v2;
	v14 =	vshll.u32 v11, $0x10  }
0xf6: {  	v11 =	vand.u32 $0xFFFF0000, v11;
	v12 =	vmul.f32 v14, v12  }
0xf7: {  	v11 =	vmul.f32 v11, v13  }
0xf8: {  	[tilespmem:s28+$0x0] =	vst v12  }
0xf9: {  	[tilespmem:s28+$0x10] =	vst v11  }
0xfa: {  	v11 =	vld [tilespmem:s8+$0x10];
	_ =	sdelay $0x3  }
0xfb: {  	v12 =	vperm.xlane v10, v3  }
0xfc: {  	v13 =	vperm.xlane v10, v4;
	v14 =	vshll.u32 v11, $0x10  }
0xfd: {  	v11 =	vand.u32 $0xFFFF0000, v11;
	v12 =	vmul.f32 v14, v12  }
0xfe: {  	v11 =	vmul.f32 v11, v13  }
0xff: {  	[tilespmem:s28+$0x20] =	vst v12  }
0x100: {  	[tilespmem:s28+$0x30] =	vst v11  }
0x101: {  	v11 =	vld [tilespmem:s8+$0x20];
	_ =	sdelay $0x3  }
0x102: {  	v12 =	vperm.xlane v10, v5  }
0x103: {  	v13 =	vperm.xlane v10, v6;
	v14 =	vshll.u32 v11, $0x10  }
0x104: {  	v11 =	vand.u32 $0xFFFF0000, v11;
	v12 =	vmul.f32 v14, v12  }
0x105: {  	v11 =	vmul.f32 v11, v13  }
0x106: {  	[tilespmem:s28+$0x40] =	vst v12  }
0x107: {  	[tilespmem:s28+$0x50] =	vst v11  }
0x108: {  	v11 =	vld [tilespmem:s8+$0x30];
	_ =	sdelay $0x3  }
0x109: {  	v12 =	vperm.xlane v10, v7  }
0x10a: {  	v10 =	vperm.xlane v10, v8;
	v13 =	vshll.u32 v11, $0x10  }
0x10b: {  	v11 =	vand.u32 $0xFFFF0000, v11;
	v12 =	vmul.f32 v13, v12  }
0x10c: {  	v10 =	vmul.f32 v11, v10  }
0x10d: {  	[tilespmem:s28+$0x60] =	vst v12  }
0x10e: {  	[tilespmem:s28+$0x70] =	vst v10  }
0x10f: {  	v10 =	vld [tilespmem:s8+$0x90]  }
0x110: {  	v11 =	vld [tilespmem:s23+$0x10];
	_ =	sdelay $0x4  }
0x111: {  	v10 =	vadd.f32 v11, v10;
	_ =	sdelay $0x1  }
0x112: {  	v11 =	vmul.f32 $9.999999770e-03, v10  }
0x113: {  	vm15 =	vgt.f32 v10, $0.0e+00  }
0x114: {  	v10 =	vsel vm15, v10, v11  }
0x115: {  	v10 =	vsub.f32 v10, v9;
	_ =	sdelay $0x1  }
0x116: {  	v10 =	vmul.f32 $1.442695020e+00, v10;
	_ =	sdelay $0x1  }
0x117: {  	(erf) = vpow2.f32 v10;
	_ =	sdelay $0x8  }
0x118: {  	v11 =	vpop (erf)  }
0x119: {  	[tilespmem:s28+$0x110] =	vst v11  }
0x11a: {  	v10 =	vld [tilespmem:s8+$0x50];
	_ =	sdelay $0x3  }
0x11b: {  	v12 =	vperm.xlane v11, v1  }
0x11c: {  	v13 =	vperm.xlane v11, v2;
	v14 =	vshll.u32 v10, $0x10  }
0x11d: {  	v10 =	vand.u32 $0xFFFF0000, v10;
	v12 =	vmul.f32 v14, v12  }
0x11e: {  	v10 =	vmul.f32 v10, v13  }
0x11f: {  	[tilespmem:s28+$0x90] =	vst v12  }
0x120: {  	[tilespmem:s28+$0xA0] =	vst v10  }
0x121: {  	v10 =	vld [tilespmem:s8+$0x60];
	_ =	sdelay $0x3  }
0x122: {  	v12 =	vperm.xlane v11, v3  }
0x123: {  	v13 =	vperm.xlane v11, v4;
	v14 =	vshll.u32 v10, $0x10  }
0x124: {  	v10 =	vand.u32 $0xFFFF0000, v10;
	v14 =	vmul.f32 v14, v12  }
0x125: {  	v15 =	vmul.f32 v10, v13  }
0x126: {  	s15 =	simm.s32 $0x0;
	v12 =	vperm.xlane v11, v5;
	v13 =	vperm.xlane v11, v6;
	[tilespmem:s28+$0xB0] =	vst v14  }
0x127: {  	s21 =	simm.s32 $0x16A0;
	s14 =	simm.s32 $0x4B60;
	s23 =	simm.s32 $0x2E0;
	v10 =	vperm.xlane v11, v8;
	v11 =	vperm.xlane v11, v7;
	[tilespmem:s28+$0xC0] =	vst v15  }
.LBB2_5:
0x128: {  	s15 =	sadd.s32 $0x4, s15;
	v14 =	vld [tilespmem:s8+$0x70];
	s23 =	sadd.s32 $0x140, s23;
	s28 =	sadd.s32 $0x240, s28  }
0x129: {  	p0 =	slt.u32 s15, $0x3C;
	_ =	sdelay $0x3  }
0x12a: {  	v15 =	vshll.u32 v14, $0x10;
	v14 =	vand.u32 $0xFFFF0000, v14  }
0x12b: {  	v12 =	vmul.f32 v15, v12;
	v13 =	vmul.f32 v14, v13;
	_ =	sdelay $0x1  }
0x12c: {  	[tilespmem:s14+$0xD0] =	vst v12  }
0x12d: {  	[tilespmem:s14+$0xE0] =	vst v13  }
0x12e: {  	v12 =	vld [tilespmem:s8+$0x80];
	s8 =	smov.u32 s23;
	_ =	sdelay $0x4  }
0x12f: {  	v13 =	vshll.u32 v12, $0x10;
	v12 =	vand.u32 $0xFFFF0000, v12  }
0x130: {  	v11 =	vmul.f32 v13, v11;
	v10 =	vmul.f32 v12, v10;
	_ =	sdelay $0x1  }
0x131: {  	[tilespmem:s14+$0xF0] =	vst v11  }
0x132: {  	[tilespmem:s14+$0x100] =	vst v10;
	s14 =	smov.u32 s28  }
0x133: {  	v10 =	vld [tilespmem:s23+$0xFFFFFFA0]  }
0x134: {  	v11 =	vld [tilespmem:s21+$0xFFFFFFE0];
	_ =	sdelay $0x4  }
0x135: {  	v10 =	vadd.f32 v11, v10;
	_ =	sdelay $0x1  }
0x136: {  	v11 =	vmul.f32 $9.999999770e-03, v10  }
0x137: {  	vm0 =	vgt.f32 v10, $0.0e+00  }
0x138: {  	v10 =	vsel vm0, v10, v11  }
0x139: {  	v10 =	vsub.f32 v10, v9;
	_ =	sdelay $0x1  }
0x13a: {  	v10 =	vmul.f32 $1.442695020e+00, v10;
	_ =	sdelay $0x1  }
0x13b: {  	(erf) = vpow2.f32 v10;
	_ =	sdelay $0x8  }
0x13c: {  	v10 =	vpop (erf)  }
0x13d: {  	[tilespmem:s28+$0xFFFFFF60] =	vst v10  }
0x13e: {  	v11 =	vld [tilespmem:s23+$0xFFFFFF60];
	_ =	sdelay $0x3  }
0x13f: {  	v12 =	vperm.xlane v10, v1;
	v13 =	vperm.xlane v10, v2  }
0x140: {  	v14 =	vshll.u32 v11, $0x10;
	v11 =	vand.u32 $0xFFFF0000, v11  }
0x141: {  	v12 =	vmul.f32 v14, v12;
	v11 =	vmul.f32 v11, v13;
	_ =	sdelay $0x1  }
0x142: {  	[tilespmem:s28+$0xFFFFFEE0] =	vst v12  }
0x143: {  	[tilespmem:s28+$0xFFFFFEF0] =	vst v11  }
0x144: {  	v11 =	vld [tilespmem:s23+$0xFFFFFF70];
	_ =	sdelay $0x2  }
0x145: {  	v13 =	vperm.xlane v10, v4;
	v12 =	vperm.xlane v10, v3;
	_ =	sdelay $0x1  }
0x146: {  	v14 =	vshll.u32 v11, $0x10;
	v11 =	vand.u32 $0xFFFF0000, v11  }
0x147: {  	v12 =	vmul.f32 v14, v12;
	v11 =	vmul.f32 v11, v13;
	_ =	sdelay $0x1  }
0x148: {  	[tilespmem:s28+$0xFFFFFF00] =	vst v12  }
0x149: {  	[tilespmem:s28+$0xFFFFFF10] =	vst v11  }
0x14a: {  	v11 =	vld [tilespmem:s23+$0xFFFFFF80];
	_ =	sdelay $0x1  }
0x14b: {  	v13 =	vperm.xlane v10, v6;
	v12 =	vperm.xlane v10, v5;
	_ =	sdelay $0x2  }
0x14c: {  	v14 =	vshll.u32 v11, $0x10;
	v11 =	vand.u32 $0xFFFF0000, v11  }
0x14d: {  	v12 =	vmul.f32 v14, v12;
	v11 =	vmul.f32 v11, v13;
	_ =	sdelay $0x1  }
0x14e: {  	[tilespmem:s28+$0xFFFFFF20] =	vst v12  }
0x14f: {  	[tilespmem:s28+$0xFFFFFF30] =	vst v11  }
0x150: {  	v11 =	vld [tilespmem:s23+$0xFFFFFF90]  }
0x151: {  	v12 =	vperm.xlane v10, v7;
	v10 =	vperm.xlane v10, v8;
	_ =	sdelay $0x3  }
0x152: {  	v13 =	vshll.u32 v11, $0x10;
	v11 =	vand.u32 $0xFFFF0000, v11  }
0x153: {  	v12 =	vmul.f32 v13, v12;
	v10 =	vmul.f32 v11, v10;
	_ =	sdelay $0x1  }
0x154: {  	[tilespmem:s28+$0xFFFFFF40] =	vst v12  }
0x155: {  	[tilespmem:s28+$0xFFFFFF50] =	vst v10  }
0x156: {  	v10 =	vld [tilespmem:s23+$0xFFFFFFF0]  }
0x157: {  	v11 =	vld [tilespmem:s21+$0xFFFFFFF0];
	_ =	sdelay $0x4  }
0x158: {  	v10 =	vadd.f32 v11, v10;
	_ =	sdelay $0x1  }
0x159: {  	vm0 =	vgt.f32 v10, $0.0e+00;
	v11 =	vmul.f32 $9.999999770e-03, v10;
	_ =	sdelay $0x1  }
0x15a: {  	v10 =	vsel vm0, v10, v11  }
0x15b: {  	v10 =	vsub.f32 v10, v9;
	_ =	sdelay $0x1  }
0x15c: {  	v10 =	vmul.f32 $1.442695020e+00, v10;
	_ =	sdelay $0x1  }
0x15d: {  	(erf) = vpow2.f32 v10;
	_ =	sdelay $0x8  }
0x15e: {  	v10 =	vpop (erf)  }
0x15f: {  	[tilespmem:s28+$0xFFFFFFF0] =	vst v10;
	v11 =	vperm.xlane v10, v1;
	v12 =	vperm.xlane v10, v2  }
0x160: {  	v13 =	vld [tilespmem:s23+$0xFFFFFFB0];
	_ =	sdelay $0x4  }
0x161: {  	v14 =	vshll.u32 v13, $0x10;
	v13 =	vand.u32 $0xFFFF0000, v13  }
0x162: {  	v11 =	vmul.f32 v14, v11;
	v12 =	vmul.f32 v13, v12;
	_ =	sdelay $0x1  }
0x163: {  	v13 =	vperm.xlane v10, v4;
	[tilespmem:s28+$0xFFFFFF70] =	vst v11;
	v11 =	vperm.xlane v10, v3  }
0x164: {  	[tilespmem:s28+$0xFFFFFF80] =	vst v12  }
0x165: {  	v12 =	vld [tilespmem:s23+$0xFFFFFFC0];
	_ =	sdelay $0x4  }
0x166: {  	v14 =	vshll.u32 v12, $0x10;
	v12 =	vand.u32 $0xFFFF0000, v12  }
0x167: {  	v11 =	vmul.f32 v14, v11;
	v12 =	vmul.f32 v12, v13  }
0x168: {  	v13 =	vperm.xlane v10, v5;
	v14 =	vperm.xlane v10, v6  }
0x169: {  	[tilespmem:s28+$0xFFFFFF90] =	vst v11  }
0x16a: {  	[tilespmem:s28+$0xFFFFFFA0] =	vst v12  }
0x16b: {  	v11 =	vld [tilespmem:s23+$0xFFFFFFD0];
	_ =	sdelay $0x3  }
0x16c: {  	v12 =	vperm.xlane v10, v8  }
0x16d: {  	v10 =	vperm.xlane v10, v7;
	v15 =	vshll.u32 v11, $0x10;
	v11 =	vand.u32 $0xFFFF0000, v11  }
0x16e: {  	v13 =	vmul.f32 v15, v13;
	v11 =	vmul.f32 v11, v14;
	_ =	sdelay $0x1  }
0x16f: {  	[tilespmem:s28+$0xFFFFFFB0] =	vst v13  }
0x170: {  	[tilespmem:s28+$0xFFFFFFC0] =	vst v11  }
0x171: {  	v11 =	vld [tilespmem:s23+$0xFFFFFFE0];
	_ =	sdelay $0x4  }
0x172: {  	v13 =	vshll.u32 v11, $0x10;
	v11 =	vand.u32 $0xFFFF0000, v11  }
0x173: {  	v10 =	vmul.f32 v13, v10;
	v11 =	vmul.f32 v11, v12;
	_ =	sdelay $0x1  }
0x174: {  	[tilespmem:s28+$0xFFFFFFD0] =	vst v10  }
0x175: {  	[tilespmem:s28+$0xFFFFFFE0] =	vst v11  }
0x176: {  	v10 =	vld [tilespmem:s23+$0x40]  }
0x177: {  	v11 =	vld [tilespmem:s21+$0x0];
	_ =	sdelay $0x4  }
0x178: {  	v10 =	vadd.f32 v11, v10;
	_ =	sdelay $0x1  }
0x179: {  	vm0 =	vgt.f32 v10, $0.0e+00;
	v11 =	vmul.f32 $9.999999770e-03, v10;
	_ =	sdelay $0x1  }
0x17a: {  	v10 =	vsel vm0, v10, v11  }
0x17b: {  	v10 =	vsub.f32 v10, v9;
	_ =	sdelay $0x1  }
0x17c: {  	v10 =	vmul.f32 $1.442695020e+00, v10;
	_ =	sdelay $0x1  }
0x17d: {  	(erf) = vpow2.f32 v10;
	_ =	sdelay $0x8  }
0x17e: {  	v10 =	vpop (erf)  }
0x17f: {  	[tilespmem:s28+$0x80] =	vst v10;
	v11 =	vperm.xlane v10, v1;
	v12 =	vperm.xlane v10, v2  }
0x180: {  	v13 =	vld [tilespmem:s23+$0x0];
	_ =	sdelay $0x2  }
0x181: {  	v14 =	vperm.xlane v10, v3;
	v15 =	vperm.xlane v10, v4;
	_ =	sdelay $0x1  }
0x182: {  	v16 =	vshll.u32 v13, $0x10;
	v13 =	vand.u32 $0xFFFF0000, v13  }
0x183: {  	v11 =	vmul.f32 v16, v11;
	v12 =	vmul.f32 v13, v12;
	_ =	sdelay $0x1  }
0x184: {  	[tilespmem:s28+$0x0] =	vst v11  }
0x185: {  	[tilespmem:s28+$0x10] =	vst v12  }
0x186: {  	v11 =	vld [tilespmem:s23+$0x10];
	_ =	sdelay $0x1  }
0x187: {  	v13 =	vperm.xlane v10, v6;
	v12 =	vperm.xlane v10, v5;
	_ =	sdelay $0x2  }
0x188: {  	v16 =	vshll.u32 v11, $0x10;
	v11 =	vand.u32 $0xFFFF0000, v11  }
0x189: {  	v14 =	vmul.f32 v16, v14;
	v11 =	vmul.f32 v11, v15;
	_ =	sdelay $0x1  }
0x18a: {  	[tilespmem:s28+$0x20] =	vst v14  }
0x18b: {  	[tilespmem:s28+$0x30] =	vst v11  }
0x18c: {  	v11 =	vld [tilespmem:s23+$0x20]  }
0x18d: {  	v14 =	vperm.xlane v10, v7;
	v10 =	vperm.xlane v10, v8;
	_ =	sdelay $0x3  }
0x18e: {  	v15 =	vshll.u32 v11, $0x10;
	v11 =	vand.u32 $0xFFFF0000, v11  }
0x18f: {  	v12 =	vmul.f32 v15, v12;
	v11 =	vmul.f32 v11, v13;
	_ =	sdelay $0x1  }
0x190: {  	[tilespmem:s28+$0x40] =	vst v12  }
0x191: {  	[tilespmem:s28+$0x50] =	vst v11  }
0x192: {  	v11 =	vld [tilespmem:s23+$0x30];
	_ =	sdelay $0x4  }
0x193: {  	v12 =	vshll.u32 v11, $0x10;
	v11 =	vand.u32 $0xFFFF0000, v11  }
0x194: {  	v12 =	vmul.f32 v12, v14;
	v10 =	vmul.f32 v11, v10;
	_ =	sdelay $0x1  }
0x195: {  	[tilespmem:s28+$0x60] =	vst v12  }
0x196: {  	[tilespmem:s28+$0x70] =	vst v10  }
0x197: {  	v10 =	vld [tilespmem:s23+$0x90]  }
0x198: {  	v11 =	vld [tilespmem:s21+$0x10];
	_ =	sdelay $0x4  }
0x199: {  	v10 =	vadd.f32 v11, v10;
	_ =	sdelay $0x1  }
0x19a: {  	vm0 =	vgt.f32 v10, $0.0e+00;
	v11 =	vmul.f32 $9.999999770e-03, v10;
	_ =	sdelay $0x1  }
0x19b: {  	v10 =	vsel vm0, v10, v11  }
0x19c: {  	v10 =	vsub.f32 v10, v9;
	_ =	sdelay $0x1  }
0x19d: {  	v10 =	vmul.f32 $1.442695020e+00, v10;
	_ =	sdelay $0x1  }
0x19e: {  	(erf) = vpow2.f32 v10;
	_ =	sdelay $0x8  }
0x19f: {  	v11 =	vpop (erf)  }
0x1a0: {  	[tilespmem:s28+$0x110] =	vst v11;
	v10 =	vperm.xlane v11, v1;
	v14 =	vperm.xlane v11, v4  }
0x1a1: {  	v12 =	vld [tilespmem:s23+$0x50];
	_ =	sdelay $0x3  }
0x1a2: {  	v13 =	vperm.xlane v11, v2  }
0x1a3: {  	v15 =	vshll.u32 v12, $0x10;
	v12 =	vand.u32 $0xFFFF0000, v12  }
0x1a4: {  	v10 =	vmul.f32 v15, v10;
	v15 =	vmul.f32 v12, v13  }
0x1a5: {  	v12 =	vperm.xlane v11, v5;
	v13 =	vperm.xlane v11, v6  }
0x1a6: {  	[tilespmem:s28+$0x90] =	vst v10  }
0x1a7: {  	[tilespmem:s28+$0xA0] =	vst v15  }
0x1a8: {  	v15 =	vld [tilespmem:s23+$0x60];
	_ =	sdelay $0x2  }
0x1a9: {  	v16 =	vperm.xlane v11, v3  }
0x1aa: {  	v10 =	vperm.xlane v11, v8  }
.Ltmp1:
0x1ab: {  	v11 =	vperm.xlane v11, v7;
	v17 =	vshll.u32 v15, $0x10;
	v15 =	vand.u32 $0xFFFF0000, v15;
	(pc) =	sbr.rel @p0 .LBB2_5-.Ltmp1, $3  }
0x1ac: {  	v16 =	vmul.f32 v17, v16;
	v14 =	vmul.f32 v15, v14;
	_ =	sdelay $0x1  }
0x1ad: {  	[tilespmem:s28+$0xB0] =	vst v16  }
0x1ae: {  	s21 =	sadd.s32 $0x40, s21;
	[tilespmem:s28+$0xC0] =	vst v14  }
0x1af: {  	v14 =	vld [tilespmem:s8+$0x70];
	_ =	sdelay $0x4  }
0x1b0: {  	v15 =	vshll.u32 v14, $0x10  }
0x1b1: {  	v14 =	vand.u32 $0xFFFF0000, v14;
	v12 =	vmul.f32 v15, v12  }
0x1b2: {  	v13 =	vmul.f32 v14, v13  }
0x1b3: {  	[tilespmem:s14+$0xD0] =	vst v12  }
0x1b4: {  	[tilespmem:s14+$0xE0] =	vst v13  }
0x1b5: {  	v12 =	vld [tilespmem:s8+$0x80];
	_ =	sdelay $0x4  }
0x1b6: {  	v13 =	vshll.u32 v12, $0x10  }
0x1b7: {  	v12 =	vand.u32 $0xFFFF0000, v12;
	v11 =	vmul.f32 v13, v11  }
0x1b8: {  	v10 =	vmul.f32 v12, v10  }
0x1b9: {  	[tilespmem:s14+$0xF0] =	vst v11  }
0x1ba: {  	[tilespmem:s14+$0x100] =	vst v10  }
0x1bb: {  	[spmem:s4] =	stream.indirect.scatter.add.f32 [tilespmem:s31], [sflag:$0x7], $0x90, s17, s2, $0xb8;
	[tilespmem:$0x1D650] =	vst v63  }
0x1bc: {  	_ =	swait.ge [sflag:s18], $0x40  }
0x1bd: {  	[sflag:s18] =	ssyncset.done $0x0  }
0x1be: {  	[sflag:s18] =	ssyncadd.s32 $0xFFFFFFC0  }
0x1bf: {  	_ =	swait.ge [sflag:s18], $0x40  }
0x1c0: {  	[sflag:s18] =	ssyncset.done $0x0  }
0x1c1: {  	[sflag:s18] =	ssyncadd.s32 $0xFFFFFFC0  }
0x1c2: {  	[tilespmem:s9], [sflag:$0x1] =	stream.indirect.gather [hbm4b:s1+s2], $0x50, s5, s2, $0xb8;
	[tilespmem:$0x1D650] =	vst v63  }
0x1c3: {  	_ = 	snop  }
0x1c4: {  	[tilespmem:s10], [sflag:$0x1] =	stream.indirect.gather [hbm4b:s3+s2], $0x10, s2, s2, $0xb8;
	[tilespmem:$0x1D650] =	vst v63  }
0x1c5: {  	_ =	swait.ge [sflag:s19], $0x1400  }
0x1c6: {  	[sflag:s19] =	ssyncset.done $0x0  }
0x1c7: {  	[sflag:s19] =	ssyncadd.s32 $0xFFFFEC00  }
0x1c8: {  	_ =	swait.ge [sflag:s19], $0x400  }
0x1c9: {  	[sflag:s19] =	ssyncset.done $0x0  }
0x1ca: {  	[sflag:s19] =	ssyncadd.s32 $0xFFFFFC00  }
0x1cb: {  	_ =	swait.ge [sflag:s20], $0x2400  }
0x1cc: {  	[sflag:s20] =	ssyncset.done $0x0  }
0x1cd: {  	[sflag:s20] =	ssyncadd.s32 $0xFFFFDC00  }
0x1ce: {  	v10 =	vld [tilespmem:$0xC0]  }
0x1cf: {  	v11 =	vld [tilespmem:$0xD0]  }
0x1d0: {  	v12 =	vld [tilespmem:$0xE0]  }
0x1d1: {  	v13 =	vld [tilespmem:$0xF0];
	_ =	sdelay $0x1  }
0x1d2: {  	p0 =	seq.s32 s29, $0x34;
	[tilespmem:$0x1C0] =	vst v10  }
0x1d3: {  	s8 =	sadd.s32 @!p0 s30, s25;
	[tilespmem:$0x1D0] =	vst v11  }
0x1d4: {  	s8 =	sshrl.u32 @!p0 s8, $0x3;
	[tilespmem:$0x1E0] =	vst v12  }
0x1d5: {  	s15 =	simm.s32 @!p0 $0x0;
	s21 =	simm.s32 @!p0 $0x80;
	s14 =	sadd.s32 @!p0 s6, s8;
	[tilespmem:$0x1F0] =	vst v13  }
0x1d6: {  	[tilespmem:s21], [sflag:$0x5] =	stream.linear.gather @!p0 [hbm4b:s14+s15], $0x40, $0x38;
	[tilespmem:$0x1D650] =	vst v63  }
0x1d7: {  	s8 =	sadd.s32 @!p0 s7, s8;
	s14 =	simm.s32 @!p0 $0xC0  }
0x1d8: {  	[tilespmem:s14], [sflag:$0x5] =	stream.linear.gather @!p0 [hbm4b:s8+s15], $0x40, $0x38;
	[tilespmem:$0x1D650] =	vst v63  }
0x1d9: {  	s8 =	simm.s32 $0x1AE0  }
0x1da: {  	s23 =	simm.s32 $0x2E60;
	v10 =	vld [tilespmem:s8+$0xFFFFFFA0]  }
0x1db: {  	v11 =	vld [tilespmem:s23+$0xFFFFFFE0];
	_ =	sdelay $0x4  }
0x1dc: {  	v10 =	vadd.f32 v11, v10;
	_ =	sdelay $0x1  }
0x1dd: {  	v11 =	vmul.f32 $9.999999770e-03, v10  }
0x1de: {  	vm0 =	vgt.f32 v10, $0.0e+00  }
0x1df: {  	v10 =	vsel vm0, v10, v11  }
0x1e0: {  	v10 =	vsub.f32 v10, v9;
	_ =	sdelay $0x1  }
0x1e1: {  	v10 =	vmul.f32 $1.442695020e+00, v10;
	_ =	sdelay $0x1  }
0x1e2: {  	(erf) = vpow2.f32 v10;
	_ =	sdelay $0x8  }
0x1e3: {  	s28 =	simm.s32 $0x4B60;
	v10 =	vpop (erf)  }
0x1e4: {  	[tilespmem:s28+$0xFFFFFF60] =	vst v10  }
0x1e5: {  	v11 =	vld [tilespmem:s8+$0xFFFFFF60];
	_ =	sdelay $0x3  }
0x1e6: {  	v12 =	vperm.xlane v10, v1  }
0x1e7: {  	v13 =	vperm.xlane v10, v2;
	v14 =	vshll.u32 v11, $0x10  }
0x1e8: {  	v11 =	vand.u32 $0xFFFF0000, v11;
	v12 =	vmul.f32 v14, v12  }
0x1e9: {  	v11 =	vmul.f32 v11, v13  }
0x1ea: {  	[tilespmem:s28+$0xFFFFFEE0] =	vst v12  }
0x1eb: {  	[tilespmem:s28+$0xFFFFFEF0] =	vst v11  }
0x1ec: {  	v11 =	vld [tilespmem:s8+$0xFFFFFF70];
	_ =	sdelay $0x3  }
0x1ed: {  	v12 =	vperm.xlane v10, v3  }
0x1ee: {  	v13 =	vperm.xlane v10, v4;
	v14 =	vshll.u32 v11, $0x10  }
0x1ef: {  	v11 =	vand.u32 $0xFFFF0000, v11;
	v12 =	vmul.f32 v14, v12  }
0x1f0: {  	v11 =	vmul.f32 v11, v13  }
0x1f1: {  	[tilespmem:s28+$0xFFFFFF00] =	vst v12  }
0x1f2: {  	[tilespmem:s28+$0xFFFFFF10] =	vst v11  }
0x1f3: {  	v11 =	vld [tilespmem:s8+$0xFFFFFF80];
	_ =	sdelay $0x3  }
0x1f4: {  	v12 =	vperm.xlane v10, v5  }
0x1f5: {  	v13 =	vperm.xlane v10, v6;
	v14 =	vshll.u32 v11, $0x10  }
0x1f6: {  	v11 =	vand.u32 $0xFFFF0000, v11;
	v12 =	vmul.f32 v14, v12  }
0x1f7: {  	v11 =	vmul.f32 v11, v13  }
0x1f8: {  	[tilespmem:s28+$0xFFFFFF20] =	vst v12  }
0x1f9: {  	[tilespmem:s28+$0xFFFFFF30] =	vst v11  }
0x1fa: {  	v11 =	vld [tilespmem:s8+$0xFFFFFF90];
	_ =	sdelay $0x3  }
0x1fb: {  	v12 =	vperm.xlane v10, v7  }
0x1fc: {  	v10 =	vperm.xlane v10, v8;
	v13 =	vshll.u32 v11, $0x10  }
0x1fd: {  	v11 =	vand.u32 $0xFFFF0000, v11;
	v12 =	vmul.f32 v13, v12  }
0x1fe: {  	v10 =	vmul.f32 v11, v10  }
0x1ff: {  	[tilespmem:s28+$0xFFFFFF40] =	vst v12  }
0x200: {  	[tilespmem:s28+$0xFFFFFF50] =	vst v10  }
0x201: {  	v10 =	vld [tilespmem:s8+$0xFFFFFFF0]  }
0x202: {  	v11 =	vld [tilespmem:s23+$0xFFFFFFF0];
	_ =	sdelay $0x4  }
0x203: {  	v10 =	vadd.f32 v11, v10;
	_ =	sdelay $0x1  }
0x204: {  	v11 =	vmul.f32 $9.999999770e-03, v10  }
0x205: {  	vm13 =	vgt.f32 v10, $0.0e+00  }
0x206: {  	v10 =	vsel vm13, v10, v11  }
0x207: {  	v10 =	vsub.f32 v10, v9;
	_ =	sdelay $0x1  }
0x208: {  	v10 =	vmul.f32 $1.442695020e+00, v10;
	_ =	sdelay $0x1  }
0x209: {  	(erf) = vpow2.f32 v10;
	_ =	sdelay $0x8  }
0x20a: {  	v10 =	vpop (erf)  }
0x20b: {  	[tilespmem:s28+$0xFFFFFFF0] =	vst v10  }
0x20c: {  	v11 =	vld [tilespmem:s8+$0xFFFFFFB0];
	_ =	sdelay $0x3  }
0x20d: {  	v12 =	vperm.xlane v10, v1  }
0x20e: {  	v13 =	vperm.xlane v10, v2;
	v14 =	vshll.u32 v11, $0x10  }
0x20f: {  	v11 =	vand.u32 $0xFFFF0000, v11;
	v12 =	vmul.f32 v14, v12  }
0x210: {  	v11 =	vmul.f32 v11, v13  }
0x211: {  	[tilespmem:s28+$0xFFFFFF70] =	vst v12  }
0x212: {  	[tilespmem:s28+$0xFFFFFF80] =	vst v11  }
0x213: {  	v11 =	vld [tilespmem:s8+$0xFFFFFFC0];
	_ =	sdelay $0x3  }
0x214: {  	v12 =	vperm.xlane v10, v3  }
0x215: {  	v13 =	vperm.xlane v10, v4;
	v14 =	vshll.u32 v11, $0x10  }
0x216: {  	v11 =	vand.u32 $0xFFFF0000, v11;
	v12 =	vmul.f32 v14, v12  }
0x217: {  	v11 =	vmul.f32 v11, v13  }
0x218: {  	[tilespmem:s28+$0xFFFFFF90] =	vst v12  }
0x219: {  	[tilespmem:s28+$0xFFFFFFA0] =	vst v11  }
0x21a: {  	v11 =	vld [tilespmem:s8+$0xFFFFFFD0];
	_ =	sdelay $0x3  }
0x21b: {  	v12 =	vperm.xlane v10, v5  }
0x21c: {  	v13 =	vperm.xlane v10, v6;
	v14 =	vshll.u32 v11, $0x10  }
0x21d: {  	v11 =	vand.u32 $0xFFFF0000, v11;
	v12 =	vmul.f32 v14, v12  }
0x21e: {  	v11 =	vmul.f32 v11, v13  }
0x21f: {  	[tilespmem:s28+$0xFFFFFFB0] =	vst v12  }
0x220: {  	[tilespmem:s28+$0xFFFFFFC0] =	vst v11  }
0x221: {  	v11 =	vld [tilespmem:s8+$0xFFFFFFE0];
	_ =	sdelay $0x3  }
0x222: {  	v12 =	vperm.xlane v10, v7  }
0x223: {  	v10 =	vperm.xlane v10, v8;
	v13 =	vshll.u32 v11, $0x10  }
0x224: {  	v11 =	vand.u32 $0xFFFF0000, v11;
	v12 =	vmul.f32 v13, v12  }
0x225: {  	v10 =	vmul.f32 v11, v10  }
0x226: {  	[tilespmem:s28+$0xFFFFFFD0] =	vst v12  }
0x227: {  	[tilespmem:s28+$0xFFFFFFE0] =	vst v10  }
0x228: {  	v10 =	vld [tilespmem:s8+$0x40]  }
0x229: {  	v11 =	vld [tilespmem:s23+$0x0];
	_ =	sdelay $0x4  }
0x22a: {  	v10 =	vadd.f32 v11, v10;
	_ =	sdelay $0x1  }
0x22b: {  	v11 =	vmul.f32 $9.999999770e-03, v10  }
0x22c: {  	vm14 =	vgt.f32 v10, $0.0e+00  }
0x22d: {  	v10 =	vsel vm14, v10, v11  }
0x22e: {  	v10 =	vsub.f32 v10, v9;
	_ =	sdelay $0x1  }
0x22f: {  	v10 =	vmul.f32 $1.442695020e+00, v10;
	_ =	sdelay $0x1  }
0x230: {  	(erf) = vpow2.f32 v10;
	_ =	sdelay $0x8  }
0x231: {  	v10 =	vpop (erf)  }
0x232: {  	[tilespmem:s28+$0x80] =	vst v10  }
0x233: {  	v11 =	vld [tilespmem:s8+$0x0];
	_ =	sdelay $0x3  }
0x234: {  	v12 =	vperm.xlane v10, v1  }
0x235: {  	v13 =	vperm.xlane v10, v2;
	v14 =	vshll.u32 v11, $0x10  }
0x236: {  	v11 =	vand.u32 $0xFFFF0000, v11;
	v12 =	vmul.f32 v14, v12  }
0x237: {  	v11 =	vmul.f32 v11, v13  }
0x238: {  	[tilespmem:s28+$0x0] =	vst v12  }
0x239: {  	[tilespmem:s28+$0x10] =	vst v11  }
0x23a: {  	v11 =	vld [tilespmem:s8+$0x10];
	_ =	sdelay $0x3  }
0x23b: {  	v12 =	vperm.xlane v10, v3  }
0x23c: {  	v13 =	vperm.xlane v10, v4;
	v14 =	vshll.u32 v11, $0x10  }
0x23d: {  	v11 =	vand.u32 $0xFFFF0000, v11;
	v12 =	vmul.f32 v14, v12  }
0x23e: {  	v11 =	vmul.f32 v11, v13  }
0x23f: {  	[tilespmem:s28+$0x20] =	vst v12  }
0x240: {  	[tilespmem:s28+$0x30] =	vst v11  }
0x241: {  	v11 =	vld [tilespmem:s8+$0x20];
	_ =	sdelay $0x3  }
0x242: {  	v12 =	vperm.xlane v10, v5  }
0x243: {  	v13 =	vperm.xlane v10, v6;
	v14 =	vshll.u32 v11, $0x10  }
0x244: {  	v11 =	vand.u32 $0xFFFF0000, v11;
	v12 =	vmul.f32 v14, v12  }
0x245: {  	v11 =	vmul.f32 v11, v13  }
0x246: {  	[tilespmem:s28+$0x40] =	vst v12  }
0x247: {  	[tilespmem:s28+$0x50] =	vst v11  }
0x248: {  	v11 =	vld [tilespmem:s8+$0x30];
	_ =	sdelay $0x3  }
0x249: {  	v12 =	vperm.xlane v10, v7  }
0x24a: {  	v10 =	vperm.xlane v10, v8;
	v13 =	vshll.u32 v11, $0x10  }
0x24b: {  	v11 =	vand.u32 $0xFFFF0000, v11;
	v12 =	vmul.f32 v13, v12  }
0x24c: {  	v10 =	vmul.f32 v11, v10  }
0x24d: {  	[tilespmem:s28+$0x60] =	vst v12  }
0x24e: {  	[tilespmem:s28+$0x70] =	vst v10  }
0x24f: {  	v10 =	vld [tilespmem:s8+$0x90]  }
0x250: {  	v11 =	vld [tilespmem:s23+$0x10];
	_ =	sdelay $0x4  }
0x251: {  	v10 =	vadd.f32 v11, v10;
	_ =	sdelay $0x1  }
0x252: {  	v11 =	vmul.f32 $9.999999770e-03, v10  }
0x253: {  	vm15 =	vgt.f32 v10, $0.0e+00  }
0x254: {  	v10 =	vsel vm15, v10, v11  }
0x255: {  	v10 =	vsub.f32 v10, v9;
	_ =	sdelay $0x1  }
0x256: {  	v10 =	vmul.f32 $1.442695020e+00, v10;
	_ =	sdelay $0x1  }
0x257: {  	(erf) = vpow2.f32 v10;
	_ =	sdelay $0x8  }
0x258: {  	v11 =	vpop (erf)  }
0x259: {  	[tilespmem:s28+$0x110] =	vst v11  }
0x25a: {  	v10 =	vld [tilespmem:s8+$0x50];
	_ =	sdelay $0x3  }
0x25b: {  	v12 =	vperm.xlane v11, v1  }
0x25c: {  	v13 =	vperm.xlane v11, v2;
	v14 =	vshll.u32 v10, $0x10  }
0x25d: {  	v10 =	vand.u32 $0xFFFF0000, v10;
	v12 =	vmul.f32 v14, v12  }
0x25e: {  	v10 =	vmul.f32 v10, v13  }
0x25f: {  	[tilespmem:s28+$0x90] =	vst v12  }
0x260: {  	[tilespmem:s28+$0xA0] =	vst v10  }
0x261: {  	v10 =	vld [tilespmem:s8+$0x60];
	_ =	sdelay $0x3  }
0x262: {  	v12 =	vperm.xlane v11, v3  }
0x263: {  	v13 =	vperm.xlane v11, v4;
	v14 =	vshll.u32 v10, $0x10  }
0x264: {  	v10 =	vand.u32 $0xFFFF0000, v10;
	v14 =	vmul.f32 v14, v12  }
0x265: {  	v15 =	vmul.f32 v10, v13  }
0x266: {  	s21 =	simm.s32 $0x2EA0;
	v12 =	vperm.xlane v11, v5;
	v13 =	vperm.xlane v11, v6;
	[tilespmem:s28+$0xB0] =	vst v14  }
0x267: {  	s15 =	simm.s32 $0x0;
	s14 =	simm.s32 $0x4B60;
	s23 =	simm.s32 $0x1AE0;
	v10 =	vperm.xlane v11, v8;
	v11 =	vperm.xlane v11, v7;
	[tilespmem:s28+$0xC0] =	vst v15  }
.LBB2_7:
0x268: {  	s15 =	sadd.s32 $0x4, s15;
	v14 =	vld [tilespmem:s8+$0x70];
	s23 =	sadd.s32 $0x140, s23;
	s28 =	sadd.s32 $0x240, s28  }
0x269: {  	p1 =	slt.u32 s15, $0x3C;
	_ =	sdelay $0x3  }
0x26a: {  	v15 =	vshll.u32 v14, $0x10;
	v14 =	vand.u32 $0xFFFF0000, v14  }
0x26b: {  	v12 =	vmul.f32 v15, v12;
	v13 =	vmul.f32 v14, v13;
	_ =	sdelay $0x1  }
0x26c: {  	[tilespmem:s14+$0xD0] =	vst v12  }
0x26d: {  	[tilespmem:s14+$0xE0] =	vst v13  }
0x26e: {  	v12 =	vld [tilespmem:s8+$0x80];
	s8 =	smov.u32 s23;
	_ =	sdelay $0x4  }
0x26f: {  	v13 =	vshll.u32 v12, $0x10;
	v12 =	vand.u32 $0xFFFF0000, v12  }
0x270: {  	v11 =	vmul.f32 v13, v11;
	v10 =	vmul.f32 v12, v10;
	_ =	sdelay $0x1  }
0x271: {  	[tilespmem:s14+$0xF0] =	vst v11  }
0x272: {  	[tilespmem:s14+$0x100] =	vst v10;
	s14 =	smov.u32 s28  }
0x273: {  	v10 =	vld [tilespmem:s23+$0xFFFFFFA0]  }
0x274: {  	v11 =	vld [tilespmem:s21+$0xFFFFFFE0];
	_ =	sdelay $0x4  }
0x275: {  	v10 =	vadd.f32 v11, v10;
	_ =	sdelay $0x1  }
0x276: {  	v11 =	vmul.f32 $9.999999770e-03, v10  }
0x277: {  	vm0 =	vgt.f32 v10, $0.0e+00  }
0x278: {  	v10 =	vsel vm0, v10, v11  }
0x279: {  	v10 =	vsub.f32 v10, v9;
	_ =	sdelay $0x1  }
0x27a: {  	v10 =	vmul.f32 $1.442695020e+00, v10;
	_ =	sdelay $0x1  }
0x27b: {  	(erf) = vpow2.f32 v10;
	_ =	sdelay $0x8  }
0x27c: {  	v10 =	vpop (erf)  }
0x27d: {  	[tilespmem:s28+$0xFFFFFF60] =	vst v10  }
0x27e: {  	v11 =	vld [tilespmem:s23+$0xFFFFFF60];
	_ =	sdelay $0x3  }
0x27f: {  	v12 =	vperm.xlane v10, v1;
	v13 =	vperm.xlane v10, v2  }
0x280: {  	v14 =	vshll.u32 v11, $0x10;
	v11 =	vand.u32 $0xFFFF0000, v11  }
0x281: {  	v12 =	vmul.f32 v14, v12;
	v11 =	vmul.f32 v11, v13;
	_ =	sdelay $0x1  }
0x282: {  	[tilespmem:s28+$0xFFFFFEE0] =	vst v12  }
0x283: {  	[tilespmem:s28+$0xFFFFFEF0] =	vst v11  }
0x284: {  	v11 =	vld [tilespmem:s23+$0xFFFFFF70];
	_ =	sdelay $0x2  }
0x285: {  	v13 =	vperm.xlane v10, v4;
	v12 =	vperm.xlane v10, v3;
	_ =	sdelay $0x1  }
0x286: {  	v14 =	vshll.u32 v11, $0x10;
	v11 =	vand.u32 $0xFFFF0000, v11  }
0x287: {  	v12 =	vmul.f32 v14, v12;
	v11 =	vmul.f32 v11, v13;
	_ =	sdelay $0x1  }
0x288: {  	[tilespmem:s28+$0xFFFFFF00] =	vst v12  }
0x289: {  	[tilespmem:s28+$0xFFFFFF10] =	vst v11  }
0x28a: {  	v11 =	vld [tilespmem:s23+$0xFFFFFF80];
	_ =	sdelay $0x1  }
0x28b: {  	v13 =	vperm.xlane v10, v6;
	v12 =	vperm.xlane v10, v5;
	_ =	sdelay $0x2  }
0x28c: {  	v14 =	vshll.u32 v11, $0x10;
	v11 =	vand.u32 $0xFFFF0000, v11  }
0x28d: {  	v12 =	vmul.f32 v14, v12;
	v11 =	vmul.f32 v11, v13;
	_ =	sdelay $0x1  }
0x28e: {  	[tilespmem:s28+$0xFFFFFF20] =	vst v12  }
0x28f: {  	[tilespmem:s28+$0xFFFFFF30] =	vst v11  }
0x290: {  	v11 =	vld [tilespmem:s23+$0xFFFFFF90]  }
0x291: {  	v12 =	vperm.xlane v10, v7;
	v10 =	vperm.xlane v10, v8;
	_ =	sdelay $0x3  }
0x292: {  	v13 =	vshll.u32 v11, $0x10;
	v11 =	vand.u32 $0xFFFF0000, v11  }
0x293: {  	v12 =	vmul.f32 v13, v12;
	v10 =	vmul.f32 v11, v10;
	_ =	sdelay $0x1  }
0x294: {  	[tilespmem:s28+$0xFFFFFF40] =	vst v12  }
0x295: {  	[tilespmem:s28+$0xFFFFFF50] =	vst v10  }
0x296: {  	v10 =	vld [tilespmem:s23+$0xFFFFFFF0]  }
0x297: {  	v11 =	vld [tilespmem:s21+$0xFFFFFFF0];
	_ =	sdelay $0x4  }
0x298: {  	v10 =	vadd.f32 v11, v10;
	_ =	sdelay $0x1  }
0x299: {  	vm0 =	vgt.f32 v10, $0.0e+00;
	v11 =	vmul.f32 $9.999999770e-03, v10;
	_ =	sdelay $0x1  }
0x29a: {  	v10 =	vsel vm0, v10, v11  }
0x29b: {  	v10 =	vsub.f32 v10, v9;
	_ =	sdelay $0x1  }
0x29c: {  	v10 =	vmul.f32 $1.442695020e+00, v10;
	_ =	sdelay $0x1  }
0x29d: {  	(erf) = vpow2.f32 v10;
	_ =	sdelay $0x8  }
0x29e: {  	v10 =	vpop (erf)  }
0x29f: {  	[tilespmem:s28+$0xFFFFFFF0] =	vst v10;
	v11 =	vperm.xlane v10, v1;
	v12 =	vperm.xlane v10, v2  }
0x2a0: {  	v13 =	vld [tilespmem:s23+$0xFFFFFFB0];
	_ =	sdelay $0x4  }
0x2a1: {  	v14 =	vshll.u32 v13, $0x10;
	v13 =	vand.u32 $0xFFFF0000, v13  }
0x2a2: {  	v11 =	vmul.f32 v14, v11;
	v12 =	vmul.f32 v13, v12;
	_ =	sdelay $0x1  }
0x2a3: {  	v13 =	vperm.xlane v10, v4;
	[tilespmem:s28+$0xFFFFFF70] =	vst v11;
	v11 =	vperm.xlane v10, v3  }
0x2a4: {  	[tilespmem:s28+$0xFFFFFF80] =	vst v12  }
0x2a5: {  	v12 =	vld [tilespmem:s23+$0xFFFFFFC0];
	_ =	sdelay $0x4  }
0x2a6: {  	v14 =	vshll.u32 v12, $0x10;
	v12 =	vand.u32 $0xFFFF0000, v12  }
0x2a7: {  	v11 =	vmul.f32 v14, v11;
	v12 =	vmul.f32 v12, v13  }
0x2a8: {  	v13 =	vperm.xlane v10, v5;
	v14 =	vperm.xlane v10, v6  }
0x2a9: {  	[tilespmem:s28+$0xFFFFFF90] =	vst v11  }
0x2aa: {  	[tilespmem:s28+$0xFFFFFFA0] =	vst v12  }
0x2ab: {  	v11 =	vld [tilespmem:s23+$0xFFFFFFD0];
	_ =	sdelay $0x3  }
0x2ac: {  	v12 =	vperm.xlane v10, v8  }
0x2ad: {  	v10 =	vperm.xlane v10, v7;
	v15 =	vshll.u32 v11, $0x10;
	v11 =	vand.u32 $0xFFFF0000, v11  }
0x2ae: {  	v13 =	vmul.f32 v15, v13;
	v11 =	vmul.f32 v11, v14;
	_ =	sdelay $0x1  }
0x2af: {  	[tilespmem:s28+$0xFFFFFFB0] =	vst v13  }
0x2b0: {  	[tilespmem:s28+$0xFFFFFFC0] =	vst v11  }
0x2b1: {  	v11 =	vld [tilespmem:s23+$0xFFFFFFE0];
	_ =	sdelay $0x4  }
0x2b2: {  	v13 =	vshll.u32 v11, $0x10;
	v11 =	vand.u32 $0xFFFF0000, v11  }
0x2b3: {  	v10 =	vmul.f32 v13, v10;
	v11 =	vmul.f32 v11, v12;
	_ =	sdelay $0x1  }
0x2b4: {  	[tilespmem:s28+$0xFFFFFFD0] =	vst v10  }
0x2b5: {  	[tilespmem:s28+$0xFFFFFFE0] =	vst v11  }
0x2b6: {  	v10 =	vld [tilespmem:s23+$0x40]  }
0x2b7: {  	v11 =	vld [tilespmem:s21+$0x0];
	_ =	sdelay $0x4  }
0x2b8: {  	v10 =	vadd.f32 v11, v10;
	_ =	sdelay $0x1  }
0x2b9: {  	vm0 =	vgt.f32 v10, $0.0e+00;
	v11 =	vmul.f32 $9.999999770e-03, v10;
	_ =	sdelay $0x1  }
0x2ba: {  	v10 =	vsel vm0, v10, v11  }
0x2bb: {  	v10 =	vsub.f32 v10, v9;
	_ =	sdelay $0x1  }
0x2bc: {  	v10 =	vmul.f32 $1.442695020e+00, v10;
	_ =	sdelay $0x1  }
0x2bd: {  	(erf) = vpow2.f32 v10;
	_ =	sdelay $0x8  }
0x2be: {  	v10 =	vpop (erf)  }
0x2bf: {  	[tilespmem:s28+$0x80] =	vst v10;
	v11 =	vperm.xlane v10, v1;
	v12 =	vperm.xlane v10, v2  }
0x2c0: {  	v13 =	vld [tilespmem:s23+$0x0];
	_ =	sdelay $0x2  }
0x2c1: {  	v14 =	vperm.xlane v10, v3;
	v15 =	vperm.xlane v10, v4;
	_ =	sdelay $0x1  }
0x2c2: {  	v16 =	vshll.u32 v13, $0x10;
	v13 =	vand.u32 $0xFFFF0000, v13  }
0x2c3: {  	v11 =	vmul.f32 v16, v11;
	v12 =	vmul.f32 v13, v12;
	_ =	sdelay $0x1  }
0x2c4: {  	[tilespmem:s28+$0x0] =	vst v11  }
0x2c5: {  	[tilespmem:s28+$0x10] =	vst v12  }
0x2c6: {  	v11 =	vld [tilespmem:s23+$0x10];
	_ =	sdelay $0x1  }
0x2c7: {  	v13 =	vperm.xlane v10, v6;
	v12 =	vperm.xlane v10, v5;
	_ =	sdelay $0x2  }
0x2c8: {  	v16 =	vshll.u32 v11, $0x10;
	v11 =	vand.u32 $0xFFFF0000, v11  }
0x2c9: {  	v14 =	vmul.f32 v16, v14;
	v11 =	vmul.f32 v11, v15;
	_ =	sdelay $0x1  }
0x2ca: {  	[tilespmem:s28+$0x20] =	vst v14  }
0x2cb: {  	[tilespmem:s28+$0x30] =	vst v11  }
0x2cc: {  	v11 =	vld [tilespmem:s23+$0x20]  }
0x2cd: {  	v14 =	vperm.xlane v10, v7;
	v10 =	vperm.xlane v10, v8;
	_ =	sdelay $0x3  }
0x2ce: {  	v15 =	vshll.u32 v11, $0x10;
	v11 =	vand.u32 $0xFFFF0000, v11  }
0x2cf: {  	v12 =	vmul.f32 v15, v12;
	v11 =	vmul.f32 v11, v13;
	_ =	sdelay $0x1  }
0x2d0: {  	[tilespmem:s28+$0x40] =	vst v12  }
0x2d1: {  	[tilespmem:s28+$0x50] =	vst v11  }
0x2d2: {  	v11 =	vld [tilespmem:s23+$0x30];
	_ =	sdelay $0x4  }
0x2d3: {  	v12 =	vshll.u32 v11, $0x10;
	v11 =	vand.u32 $0xFFFF0000, v11  }
0x2d4: {  	v12 =	vmul.f32 v12, v14;
	v10 =	vmul.f32 v11, v10;
	_ =	sdelay $0x1  }
0x2d5: {  	[tilespmem:s28+$0x60] =	vst v12  }
0x2d6: {  	[tilespmem:s28+$0x70] =	vst v10  }
0x2d7: {  	v10 =	vld [tilespmem:s23+$0x90]  }
0x2d8: {  	v11 =	vld [tilespmem:s21+$0x10];
	_ =	sdelay $0x4  }
0x2d9: {  	v10 =	vadd.f32 v11, v10;
	_ =	sdelay $0x1  }
0x2da: {  	vm0 =	vgt.f32 v10, $0.0e+00;
	v11 =	vmul.f32 $9.999999770e-03, v10;
	_ =	sdelay $0x1  }
0x2db: {  	v10 =	vsel vm0, v10, v11  }
0x2dc: {  	v10 =	vsub.f32 v10, v9;
	_ =	sdelay $0x1  }
0x2dd: {  	v10 =	vmul.f32 $1.442695020e+00, v10;
	_ =	sdelay $0x1  }
0x2de: {  	(erf) = vpow2.f32 v10;
	_ =	sdelay $0x8  }
0x2df: {  	v11 =	vpop (erf)  }
0x2e0: {  	[tilespmem:s28+$0x110] =	vst v11;
	v10 =	vperm.xlane v11, v1;
	v14 =	vperm.xlane v11, v4  }
0x2e1: {  	v12 =	vld [tilespmem:s23+$0x50];
	_ =	sdelay $0x3  }
0x2e2: {  	v13 =	vperm.xlane v11, v2  }
0x2e3: {  	v15 =	vshll.u32 v12, $0x10;
	v12 =	vand.u32 $0xFFFF0000, v12  }
0x2e4: {  	v10 =	vmul.f32 v15, v10;
	v15 =	vmul.f32 v12, v13  }
0x2e5: {  	v12 =	vperm.xlane v11, v5;
	v13 =	vperm.xlane v11, v6  }
0x2e6: {  	[tilespmem:s28+$0x90] =	vst v10  }
0x2e7: {  	[tilespmem:s28+$0xA0] =	vst v15  }
0x2e8: {  	v15 =	vld [tilespmem:s23+$0x60];
	_ =	sdelay $0x2  }
0x2e9: {  	v16 =	vperm.xlane v11, v3  }
0x2ea: {  	v10 =	vperm.xlane v11, v8  }
.Ltmp2:
0x2eb: {  	v11 =	vperm.xlane v11, v7;
	v17 =	vshll.u32 v15, $0x10;
	v15 =	vand.u32 $0xFFFF0000, v15;
	(pc) =	sbr.rel @p1 .LBB2_7-.Ltmp2, $3  }
0x2ec: {  	v16 =	vmul.f32 v17, v16;
	v14 =	vmul.f32 v15, v14;
	_ =	sdelay $0x1  }
0x2ed: {  	[tilespmem:s28+$0xB0] =	vst v16  }
0x2ee: {  	s21 =	sadd.s32 $0x40, s21;
	[tilespmem:s28+$0xC0] =	vst v14  }
0x2ef: {  	v14 =	vld [tilespmem:s8+$0x70];
	_ =	sdelay $0x4  }
0x2f0: {  	v15 =	vshll.u32 v14, $0x10  }
0x2f1: {  	v14 =	vand.u32 $0xFFFF0000, v14;
	v12 =	vmul.f32 v15, v12  }
0x2f2: {  	v13 =	vmul.f32 v14, v13  }
0x2f3: {  	[tilespmem:s14+$0xD0] =	vst v12  }
0x2f4: {  	[tilespmem:s14+$0xE0] =	vst v13  }
0x2f5: {  	v12 =	vld [tilespmem:s8+$0x80];
	_ =	sdelay $0x4  }
0x2f6: {  	v13 =	vshll.u32 v12, $0x10  }
0x2f7: {  	v12 =	vand.u32 $0xFFFF0000, v12;
	v11 =	vmul.f32 v13, v11  }
0x2f8: {  	v10 =	vmul.f32 v12, v10  }
0x2f9: {  	[tilespmem:s14+$0xF0] =	vst v11  }
0x2fa: {  	s23 =	simm.s32 $0x1C0;
	s8 =	simm.s32 @!p0 $0x5;
	[tilespmem:s14+$0x100] =	vst v10  }
0x2fb: {  	[spmem:s4] =	stream.indirect.scatter.add.f32 [tilespmem:s31], [sflag:$0x7], $0x90, s23, s2, $0xb8;
	[tilespmem:$0x1D650] =	vst v63  }
0x2fc: {  	_ =	swait.ge @!p0 [sflag:s8], $0x40  }
0x2fd: {  	[sflag:s8] =	ssyncset.done @!p0 $0x0  }
0x2fe: {  	[sflag:s8] =	ssyncadd.s32 @!p0 $0xFFFFFFC0  }
0x2ff: {  	_ =	swait.ge @!p0 [sflag:s8], $0x40  }
0x300: {  	s15 =	simm.s32 @!p0 $0x1A40;
	[sflag:s8] =	ssyncset.done @!p0 $0x0  }
0x301: {  	s14 =	simm.s32 @!p0 $0x80;
	[sflag:s8] =	ssyncadd.s32 @!p0 $0xFFFFFFC0;
	s8 =	simm.s32 @!p0 $0x40  }
0x302: {  	[tilespmem:s15], [sflag:$0x2] =	stream.indirect.gather @!p0 [hbm4b:s1+s8], $0x50, s14, s8, $0xb8;
	[tilespmem:$0x1D650] =	vst v63  }
0x303: {  	s14 =	simm.s32 @!p0 $0xC0;
	s15 =	simm.s32 @!p0 $0x2E40  }
0x304: {  	[tilespmem:s15], [sflag:$0x2] =	stream.indirect.gather @!p0 [hbm4b:s3+s8], $0x10, s14, s8, $0xb8;
	[tilespmem:$0x1D650] =	vst v63  }
0x305: {  	_ =	swait.ge [sflag:s22], $0x1400  }
0x306: {  	[sflag:s22] =	ssyncset.done $0x0  }
0x307: {  	[sflag:s22] =	ssyncadd.s32 $0xFFFFEC00  }
0x308: {  	_ =	swait.ge [sflag:s22], $0x400  }
0x309: {  	[sflag:s22] =	ssyncset.done $0x0  }
0x30a: {  	[sflag:s22] =	ssyncadd.s32 $0xFFFFFC00  }
0x30b: {  	_ =	swait.ge [sflag:s20], $0x2400  }
0x30c: {  	[sflag:s20] =	ssyncset.done $0x0  }
0x30d: {  	[sflag:s20] =	ssyncadd.s32 $0xFFFFDC00  }
0x30e: {  	v10 =	vld [tilespmem:$0x140]  }
0x30f: {  	v11 =	vld [tilespmem:$0x150]  }
0x310: {  	v12 =	vld [tilespmem:$0x160]  }
0x311: {  	v13 =	vld [tilespmem:$0x170];
	_ =	sdelay $0x1  }
0x312: {  	[tilespmem:$0x200] =	vst v10  }
0x313: {  	s8 =	sadd.s32 @!p0 s30, s26;
	[tilespmem:$0x210] =	vst v11  }
0x314: {  	s8 =	sshrl.u32 @!p0 s8, $0x3;
	[tilespmem:$0x220] =	vst v12  }
0x315: {  	s21 =	simm.s32 @!p0 $0x100;
	s15 =	simm.s32 @!p0 $0x0;
	s14 =	sadd.s32 @!p0 s6, s8;
	[tilespmem:$0x230] =	vst v13  }
0x316: {  	[tilespmem:s21], [sflag:$0x6] =	stream.linear.gather @!p0 [hbm4b:s14+s15], $0x40, $0x38;
	[tilespmem:$0x1D650] =	vst v63  }
0x317: {  	s8 =	sadd.s32 @!p0 s7, s8;
	s14 =	simm.s32 @!p0 $0x140  }
0x318: {  	[tilespmem:s14], [sflag:$0x6] =	stream.linear.gather @!p0 [hbm4b:s8+s15], $0x40, $0x38;
	[tilespmem:$0x1D650] =	vst v63  }
0x319: {  	s8 =	simm.s32 $0x32E0  }
0x31a: {  	s30 =	simm.s32 $0x4660;
	v10 =	vld [tilespmem:s8+$0xFFFFFFA0]  }
0x31b: {  	v11 =	vld [tilespmem:s30+$0xFFFFFFE0];
	_ =	sdelay $0x4  }
0x31c: {  	v10 =	vadd.f32 v11, v10;
	_ =	sdelay $0x1  }
0x31d: {  	v11 =	vmul.f32 $9.999999770e-03, v10  }
0x31e: {  	vm0 =	vgt.f32 v10, $0.0e+00  }
0x31f: {  	v10 =	vsel vm0, v10, v11  }
0x320: {  	v10 =	vsub.f32 v10, v9;
	_ =	sdelay $0x1  }
0x321: {  	v10 =	vmul.f32 $1.442695020e+00, v10;
	_ =	sdelay $0x1  }
0x322: {  	(erf) = vpow2.f32 v10;
	_ =	sdelay $0x8  }
0x323: {  	s28 =	simm.s32 $0x4B60;
	v10 =	vpop (erf)  }
0x324: {  	[tilespmem:s28+$0xFFFFFF60] =	vst v10  }
0x325: {  	v11 =	vld [tilespmem:s8+$0xFFFFFF60];
	_ =	sdelay $0x3  }
0x326: {  	v12 =	vperm.xlane v10, v1  }
0x327: {  	v13 =	vperm.xlane v10, v2;
	v14 =	vshll.u32 v11, $0x10  }
0x328: {  	v11 =	vand.u32 $0xFFFF0000, v11;
	v12 =	vmul.f32 v14, v12  }
0x329: {  	v11 =	vmul.f32 v11, v13  }
0x32a: {  	[tilespmem:s28+$0xFFFFFEE0] =	vst v12  }
0x32b: {  	[tilespmem:s28+$0xFFFFFEF0] =	vst v11  }
0x32c: {  	v11 =	vld [tilespmem:s8+$0xFFFFFF70];
	_ =	sdelay $0x3  }
0x32d: {  	v12 =	vperm.xlane v10, v3  }
0x32e: {  	v13 =	vperm.xlane v10, v4;
	v14 =	vshll.u32 v11, $0x10  }
0x32f: {  	v11 =	vand.u32 $0xFFFF0000, v11;
	v12 =	vmul.f32 v14, v12  }
0x330: {  	v11 =	vmul.f32 v11, v13  }
0x331: {  	[tilespmem:s28+$0xFFFFFF00] =	vst v12  }
0x332: {  	[tilespmem:s28+$0xFFFFFF10] =	vst v11  }
0x333: {  	v11 =	vld [tilespmem:s8+$0xFFFFFF80];
	_ =	sdelay $0x3  }
0x334: {  	v12 =	vperm.xlane v10, v5  }
0x335: {  	v13 =	vperm.xlane v10, v6;
	v14 =	vshll.u32 v11, $0x10  }
0x336: {  	v11 =	vand.u32 $0xFFFF0000, v11;
	v12 =	vmul.f32 v14, v12  }
0x337: {  	v11 =	vmul.f32 v11, v13  }
0x338: {  	[tilespmem:s28+$0xFFFFFF20] =	vst v12  }
0x339: {  	[tilespmem:s28+$0xFFFFFF30] =	vst v11  }
0x33a: {  	v11 =	vld [tilespmem:s8+$0xFFFFFF90];
	_ =	sdelay $0x3  }
0x33b: {  	v12 =	vperm.xlane v10, v7  }
0x33c: {  	v10 =	vperm.xlane v10, v8;
	v13 =	vshll.u32 v11, $0x10  }
0x33d: {  	v11 =	vand.u32 $0xFFFF0000, v11;
	v12 =	vmul.f32 v13, v12  }
0x33e: {  	v10 =	vmul.f32 v11, v10  }
0x33f: {  	[tilespmem:s28+$0xFFFFFF40] =	vst v12  }
0x340: {  	[tilespmem:s28+$0xFFFFFF50] =	vst v10  }
0x341: {  	v10 =	vld [tilespmem:s8+$0xFFFFFFF0]  }
0x342: {  	v11 =	vld [tilespmem:s30+$0xFFFFFFF0];
	_ =	sdelay $0x4  }
0x343: {  	v10 =	vadd.f32 v11, v10;
	_ =	sdelay $0x1  }
0x344: {  	v11 =	vmul.f32 $9.999999770e-03, v10  }
0x345: {  	vm13 =	vgt.f32 v10, $0.0e+00  }
0x346: {  	v10 =	vsel vm13, v10, v11  }
0x347: {  	v10 =	vsub.f32 v10, v9;
	_ =	sdelay $0x1  }
0x348: {  	v10 =	vmul.f32 $1.442695020e+00, v10;
	_ =	sdelay $0x1  }
0x349: {  	(erf) = vpow2.f32 v10;
	_ =	sdelay $0x8  }
0x34a: {  	v10 =	vpop (erf)  }
0x34b: {  	[tilespmem:s28+$0xFFFFFFF0] =	vst v10  }
0x34c: {  	v11 =	vld [tilespmem:s8+$0xFFFFFFB0];
	_ =	sdelay $0x3  }
0x34d: {  	v12 =	vperm.xlane v10, v1  }
0x34e: {  	v13 =	vperm.xlane v10, v2;
	v14 =	vshll.u32 v11, $0x10  }
0x34f: {  	v11 =	vand.u32 $0xFFFF0000, v11;
	v12 =	vmul.f32 v14, v12  }
0x350: {  	v11 =	vmul.f32 v11, v13  }
0x351: {  	[tilespmem:s28+$0xFFFFFF70] =	vst v12  }
0x352: {  	[tilespmem:s28+$0xFFFFFF80] =	vst v11  }
0x353: {  	v11 =	vld [tilespmem:s8+$0xFFFFFFC0];
	_ =	sdelay $0x3  }
0x354: {  	v12 =	vperm.xlane v10, v3  }
0x355: {  	v13 =	vperm.xlane v10, v4;
	v14 =	vshll.u32 v11, $0x10  }
0x356: {  	v11 =	vand.u32 $0xFFFF0000, v11;
	v12 =	vmul.f32 v14, v12  }
0x357: {  	v11 =	vmul.f32 v11, v13  }
0x358: {  	[tilespmem:s28+$0xFFFFFF90] =	vst v12  }
0x359: {  	[tilespmem:s28+$0xFFFFFFA0] =	vst v11  }
0x35a: {  	v11 =	vld [tilespmem:s8+$0xFFFFFFD0];
	_ =	sdelay $0x3  }
0x35b: {  	v12 =	vperm.xlane v10, v5  }
0x35c: {  	v13 =	vperm.xlane v10, v6;
	v14 =	vshll.u32 v11, $0x10  }
0x35d: {  	v11 =	vand.u32 $0xFFFF0000, v11;
	v12 =	vmul.f32 v14, v12  }
0x35e: {  	v11 =	vmul.f32 v11, v13  }
0x35f: {  	[tilespmem:s28+$0xFFFFFFB0] =	vst v12  }
0x360: {  	[tilespmem:s28+$0xFFFFFFC0] =	vst v11  }
0x361: {  	v11 =	vld [tilespmem:s8+$0xFFFFFFE0];
	_ =	sdelay $0x3  }
0x362: {  	v12 =	vperm.xlane v10, v7  }
0x363: {  	v10 =	vperm.xlane v10, v8;
	v13 =	vshll.u32 v11, $0x10  }
0x364: {  	v11 =	vand.u32 $0xFFFF0000, v11;
	v12 =	vmul.f32 v13, v12  }
0x365: {  	v10 =	vmul.f32 v11, v10  }
0x366: {  	[tilespmem:s28+$0xFFFFFFD0] =	vst v12  }
0x367: {  	[tilespmem:s28+$0xFFFFFFE0] =	vst v10  }
0x368: {  	v10 =	vld [tilespmem:s8+$0x40]  }
0x369: {  	v11 =	vld [tilespmem:s30+$0x0];
	_ =	sdelay $0x4  }
0x36a: {  	v10 =	vadd.f32 v11, v10;
	_ =	sdelay $0x1  }
0x36b: {  	v11 =	vmul.f32 $9.999999770e-03, v10  }
0x36c: {  	vm14 =	vgt.f32 v10, $0.0e+00  }
0x36d: {  	v10 =	vsel vm14, v10, v11  }
0x36e: {  	v10 =	vsub.f32 v10, v9;
	_ =	sdelay $0x1  }
0x36f: {  	v10 =	vmul.f32 $1.442695020e+00, v10;
	_ =	sdelay $0x1  }
0x370: {  	(erf) = vpow2.f32 v10;
	_ =	sdelay $0x8  }
0x371: {  	v10 =	vpop (erf)  }
0x372: {  	[tilespmem:s28+$0x80] =	vst v10  }
0x373: {  	v11 =	vld [tilespmem:s8+$0x0];
	_ =	sdelay $0x3  }
0x374: {  	v12 =	vperm.xlane v10, v1  }
0x375: {  	v13 =	vperm.xlane v10, v2;
	v14 =	vshll.u32 v11, $0x10  }
0x376: {  	v11 =	vand.u32 $0xFFFF0000, v11;
	v12 =	vmul.f32 v14, v12  }
0x377: {  	v11 =	vmul.f32 v11, v13  }
0x378: {  	[tilespmem:s28+$0x0] =	vst v12  }
0x379: {  	[tilespmem:s28+$0x10] =	vst v11  }
0x37a: {  	v11 =	vld [tilespmem:s8+$0x10];
	_ =	sdelay $0x3  }
0x37b: {  	v12 =	vperm.xlane v10, v3  }
0x37c: {  	v13 =	vperm.xlane v10, v4;
	v14 =	vshll.u32 v11, $0x10  }
0x37d: {  	v11 =	vand.u32 $0xFFFF0000, v11;
	v12 =	vmul.f32 v14, v12  }
0x37e: {  	v11 =	vmul.f32 v11, v13  }
0x37f: {  	[tilespmem:s28+$0x20] =	vst v12  }
0x380: {  	[tilespmem:s28+$0x30] =	vst v11  }
0x381: {  	v11 =	vld [tilespmem:s8+$0x20];
	_ =	sdelay $0x3  }
0x382: {  	v12 =	vperm.xlane v10, v5  }
0x383: {  	v13 =	vperm.xlane v10, v6;
	v14 =	vshll.u32 v11, $0x10  }
0x384: {  	v11 =	vand.u32 $0xFFFF0000, v11;
	v12 =	vmul.f32 v14, v12  }
0x385: {  	v11 =	vmul.f32 v11, v13  }
0x386: {  	[tilespmem:s28+$0x40] =	vst v12  }
0x387: {  	[tilespmem:s28+$0x50] =	vst v11  }
0x388: {  	v11 =	vld [tilespmem:s8+$0x30];
	_ =	sdelay $0x3  }
0x389: {  	v12 =	vperm.xlane v10, v7  }
0x38a: {  	v10 =	vperm.xlane v10, v8;
	v13 =	vshll.u32 v11, $0x10  }
0x38b: {  	v11 =	vand.u32 $0xFFFF0000, v11;
	v12 =	vmul.f32 v13, v12  }
0x38c: {  	v10 =	vmul.f32 v11, v10  }
0x38d: {  	[tilespmem:s28+$0x60] =	vst v12  }
0x38e: {  	[tilespmem:s28+$0x70] =	vst v10  }
0x38f: {  	v10 =	vld [tilespmem:s8+$0x90]  }
0x390: {  	v11 =	vld [tilespmem:s30+$0x10];
	_ =	sdelay $0x4  }
0x391: {  	v10 =	vadd.f32 v11, v10;
	_ =	sdelay $0x1  }
0x392: {  	v11 =	vmul.f32 $9.999999770e-03, v10  }
0x393: {  	vm15 =	vgt.f32 v10, $0.0e+00  }
0x394: {  	v10 =	vsel vm15, v10, v11  }
0x395: {  	v10 =	vsub.f32 v10, v9;
	_ =	sdelay $0x1  }
0x396: {  	v10 =	vmul.f32 $1.442695020e+00, v10;
	_ =	sdelay $0x1  }
0x397: {  	(erf) = vpow2.f32 v10;
	_ =	sdelay $0x8  }
0x398: {  	v11 =	vpop (erf)  }
0x399: {  	[tilespmem:s28+$0x110] =	vst v11  }
0x39a: {  	v10 =	vld [tilespmem:s8+$0x50];
	_ =	sdelay $0x3  }
0x39b: {  	v12 =	vperm.xlane v11, v1  }
0x39c: {  	v13 =	vperm.xlane v11, v2;
	v14 =	vshll.u32 v10, $0x10  }
0x39d: {  	v10 =	vand.u32 $0xFFFF0000, v10;
	v12 =	vmul.f32 v14, v12  }
0x39e: {  	v10 =	vmul.f32 v10, v13  }
0x39f: {  	[tilespmem:s28+$0x90] =	vst v12  }
0x3a0: {  	[tilespmem:s28+$0xA0] =	vst v10  }
0x3a1: {  	v10 =	vld [tilespmem:s8+$0x60];
	_ =	sdelay $0x3  }
0x3a2: {  	v12 =	vperm.xlane v11, v3  }
0x3a3: {  	v13 =	vperm.xlane v11, v4;
	v14 =	vshll.u32 v10, $0x10  }
0x3a4: {  	v10 =	vand.u32 $0xFFFF0000, v10;
	v14 =	vmul.f32 v14, v12  }
0x3a5: {  	v15 =	vmul.f32 v10, v13  }
0x3a6: {  	s23 =	simm.s32 $0x32E0;
	v12 =	vperm.xlane v11, v5;
	v13 =	vperm.xlane v11, v6;
	[tilespmem:s28+$0xB0] =	vst v14  }
0x3a7: {  	s21 =	simm.s32 $0x46A0;
	s15 =	simm.s32 $0x0;
	s14 =	simm.s32 $0x4B60;
	v10 =	vperm.xlane v11, v8;
	v11 =	vperm.xlane v11, v7;
	[tilespmem:s28+$0xC0] =	vst v15  }
.LBB2_9:
0x3a8: {  	s15 =	sadd.s32 $0x4, s15;
	v14 =	vld [tilespmem:s8+$0x70];
	s23 =	sadd.s32 $0x140, s23;
	s28 =	sadd.s32 $0x240, s28  }
0x3a9: {  	p0 =	slt.u32 s15, $0x3C;
	_ =	sdelay $0x3  }
0x3aa: {  	v15 =	vshll.u32 v14, $0x10;
	v14 =	vand.u32 $0xFFFF0000, v14  }
0x3ab: {  	v12 =	vmul.f32 v15, v12;
	v13 =	vmul.f32 v14, v13;
	_ =	sdelay $0x1  }
0x3ac: {  	[tilespmem:s14+$0xD0] =	vst v12  }
0x3ad: {  	[tilespmem:s14+$0xE0] =	vst v13  }
0x3ae: {  	v12 =	vld [tilespmem:s8+$0x80];
	s8 =	smov.u32 s23;
	_ =	sdelay $0x4  }
0x3af: {  	v13 =	vshll.u32 v12, $0x10;
	v12 =	vand.u32 $0xFFFF0000, v12  }
0x3b0: {  	v11 =	vmul.f32 v13, v11;
	v10 =	vmul.f32 v12, v10;
	_ =	sdelay $0x1  }
0x3b1: {  	[tilespmem:s14+$0xF0] =	vst v11  }
0x3b2: {  	[tilespmem:s14+$0x100] =	vst v10;
	s14 =	smov.u32 s28  }
0x3b3: {  	v10 =	vld [tilespmem:s23+$0xFFFFFFA0]  }
0x3b4: {  	v11 =	vld [tilespmem:s21+$0xFFFFFFE0];
	_ =	sdelay $0x4  }
0x3b5: {  	v10 =	vadd.f32 v11, v10;
	_ =	sdelay $0x1  }
0x3b6: {  	v11 =	vmul.f32 $9.999999770e-03, v10  }
0x3b7: {  	vm0 =	vgt.f32 v10, $0.0e+00  }
0x3b8: {  	v10 =	vsel vm0, v10, v11  }
0x3b9: {  	v10 =	vsub.f32 v10, v9;
	_ =	sdelay $0x1  }
0x3ba: {  	v10 =	vmul.f32 $1.442695020e+00, v10;
	_ =	sdelay $0x1  }
0x3bb: {  	(erf) = vpow2.f32 v10;
	_ =	sdelay $0x8  }
0x3bc: {  	v10 =	vpop (erf)  }
0x3bd: {  	[tilespmem:s28+$0xFFFFFF60] =	vst v10  }
0x3be: {  	v11 =	vld [tilespmem:s23+$0xFFFFFF60];
	_ =	sdelay $0x3  }
0x3bf: {  	v12 =	vperm.xlane v10, v1;
	v13 =	vperm.xlane v10, v2  }
0x3c0: {  	v14 =	vshll.u32 v11, $0x10;
	v11 =	vand.u32 $0xFFFF0000, v11  }
0x3c1: {  	v12 =	vmul.f32 v14, v12;
	v11 =	vmul.f32 v11, v13;
	_ =	sdelay $0x1  }
0x3c2: {  	[tilespmem:s28+$0xFFFFFEE0] =	vst v12  }
0x3c3: {  	[tilespmem:s28+$0xFFFFFEF0] =	vst v11  }
0x3c4: {  	v11 =	vld [tilespmem:s23+$0xFFFFFF70];
	_ =	sdelay $0x2  }
0x3c5: {  	v13 =	vperm.xlane v10, v4;
	v12 =	vperm.xlane v10, v3;
	_ =	sdelay $0x1  }
0x3c6: {  	v14 =	vshll.u32 v11, $0x10;
	v11 =	vand.u32 $0xFFFF0000, v11  }
0x3c7: {  	v12 =	vmul.f32 v14, v12;
	v11 =	vmul.f32 v11, v13;
	_ =	sdelay $0x1  }
0x3c8: {  	[tilespmem:s28+$0xFFFFFF00] =	vst v12  }
0x3c9: {  	[tilespmem:s28+$0xFFFFFF10] =	vst v11  }
0x3ca: {  	v11 =	vld [tilespmem:s23+$0xFFFFFF80];
	_ =	sdelay $0x1  }
0x3cb: {  	v13 =	vperm.xlane v10, v6;
	v12 =	vperm.xlane v10, v5;
	_ =	sdelay $0x2  }
0x3cc: {  	v14 =	vshll.u32 v11, $0x10;
	v11 =	vand.u32 $0xFFFF0000, v11  }
0x3cd: {  	v12 =	vmul.f32 v14, v12;
	v11 =	vmul.f32 v11, v13;
	_ =	sdelay $0x1  }
0x3ce: {  	[tilespmem:s28+$0xFFFFFF20] =	vst v12  }
0x3cf: {  	[tilespmem:s28+$0xFFFFFF30] =	vst v11  }
0x3d0: {  	v11 =	vld [tilespmem:s23+$0xFFFFFF90]  }
0x3d1: {  	v12 =	vperm.xlane v10, v7;
	v10 =	vperm.xlane v10, v8;
	_ =	sdelay $0x3  }
0x3d2: {  	v13 =	vshll.u32 v11, $0x10;
	v11 =	vand.u32 $0xFFFF0000, v11  }
0x3d3: {  	v12 =	vmul.f32 v13, v12;
	v10 =	vmul.f32 v11, v10;
	_ =	sdelay $0x1  }
0x3d4: {  	[tilespmem:s28+$0xFFFFFF40] =	vst v12  }
0x3d5: {  	[tilespmem:s28+$0xFFFFFF50] =	vst v10  }
0x3d6: {  	v10 =	vld [tilespmem:s23+$0xFFFFFFF0]  }
0x3d7: {  	v11 =	vld [tilespmem:s21+$0xFFFFFFF0];
	_ =	sdelay $0x4  }
0x3d8: {  	v10 =	vadd.f32 v11, v10;
	_ =	sdelay $0x1  }
0x3d9: {  	vm0 =	vgt.f32 v10, $0.0e+00;
	v11 =	vmul.f32 $9.999999770e-03, v10;
	_ =	sdelay $0x1  }
0x3da: {  	v10 =	vsel vm0, v10, v11  }
0x3db: {  	v10 =	vsub.f32 v10, v9;
	_ =	sdelay $0x1  }
0x3dc: {  	v10 =	vmul.f32 $1.442695020e+00, v10;
	_ =	sdelay $0x1  }
0x3dd: {  	(erf) = vpow2.f32 v10;
	_ =	sdelay $0x8  }
0x3de: {  	v10 =	vpop (erf)  }
0x3df: {  	[tilespmem:s28+$0xFFFFFFF0] =	vst v10;
	v11 =	vperm.xlane v10, v1;
	v12 =	vperm.xlane v10, v2  }
0x3e0: {  	v13 =	vld [tilespmem:s23+$0xFFFFFFB0];
	_ =	sdelay $0x4  }
0x3e1: {  	v14 =	vshll.u32 v13, $0x10;
	v13 =	vand.u32 $0xFFFF0000, v13  }
0x3e2: {  	v11 =	vmul.f32 v14, v11;
	v12 =	vmul.f32 v13, v12;
	_ =	sdelay $0x1  }
0x3e3: {  	v13 =	vperm.xlane v10, v4;
	[tilespmem:s28+$0xFFFFFF70] =	vst v11;
	v11 =	vperm.xlane v10, v3  }
0x3e4: {  	[tilespmem:s28+$0xFFFFFF80] =	vst v12  }
0x3e5: {  	v12 =	vld [tilespmem:s23+$0xFFFFFFC0];
	_ =	sdelay $0x4  }
0x3e6: {  	v14 =	vshll.u32 v12, $0x10;
	v12 =	vand.u32 $0xFFFF0000, v12  }
0x3e7: {  	v11 =	vmul.f32 v14, v11;
	v12 =	vmul.f32 v12, v13  }
0x3e8: {  	v13 =	vperm.xlane v10, v5;
	v14 =	vperm.xlane v10, v6  }
0x3e9: {  	[tilespmem:s28+$0xFFFFFF90] =	vst v11  }
0x3ea: {  	[tilespmem:s28+$0xFFFFFFA0] =	vst v12  }
0x3eb: {  	v11 =	vld [tilespmem:s23+$0xFFFFFFD0];
	_ =	sdelay $0x3  }
0x3ec: {  	v12 =	vperm.xlane v10, v8  }
0x3ed: {  	v10 =	vperm.xlane v10, v7;
	v15 =	vshll.u32 v11, $0x10;
	v11 =	vand.u32 $0xFFFF0000, v11  }
0x3ee: {  	v13 =	vmul.f32 v15, v13;
	v11 =	vmul.f32 v11, v14;
	_ =	sdelay $0x1  }
0x3ef: {  	[tilespmem:s28+$0xFFFFFFB0] =	vst v13  }
0x3f0: {  	[tilespmem:s28+$0xFFFFFFC0] =	vst v11  }
0x3f1: {  	v11 =	vld [tilespmem:s23+$0xFFFFFFE0];
	_ =	sdelay $0x4  }
0x3f2: {  	v13 =	vshll.u32 v11, $0x10;
	v11 =	vand.u32 $0xFFFF0000, v11  }
0x3f3: {  	v10 =	vmul.f32 v13, v10;
	v11 =	vmul.f32 v11, v12;
	_ =	sdelay $0x1  }
0x3f4: {  	[tilespmem:s28+$0xFFFFFFD0] =	vst v10  }
0x3f5: {  	[tilespmem:s28+$0xFFFFFFE0] =	vst v11  }
0x3f6: {  	v10 =	vld [tilespmem:s23+$0x40]  }
0x3f7: {  	v11 =	vld [tilespmem:s21+$0x0];
	_ =	sdelay $0x4  }
0x3f8: {  	v10 =	vadd.f32 v11, v10;
	_ =	sdelay $0x1  }
0x3f9: {  	vm0 =	vgt.f32 v10, $0.0e+00;
	v11 =	vmul.f32 $9.999999770e-03, v10;
	_ =	sdelay $0x1  }
0x3fa: {  	v10 =	vsel vm0, v10, v11  }
0x3fb: {  	v10 =	vsub.f32 v10, v9;
	_ =	sdelay $0x1  }
0x3fc: {  	v10 =	vmul.f32 $1.442695020e+00, v10;
	_ =	sdelay $0x1  }
0x3fd: {  	(erf) = vpow2.f32 v10;
	_ =	sdelay $0x8  }
0x3fe: {  	v10 =	vpop (erf)  }
0x3ff: {  	[tilespmem:s28+$0x80] =	vst v10;
	v11 =	vperm.xlane v10, v1;
	v12 =	vperm.xlane v10, v2  }
0x400: {  	v13 =	vld [tilespmem:s23+$0x0];
	_ =	sdelay $0x2  }
0x401: {  	v14 =	vperm.xlane v10, v3;
	v15 =	vperm.xlane v10, v4;
	_ =	sdelay $0x1  }
0x402: {  	v16 =	vshll.u32 v13, $0x10;
	v13 =	vand.u32 $0xFFFF0000, v13  }
0x403: {  	v11 =	vmul.f32 v16, v11;
	v12 =	vmul.f32 v13, v12;
	_ =	sdelay $0x1  }
0x404: {  	[tilespmem:s28+$0x0] =	vst v11  }
0x405: {  	[tilespmem:s28+$0x10] =	vst v12  }
0x406: {  	v11 =	vld [tilespmem:s23+$0x10];
	_ =	sdelay $0x1  }
0x407: {  	v13 =	vperm.xlane v10, v6;
	v12 =	vperm.xlane v10, v5;
	_ =	sdelay $0x2  }
0x408: {  	v16 =	vshll.u32 v11, $0x10;
	v11 =	vand.u32 $0xFFFF0000, v11  }
0x409: {  	v14 =	vmul.f32 v16, v14;
	v11 =	vmul.f32 v11, v15;
	_ =	sdelay $0x1  }
0x40a: {  	[tilespmem:s28+$0x20] =	vst v14  }
0x40b: {  	[tilespmem:s28+$0x30] =	vst v11  }
0x40c: {  	v11 =	vld [tilespmem:s23+$0x20]  }
0x40d: {  	v14 =	vperm.xlane v10, v7;
	v10 =	vperm.xlane v10, v8;
	_ =	sdelay $0x3  }
0x40e: {  	v15 =	vshll.u32 v11, $0x10;
	v11 =	vand.u32 $0xFFFF0000, v11  }
0x40f: {  	v12 =	vmul.f32 v15, v12;
	v11 =	vmul.f32 v11, v13;
	_ =	sdelay $0x1  }
0x410: {  	[tilespmem:s28+$0x40] =	vst v12  }
0x411: {  	[tilespmem:s28+$0x50] =	vst v11  }
0x412: {  	v11 =	vld [tilespmem:s23+$0x30];
	_ =	sdelay $0x4  }
0x413: {  	v12 =	vshll.u32 v11, $0x10;
	v11 =	vand.u32 $0xFFFF0000, v11  }
0x414: {  	v12 =	vmul.f32 v12, v14;
	v10 =	vmul.f32 v11, v10;
	_ =	sdelay $0x1  }
0x415: {  	[tilespmem:s28+$0x60] =	vst v12  }
0x416: {  	[tilespmem:s28+$0x70] =	vst v10  }
0x417: {  	v10 =	vld [tilespmem:s23+$0x90]  }
0x418: {  	v11 =	vld [tilespmem:s21+$0x10];
	_ =	sdelay $0x4  }
0x419: {  	v10 =	vadd.f32 v11, v10;
	_ =	sdelay $0x1  }
0x41a: {  	vm0 =	vgt.f32 v10, $0.0e+00;
	v11 =	vmul.f32 $9.999999770e-03, v10;
	_ =	sdelay $0x1  }
0x41b: {  	v10 =	vsel vm0, v10, v11  }
0x41c: {  	v10 =	vsub.f32 v10, v9;
	_ =	sdelay $0x1  }
0x41d: {  	v10 =	vmul.f32 $1.442695020e+00, v10;
	_ =	sdelay $0x1  }
0x41e: {  	(erf) = vpow2.f32 v10;
	_ =	sdelay $0x8  }
0x41f: {  	v11 =	vpop (erf)  }
0x420: {  	[tilespmem:s28+$0x110] =	vst v11;
	v10 =	vperm.xlane v11, v1;
	v14 =	vperm.xlane v11, v4  }
0x421: {  	v12 =	vld [tilespmem:s23+$0x50];
	_ =	sdelay $0x3  }
0x422: {  	v13 =	vperm.xlane v11, v2  }
0x423: {  	v15 =	vshll.u32 v12, $0x10;
	v12 =	vand.u32 $0xFFFF0000, v12  }
0x424: {  	v10 =	vmul.f32 v15, v10;
	v15 =	vmul.f32 v12, v13  }
0x425: {  	v12 =	vperm.xlane v11, v5;
	v13 =	vperm.xlane v11, v6  }
0x426: {  	[tilespmem:s28+$0x90] =	vst v10  }
0x427: {  	[tilespmem:s28+$0xA0] =	vst v15  }
0x428: {  	v15 =	vld [tilespmem:s23+$0x60];
	_ =	sdelay $0x2  }
0x429: {  	v16 =	vperm.xlane v11, v3  }
0x42a: {  	v10 =	vperm.xlane v11, v8  }
.Ltmp3:
0x42b: {  	v11 =	vperm.xlane v11, v7;
	v17 =	vshll.u32 v15, $0x10;
	v15 =	vand.u32 $0xFFFF0000, v15;
	(pc) =	sbr.rel @p0 .LBB2_9-.Ltmp3, $3  }
0x42c: {  	v16 =	vmul.f32 v17, v16;
	v14 =	vmul.f32 v15, v14;
	_ =	sdelay $0x1  }
0x42d: {  	[tilespmem:s28+$0xB0] =	vst v16  }
0x42e: {  	s21 =	sadd.s32 $0x40, s21;
	[tilespmem:s28+$0xC0] =	vst v14  }
0x42f: {  	v14 =	vld [tilespmem:s8+$0x70];
	_ =	sdelay $0x4  }
0x430: {  	v15 =	vshll.u32 v14, $0x10  }
0x431: {  	v14 =	vand.u32 $0xFFFF0000, v14;
	v12 =	vmul.f32 v15, v12  }
0x432: {  	v13 =	vmul.f32 v14, v13  }
0x433: {  	[tilespmem:s14+$0xD0] =	vst v12  }
0x434: {  	[tilespmem:s14+$0xE0] =	vst v13  }
0x435: {  	v12 =	vld [tilespmem:s8+$0x80];
	_ =	sdelay $0x3  }
0x436: {  	s29 =	sadd.s32 $0x1, s29  }
0x437: {  	p0 =	sne.s32 s29, $0x35;
	v63 =	vshll.u32 v12, $0x10  }
.Ltmp4:
0x438: {  	v12 =	vand.u32 $0xFFFF0000, v12;
	v11 =	vmul.f32 v63, v11;
	(pc) =	sbr.rel @p0 .LBB2_4-.Ltmp4, $4  }
0x439: {  	v10 =	vmul.f32 v12, v10  }
0x43a: {  	[tilespmem:s14+$0xF0] =	vst v11  }
0x43b: {  	s30 =	simm.s32 $0x200;
	[tilespmem:s14+$0x100] =	vst v10  }
0x43c: {  	[spmem:s4] =	stream.indirect.scatter.add.f32 [tilespmem:s31], [sflag:$0x7], $0x90, s30, s2, $0xb8;
	[tilespmem:$0x1D650] =	vst v63  }
0x43d: {  	_ =	swait.ge [sflag:s16], $0x1400  }
0x43e: {  	[sflag:s16] =	ssyncset.done $0x0  }
0x43f: {  	[sflag:s16] =	ssyncadd.s32 $0xFFFFEC00  }
0x440: {  	_ =	swait.ge [sflag:s16], $0x400  }
0x441: {  	[sflag:s16] =	ssyncset.done $0x0  }
0x442: {  	[sflag:s16] =	ssyncadd.s32 $0xFFFFFC00  }
0x443: {  	_ =	swait.ge [sflag:s20], $0x2400  }
0x444: {  	[sflag:s20] =	ssyncset.done $0x0  }
0x445: {  	[sflag:s20] =	ssyncadd.s32 $0xFFFFDC00  }
0x446: {  	v10 =	vld [tilespmem:$0x40]  }
0x447: {  	v11 =	vld [tilespmem:$0x50]  }
0x448: {  	v12 =	vld [tilespmem:$0x60]  }
0x449: {  	v13 =	vld [tilespmem:$0x70];
	_ =	sdelay $0x1  }
0x44a: {  	[tilespmem:$0x180] =	vst v10  }
0x44b: {  	[tilespmem:$0x190] =	vst v11  }
0x44c: {  	[tilespmem:$0x1A0] =	vst v12  }
0x44d: {  	s8 =	simm.s32 $0x2E0;
	[tilespmem:$0x1B0] =	vst v13  }
0x44e: {  	s14 =	simm.s32 $0x1660;
	v10 =	vld [tilespmem:s8+$0xFFFFFFA0]  }
0x44f: {  	v11 =	vld [tilespmem:s14+$0xFFFFFFE0];
	_ =	sdelay $0x4  }
0x450: {  	v10 =	vadd.f32 v11, v10;
	_ =	sdelay $0x1  }
0x451: {  	v11 =	vmul.f32 $9.999999770e-03, v10  }
0x452: {  	vm0 =	vgt.f32 v10, $0.0e+00  }
0x453: {  	v10 =	vsel vm0, v10, v11  }
0x454: {  	v10 =	vsub.f32 v10, v9;
	_ =	sdelay $0x1  }
0x455: {  	v10 =	vmul.f32 $1.442695020e+00, v10;
	_ =	sdelay $0x1  }
0x456: {  	(erf) = vpow2.f32 v10;
	_ =	sdelay $0x8  }
0x457: {  	s28 =	simm.s32 $0x4B60;
	v10 =	vpop (erf)  }
0x458: {  	[tilespmem:s28+$0xFFFFFF60] =	vst v10  }
0x459: {  	v11 =	vld [tilespmem:s8+$0xFFFFFF60];
	_ =	sdelay $0x3  }
0x45a: {  	v12 =	vperm.xlane v10, v1  }
0x45b: {  	v13 =	vperm.xlane v10, v2;
	v14 =	vshll.u32 v11, $0x10  }
0x45c: {  	v11 =	vand.u32 $0xFFFF0000, v11;
	v12 =	vmul.f32 v14, v12  }
0x45d: {  	v11 =	vmul.f32 v11, v13  }
0x45e: {  	[tilespmem:s28+$0xFFFFFEE0] =	vst v12  }
0x45f: {  	[tilespmem:s28+$0xFFFFFEF0] =	vst v11  }
0x460: {  	v11 =	vld [tilespmem:s8+$0xFFFFFF70];
	_ =	sdelay $0x3  }
0x461: {  	v12 =	vperm.xlane v10, v3  }
0x462: {  	v13 =	vperm.xlane v10, v4;
	v14 =	vshll.u32 v11, $0x10  }
0x463: {  	v11 =	vand.u32 $0xFFFF0000, v11;
	v12 =	vmul.f32 v14, v12  }
0x464: {  	v11 =	vmul.f32 v11, v13  }
0x465: {  	[tilespmem:s28+$0xFFFFFF00] =	vst v12  }
0x466: {  	[tilespmem:s28+$0xFFFFFF10] =	vst v11  }
0x467: {  	v11 =	vld [tilespmem:s8+$0xFFFFFF80];
	_ =	sdelay $0x3  }
0x468: {  	v12 =	vperm.xlane v10, v5  }
0x469: {  	v13 =	vperm.xlane v10, v6;
	v14 =	vshll.u32 v11, $0x10  }
0x46a: {  	v11 =	vand.u32 $0xFFFF0000, v11;
	v12 =	vmul.f32 v14, v12  }
0x46b: {  	v11 =	vmul.f32 v11, v13  }
0x46c: {  	[tilespmem:s28+$0xFFFFFF20] =	vst v12  }
0x46d: {  	[tilespmem:s28+$0xFFFFFF30] =	vst v11  }
0x46e: {  	v11 =	vld [tilespmem:s8+$0xFFFFFF90];
	_ =	sdelay $0x3  }
0x46f: {  	v12 =	vperm.xlane v10, v7  }
0x470: {  	v10 =	vperm.xlane v10, v8;
	v13 =	vshll.u32 v11, $0x10  }
0x471: {  	v11 =	vand.u32 $0xFFFF0000, v11;
	v12 =	vmul.f32 v13, v12  }
0x472: {  	v10 =	vmul.f32 v11, v10  }
0x473: {  	[tilespmem:s28+$0xFFFFFF40] =	vst v12  }
0x474: {  	[tilespmem:s28+$0xFFFFFF50] =	vst v10  }
0x475: {  	v10 =	vld [tilespmem:s8+$0xFFFFFFF0]  }
0x476: {  	v11 =	vld [tilespmem:s14+$0xFFFFFFF0];
	_ =	sdelay $0x4  }
0x477: {  	v10 =	vadd.f32 v11, v10;
	_ =	sdelay $0x1  }
0x478: {  	v11 =	vmul.f32 $9.999999770e-03, v10  }
0x479: {  	vm13 =	vgt.f32 v10, $0.0e+00  }
0x47a: {  	v10 =	vsel vm13, v10, v11  }
0x47b: {  	v10 =	vsub.f32 v10, v9;
	_ =	sdelay $0x1  }
0x47c: {  	v10 =	vmul.f32 $1.442695020e+00, v10;
	_ =	sdelay $0x1  }
0x47d: {  	(erf) = vpow2.f32 v10;
	_ =	sdelay $0x8  }
0x47e: {  	v10 =	vpop (erf)  }
0x47f: {  	[tilespmem:s28+$0xFFFFFFF0] =	vst v10  }
0x480: {  	v11 =	vld [tilespmem:s8+$0xFFFFFFB0];
	_ =	sdelay $0x3  }
0x481: {  	v12 =	vperm.xlane v10, v1  }
0x482: {  	v13 =	vperm.xlane v10, v2;
	v14 =	vshll.u32 v11, $0x10  }
0x483: {  	v11 =	vand.u32 $0xFFFF0000, v11;
	v12 =	vmul.f32 v14, v12  }
0x484: {  	v11 =	vmul.f32 v11, v13  }
0x485: {  	[tilespmem:s28+$0xFFFFFF70] =	vst v12  }
0x486: {  	[tilespmem:s28+$0xFFFFFF80] =	vst v11  }
0x487: {  	v11 =	vld [tilespmem:s8+$0xFFFFFFC0];
	_ =	sdelay $0x3  }
0x488: {  	v12 =	vperm.xlane v10, v3  }
0x489: {  	v13 =	vperm.xlane v10, v4;
	v14 =	vshll.u32 v11, $0x10  }
0x48a: {  	v11 =	vand.u32 $0xFFFF0000, v11;
	v12 =	vmul.f32 v14, v12  }
0x48b: {  	v11 =	vmul.f32 v11, v13  }
0x48c: {  	[tilespmem:s28+$0xFFFFFF90] =	vst v12  }
0x48d: {  	[tilespmem:s28+$0xFFFFFFA0] =	vst v11  }
0x48e: {  	v11 =	vld [tilespmem:s8+$0xFFFFFFD0];
	_ =	sdelay $0x3  }
0x48f: {  	v12 =	vperm.xlane v10, v5  }
0x490: {  	v13 =	vperm.xlane v10, v6;
	v14 =	vshll.u32 v11, $0x10  }
0x491: {  	v11 =	vand.u32 $0xFFFF0000, v11;
	v12 =	vmul.f32 v14, v12  }
0x492: {  	v11 =	vmul.f32 v11, v13  }
0x493: {  	[tilespmem:s28+$0xFFFFFFB0] =	vst v12  }
0x494: {  	[tilespmem:s28+$0xFFFFFFC0] =	vst v11  }
0x495: {  	v11 =	vld [tilespmem:s8+$0xFFFFFFE0];
	_ =	sdelay $0x3  }
0x496: {  	v12 =	vperm.xlane v10, v7  }
0x497: {  	v10 =	vperm.xlane v10, v8;
	v13 =	vshll.u32 v11, $0x10  }
0x498: {  	v11 =	vand.u32 $0xFFFF0000, v11;
	v12 =	vmul.f32 v13, v12  }
0x499: {  	v10 =	vmul.f32 v11, v10  }
0x49a: {  	[tilespmem:s28+$0xFFFFFFD0] =	vst v12  }
0x49b: {  	[tilespmem:s28+$0xFFFFFFE0] =	vst v10  }
0x49c: {  	v10 =	vld [tilespmem:s8+$0x40]  }
0x49d: {  	v11 =	vld [tilespmem:s14+$0x0];
	_ =	sdelay $0x4  }
0x49e: {  	v10 =	vadd.f32 v11, v10;
	_ =	sdelay $0x1  }
0x49f: {  	v11 =	vmul.f32 $9.999999770e-03, v10  }
0x4a0: {  	vm14 =	vgt.f32 v10, $0.0e+00  }
0x4a1: {  	v10 =	vsel vm14, v10, v11  }
0x4a2: {  	v10 =	vsub.f32 v10, v9;
	_ =	sdelay $0x1  }
0x4a3: {  	v10 =	vmul.f32 $1.442695020e+00, v10;
	_ =	sdelay $0x1  }
0x4a4: {  	(erf) = vpow2.f32 v10;
	_ =	sdelay $0x8  }
0x4a5: {  	v10 =	vpop (erf)  }
0x4a6: {  	[tilespmem:s28+$0x80] =	vst v10  }
0x4a7: {  	v11 =	vld [tilespmem:s8+$0x0];
	_ =	sdelay $0x3  }
0x4a8: {  	v12 =	vperm.xlane v10, v1  }
0x4a9: {  	v13 =	vperm.xlane v10, v2;
	v14 =	vshll.u32 v11, $0x10  }
0x4aa: {  	v11 =	vand.u32 $0xFFFF0000, v11;
	v12 =	vmul.f32 v14, v12  }
0x4ab: {  	v11 =	vmul.f32 v11, v13  }
0x4ac: {  	[tilespmem:s28+$0x0] =	vst v12  }
0x4ad: {  	[tilespmem:s28+$0x10] =	vst v11  }
0x4ae: {  	v11 =	vld [tilespmem:s8+$0x10];
	_ =	sdelay $0x3  }
0x4af: {  	v12 =	vperm.xlane v10, v3  }
0x4b0: {  	v13 =	vperm.xlane v10, v4;
	v14 =	vshll.u32 v11, $0x10  }
0x4b1: {  	v11 =	vand.u32 $0xFFFF0000, v11;
	v12 =	vmul.f32 v14, v12  }
0x4b2: {  	v11 =	vmul.f32 v11, v13  }
0x4b3: {  	[tilespmem:s28+$0x20] =	vst v12  }
0x4b4: {  	[tilespmem:s28+$0x30] =	vst v11  }
0x4b5: {  	v11 =	vld [tilespmem:s8+$0x20];
	_ =	sdelay $0x3  }
0x4b6: {  	v12 =	vperm.xlane v10, v5  }
0x4b7: {  	v13 =	vperm.xlane v10, v6;
	v14 =	vshll.u32 v11, $0x10  }
0x4b8: {  	v11 =	vand.u32 $0xFFFF0000, v11;
	v12 =	vmul.f32 v14, v12  }
0x4b9: {  	v11 =	vmul.f32 v11, v13  }
0x4ba: {  	[tilespmem:s28+$0x40] =	vst v12  }
0x4bb: {  	[tilespmem:s28+$0x50] =	vst v11  }
0x4bc: {  	v11 =	vld [tilespmem:s8+$0x30];
	_ =	sdelay $0x3  }
0x4bd: {  	v12 =	vperm.xlane v10, v7  }
0x4be: {  	v10 =	vperm.xlane v10, v8;
	v13 =	vshll.u32 v11, $0x10  }
0x4bf: {  	v11 =	vand.u32 $0xFFFF0000, v11;
	v12 =	vmul.f32 v13, v12  }
0x4c0: {  	v10 =	vmul.f32 v11, v10  }
0x4c1: {  	[tilespmem:s28+$0x60] =	vst v12  }
0x4c2: {  	[tilespmem:s28+$0x70] =	vst v10  }
0x4c3: {  	v10 =	vld [tilespmem:s8+$0x90]  }
0x4c4: {  	v11 =	vld [tilespmem:s14+$0x10];
	_ =	sdelay $0x4  }
0x4c5: {  	v10 =	vadd.f32 v11, v10;
	_ =	sdelay $0x1  }
0x4c6: {  	v11 =	vmul.f32 $9.999999770e-03, v10  }
0x4c7: {  	vm15 =	vgt.f32 v10, $0.0e+00  }
0x4c8: {  	v10 =	vsel vm15, v10, v11  }
0x4c9: {  	v10 =	vsub.f32 v10, v9;
	_ =	sdelay $0x1  }
0x4ca: {  	v10 =	vmul.f32 $1.442695020e+00, v10;
	_ =	sdelay $0x1  }
0x4cb: {  	(erf) = vpow2.f32 v10;
	_ =	sdelay $0x8  }
0x4cc: {  	v11 =	vpop (erf)  }
0x4cd: {  	[tilespmem:s28+$0x110] =	vst v11  }
0x4ce: {  	v10 =	vld [tilespmem:s8+$0x50];
	_ =	sdelay $0x3  }
0x4cf: {  	v12 =	vperm.xlane v11, v1  }
0x4d0: {  	v13 =	vperm.xlane v11, v2;
	v14 =	vshll.u32 v10, $0x10  }
0x4d1: {  	v10 =	vand.u32 $0xFFFF0000, v10;
	v12 =	vmul.f32 v14, v12  }
0x4d2: {  	v10 =	vmul.f32 v10, v13  }
0x4d3: {  	[tilespmem:s28+$0x90] =	vst v12  }
0x4d4: {  	[tilespmem:s28+$0xA0] =	vst v10  }
0x4d5: {  	v10 =	vld [tilespmem:s8+$0x60];
	_ =	sdelay $0x3  }
0x4d6: {  	v12 =	vperm.xlane v11, v3  }
0x4d7: {  	v13 =	vperm.xlane v11, v4;
	v14 =	vshll.u32 v10, $0x10  }
0x4d8: {  	v10 =	vand.u32 $0xFFFF0000, v10;
	v14 =	vmul.f32 v14, v12  }
0x4d9: {  	v15 =	vmul.f32 v10, v13  }
0x4da: {  	s15 =	simm.s32 $0x0;
	v12 =	vperm.xlane v11, v5;
	v13 =	vperm.xlane v11, v6;
	[tilespmem:s28+$0xB0] =	vst v14  }
0x4db: {  	s21 =	simm.s32 $0x16A0;
	s23 =	simm.s32 $0x2E0;
	s14 =	simm.s32 $0x4B60;
	v10 =	vperm.xlane v11, v8;
	v11 =	vperm.xlane v11, v7;
	[tilespmem:s28+$0xC0] =	vst v15  }
.LBB2_12:
0x4dc: {  	s15 =	sadd.s32 $0x4, s15;
	v14 =	vld [tilespmem:s8+$0x70];
	s23 =	sadd.s32 $0x140, s23;
	s28 =	sadd.s32 $0x240, s28  }
0x4dd: {  	p0 =	slt.u32 s15, $0x3C;
	_ =	sdelay $0x3  }
0x4de: {  	v15 =	vshll.u32 v14, $0x10;
	v14 =	vand.u32 $0xFFFF0000, v14  }
0x4df: {  	v12 =	vmul.f32 v15, v12;
	v13 =	vmul.f32 v14, v13;
	_ =	sdelay $0x1  }
0x4e0: {  	[tilespmem:s14+$0xD0] =	vst v12  }
0x4e1: {  	[tilespmem:s14+$0xE0] =	vst v13  }
0x4e2: {  	v12 =	vld [tilespmem:s8+$0x80];
	s8 =	smov.u32 s23;
	_ =	sdelay $0x4  }
0x4e3: {  	v13 =	vshll.u32 v12, $0x10;
	v12 =	vand.u32 $0xFFFF0000, v12  }
0x4e4: {  	v11 =	vmul.f32 v13, v11;
	v10 =	vmul.f32 v12, v10;
	_ =	sdelay $0x1  }
0x4e5: {  	[tilespmem:s14+$0xF0] =	vst v11  }
0x4e6: {  	[tilespmem:s14+$0x100] =	vst v10;
	s14 =	smov.u32 s28  }
0x4e7: {  	v10 =	vld [tilespmem:s23+$0xFFFFFFA0]  }
0x4e8: {  	v11 =	vld [tilespmem:s21+$0xFFFFFFE0];
	_ =	sdelay $0x4  }
0x4e9: {  	v10 =	vadd.f32 v11, v10;
	_ =	sdelay $0x1  }
0x4ea: {  	v11 =	vmul.f32 $9.999999770e-03, v10  }
0x4eb: {  	vm0 =	vgt.f32 v10, $0.0e+00  }
0x4ec: {  	v10 =	vsel vm0, v10, v11  }
0x4ed: {  	v10 =	vsub.f32 v10, v9;
	_ =	sdelay $0x1  }
0x4ee: {  	v10 =	vmul.f32 $1.442695020e+00, v10;
	_ =	sdelay $0x1  }
0x4ef: {  	(erf) = vpow2.f32 v10;
	_ =	sdelay $0x8  }
0x4f0: {  	v10 =	vpop (erf)  }
0x4f1: {  	[tilespmem:s28+$0xFFFFFF60] =	vst v10  }
0x4f2: {  	v11 =	vld [tilespmem:s23+$0xFFFFFF60];
	_ =	sdelay $0x3  }
0x4f3: {  	v12 =	vperm.xlane v10, v1;
	v13 =	vperm.xlane v10, v2  }
0x4f4: {  	v14 =	vshll.u32 v11, $0x10;
	v11 =	vand.u32 $0xFFFF0000, v11  }
0x4f5: {  	v12 =	vmul.f32 v14, v12;
	v11 =	vmul.f32 v11, v13;
	_ =	sdelay $0x1  }
0x4f6: {  	[tilespmem:s28+$0xFFFFFEE0] =	vst v12  }
0x4f7: {  	[tilespmem:s28+$0xFFFFFEF0] =	vst v11  }
0x4f8: {  	v11 =	vld [tilespmem:s23+$0xFFFFFF70];
	_ =	sdelay $0x2  }
0x4f9: {  	v13 =	vperm.xlane v10, v4;
	v12 =	vperm.xlane v10, v3;
	_ =	sdelay $0x1  }
0x4fa: {  	v14 =	vshll.u32 v11, $0x10;
	v11 =	vand.u32 $0xFFFF0000, v11  }
0x4fb: {  	v12 =	vmul.f32 v14, v12;
	v11 =	vmul.f32 v11, v13;
	_ =	sdelay $0x1  }
0x4fc: {  	[tilespmem:s28+$0xFFFFFF00] =	vst v12  }
0x4fd: {  	[tilespmem:s28+$0xFFFFFF10] =	vst v11  }
0x4fe: {  	v11 =	vld [tilespmem:s23+$0xFFFFFF80];
	_ =	sdelay $0x1  }
0x4ff: {  	v13 =	vperm.xlane v10, v6;
	v12 =	vperm.xlane v10, v5;
	_ =	sdelay $0x2  }
0x500: {  	v14 =	vshll.u32 v11, $0x10;
	v11 =	vand.u32 $0xFFFF0000, v11  }
0x501: {  	v12 =	vmul.f32 v14, v12;
	v11 =	vmul.f32 v11, v13;
	_ =	sdelay $0x1  }
0x502: {  	[tilespmem:s28+$0xFFFFFF20] =	vst v12  }
0x503: {  	[tilespmem:s28+$0xFFFFFF30] =	vst v11  }
0x504: {  	v11 =	vld [tilespmem:s23+$0xFFFFFF90]  }
0x505: {  	v12 =	vperm.xlane v10, v7;
	v10 =	vperm.xlane v10, v8;
	_ =	sdelay $0x3  }
0x506: {  	v13 =	vshll.u32 v11, $0x10;
	v11 =	vand.u32 $0xFFFF0000, v11  }
0x507: {  	v12 =	vmul.f32 v13, v12;
	v10 =	vmul.f32 v11, v10;
	_ =	sdelay $0x1  }
0x508: {  	[tilespmem:s28+$0xFFFFFF40] =	vst v12  }
0x509: {  	[tilespmem:s28+$0xFFFFFF50] =	vst v10  }
0x50a: {  	v10 =	vld [tilespmem:s23+$0xFFFFFFF0]  }
0x50b: {  	v11 =	vld [tilespmem:s21+$0xFFFFFFF0];
	_ =	sdelay $0x4  }
0x50c: {  	v10 =	vadd.f32 v11, v10;
	_ =	sdelay $0x1  }
0x50d: {  	vm0 =	vgt.f32 v10, $0.0e+00;
	v11 =	vmul.f32 $9.999999770e-03, v10;
	_ =	sdelay $0x1  }
0x50e: {  	v10 =	vsel vm0, v10, v11  }
0x50f: {  	v10 =	vsub.f32 v10, v9;
	_ =	sdelay $0x1  }
0x510: {  	v10 =	vmul.f32 $1.442695020e+00, v10;
	_ =	sdelay $0x1  }
0x511: {  	(erf) = vpow2.f32 v10;
	_ =	sdelay $0x8  }
0x512: {  	v10 =	vpop (erf)  }
0x513: {  	[tilespmem:s28+$0xFFFFFFF0] =	vst v10;
	v11 =	vperm.xlane v10, v1;
	v12 =	vperm.xlane v10, v2  }
0x514: {  	v13 =	vld [tilespmem:s23+$0xFFFFFFB0];
	_ =	sdelay $0x4  }
0x515: {  	v14 =	vshll.u32 v13, $0x10;
	v13 =	vand.u32 $0xFFFF0000, v13  }
0x516: {  	v11 =	vmul.f32 v14, v11;
	v12 =	vmul.f32 v13, v12;
	_ =	sdelay $0x1  }
0x517: {  	v13 =	vperm.xlane v10, v4;
	[tilespmem:s28+$0xFFFFFF70] =	vst v11;
	v11 =	vperm.xlane v10, v3  }
0x518: {  	[tilespmem:s28+$0xFFFFFF80] =	vst v12  }
0x519: {  	v12 =	vld [tilespmem:s23+$0xFFFFFFC0];
	_ =	sdelay $0x4  }
0x51a: {  	v14 =	vshll.u32 v12, $0x10;
	v12 =	vand.u32 $0xFFFF0000, v12  }
0x51b: {  	v11 =	vmul.f32 v14, v11;
	v12 =	vmul.f32 v12, v13  }
0x51c: {  	v13 =	vperm.xlane v10, v5;
	v14 =	vperm.xlane v10, v6  }
0x51d: {  	[tilespmem:s28+$0xFFFFFF90] =	vst v11  }
0x51e: {  	[tilespmem:s28+$0xFFFFFFA0] =	vst v12  }
0x51f: {  	v11 =	vld [tilespmem:s23+$0xFFFFFFD0];
	_ =	sdelay $0x3  }
0x520: {  	v12 =	vperm.xlane v10, v8  }
0x521: {  	v10 =	vperm.xlane v10, v7;
	v15 =	vshll.u32 v11, $0x10;
	v11 =	vand.u32 $0xFFFF0000, v11  }
0x522: {  	v13 =	vmul.f32 v15, v13;
	v11 =	vmul.f32 v11, v14;
	_ =	sdelay $0x1  }
0x523: {  	[tilespmem:s28+$0xFFFFFFB0] =	vst v13  }
0x524: {  	[tilespmem:s28+$0xFFFFFFC0] =	vst v11  }
0x525: {  	v11 =	vld [tilespmem:s23+$0xFFFFFFE0];
	_ =	sdelay $0x4  }
0x526: {  	v13 =	vshll.u32 v11, $0x10;
	v11 =	vand.u32 $0xFFFF0000, v11  }
0x527: {  	v10 =	vmul.f32 v13, v10;
	v11 =	vmul.f32 v11, v12;
	_ =	sdelay $0x1  }
0x528: {  	[tilespmem:s28+$0xFFFFFFD0] =	vst v10  }
0x529: {  	[tilespmem:s28+$0xFFFFFFE0] =	vst v11  }
0x52a: {  	v10 =	vld [tilespmem:s23+$0x40]  }
0x52b: {  	v11 =	vld [tilespmem:s21+$0x0];
	_ =	sdelay $0x4  }
0x52c: {  	v10 =	vadd.f32 v11, v10;
	_ =	sdelay $0x1  }
0x52d: {  	vm0 =	vgt.f32 v10, $0.0e+00;
	v11 =	vmul.f32 $9.999999770e-03, v10;
	_ =	sdelay $0x1  }
0x52e: {  	v10 =	vsel vm0, v10, v11  }
0x52f: {  	v10 =	vsub.f32 v10, v9;
	_ =	sdelay $0x1  }
0x530: {  	v10 =	vmul.f32 $1.442695020e+00, v10;
	_ =	sdelay $0x1  }
0x531: {  	(erf) = vpow2.f32 v10;
	_ =	sdelay $0x8  }
0x532: {  	v10 =	vpop (erf)  }
0x533: {  	[tilespmem:s28+$0x80] =	vst v10;
	v11 =	vperm.xlane v10, v1;
	v12 =	vperm.xlane v10, v2  }
0x534: {  	v13 =	vld [tilespmem:s23+$0x0];
	_ =	sdelay $0x2  }
0x535: {  	v14 =	vperm.xlane v10, v3;
	v15 =	vperm.xlane v10, v4;
	_ =	sdelay $0x1  }
0x536: {  	v16 =	vshll.u32 v13, $0x10;
	v13 =	vand.u32 $0xFFFF0000, v13  }
0x537: {  	v11 =	vmul.f32 v16, v11;
	v12 =	vmul.f32 v13, v12;
	_ =	sdelay $0x1  }
0x538: {  	[tilespmem:s28+$0x0] =	vst v11  }
0x539: {  	[tilespmem:s28+$0x10] =	vst v12  }
0x53a: {  	v11 =	vld [tilespmem:s23+$0x10];
	_ =	sdelay $0x1  }
0x53b: {  	v13 =	vperm.xlane v10, v6;
	v12 =	vperm.xlane v10, v5;
	_ =	sdelay $0x2  }
0x53c: {  	v16 =	vshll.u32 v11, $0x10;
	v11 =	vand.u32 $0xFFFF0000, v11  }
0x53d: {  	v14 =	vmul.f32 v16, v14;
	v11 =	vmul.f32 v11, v15;
	_ =	sdelay $0x1  }
0x53e: {  	[tilespmem:s28+$0x20] =	vst v14  }
0x53f: {  	[tilespmem:s28+$0x30] =	vst v11  }
0x540: {  	v11 =	vld [tilespmem:s23+$0x20]  }
0x541: {  	v14 =	vperm.xlane v10, v7;
	v10 =	vperm.xlane v10, v8;
	_ =	sdelay $0x3  }
0x542: {  	v15 =	vshll.u32 v11, $0x10;
	v11 =	vand.u32 $0xFFFF0000, v11  }
0x543: {  	v12 =	vmul.f32 v15, v12;
	v11 =	vmul.f32 v11, v13;
	_ =	sdelay $0x1  }
0x544: {  	[tilespmem:s28+$0x40] =	vst v12  }
0x545: {  	[tilespmem:s28+$0x50] =	vst v11  }
0x546: {  	v11 =	vld [tilespmem:s23+$0x30];
	_ =	sdelay $0x4  }
0x547: {  	v12 =	vshll.u32 v11, $0x10;
	v11 =	vand.u32 $0xFFFF0000, v11  }
0x548: {  	v12 =	vmul.f32 v12, v14;
	v10 =	vmul.f32 v11, v10;
	_ =	sdelay $0x1  }
0x549: {  	[tilespmem:s28+$0x60] =	vst v12  }
0x54a: {  	[tilespmem:s28+$0x70] =	vst v10  }
0x54b: {  	v10 =	vld [tilespmem:s23+$0x90]  }
0x54c: {  	v11 =	vld [tilespmem:s21+$0x10];
	_ =	sdelay $0x4  }
0x54d: {  	v10 =	vadd.f32 v11, v10;
	_ =	sdelay $0x1  }
0x54e: {  	vm0 =	vgt.f32 v10, $0.0e+00;
	v11 =	vmul.f32 $9.999999770e-03, v10;
	_ =	sdelay $0x1  }
0x54f: {  	v10 =	vsel vm0, v10, v11  }
0x550: {  	v10 =	vsub.f32 v10, v9;
	_ =	sdelay $0x1  }
0x551: {  	v10 =	vmul.f32 $1.442695020e+00, v10;
	_ =	sdelay $0x1  }
0x552: {  	(erf) = vpow2.f32 v10;
	_ =	sdelay $0x8  }
0x553: {  	v11 =	vpop (erf)  }
0x554: {  	[tilespmem:s28+$0x110] =	vst v11;
	v10 =	vperm.xlane v11, v1;
	v14 =	vperm.xlane v11, v4  }
0x555: {  	v12 =	vld [tilespmem:s23+$0x50];
	_ =	sdelay $0x3  }
0x556: {  	v13 =	vperm.xlane v11, v2  }
0x557: {  	v15 =	vshll.u32 v12, $0x10;
	v12 =	vand.u32 $0xFFFF0000, v12  }
0x558: {  	v10 =	vmul.f32 v15, v10;
	v15 =	vmul.f32 v12, v13  }
0x559: {  	v12 =	vperm.xlane v11, v5;
	v13 =	vperm.xlane v11, v6  }
0x55a: {  	[tilespmem:s28+$0x90] =	vst v10  }
0x55b: {  	[tilespmem:s28+$0xA0] =	vst v15  }
0x55c: {  	v15 =	vld [tilespmem:s23+$0x60];
	_ =	sdelay $0x2  }
0x55d: {  	v16 =	vperm.xlane v11, v3  }
0x55e: {  	v10 =	vperm.xlane v11, v8  }
.Ltmp5:
0x55f: {  	v11 =	vperm.xlane v11, v7;
	v17 =	vshll.u32 v15, $0x10;
	v15 =	vand.u32 $0xFFFF0000, v15;
	(pc) =	sbr.rel @p0 .LBB2_12-.Ltmp5, $3  }
0x560: {  	v16 =	vmul.f32 v17, v16;
	v14 =	vmul.f32 v15, v14;
	_ =	sdelay $0x1  }
0x561: {  	[tilespmem:s28+$0xB0] =	vst v16  }
0x562: {  	s21 =	sadd.s32 $0x40, s21;
	[tilespmem:s28+$0xC0] =	vst v14  }
0x563: {  	v9 =	vld [tilespmem:s8+$0x70];
	_ =	sdelay $0x4  }
0x564: {  	v14 =	vshll.u32 v9, $0x10  }
0x565: {  	v9 =	vand.u32 $0xFFFF0000, v9;
	v12 =	vmul.f32 v14, v12  }
0x566: {  	v9 =	vmul.f32 v9, v13  }
0x567: {  	[tilespmem:s14+$0xD0] =	vst v12  }
0x568: {  	[tilespmem:s14+$0xE0] =	vst v9  }
0x569: {  	v9 =	vld [tilespmem:s8+$0x80];
	_ =	sdelay $0x4  }
0x56a: {  	v63 =	vshll.u32 v9, $0x10  }
0x56b: {  	v9 =	vand.u32 $0xFFFF0000, v9;
	v11 =	vmul.f32 v63, v11  }
0x56c: {  	v9 =	vmul.f32 v9, v10  }
0x56d: {  	[tilespmem:s14+$0xF0] =	vst v11  }
0x56e: {  	[tilespmem:s14+$0x100] =	vst v9  }
0x56f: {  	[spmem:s4] =	stream.indirect.scatter.add.f32 [tilespmem:s31], [sflag:$0x7], $0x90, s17, s2, $0xb8;
	[tilespmem:$0x1D650] =	vst v63  }
0x570: {  	_ =	swait.ge [sflag:s20], $0x2400  }
0x571: {  	[sflag:s20] =	ssyncset.done $0x0  }
0x572: {  	[sflag:s20] =	ssyncadd.s32 $0xFFFFDC00  }
0x573: {  	s23 =	stileid.u32;
	[bflag:$0x0] =	sbarrier.arrive $0xFFFF  }
0x574: {  	s8 =	sshll.u32 s23, $0x6;
	s15 =	rddreg [dreg:$0x4]  }
0x575: {  	s8 =	sor.u32 $0x1C08, s8;
	s21 =	rddreg [dreg:$0x14];
	s28 =	sshrl.u32 s15, $0x3  }
0x576: {  	[hbm:s21], [sflag:s8] =	dma.local [spmem:s28], $0x2D00  }
0x577: {  	_ =	swait.ge [sflag:s0], $0x2D00  }
0x578: {  	s29 =	rddreg [dreg:$0x17]  }
0x579: {  	s30 =	rddreg [dreg:$0x15];
	s14 =	sadd.s32 $0x1, s29  }
0x57a: {  	p0 =	sne.s32 s14, s30  }
.Ltmp6:
0x57b: {  	_ = 	snop;
	(pc) =	sbr.rel @p0 .LBB2_1-.Ltmp6, $3  }
0x57c: {  	_ =	sdelay $0x1  }
0x57d: {  	[sflag:s0] =	ssyncset.done $0x0  }
0x57e: {  	[sflag:s0] =	ssyncadd.s32 $0xFFFFD300  }
0x57f: {  	_ =	sfence.sel $0x180000  }
0x580: {  	[bflag:$0x0] =	sbarrier.arrive $0xFFFF  }
0x581: {  	_ =	strace $0x90000047  }
0x582: {  	s0 =	stileid.u32;
	[bflag:$0x2] =	sbarrier.arrive $0xFFFF  }
0x583: {  	p0 =	sne.s32 s0, $0x0;
	s0 =	rddreg [dreg:$0x3]  }
0x584: {  	s0 =	sadd.s32 @!p0 $0x100000, s0  }
0x585: {  	[sflag:s0] =	ssyncadd.tile.s32 @!p0 $0x1;
	_ =	shalt  }
.Lfunc_end2:
_tile_overlayer_lowered:
.L_overlay_start_2:
0x586: {  	(tag) =	ssettag $0x2  }
0x587: {  	s0 =	rddreg [dreg:$0x0];
	s2 =	stileid.u32  }
0x588: {  	s1 =	rddreg [dreg:$0x1];
	p0 =	sne.s32 s2, $0x0  }
0x589: {  	s3 =	rddreg [dreg:$0x2];
	[bflag:$0x3] =	sbarrier.arrive $0xFFFF;
	s2 =	simm.s32 @!p0 $0x1C08  }
0x58a: {  	[timem:s3], [sflag:s2] =	dma.local @!p0 [hbm:s0], s1  }
0x58b: {  	s0 =	simm.s32 @!p0 $0x8  }
0x58c: {  	_ =	swait.ge @!p0 [sflag:s0], s1  }
0x58d: {  	s1 =	ssub.s32 @!p0 $0x0, s1;
	[sflag:s0] =	ssyncset.done @!p0 $0x0  }
0x58e: {  	[sflag:s0] =	ssyncadd.s32 @!p0 s1  }
0x58f: {  	[bflag:$0x3] =	sbarrier.arrive $0xFFFF  }
0x590: {  	_ =	shalt  }

</sc_bundles>
